<compile_context>
chip_gen: v7x
topology: tpu7x:2x2x1
jax: 0.10.2.dev20260603
libtpu: 0.0.44.dev20260713+nightly
codegen_flags: <defaults>
</compile_context>

<pallas_src>
import functools
import jax
import jax.numpy as jnp
from jax import lax
from jax.experimental import pallas as pl
from jax.experimental.pallas import tpu as pltpu
from jax.experimental.pallas import tpu_sc as plsc

KK = 5
NN = 10000
EE = 160000
NPAD = 10240
T = 128
EPAD = 168960
NT = EPAD // T
NC = 2
NS = 16
NW = NC * NS
WCHUNK = EPAD // NW
CH = 120
NSUB = WCHUNK // CH
D = 128


def _sc_gather(h, src_pad):
    mesh = plsc.VectorSubcoreMesh(core_axis_name="c", subcore_axis_name="s")

    @functools.partial(
        pl.kernel, mesh=mesh,
        out_type=jax.ShapeDtypeStruct((EPAD, D), jnp.float32),
        scratch_types=[
            pltpu.VMEM((CH,), jnp.int32),
            pltpu.VMEM((CH, D), jnp.float32),
            pltpu.SemaphoreType.DMA,
        ],
    )
    def k(h_hbm, src_hbm, out_hbm, idx_v, rows_v, sem):
        wid = lax.axis_index("s") * NC + lax.axis_index("c")
        base = wid * WCHUNK

        def body(j, carry):
            off = base + j * CH
            pltpu.sync_copy(src_hbm.at[pl.ds(off, CH)], idx_v)
            pltpu.async_copy(h_hbm.at[idx_v], rows_v, sem).wait()
            pltpu.sync_copy(rows_v, out_hbm.at[pl.ds(off, CH)])
            return carry

        lax.fori_loop(0, NSUB, body, 0)

    return k(h, src_pad)


def _sc_scatter(m, dst_pad, zero_init):
    mesh = plsc.VectorSubcoreMesh(core_axis_name="c", subcore_axis_name="s")

    @functools.partial(
        pl.kernel, mesh=mesh,
        out_type=jax.ShapeDtypeStruct((NC, NPAD, D), jnp.float32),
        scratch_types=[
            pltpu.VMEM((CH,), jnp.int32),
            pltpu.VMEM((CH, D), jnp.float32),
            pltpu.VMEM_SHARED((NPAD, D), jnp.float32),
        ],
    )
    def k(m_hbm, dst_hbm, zero_hbm, out_hbm, idx_v, m_v, table_sh):
        c = lax.axis_index("c")
        s = lax.axis_index("s")
        wid = s * NC + c

        @pl.when(s == 0)
        def _():
            pltpu.sync_copy(zero_hbm, table_sh)

        plsc.subcore_barrier()
        base = wid * WCHUNK

        def body(j, carry):
            off = base + j * CH
            pltpu.sync_copy(dst_hbm.at[pl.ds(off, CH)], idx_v)
            pltpu.sync_copy(m_hbm.at[pl.ds(off, CH)], m_v)
            pltpu.sync_copy(m_v, table_sh.at[idx_v], add=True)
            return carry

        lax.fori_loop(0, NSUB, body, 0)
        plsc.subcore_barrier()
        rows = NPAD // NS
        pltpu.sync_copy(table_sh.at[pl.ds(s * rows, rows)],
                        out_hbm.at[c, pl.ds(s * rows, rows)])

    return k(m, dst_pad, zero_init)


def _tc_messages(tile_cell, ea_pad, xj, valid, wc2, cin, cout):

    def body(tc_ref, ea_ref, xj_ref, val_ref, wc_ref, out_ref):
        ea = ea_ref[...]
        u = jnp.clip(ea, 0.0, 1.0) * (KK - 1)
        lo = jnp.clip(jnp.floor(u), 0.0, KK - 2.0)
        f = u - lo
        xjv = xj_ref[...][:, :cin]
        cols = []
        for b in range(8):
            w = jnp.ones((T, 1), jnp.float32)
            for d in range(3):
                fd = f[:, d:d + 1]
                w = w * (fd if (b >> d) & 1 else (1.0 - fd))
            cols.append(xjv * w)
        x8 = jnp.concatenate(cols, axis=1)
        acc = jnp.dot(x8, wc_ref[0], preferred_element_type=jnp.float32)
        acc = acc * val_ref[...]
        if cout < D:
            acc = jnp.concatenate(
                [acc, jnp.zeros((T, D - cout), jnp.float32)], axis=1)
        out_ref[...] = acc

    grid_spec = pltpu.PrefetchScalarGridSpec(
        num_scalar_prefetch=1,
        grid=(NT,),
        in_specs=[
            pl.BlockSpec((T, 3), lambda i, tc: (i, 0)),
            pl.BlockSpec((T, D), lambda i, tc: (i, 0)),
            pl.BlockSpec((T, 1), lambda i, tc: (i, 0)),
            pl.BlockSpec((1, 8 * cin, cout), lambda i, tc: (tc[i], 0, 0)),
        ],
        out_specs=pl.BlockSpec((T, D), lambda i, tc: (i, 0)),
    )
    return pl.pallas_call(
        body, grid_spec=grid_spec,
        out_shape=jax.ShapeDtypeStruct((EPAD, D), jnp.float32),
    )(tile_cell, ea_pad, xj, valid, wc2)


def _tc_normalize(agg2, deg2, hprev, rootp, biasr, cout):
    TN = 256

    def body(a_ref, d_ref, h_ref, r_ref, b_ref, o_ref):
        a = a_ref[0] + a_ref[1]
        deg = (d_ref[0] + d_ref[1])[:, 0:1]
        z = (a[:, :cout] / jnp.maximum(deg, 1.0)
             + jnp.dot(h_ref[...], r_ref[...],
                       preferred_element_type=jnp.float32)
             + b_ref[...])
        z = jnp.where(z > 0, z, jnp.exp(z) - 1.0)
        if cout < D:
            z = jnp.concatenate(
                [z, jnp.zeros((TN, D - cout), jnp.float32)], axis=1)
        o_ref[...] = z

    return pl.pallas_call(
        body,
        grid=(NPAD // TN,),
        in_specs=[
            pl.BlockSpec((2, TN, D), lambda i: (0, i, 0)),
            pl.BlockSpec((2, TN, D), lambda i: (0, i, 0)),
            pl.BlockSpec((TN, D), lambda i: (i, 0)),
            pl.BlockSpec((D, cout), lambda i: (0, 0)),
            pl.BlockSpec((1, cout), lambda i: (0, 0)),
        ],
        out_specs=pl.BlockSpec((TN, D), lambda i: (i, 0)),
        out_shape=jax.ShapeDtypeStruct((NPAD, D), jnp.float32),
    )(agg2, deg2, hprev, rootp, biasr)


def _tc_head(h, vox_pad, fc1w3, fc1b, fc2wp, fc2bp):

    def body(h_ref, v_ref, w1_ref, b1_ref, w2_ref, b2_ref, o_ref):
        hv = h_ref[...]
        vox = v_ref[...]
        iot = lax.broadcasted_iota(jnp.int32, (NPAD, 8), 1)
        oh = vox == iot
        z = b1_ref[...]
        for v in range(8):
            col = oh[:, v:v + 1]
            pv = jnp.max(jnp.where(col, hv, -jnp.inf), axis=0, keepdims=True)
            pv = jnp.where(jnp.isfinite(pv), pv, 0.0)
            z = z + jnp.dot(pv, w1_ref[v], preferred_element_type=jnp.float32)
        z = jnp.where(z > 0, z, jnp.exp(z) - 1.0)
        z2 = jnp.dot(z, w2_ref[...], preferred_element_type=jnp.float32) + b2_ref[...]
        mask = lax.broadcasted_iota(jnp.int32, (1, 128), 1) < 10
        mx = jnp.max(jnp.where(mask, z2, -jnp.inf))
        lse = jnp.log(jnp.sum(jnp.where(mask, jnp.exp(z2 - mx), 0.0))) + mx
        o_ref[...] = z2 - lse

    return pl.pallas_call(
        body,
        out_shape=jax.ShapeDtypeStruct((1, 128), jnp.float32),
    )(h, vox_pad, fc1w3, fc1b, fc2wp, fc2bp)


def _corner_table(W, ci_pad):
    ci = W.shape[1]
    co = W.shape[2]
    Wp = jnp.pad(W, ((0, 0), (0, ci_pad - ci), (0, 0)))
    l0, l1, l2 = jnp.meshgrid(jnp.arange(4), jnp.arange(4), jnp.arange(4),
                              indexing='ij')
    cells = jnp.stack([l0.ravel(), l1.ravel(), l2.ravel()], 1)
    idx = []
    for b in range(8):
        bits = [(b >> d) & 1 for d in range(3)]
        idx.append(((cells[:, 0] + bits[0]) * KK + (cells[:, 1] + bits[1])) * KK
                   + (cells[:, 2] + bits[2]))
    idx = jnp.stack(idx, 1)
    return Wp[idx].reshape(64, 8 * ci_pad, co)


def kernel(x, edge_index, edge_attr, voxel8, W1, root1, b1, W2, root2, b2,
           W3, root3, b3, W4, root4, b4, fc1_w, fc1_b, fc2_w, fc2_b):
    src, dst = edge_index[0], edge_index[1]
    u = jnp.clip(edge_attr, 0.0, 1.0) * (KK - 1)
    lo = jnp.clip(jnp.floor(u), 0, KK - 2).astype(jnp.int32)
    cell = (lo[:, 0] * 4 + lo[:, 1]) * 4 + lo[:, 2]
    order = jnp.argsort(cell)
    counts = jnp.bincount(cell, length=64)
    starts = jnp.cumsum(counts) - counts
    tcnt = -(-counts // T)
    toff = (jnp.cumsum(tcnt) - tcnt) * T
    cs = cell[order]
    rank = jnp.arange(EE) - starts[cs]
    pos = toff[cs] + rank
    src_pad = jnp.zeros(EPAD, jnp.int32).at[pos].set(src[order])
    dst_pad = jnp.zeros(EPAD, jnp.int32).at[pos].set(dst[order])
    ea_pad = jnp.zeros((EPAD, 3), jnp.float32).at[pos].set(edge_attr[order])
    valid = jnp.zeros((EPAD, 1), jnp.float32).at[pos].set(1.0)
    tile_cell = jnp.minimum(
        jnp.repeat(jnp.arange(64, dtype=jnp.int32), tcnt,
                   total_repeat_length=NT), 63)

    zero_tbl = jnp.zeros((NPAD, D), jnp.float32)
    deg2 = _sc_scatter(jnp.broadcast_to(valid, (EPAD, D)), dst_pad, zero_tbl)

    h = jnp.pad(x, ((0, NPAD - NN), (0, D - 1)))
    layers = [(8, 32, W1, root1, b1), (32, 64, W2, root2, b2),
              (64, 64, W3, root3, b3), (64, 128, W4, root4, b4)]
    for ci, co, Wl, rootl, bl in layers:
        wc2 = _corner_table(Wl, ci)
        rootp = jnp.pad(rootl, ((0, D - rootl.shape[0]), (0, 0)))
        xj = _sc_gather(h, src_pad)
        m = _tc_messages(tile_cell, ea_pad, xj, valid, wc2, ci, co)
        agg2 = _sc_scatter(m, dst_pad, zero_tbl)
        h = _tc_normalize(agg2, deg2, h, rootp, bl[None, :], co)

    vox_pad = jnp.pad(voxel8, (0, NPAD - NN), constant_values=8)[:, None]
    out = _tc_head(h, vox_pad, fc1_w.reshape(8, 128, 256), fc1_b[None, :],
                   jnp.pad(fc2_w, ((0, 0), (0, 118))),
                   jnp.pad(fc2_b, (0, 118))[None, :])
    return out[:, :10]

# --- scband reference (transcript-rebuilt; emitter-appended) ---
"""Pipeline reference for scband-net-6425271075378 (READ-ONLY COPY).

The authoritative reference and input builder live on the scoring server;
editing this copy changes nothing except your own understanding.
"""

import jax, jax.numpy as jnp
import numpy as np

K = 5
N_NODES = 10000
N_EDGES = 160000


def _spline_conv(x, src, dst, pseudo, W, root, bias):
    n = x.shape[0]
    cin = x.shape[1]
    u = jnp.clip(pseudo, 0.0, 1.0) * (K - 1)
    lo = jnp.clip(jnp.floor(u), 0, K - 2)
    frac = u - lo
    lo_i = lo.astype(jnp.int32)
    x_j = x[src]
    S = jnp.zeros((n, K * K * K, cin), dtype=x.dtype)
    for b in range(8):
        bits = [(b >> d) & 1 for d in range(3)]
        idx = ((lo_i[:, 0] + bits[0]) * K + (lo_i[:, 1] + bits[1])) * K + (lo_i[:, 2] + bits[2])
        w = jnp.ones((src.shape[0],), dtype=x.dtype)
        for d in range(3):
            w = w * (frac[:, d] if bits[d] else (1.0 - frac[:, d]))
        S = S.at[dst, idx].add(w[:, None] * x_j)
    agg = S.reshape(n, K * K * K * cin) @ W.reshape(K * K * K * cin, -1)
    deg = jnp.zeros((n,), dtype=x.dtype).at[dst].add(1.0)
    agg = agg / jnp.clip(deg, 1.0, None)[:, None]
    return agg + x @ root + bias


def setup_inputs(seed: int = 0):
    key = jax.random.key(seed)
    ks = jax.random.split(key, 16)
    rng = np.random.default_rng(0)
    s = 0.1
    inp = {}
    inp['x'] = jax.random.uniform(ks[0], (N_NODES, 1), dtype=jnp.float32)
    inp['edge_index'] = jnp.asarray(rng.integers(0, N_NODES, size=(2, N_EDGES)), dtype=jnp.int32)
    inp['edge_attr'] = jax.random.uniform(ks[1], (N_EDGES, 3), dtype=jnp.float32)
    inp['voxel8'] = jnp.asarray(rng.integers(0, 8, size=(N_NODES,)), dtype=jnp.int32)
    dims = [(1, 32), (32, 64), (64, 64), (64, 128)]
    for i, (ci, co) in enumerate(dims, start=1):
        inp['W%d' % i] = jax.random.normal(ks[1 + i], (K * K * K, ci, co), dtype=jnp.float32) * s
        inp['root%d' % i] = jax.random.normal(ks[6 + i], (ci, co), dtype=jnp.float32) * s
        inp['b%d' % i] = jnp.zeros((co,), dtype=jnp.float32)
    inp['fc1_w'] = jax.random.normal(ks[11], (8 * 128, 256), dtype=jnp.float32) * s
    inp['fc1_b'] = jnp.zeros((256,), dtype=jnp.float32)
    inp['fc2_w'] = jax.random.normal(ks[12], (256, 10), dtype=jnp.float32) * s
    inp['fc2_b'] = jnp.zeros((10,), dtype=jnp.float32)
    return inp


def reference(x, edge_index, edge_attr, voxel8, W1, root1, b1, W2, root2, b2, W3, root3, b3, W4, root4, b4, fc1_w, fc1_b, fc2_w, fc2_b):
    src, dst = edge_index[0], edge_index[1]
    h = jax.nn.elu(_spline_conv(x, src, dst, edge_attr, W1, root1, b1))
    h = jax.nn.elu(_spline_conv(h, src, dst, edge_attr, W2, root2, b2))
    h = jax.nn.elu(_spline_conv(h, src, dst, edge_attr, W3, root3, b3))
    h = jax.nn.elu(_spline_conv(h, src, dst, edge_attr, W4, root4, b4))
    pooled = jax.ops.segment_max(h, voxel8, num_segments=8)
    pooled = jnp.where(jnp.isfinite(pooled), pooled, 0.0)
    z = pooled.reshape(1, 8 * 128)
    z = jax.nn.elu(z @ fc1_w + fc1_b)
    z = z @ fc2_w + fc2_b
    return jax.nn.log_softmax(z, axis=1)

if __name__ == "__main__":
    import jax
    _d = setup_inputs()
    print(jax.jit(kernel)(*tuple(_d.values())))

</pallas_src>

<mosaic_0001>
#map = affine_map<(d0, d1) -> (0, 0)>
#map1 = affine_map<(d0, d1) -> (0)>
module attributes {stable_mosaic.version = 14 : i64} {
  func.func @k(%arg0: i32, %arg1: i32, %arg2: memref<10240x128xf32, #tpu.memory_space<hbm>>, %arg3: memref<168960xi32, #tpu.memory_space<hbm>>, %arg4: memref<168960x128xf32, #tpu.memory_space<hbm>>, %arg5: memref<120xi32, #tpu.memory_space<vmem>>, %arg6: memref<120x128xf32, #tpu.memory_space<vmem>>, %arg7: memref<!tpu.dma_semaphore, #tpu.memory_space<semaphore_mem>>) attributes {dimension_semantics = [#tpu.dimension_semantics<core_parallel>, #tpu.dimension_semantics<subcore_parallel>], iteration_bounds = array<i64: 2, 16>, scalar_prefetch = 0 : i64, scratch_operands = 3 : i64, tpu.core_type = #tpu.core_type<sc_vector_subcore>, window_params = [{transform_indices = #map}, {transform_indices = #map1}, {transform_indices = #map}]} {
    %mul3A = arith.constant 2 : i32
    %mul3A_0 = arith.muli %arg1, %mul3A : i32
    %add3A = arith.addi %mul3A_0, %arg0 : i32
    %mul3A_1 = arith.constant 5280 : i32
    %mul3A_2 = arith.muli %add3A, %mul3A_1 : i32
    %scan3A = arith.constant 0 : i32
    %scan3A_3 = arith.constant 0 : i32
    %scan3A_4 = arith.constant 44 : i32
    %scan3A_5 = arith.addi %scan3A_3, %scan3A_4 : i32
    %scan3A_6 = arith.constant 1 : i32
    scf.for %scan3A_8 = %scan3A_3 to %scan3A_5 step %scan3A_6  : i32 {
      %mul3A_9 = arith.constant 120 : i32
      %mul3A_10 = arith.muli %scan3A_8, %mul3A_9 : i32
      %add3A_11 = arith.addi %mul3A_2, %mul3A_10 : i32
      "tpu.region"() ({
        %run_scoped3A = tpu.sem_alloc : memref<!tpu.dma_semaphore, #tpu.memory_space<semaphore_mem>>
        %dma_start3A_16 = tpu.memref_slice %arg3[%add3A_11] : memref<168960xi32, #tpu.memory_space<hbm>> -> memref<120xi32, #tpu.memory_space<hbm>>
        %dma_start3A_17 = tpu.memref_slice %arg3[%add3A_11] : memref<168960xi32, #tpu.memory_space<hbm>> -> memref<120xi32, #tpu.memory_space<hbm>>
        tpu.enqueue_dma source(%dma_start3A_17 : memref<120xi32, #tpu.memory_space<hbm>>) target(%arg5 : memref<120xi32, #tpu.memory_space<vmem>>) target_semaphore(%run_scoped3A : memref<!tpu.dma_semaphore, #tpu.memory_space<semaphore_mem>>)
        %dma_wait3A_18 = tpu.memref_slice %arg3[%add3A_11] : memref<168960xi32, #tpu.memory_space<hbm>> -> memref<120xi32, #tpu.memory_space<hbm>>
        %dma_wait3A_19 = tpu.memref_slice %arg3[%add3A_11] : memref<168960xi32, #tpu.memory_space<hbm>> -> memref<120xi32, #tpu.memory_space<hbm>>
        tpu.wait_dma2 semaphore(%run_scoped3A : memref<!tpu.dma_semaphore, #tpu.memory_space<semaphore_mem>>) src(%dma_wait3A_19 : memref<120xi32, #tpu.memory_space<hbm>>) dst(%arg5 : memref<120xi32, #tpu.memory_space<vmem>>)
        tpu.yield
      }) : () -> ()
      %dma_start3A = arith.constant 0 : i32
      %dma_start3A_12 = arith.constant 0 : i32
      %dma_start3A_13 = tpu.memref_slice %arg2[%dma_start3A, %dma_start3A_12] : memref<10240x128xf32, #tpu.memory_space<hbm>> -> memref<10240x128xf32, #tpu.memory_space<hbm>>
      tpu.enqueue_indirect_dma source(%dma_start3A_13 : memref<10240x128xf32, #tpu.memory_space<hbm>>) target(%arg6 : memref<120x128xf32, #tpu.memory_space<vmem>>) offsets(%arg5 : memref<120xi32, #tpu.memory_space<vmem>>) semaphore(%arg7 : memref<!tpu.dma_semaphore, #tpu.memory_space<semaphore_mem>>)
      %dma_wait3A = arith.constant 0 : i32
      %dma_wait3A_14 = arith.constant 0 : i32
      %dma_wait3A_15 = tpu.memref_slice %arg2[%dma_wait3A, %dma_wait3A_14] : memref<10240x128xf32, #tpu.memory_space<hbm>> -> memref<10240x128xf32, #tpu.memory_space<hbm>>
      tpu.wait_indirect_dma semaphore(%arg7 : memref<!tpu.dma_semaphore, #tpu.memory_space<semaphore_mem>>) src(%dma_wait3A_15 : memref<10240x128xf32, #tpu.memory_space<hbm>>) dst(%arg6 : memref<120x128xf32, #tpu.memory_space<vmem>>)
      "tpu.region"() ({
        %run_scoped3A = tpu.sem_alloc : memref<!tpu.dma_semaphore, #tpu.memory_space<semaphore_mem>>
        %dma_start3A_16 = arith.constant 0 : i32
        %dma_start3A_17 = tpu.memref_slice %arg4[%add3A_11, %dma_start3A_16] : memref<168960x128xf32, #tpu.memory_space<hbm>> -> memref<120x128xf32, #tpu.memory_space<hbm>>
        %dma_start3A_18 = arith.constant 0 : i32
        %dma_start3A_19 = tpu.memref_slice %arg4[%add3A_11, %dma_start3A_18] : memref<168960x128xf32, #tpu.memory_space<hbm>> -> memref<120x128xf32, #tpu.memory_space<hbm>>
        tpu.enqueue_dma source(%arg6 : memref<120x128xf32, #tpu.memory_space<vmem>>) target(%dma_start3A_19 : memref<120x128xf32, #tpu.memory_space<hbm>>) target_semaphore(%run_scoped3A : memref<!tpu.dma_semaphore, #tpu.memory_space<semaphore_mem>>)
        %dma_wait3A_20 = arith.constant 0 : i32
        %dma_wait3A_21 = tpu.memref_slice %arg4[%add3A_11, %dma_wait3A_20] : memref<168960x128xf32, #tpu.memory_space<hbm>> -> memref<120x128xf32, #tpu.memory_space<hbm>>
        %dma_wait3A_22 = arith.constant 0 : i32
        %dma_wait3A_23 = tpu.memref_slice %arg4[%add3A_11, %dma_wait3A_22] : memref<168960x128xf32, #tpu.memory_space<hbm>> -> memref<120x128xf32, #tpu.memory_space<hbm>>
        tpu.wait_dma2 semaphore(%run_scoped3A : memref<!tpu.dma_semaphore, #tpu.memory_space<semaphore_mem>>) src(%arg6 : memref<120x128xf32, #tpu.memory_space<vmem>>) dst(%dma_wait3A_23 : memref<120x128xf32, #tpu.memory_space<hbm>>)
        tpu.yield
      }) : () -> ()
    }
    %scan3A_7 = arith.constant 44 : i32
    return
  }
}

#map = affine_map<(d0, d1) -> (0, 0)>
#map1 = affine_map<(d0, d1) -> (0)>
#map2 = affine_map<(d0, d1) -> (0, 0, 0)>
module attributes {stable_mosaic.version = 14 : i64} {
  func.func @k(%arg0: i32, %arg1: i32, %arg2: memref<168960x128xf32, #tpu.memory_space<hbm>>, %arg3: memref<168960xi32, #tpu.memory_space<hbm>>, %arg4: memref<10240x128xf32, #tpu.memory_space<hbm>>, %arg5: memref<2x10240x128xf32, #tpu.memory_space<hbm>>, %arg6: memref<120xi32, #tpu.memory_space<vmem>>, %arg7: memref<120x128xf32, #tpu.memory_space<vmem>>, %arg8: memref<10240x128xf32, #tpu.memory_space<vmem_shared>>) attributes {dimension_semantics = [#tpu.dimension_semantics<core_parallel>, #tpu.dimension_semantics<subcore_parallel>], iteration_bounds = array<i64: 2, 16>, scalar_prefetch = 0 : i64, scratch_operands = 3 : i64, tpu.core_type = #tpu.core_type<sc_vector_subcore>, window_params = [{transform_indices = #map}, {transform_indices = #map1}, {transform_indices = #map}, {transform_indices = #map2}]} {
    %mul3A = arith.constant 2 : i32
    %mul3A_0 = arith.muli %arg1, %mul3A : i32
    %add3A = arith.addi %mul3A_0, %arg0 : i32
    %eq3A = arith.constant 0 : i32
    %eq3A_1 = arith.cmpi eq, %arg1, %eq3A : i32
    %convert_element_type3A = arith.extui %eq3A_1 : i1 to i32
    %cond3A = arith.constant 0 : i32
    %cond3A_2 = arith.cmpi ne, %convert_element_type3A, %cond3A : i32
    scf.if %cond3A_2 {
      "tpu.region"() ({
        %run_scoped3A = tpu.sem_alloc : memref<!tpu.dma_semaphore, #tpu.memory_space<semaphore_mem>>
        tpu.enqueue_dma source(%arg4 : memref<10240x128xf32, #tpu.memory_space<hbm>>) target(%arg8 : memref<10240x128xf32, #tpu.memory_space<vmem_shared>>) target_semaphore(%run_scoped3A : memref<!tpu.dma_semaphore, #tpu.memory_space<semaphore_mem>>)
        tpu.wait_dma2 semaphore(%run_scoped3A : memref<!tpu.dma_semaphore, #tpu.memory_space<semaphore_mem>>) src(%arg4 : memref<10240x128xf32, #tpu.memory_space<hbm>>) dst(%arg8 : memref<10240x128xf32, #tpu.memory_space<vmem_shared>>)
        tpu.yield
      }) : () -> ()
    } else {
    }
    %barrier3A = arith.constant 0 : index
    tpu.barrier barrier_id(%barrier3A)
    %mul3A_3 = arith.constant 5280 : i32
    %mul3A_4 = arith.muli %add3A, %mul3A_3 : i32
    %scan3A = arith.constant 0 : i32
    %scan3A_5 = arith.constant 0 : i32
    %scan3A_6 = arith.constant 44 : i32
    %scan3A_7 = arith.addi %scan3A_5, %scan3A_6 : i32
    %scan3A_8 = arith.constant 1 : i32
    scf.for %scan3A_15 = %scan3A_5 to %scan3A_7 step %scan3A_8  : i32 {
      %mul3A_16 = arith.constant 120 : i32
      %mul3A_17 = arith.muli %scan3A_15, %mul3A_16 : i32
      %add3A_18 = arith.addi %mul3A_4, %mul3A_17 : i32
      "tpu.region"() ({
        %run_scoped3A = tpu.sem_alloc : memref<!tpu.dma_semaphore, #tpu.memory_space<semaphore_mem>>
        %dma_start3A = tpu.memref_slice %arg3[%add3A_18] : memref<168960xi32, #tpu.memory_space<hbm>> -> memref<120xi32, #tpu.memory_space<hbm>>
        %dma_start3A_19 = tpu.memref_slice %arg3[%add3A_18] : memref<168960xi32, #tpu.memory_space<hbm>> -> memref<120xi32, #tpu.memory_space<hbm>>
        tpu.enqueue_dma source(%dma_start3A_19 : memref<120xi32, #tpu.memory_space<hbm>>) target(%arg6 : memref<120xi32, #tpu.memory_space<vmem>>) target_semaphore(%run_scoped3A : memref<!tpu.dma_semaphore, #tpu.memory_space<semaphore_mem>>)
        %dma_wait3A = tpu.memref_slice %arg3[%add3A_18] : memref<168960xi32, #tpu.memory_space<hbm>> -> memref<120xi32, #tpu.memory_space<hbm>>
        %dma_wait3A_20 = tpu.memref_slice %arg3[%add3A_18] : memref<168960xi32, #tpu.memory_space<hbm>> -> memref<120xi32, #tpu.memory_space<hbm>>
        tpu.wait_dma2 semaphore(%run_scoped3A : memref<!tpu.dma_semaphore, #tpu.memory_space<semaphore_mem>>) src(%dma_wait3A_20 : memref<120xi32, #tpu.memory_space<hbm>>) dst(%arg6 : memref<120xi32, #tpu.memory_space<vmem>>)
        tpu.yield
      }) : () -> ()
      "tpu.region"() ({
        %run_scoped3A = tpu.sem_alloc : memref<!tpu.dma_semaphore, #tpu.memory_space<semaphore_mem>>
        %dma_start3A = arith.constant 0 : i32
        %dma_start3A_19 = tpu.memref_slice %arg2[%add3A_18, %dma_start3A] : memref<168960x128xf32, #tpu.memory_space<hbm>> -> memref<120x128xf32, #tpu.memory_space<hbm>>
        %dma_start3A_20 = arith.constant 0 : i32
        %dma_start3A_21 = tpu.memref_slice %arg2[%add3A_18, %dma_start3A_20] : memref<168960x128xf32, #tpu.memory_space<hbm>> -> memref<120x128xf32, #tpu.memory_space<hbm>>
        tpu.enqueue_dma source(%dma_start3A_21 : memref<120x128xf32, #tpu.memory_space<hbm>>) target(%arg7 : memref<120x128xf32, #tpu.memory_space<vmem>>) target_semaphore(%run_scoped3A : memref<!tpu.dma_semaphore, #tpu.memory_space<semaphore_mem>>)
        %dma_wait3A = arith.constant 0 : i32
        %dma_wait3A_22 = tpu.memref_slice %arg2[%add3A_18, %dma_wait3A] : memref<168960x128xf32, #tpu.memory_space<hbm>> -> memref<120x128xf32, #tpu.memory_space<hbm>>
        %dma_wait3A_23 = arith.constant 0 : i32
        %dma_wait3A_24 = tpu.memref_slice %arg2[%add3A_18, %dma_wait3A_23] : memref<168960x128xf32, #tpu.memory_space<hbm>> -> memref<120x128xf32, #tpu.memory_space<hbm>>
        tpu.wait_dma2 semaphore(%run_scoped3A : memref<!tpu.dma_semaphore, #tpu.memory_space<semaphore_mem>>) src(%dma_wait3A_24 : memref<120x128xf32, #tpu.memory_space<hbm>>) dst(%arg7 : memref<120x128xf32, #tpu.memory_space<vmem>>)
        tpu.yield
      }) : () -> ()
      "tpu.region"() ({
        %run_scoped3A = tpu.sem_alloc : memref<!tpu.dma_semaphore, #tpu.memory_space<semaphore_mem>>
        %dma_start3A = arith.constant 0 : i32
        %dma_start3A_19 = arith.constant 0 : i32
        %dma_start3A_20 = tpu.memref_slice %arg8[%dma_start3A, %dma_start3A_19] : memref<10240x128xf32, #tpu.memory_space<vmem_shared>> -> memref<10240x128xf32, #tpu.memory_space<vmem_shared>>
        tpu.enqueue_indirect_dma source(%arg7 : memref<120x128xf32, #tpu.memory_space<vmem>>) target(%dma_start3A_20 : memref<10240x128xf32, #tpu.memory_space<vmem_shared>>) offsets(%arg6 : memref<120xi32, #tpu.memory_space<vmem>>) semaphore(%run_scoped3A : memref<!tpu.dma_semaphore, #tpu.memory_space<semaphore_mem>>) {add = true}
        %dma_wait3A = arith.constant 0 : i32
        %dma_wait3A_21 = arith.constant 0 : i32
        %dma_wait3A_22 = tpu.memref_slice %arg8[%dma_wait3A, %dma_wait3A_21] : memref<10240x128xf32, #tpu.memory_space<vmem_shared>> -> memref<10240x128xf32, #tpu.memory_space<vmem_shared>>
        tpu.wait_indirect_dma semaphore(%run_scoped3A : memref<!tpu.dma_semaphore, #tpu.memory_space<semaphore_mem>>) src(%arg7 : memref<120x128xf32, #tpu.memory_space<vmem>>) dst(%dma_wait3A_22 : memref<10240x128xf32, #tpu.memory_space<vmem_shared>>)
        tpu.yield
      }) : () -> ()
    }
    %scan3A_9 = arith.constant 44 : i32
    %barrier3A_10 = arith.constant 0 : index
    tpu.barrier barrier_id(%barrier3A_10)
    %mul3A_11 = arith.constant 640 : i32
    %mul3A_12 = arith.muli %arg1, %mul3A_11 : i32
    %mul3A_13 = arith.constant 640 : i32
    %mul3A_14 = arith.muli %arg1, %mul3A_13 : i32
    "tpu.region"() ({
      %run_scoped3A = tpu.sem_alloc : memref<!tpu.dma_semaphore, #tpu.memory_space<semaphore_mem>>
      %dma_start3A = arith.constant 0 : i32
      %dma_start3A_15 = tpu.memref_slice %arg5[%arg0, %mul3A_14, %dma_start3A] : memref<2x10240x128xf32, #tpu.memory_space<hbm>> -> memref<1x640x128xf32, #tpu.memory_space<hbm>>
      %dma_start3A_16 = tpu.memref_squeeze %dma_start3A_15 : memref<1x640x128xf32, #tpu.memory_space<hbm>> -> memref<640x128xf32, #tpu.memory_space<hbm>>
      %dma_start3A_17 = arith.constant 0 : i32
      %dma_start3A_18 = tpu.memref_slice %arg8[%mul3A_12, %dma_start3A_17] : memref<10240x128xf32, #tpu.memory_space<vmem_shared>> -> memref<640x128xf32, #tpu.memory_space<vmem_shared>>
      tpu.enqueue_dma source(%dma_start3A_18 : memref<640x128xf32, #tpu.memory_space<vmem_shared>>) target(%dma_start3A_16 : memref<640x128xf32, #tpu.memory_space<hbm>>) target_semaphore(%run_scoped3A : memref<!tpu.dma_semaphore, #tpu.memory_space<semaphore_mem>>)
      %dma_wait3A = arith.constant 0 : i32
      %dma_wait3A_19 = tpu.memref_slice %arg5[%arg0, %mul3A_14, %dma_wait3A] : memref<2x10240x128xf32, #tpu.memory_space<hbm>> -> memref<1x640x128xf32, #tpu.memory_space<hbm>>
      %dma_wait3A_20 = tpu.memref_squeeze %dma_wait3A_19 : memref<1x640x128xf32, #tpu.memory_space<hbm>> -> memref<640x128xf32, #tpu.memory_space<hbm>>
      %dma_wait3A_21 = arith.constant 0 : i32
      %dma_wait3A_22 = tpu.memref_slice %arg8[%mul3A_12, %dma_wait3A_21] : memref<10240x128xf32, #tpu.memory_space<vmem_shared>> -> memref<640x128xf32, #tpu.memory_space<vmem_shared>>
      tpu.wait_dma2 semaphore(%run_scoped3A : memref<!tpu.dma_semaphore, #tpu.memory_space<semaphore_mem>>) src(%dma_wait3A_22 : memref<640x128xf32, #tpu.memory_space<vmem_shared>>) dst(%dma_wait3A_20 : memref<640x128xf32, #tpu.memory_space<hbm>>)
      tpu.yield
    }) : () -> ()
    return
  }
}

#map = affine_map<(d0, d1) -> (0, 0)>
#map1 = affine_map<(d0, d1) -> (0)>
#map2 = affine_map<(d0, d1) -> (0, 0, 0)>
module attributes {stable_mosaic.version = 14 : i64} {
  func.func @k(%arg0: i32, %arg1: i32, %arg2: memref<168960x128xf32, #tpu.memory_space<hbm>>, %arg3: memref<168960xi32, #tpu.memory_space<hbm>>, %arg4: memref<10240x128xf32, #tpu.memory_space<hbm>>, %arg5: memref<2x10240x128xf32, #tpu.memory_space<hbm>>, %arg6: memref<120xi32, #tpu.memory_space<vmem>>, %arg7: memref<120x128xf32, #tpu.memory_space<vmem>>, %arg8: memref<10240x128xf32, #tpu.memory_space<vmem_shared>>) attributes {dimension_semantics = [#tpu.dimension_semantics<core_parallel>, #tpu.dimension_semantics<subcore_parallel>], iteration_bounds = array<i64: 2, 16>, scalar_prefetch = 0 : i64, scratch_operands = 3 : i64, tpu.core_type = #tpu.core_type<sc_vector_subcore>, window_params = [{transform_indices = #map}, {transform_indices = #map1}, {transform_indices = #map}, {transform_indices = #map2}]} {
    %mul3A = arith.constant 2 : i32
    %mul3A_0 = arith.muli %arg1, %mul3A : i32
    %add3A = arith.addi %mul3A_0, %arg0 : i32
    %eq3A = arith.constant 0 : i32
    %eq3A_1 = arith.cmpi eq, %arg1, %eq3A : i32
    %convert_element_type3A = arith.extui %eq3A_1 : i1 to i32
    %cond3A = arith.constant 0 : i32
    %cond3A_2 = arith.cmpi ne, %convert_element_type3A, %cond3A : i32
    scf.if %cond3A_2 {
      "tpu.region"() ({
        %run_scoped3A = tpu.sem_alloc : memref<!tpu.dma_semaphore, #tpu.memory_space<semaphore_mem>>
        tpu.enqueue_dma source(%arg4 : memref<10240x128xf32, #tpu.memory_space<hbm>>) target(%arg8 : memref<10240x128xf32, #tpu.memory_space<vmem_shared>>) target_semaphore(%run_scoped3A : memref<!tpu.dma_semaphore, #tpu.memory_space<semaphore_mem>>)
        tpu.wait_dma2 semaphore(%run_scoped3A : memref<!tpu.dma_semaphore, #tpu.memory_space<semaphore_mem>>) src(%arg4 : memref<10240x128xf32, #tpu.memory_space<hbm>>) dst(%arg8 : memref<10240x128xf32, #tpu.memory_space<vmem_shared>>)
        tpu.yield
      }) : () -> ()
    } else {
    }
    %barrier3A = arith.constant 0 : index
    tpu.barrier barrier_id(%barrier3A)
    %mul3A_3 = arith.constant 5280 : i32
    %mul3A_4 = arith.muli %add3A, %mul3A_3 : i32
    %scan3A = arith.constant 0 : i32
    %scan3A_5 = arith.constant 0 : i32
    %scan3A_6 = arith.constant 44 : i32
    %scan3A_7 = arith.addi %scan3A_5, %scan3A_6 : i32
    %scan3A_8 = arith.constant 1 : i32
    scf.for %scan3A_15 = %scan3A_5 to %scan3A_7 step %scan3A_8  : i32 {
      %mul3A_16 = arith.constant 120 : i32
      %mul3A_17 = arith.muli %scan3A_15, %mul3A_16 : i32
      %add3A_18 = arith.addi %mul3A_4, %mul3A_17 : i32
      "tpu.region"() ({
        %run_scoped3A = tpu.sem_alloc : memref<!tpu.dma_semaphore, #tpu.memory_space<semaphore_mem>>
        %dma_start3A = tpu.memref_slice %arg3[%add3A_18] : memref<168960xi32, #tpu.memory_space<hbm>> -> memref<120xi32, #tpu.memory_space<hbm>>
        %dma_start3A_19 = tpu.memref_slice %arg3[%add3A_18] : memref<168960xi32, #tpu.memory_space<hbm>> -> memref<120xi32, #tpu.memory_space<hbm>>
        tpu.enqueue_dma source(%dma_start3A_19 : memref<120xi32, #tpu.memory_space<hbm>>) target(%arg6 : memref<120xi32, #tpu.memory_space<vmem>>) target_semaphore(%run_scoped3A : memref<!tpu.dma_semaphore, #tpu.memory_space<semaphore_mem>>)
        %dma_wait3A = tpu.memref_slice %arg3[%add3A_18] : memref<168960xi32, #tpu.memory_space<hbm>> -> memref<120xi32, #tpu.memory_space<hbm>>
        %dma_wait3A_20 = tpu.memref_slice %arg3[%add3A_18] : memref<168960xi32, #tpu.memory_space<hbm>> -> memref<120xi32, #tpu.memory_space<hbm>>
        tpu.wait_dma2 semaphore(%run_scoped3A : memref<!tpu.dma_semaphore, #tpu.memory_space<semaphore_mem>>) src(%dma_wait3A_20 : memref<120xi32, #tpu.memory_space<hbm>>) dst(%arg6 : memref<120xi32, #tpu.memory_space<vmem>>)
        tpu.yield
      }) : () -> ()
      "tpu.region"() ({
        %run_scoped3A = tpu.sem_alloc : memref<!tpu.dma_semaphore, #tpu.memory_space<semaphore_mem>>
        %dma_start3A = arith.constant 0 : i32
        %dma_start3A_19 = tpu.memref_slice %arg2[%add3A_18, %dma_start3A] : memref<168960x128xf32, #tpu.memory_space<hbm>> -> memref<120x128xf32, #tpu.memory_space<hbm>>
        %dma_start3A_20 = arith.constant 0 : i32
        %dma_start3A_21 = tpu.memref_slice %arg2[%add3A_18, %dma_start3A_20] : memref<168960x128xf32, #tpu.memory_space<hbm>> -> memref<120x128xf32, #tpu.memory_space<hbm>>
        tpu.enqueue_dma source(%dma_start3A_21 : memref<120x128xf32, #tpu.memory_space<hbm>>) target(%arg7 : memref<120x128xf32, #tpu.memory_space<vmem>>) target_semaphore(%run_scoped3A : memref<!tpu.dma_semaphore, #tpu.memory_space<semaphore_mem>>)
        %dma_wait3A = arith.constant 0 : i32
        %dma_wait3A_22 = tpu.memref_slice %arg2[%add3A_18, %dma_wait3A] : memref<168960x128xf32, #tpu.memory_space<hbm>> -> memref<120x128xf32, #tpu.memory_space<hbm>>
        %dma_wait3A_23 = arith.constant 0 : i32
        %dma_wait3A_24 = tpu.memref_slice %arg2[%add3A_18, %dma_wait3A_23] : memref<168960x128xf32, #tpu.memory_space<hbm>> -> memref<120x128xf32, #tpu.memory_space<hbm>>
        tpu.wait_dma2 semaphore(%run_scoped3A : memref<!tpu.dma_semaphore, #tpu.memory_space<semaphore_mem>>) src(%dma_wait3A_24 : memref<120x128xf32, #tpu.memory_space<hbm>>) dst(%arg7 : memref<120x128xf32, #tpu.memory_space<vmem>>)
        tpu.yield
      }) : () -> ()
      "tpu.region"() ({
        %run_scoped3A = tpu.sem_alloc : memref<!tpu.dma_semaphore, #tpu.memory_space<semaphore_mem>>
        %dma_start3A = arith.constant 0 : i32
        %dma_start3A_19 = arith.constant 0 : i32
        %dma_start3A_20 = tpu.memref_slice %arg8[%dma_start3A, %dma_start3A_19] : memref<10240x128xf32, #tpu.memory_space<vmem_shared>> -> memref<10240x128xf32, #tpu.memory_space<vmem_shared>>
        tpu.enqueue_indirect_dma source(%arg7 : memref<120x128xf32, #tpu.memory_space<vmem>>) target(%dma_start3A_20 : memref<10240x128xf32, #tpu.memory_space<vmem_shared>>) offsets(%arg6 : memref<120xi32, #tpu.memory_space<vmem>>) semaphore(%run_scoped3A : memref<!tpu.dma_semaphore, #tpu.memory_space<semaphore_mem>>) {add = true}
        %dma_wait3A = arith.constant 0 : i32
        %dma_wait3A_21 = arith.constant 0 : i32
        %dma_wait3A_22 = tpu.memref_slice %arg8[%dma_wait3A, %dma_wait3A_21] : memref<10240x128xf32, #tpu.memory_space<vmem_shared>> -> memref<10240x128xf32, #tpu.memory_space<vmem_shared>>
        tpu.wait_indirect_dma semaphore(%run_scoped3A : memref<!tpu.dma_semaphore, #tpu.memory_space<semaphore_mem>>) src(%arg7 : memref<120x128xf32, #tpu.memory_space<vmem>>) dst(%dma_wait3A_22 : memref<10240x128xf32, #tpu.memory_space<vmem_shared>>)
        tpu.yield
      }) : () -> ()
    }
    %scan3A_9 = arith.constant 44 : i32
    %barrier3A_10 = arith.constant 0 : index
    tpu.barrier barrier_id(%barrier3A_10)
    %mul3A_11 = arith.constant 640 : i32
    %mul3A_12 = arith.muli %arg1, %mul3A_11 : i32
    %mul3A_13 = arith.constant 640 : i32
    %mul3A_14 = arith.muli %arg1, %mul3A_13 : i32
    "tpu.region"() ({
      %run_scoped3A = tpu.sem_alloc : memref<!tpu.dma_semaphore, #tpu.memory_space<semaphore_mem>>
      %dma_start3A = arith.constant 0 : i32
      %dma_start3A_15 = tpu.memref_slice %arg5[%arg0, %mul3A_14, %dma_start3A] : memref<2x10240x128xf32, #tpu.memory_space<hbm>> -> memref<1x640x128xf32, #tpu.memory_space<hbm>>
      %dma_start3A_16 = tpu.memref_squeeze %dma_start3A_15 : memref<1x640x128xf32, #tpu.memory_space<hbm>> -> memref<640x128xf32, #tpu.memory_space<hbm>>
      %dma_start3A_17 = arith.constant 0 : i32
      %dma_start3A_18 = tpu.memref_slice %arg8[%mul3A_12, %dma_start3A_17] : memref<10240x128xf32, #tpu.memory_space<vmem_shared>> -> memref<640x128xf32, #tpu.memory_space<vmem_shared>>
      tpu.enqueue_dma source(%dma_start3A_18 : memref<640x128xf32, #tpu.memory_space<vmem_shared>>) target(%dma_start3A_16 : memref<640x128xf32, #tpu.memory_space<hbm>>) target_semaphore(%run_scoped3A : memref<!tpu.dma_semaphore, #tpu.memory_space<semaphore_mem>>)
      %dma_wait3A = arith.constant 0 : i32
      %dma_wait3A_19 = tpu.memref_slice %arg5[%arg0, %mul3A_14, %dma_wait3A] : memref<2x10240x128xf32, #tpu.memory_space<hbm>> -> memref<1x640x128xf32, #tpu.memory_space<hbm>>
      %dma_wait3A_20 = tpu.memref_squeeze %dma_wait3A_19 : memref<1x640x128xf32, #tpu.memory_space<hbm>> -> memref<640x128xf32, #tpu.memory_space<hbm>>
      %dma_wait3A_21 = arith.constant 0 : i32
      %dma_wait3A_22 = tpu.memref_slice %arg8[%mul3A_12, %dma_wait3A_21] : memref<10240x128xf32, #tpu.memory_space<vmem_shared>> -> memref<640x128xf32, #tpu.memory_space<vmem_shared>>
      tpu.wait_dma2 semaphore(%run_scoped3A : memref<!tpu.dma_semaphore, #tpu.memory_space<semaphore_mem>>) src(%dma_wait3A_22 : memref<640x128xf32, #tpu.memory_space<vmem_shared>>) dst(%dma_wait3A_20 : memref<640x128xf32, #tpu.memory_space<hbm>>)
      tpu.yield
    }) : () -> ()
    return
  }
}

#map = affine_map<(d0, d1) -> (0, 0)>
#map1 = affine_map<(d0, d1) -> (0)>
module attributes {stable_mosaic.version = 14 : i64} {
  func.func @k(%arg0: i32, %arg1: i32, %arg2: memref<10240x128xf32, #tpu.memory_space<hbm>>, %arg3: memref<168960xi32, #tpu.memory_space<hbm>>, %arg4: memref<168960x128xf32, #tpu.memory_space<hbm>>, %arg5: memref<120xi32, #tpu.memory_space<vmem>>, %arg6: memref<120x128xf32, #tpu.memory_space<vmem>>, %arg7: memref<!tpu.dma_semaphore, #tpu.memory_space<semaphore_mem>>) attributes {dimension_semantics = [#tpu.dimension_semantics<core_parallel>, #tpu.dimension_semantics<subcore_parallel>], iteration_bounds = array<i64: 2, 16>, scalar_prefetch = 0 : i64, scratch_operands = 3 : i64, tpu.core_type = #tpu.core_type<sc_vector_subcore>, window_params = [{transform_indices = #map}, {transform_indices = #map1}, {transform_indices = #map}]} {
    %mul3A = arith.constant 2 : i32
    %mul3A_0 = arith.muli %arg1, %mul3A : i32
    %add3A = arith.addi %mul3A_0, %arg0 : i32
    %mul3A_1 = arith.constant 5280 : i32
    %mul3A_2 = arith.muli %add3A, %mul3A_1 : i32
    %scan3A = arith.constant 0 : i32
    %scan3A_3 = arith.constant 0 : i32
    %scan3A_4 = arith.constant 44 : i32
    %scan3A_5 = arith.addi %scan3A_3, %scan3A_4 : i32
    %scan3A_6 = arith.constant 1 : i32
    scf.for %scan3A_8 = %scan3A_3 to %scan3A_5 step %scan3A_6  : i32 {
      %mul3A_9 = arith.constant 120 : i32
      %mul3A_10 = arith.muli %scan3A_8, %mul3A_9 : i32
      %add3A_11 = arith.addi %mul3A_2, %mul3A_10 : i32
      "tpu.region"() ({
        %run_scoped3A = tpu.sem_alloc : memref<!tpu.dma_semaphore, #tpu.memory_space<semaphore_mem>>
        %dma_start3A_16 = tpu.memref_slice %arg3[%add3A_11] : memref<168960xi32, #tpu.memory_space<hbm>> -> memref<120xi32, #tpu.memory_space<hbm>>
        %dma_start3A_17 = tpu.memref_slice %arg3[%add3A_11] : memref<168960xi32, #tpu.memory_space<hbm>> -> memref<120xi32, #tpu.memory_space<hbm>>
        tpu.enqueue_dma source(%dma_start3A_17 : memref<120xi32, #tpu.memory_space<hbm>>) target(%arg5 : memref<120xi32, #tpu.memory_space<vmem>>) target_semaphore(%run_scoped3A : memref<!tpu.dma_semaphore, #tpu.memory_space<semaphore_mem>>)
        %dma_wait3A_18 = tpu.memref_slice %arg3[%add3A_11] : memref<168960xi32, #tpu.memory_space<hbm>> -> memref<120xi32, #tpu.memory_space<hbm>>
        %dma_wait3A_19 = tpu.memref_slice %arg3[%add3A_11] : memref<168960xi32, #tpu.memory_space<hbm>> -> memref<120xi32, #tpu.memory_space<hbm>>
        tpu.wait_dma2 semaphore(%run_scoped3A : memref<!tpu.dma_semaphore, #tpu.memory_space<semaphore_mem>>) src(%dma_wait3A_19 : memref<120xi32, #tpu.memory_space<hbm>>) dst(%arg5 : memref<120xi32, #tpu.memory_space<vmem>>)
        tpu.yield
      }) : () -> ()
      %dma_start3A = arith.constant 0 : i32
      %dma_start3A_12 = arith.constant 0 : i32
      %dma_start3A_13 = tpu.memref_slice %arg2[%dma_start3A, %dma_start3A_12] : memref<10240x128xf32, #tpu.memory_space<hbm>> -> memref<10240x128xf32, #tpu.memory_space<hbm>>
      tpu.enqueue_indirect_dma source(%dma_start3A_13 : memref<10240x128xf32, #tpu.memory_space<hbm>>) target(%arg6 : memref<120x128xf32, #tpu.memory_space<vmem>>) offsets(%arg5 : memref<120xi32, #tpu.memory_space<vmem>>) semaphore(%arg7 : memref<!tpu.dma_semaphore, #tpu.memory_space<semaphore_mem>>)
      %dma_wait3A = arith.constant 0 : i32
      %dma_wait3A_14 = arith.constant 0 : i32
      %dma_wait3A_15 = tpu.memref_slice %arg2[%dma_wait3A, %dma_wait3A_14] : memref<10240x128xf32, #tpu.memory_space<hbm>> -> memref<10240x128xf32, #tpu.memory_space<hbm>>
      tpu.wait_indirect_dma semaphore(%arg7 : memref<!tpu.dma_semaphore, #tpu.memory_space<semaphore_mem>>) src(%dma_wait3A_15 : memref<10240x128xf32, #tpu.memory_space<hbm>>) dst(%arg6 : memref<120x128xf32, #tpu.memory_space<vmem>>)
      "tpu.region"() ({
        %run_scoped3A = tpu.sem_alloc : memref<!tpu.dma_semaphore, #tpu.memory_space<semaphore_mem>>
        %dma_start3A_16 = arith.constant 0 : i32
        %dma_start3A_17 = tpu.memref_slice %arg4[%add3A_11, %dma_start3A_16] : memref<168960x128xf32, #tpu.memory_space<hbm>> -> memref<120x128xf32, #tpu.memory_space<hbm>>
        %dma_start3A_18 = arith.constant 0 : i32
        %dma_start3A_19 = tpu.memref_slice %arg4[%add3A_11, %dma_start3A_18] : memref<168960x128xf32, #tpu.memory_space<hbm>> -> memref<120x128xf32, #tpu.memory_space<hbm>>
        tpu.enqueue_dma source(%arg6 : memref<120x128xf32, #tpu.memory_space<vmem>>) target(%dma_start3A_19 : memref<120x128xf32, #tpu.memory_space<hbm>>) target_semaphore(%run_scoped3A : memref<!tpu.dma_semaphore, #tpu.memory_space<semaphore_mem>>)
        %dma_wait3A_20 = arith.constant 0 : i32
        %dma_wait3A_21 = tpu.memref_slice %arg4[%add3A_11, %dma_wait3A_20] : memref<168960x128xf32, #tpu.memory_space<hbm>> -> memref<120x128xf32, #tpu.memory_space<hbm>>
        %dma_wait3A_22 = arith.constant 0 : i32
        %dma_wait3A_23 = tpu.memref_slice %arg4[%add3A_11, %dma_wait3A_22] : memref<168960x128xf32, #tpu.memory_space<hbm>> -> memref<120x128xf32, #tpu.memory_space<hbm>>
        tpu.wait_dma2 semaphore(%run_scoped3A : memref<!tpu.dma_semaphore, #tpu.memory_space<semaphore_mem>>) src(%arg6 : memref<120x128xf32, #tpu.memory_space<vmem>>) dst(%dma_wait3A_23 : memref<120x128xf32, #tpu.memory_space<hbm>>)
        tpu.yield
      }) : () -> ()
    }
    %scan3A_7 = arith.constant 44 : i32
    return
  }
}

#map = affine_map<(d0, d1) -> (0, 0)>
#map1 = affine_map<(d0, d1) -> (0)>
#map2 = affine_map<(d0, d1) -> (0, 0, 0)>
module attributes {stable_mosaic.version = 14 : i64} {
  func.func @k(%arg0: i32, %arg1: i32, %arg2: memref<168960x128xf32, #tpu.memory_space<hbm>>, %arg3: memref<168960xi32, #tpu.memory_space<hbm>>, %arg4: memref<10240x128xf32, #tpu.memory_space<hbm>>, %arg5: memref<2x10240x128xf32, #tpu.memory_space<hbm>>, %arg6: memref<120xi32, #tpu.memory_space<vmem>>, %arg7: memref<120x128xf32, #tpu.memory_space<vmem>>, %arg8: memref<10240x128xf32, #tpu.memory_space<vmem_shared>>) attributes {dimension_semantics = [#tpu.dimension_semantics<core_parallel>, #tpu.dimension_semantics<subcore_parallel>], iteration_bounds = array<i64: 2, 16>, scalar_prefetch = 0 : i64, scratch_operands = 3 : i64, tpu.core_type = #tpu.core_type<sc_vector_subcore>, window_params = [{transform_indices = #map}, {transform_indices = #map1}, {transform_indices = #map}, {transform_indices = #map2}]} {
    %mul3A = arith.constant 2 : i32
    %mul3A_0 = arith.muli %arg1, %mul3A : i32
    %add3A = arith.addi %mul3A_0, %arg0 : i32
    %eq3A = arith.constant 0 : i32
    %eq3A_1 = arith.cmpi eq, %arg1, %eq3A : i32
    %convert_element_type3A = arith.extui %eq3A_1 : i1 to i32
    %cond3A = arith.constant 0 : i32
    %cond3A_2 = arith.cmpi ne, %convert_element_type3A, %cond3A : i32
    scf.if %cond3A_2 {
      "tpu.region"() ({
        %run_scoped3A = tpu.sem_alloc : memref<!tpu.dma_semaphore, #tpu.memory_space<semaphore_mem>>
        tpu.enqueue_dma source(%arg4 : memref<10240x128xf32, #tpu.memory_space<hbm>>) target(%arg8 : memref<10240x128xf32, #tpu.memory_space<vmem_shared>>) target_semaphore(%run_scoped3A : memref<!tpu.dma_semaphore, #tpu.memory_space<semaphore_mem>>)
        tpu.wait_dma2 semaphore(%run_scoped3A : memref<!tpu.dma_semaphore, #tpu.memory_space<semaphore_mem>>) src(%arg4 : memref<10240x128xf32, #tpu.memory_space<hbm>>) dst(%arg8 : memref<10240x128xf32, #tpu.memory_space<vmem_shared>>)
        tpu.yield
      }) : () -> ()
    } else {
    }
    %barrier3A = arith.constant 0 : index
    tpu.barrier barrier_id(%barrier3A)
    %mul3A_3 = arith.constant 5280 : i32
    %mul3A_4 = arith.muli %add3A, %mul3A_3 : i32
    %scan3A = arith.constant 0 : i32
    %scan3A_5 = arith.constant 0 : i32
    %scan3A_6 = arith.constant 44 : i32
    %scan3A_7 = arith.addi %scan3A_5, %scan3A_6 : i32
    %scan3A_8 = arith.constant 1 : i32
    scf.for %scan3A_15 = %scan3A_5 to %scan3A_7 step %scan3A_8  : i32 {
      %mul3A_16 = arith.constant 120 : i32
      %mul3A_17 = arith.muli %scan3A_15, %mul3A_16 : i32
      %add3A_18 = arith.addi %mul3A_4, %mul3A_17 : i32
      "tpu.region"() ({
        %run_scoped3A = tpu.sem_alloc : memref<!tpu.dma_semaphore, #tpu.memory_space<semaphore_mem>>
        %dma_start3A = tpu.memref_slice %arg3[%add3A_18] : memref<168960xi32, #tpu.memory_space<hbm>> -> memref<120xi32, #tpu.memory_space<hbm>>
        %dma_start3A_19 = tpu.memref_slice %arg3[%add3A_18] : memref<168960xi32, #tpu.memory_space<hbm>> -> memref<120xi32, #tpu.memory_space<hbm>>
        tpu.enqueue_dma source(%dma_start3A_19 : memref<120xi32, #tpu.memory_space<hbm>>) target(%arg6 : memref<120xi32, #tpu.memory_space<vmem>>) target_semaphore(%run_scoped3A : memref<!tpu.dma_semaphore, #tpu.memory_space<semaphore_mem>>)
        %dma_wait3A = tpu.memref_slice %arg3[%add3A_18] : memref<168960xi32, #tpu.memory_space<hbm>> -> memref<120xi32, #tpu.memory_space<hbm>>
        %dma_wait3A_20 = tpu.memref_slice %arg3[%add3A_18] : memref<168960xi32, #tpu.memory_space<hbm>> -> memref<120xi32, #tpu.memory_space<hbm>>
        tpu.wait_dma2 semaphore(%run_scoped3A : memref<!tpu.dma_semaphore, #tpu.memory_space<semaphore_mem>>) src(%dma_wait3A_20 : memref<120xi32, #tpu.memory_space<hbm>>) dst(%arg6 : memref<120xi32, #tpu.memory_space<vmem>>)
        tpu.yield
      }) : () -> ()
      "tpu.region"() ({
        %run_scoped3A = tpu.sem_alloc : memref<!tpu.dma_semaphore, #tpu.memory_space<semaphore_mem>>
        %dma_start3A = arith.constant 0 : i32
        %dma_start3A_19 = tpu.memref_slice %arg2[%add3A_18, %dma_start3A] : memref<168960x128xf32, #tpu.memory_space<hbm>> -> memref<120x128xf32, #tpu.memory_space<hbm>>
        %dma_start3A_20 = arith.constant 0 : i32
        %dma_start3A_21 = tpu.memref_slice %arg2[%add3A_18, %dma_start3A_20] : memref<168960x128xf32, #tpu.memory_space<hbm>> -> memref<120x128xf32, #tpu.memory_space<hbm>>
        tpu.enqueue_dma source(%dma_start3A_21 : memref<120x128xf32, #tpu.memory_space<hbm>>) target(%arg7 : memref<120x128xf32, #tpu.memory_space<vmem>>) target_semaphore(%run_scoped3A : memref<!tpu.dma_semaphore, #tpu.memory_space<semaphore_mem>>)
        %dma_wait3A = arith.constant 0 : i32
        %dma_wait3A_22 = tpu.memref_slice %arg2[%add3A_18, %dma_wait3A] : memref<168960x128xf32, #tpu.memory_space<hbm>> -> memref<120x128xf32, #tpu.memory_space<hbm>>
        %dma_wait3A_23 = arith.constant 0 : i32
        %dma_wait3A_24 = tpu.memref_slice %arg2[%add3A_18, %dma_wait3A_23] : memref<168960x128xf32, #tpu.memory_space<hbm>> -> memref<120x128xf32, #tpu.memory_space<hbm>>
        tpu.wait_dma2 semaphore(%run_scoped3A : memref<!tpu.dma_semaphore, #tpu.memory_space<semaphore_mem>>) src(%dma_wait3A_24 : memref<120x128xf32, #tpu.memory_space<hbm>>) dst(%arg7 : memref<120x128xf32, #tpu.memory_space<vmem>>)
        tpu.yield
      }) : () -> ()
      "tpu.region"() ({
        %run_scoped3A = tpu.sem_alloc : memref<!tpu.dma_semaphore, #tpu.memory_space<semaphore_mem>>
        %dma_start3A = arith.constant 0 : i32
        %dma_start3A_19 = arith.constant 0 : i32
        %dma_start3A_20 = tpu.memref_slice %arg8[%dma_start3A, %dma_start3A_19] : memref<10240x128xf32, #tpu.memory_space<vmem_shared>> -> memref<10240x128xf32, #tpu.memory_space<vmem_shared>>
        tpu.enqueue_indirect_dma source(%arg7 : memref<120x128xf32, #tpu.memory_space<vmem>>) target(%dma_start3A_20 : memref<10240x128xf32, #tpu.memory_space<vmem_shared>>) offsets(%arg6 : memref<120xi32, #tpu.memory_space<vmem>>) semaphore(%run_scoped3A : memref<!tpu.dma_semaphore, #tpu.memory_space<semaphore_mem>>) {add = true}
        %dma_wait3A = arith.constant 0 : i32
        %dma_wait3A_21 = arith.constant 0 : i32
        %dma_wait3A_22 = tpu.memref_slice %arg8[%dma_wait3A, %dma_wait3A_21] : memref<10240x128xf32, #tpu.memory_space<vmem_shared>> -> memref<10240x128xf32, #tpu.memory_space<vmem_shared>>
        tpu.wait_indirect_dma semaphore(%run_scoped3A : memref<!tpu.dma_semaphore, #tpu.memory_space<semaphore_mem>>) src(%arg7 : memref<120x128xf32, #tpu.memory_space<vmem>>) dst(%dma_wait3A_22 : memref<10240x128xf32, #tpu.memory_space<vmem_shared>>)
        tpu.yield
      }) : () -> ()
    }
    %scan3A_9 = arith.constant 44 : i32
    %barrier3A_10 = arith.constant 0 : index
    tpu.barrier barrier_id(%barrier3A_10)
    %mul3A_11 = arith.constant 640 : i32
    %mul3A_12 = arith.muli %arg1, %mul3A_11 : i32
    %mul3A_13 = arith.constant 640 : i32
    %mul3A_14 = arith.muli %arg1, %mul3A_13 : i32
    "tpu.region"() ({
      %run_scoped3A = tpu.sem_alloc : memref<!tpu.dma_semaphore, #tpu.memory_space<semaphore_mem>>
      %dma_start3A = arith.constant 0 : i32
      %dma_start3A_15 = tpu.memref_slice %arg5[%arg0, %mul3A_14, %dma_start3A] : memref<2x10240x128xf32, #tpu.memory_space<hbm>> -> memref<1x640x128xf32, #tpu.memory_space<hbm>>
      %dma_start3A_16 = tpu.memref_squeeze %dma_start3A_15 : memref<1x640x128xf32, #tpu.memory_space<hbm>> -> memref<640x128xf32, #tpu.memory_space<hbm>>
      %dma_start3A_17 = arith.constant 0 : i32
      %dma_start3A_18 = tpu.memref_slice %arg8[%mul3A_12, %dma_start3A_17] : memref<10240x128xf32, #tpu.memory_space<vmem_shared>> -> memref<640x128xf32, #tpu.memory_space<vmem_shared>>
      tpu.enqueue_dma source(%dma_start3A_18 : memref<640x128xf32, #tpu.memory_space<vmem_shared>>) target(%dma_start3A_16 : memref<640x128xf32, #tpu.memory_space<hbm>>) target_semaphore(%run_scoped3A : memref<!tpu.dma_semaphore, #tpu.memory_space<semaphore_mem>>)
      %dma_wait3A = arith.constant 0 : i32
      %dma_wait3A_19 = tpu.memref_slice %arg5[%arg0, %mul3A_14, %dma_wait3A] : memref<2x10240x128xf32, #tpu.memory_space<hbm>> -> memref<1x640x128xf32, #tpu.memory_space<hbm>>
      %dma_wait3A_20 = tpu.memref_squeeze %dma_wait3A_19 : memref<1x640x128xf32, #tpu.memory_space<hbm>> -> memref<640x128xf32, #tpu.memory_space<hbm>>
      %dma_wait3A_21 = arith.constant 0 : i32
      %dma_wait3A_22 = tpu.memref_slice %arg8[%mul3A_12, %dma_wait3A_21] : memref<10240x128xf32, #tpu.memory_space<vmem_shared>> -> memref<640x128xf32, #tpu.memory_space<vmem_shared>>
      tpu.wait_dma2 semaphore(%run_scoped3A : memref<!tpu.dma_semaphore, #tpu.memory_space<semaphore_mem>>) src(%dma_wait3A_22 : memref<640x128xf32, #tpu.memory_space<vmem_shared>>) dst(%dma_wait3A_20 : memref<640x128xf32, #tpu.memory_space<hbm>>)
      tpu.yield
    }) : () -> ()
    return
  }
}

#map = affine_map<(d0, d1) -> (0, 0)>
#map1 = affine_map<(d0, d1) -> (0)>
module attributes {stable_mosaic.version = 14 : i64} {
  func.func @k(%arg0: i32, %arg1: i32, %arg2: memref<10240x128xf32, #tpu.memory_space<hbm>>, %arg3: memref<168960xi32, #tpu.memory_space<hbm>>, %arg4: memref<168960x128xf32, #tpu.memory_space<hbm>>, %arg5: memref<120xi32, #tpu.memory_space<vmem>>, %arg6: memref<120x128xf32, #tpu.memory_space<vmem>>, %arg7: memref<!tpu.dma_semaphore, #tpu.memory_space<semaphore_mem>>) attributes {dimension_semantics = [#tpu.dimension_semantics<core_parallel>, #tpu.dimension_semantics<subcore_parallel>], iteration_bounds = array<i64: 2, 16>, scalar_prefetch = 0 : i64, scratch_operands = 3 : i64, tpu.core_type = #tpu.core_type<sc_vector_subcore>, window_params = [{transform_indices = #map}, {transform_indices = #map1}, {transform_indices = #map}]} {
    %mul3A = arith.constant 2 : i32
    %mul3A_0 = arith.muli %arg1, %mul3A : i32
    %add3A = arith.addi %mul3A_0, %arg0 : i32
    %mul3A_1 = arith.constant 5280 : i32
    %mul3A_2 = arith.muli %add3A, %mul3A_1 : i32
    %scan3A = arith.constant 0 : i32
    %scan3A_3 = arith.constant 0 : i32
    %scan3A_4 = arith.constant 44 : i32
    %scan3A_5 = arith.addi %scan3A_3, %scan3A_4 : i32
    %scan3A_6 = arith.constant 1 : i32
    scf.for %scan3A_8 = %scan3A_3 to %scan3A_5 step %scan3A_6  : i32 {
      %mul3A_9 = arith.constant 120 : i32
      %mul3A_10 = arith.muli %scan3A_8, %mul3A_9 : i32
      %add3A_11 = arith.addi %mul3A_2, %mul3A_10 : i32
      "tpu.region"() ({
        %run_scoped3A = tpu.sem_alloc : memref<!tpu.dma_semaphore, #tpu.memory_space<semaphore_mem>>
        %dma_start3A_16 = tpu.memref_slice %arg3[%add3A_11] : memref<168960xi32, #tpu.memory_space<hbm>> -> memref<120xi32, #tpu.memory_space<hbm>>
        %dma_start3A_17 = tpu.memref_slice %arg3[%add3A_11] : memref<168960xi32, #tpu.memory_space<hbm>> -> memref<120xi32, #tpu.memory_space<hbm>>
        tpu.enqueue_dma source(%dma_start3A_17 : memref<120xi32, #tpu.memory_space<hbm>>) target(%arg5 : memref<120xi32, #tpu.memory_space<vmem>>) target_semaphore(%run_scoped3A : memref<!tpu.dma_semaphore, #tpu.memory_space<semaphore_mem>>)
        %dma_wait3A_18 = tpu.memref_slice %arg3[%add3A_11] : memref<168960xi32, #tpu.memory_space<hbm>> -> memref<120xi32, #tpu.memory_space<hbm>>
        %dma_wait3A_19 = tpu.memref_slice %arg3[%add3A_11] : memref<168960xi32, #tpu.memory_space<hbm>> -> memref<120xi32, #tpu.memory_space<hbm>>
        tpu.wait_dma2 semaphore(%run_scoped3A : memref<!tpu.dma_semaphore, #tpu.memory_space<semaphore_mem>>) src(%dma_wait3A_19 : memref<120xi32, #tpu.memory_space<hbm>>) dst(%arg5 : memref<120xi32, #tpu.memory_space<vmem>>)
        tpu.yield
      }) : () -> ()
      %dma_start3A = arith.constant 0 : i32
      %dma_start3A_12 = arith.constant 0 : i32
      %dma_start3A_13 = tpu.memref_slice %arg2[%dma_start3A, %dma_start3A_12] : memref<10240x128xf32, #tpu.memory_space<hbm>> -> memref<10240x128xf32, #tpu.memory_space<hbm>>
      tpu.enqueue_indirect_dma source(%dma_start3A_13 : memref<10240x128xf32, #tpu.memory_space<hbm>>) target(%arg6 : memref<120x128xf32, #tpu.memory_space<vmem>>) offsets(%arg5 : memref<120xi32, #tpu.memory_space<vmem>>) semaphore(%arg7 : memref<!tpu.dma_semaphore, #tpu.memory_space<semaphore_mem>>)
      %dma_wait3A = arith.constant 0 : i32
      %dma_wait3A_14 = arith.constant 0 : i32
      %dma_wait3A_15 = tpu.memref_slice %arg2[%dma_wait3A, %dma_wait3A_14] : memref<10240x128xf32, #tpu.memory_space<hbm>> -> memref<10240x128xf32, #tpu.memory_space<hbm>>
      tpu.wait_indirect_dma semaphore(%arg7 : memref<!tpu.dma_semaphore, #tpu.memory_space<semaphore_mem>>) src(%dma_wait3A_15 : memref<10240x128xf32, #tpu.memory_space<hbm>>) dst(%arg6 : memref<120x128xf32, #tpu.memory_space<vmem>>)
      "tpu.region"() ({
        %run_scoped3A = tpu.sem_alloc : memref<!tpu.dma_semaphore, #tpu.memory_space<semaphore_mem>>
        %dma_start3A_16 = arith.constant 0 : i32
        %dma_start3A_17 = tpu.memref_slice %arg4[%add3A_11, %dma_start3A_16] : memref<168960x128xf32, #tpu.memory_space<hbm>> -> memref<120x128xf32, #tpu.memory_space<hbm>>
        %dma_start3A_18 = arith.constant 0 : i32
        %dma_start3A_19 = tpu.memref_slice %arg4[%add3A_11, %dma_start3A_18] : memref<168960x128xf32, #tpu.memory_space<hbm>> -> memref<120x128xf32, #tpu.memory_space<hbm>>
        tpu.enqueue_dma source(%arg6 : memref<120x128xf32, #tpu.memory_space<vmem>>) target(%dma_start3A_19 : memref<120x128xf32, #tpu.memory_space<hbm>>) target_semaphore(%run_scoped3A : memref<!tpu.dma_semaphore, #tpu.memory_space<semaphore_mem>>)
        %dma_wait3A_20 = arith.constant 0 : i32
        %dma_wait3A_21 = tpu.memref_slice %arg4[%add3A_11, %dma_wait3A_20] : memref<168960x128xf32, #tpu.memory_space<hbm>> -> memref<120x128xf32, #tpu.memory_space<hbm>>
        %dma_wait3A_22 = arith.constant 0 : i32
        %dma_wait3A_23 = tpu.memref_slice %arg4[%add3A_11, %dma_wait3A_22] : memref<168960x128xf32, #tpu.memory_space<hbm>> -> memref<120x128xf32, #tpu.memory_space<hbm>>
        tpu.wait_dma2 semaphore(%run_scoped3A : memref<!tpu.dma_semaphore, #tpu.memory_space<semaphore_mem>>) src(%arg6 : memref<120x128xf32, #tpu.memory_space<vmem>>) dst(%dma_wait3A_23 : memref<120x128xf32, #tpu.memory_space<hbm>>)
        tpu.yield
      }) : () -> ()
    }
    %scan3A_7 = arith.constant 44 : i32
    return
  }
}

#map = affine_map<(d0, d1) -> (0, 0)>
#map1 = affine_map<(d0, d1) -> (0)>
#map2 = affine_map<(d0, d1) -> (0, 0, 0)>
module attributes {stable_mosaic.version = 14 : i64} {
  func.func @k(%arg0: i32, %arg1: i32, %arg2: memref<168960x128xf32, #tpu.memory_space<hbm>>, %arg3: memref<168960xi32, #tpu.memory_space<hbm>>, %arg4: memref<10240x128xf32, #tpu.memory_space<hbm>>, %arg5: memref<2x10240x128xf32, #tpu.memory_space<hbm>>, %arg6: memref<120xi32, #tpu.memory_space<vmem>>, %arg7: memref<120x128xf32, #tpu.memory_space<vmem>>, %arg8: memref<10240x128xf32, #tpu.memory_space<vmem_shared>>) attributes {dimension_semantics = [#tpu.dimension_semantics<core_parallel>, #tpu.dimension_semantics<subcore_parallel>], iteration_bounds = array<i64: 2, 16>, scalar_prefetch = 0 : i64, scratch_operands = 3 : i64, tpu.core_type = #tpu.core_type<sc_vector_subcore>, window_params = [{transform_indices = #map}, {transform_indices = #map1}, {transform_indices = #map}, {transform_indices = #map2}]} {
    %mul3A = arith.constant 2 : i32
    %mul3A_0 = arith.muli %arg1, %mul3A : i32
    %add3A = arith.addi %mul3A_0, %arg0 : i32
    %eq3A = arith.constant 0 : i32
    %eq3A_1 = arith.cmpi eq, %arg1, %eq3A : i32
    %convert_element_type3A = arith.extui %eq3A_1 : i1 to i32
    %cond3A = arith.constant 0 : i32
    %cond3A_2 = arith.cmpi ne, %convert_element_type3A, %cond3A : i32
    scf.if %cond3A_2 {
      "tpu.region"() ({
        %run_scoped3A = tpu.sem_alloc : memref<!tpu.dma_semaphore, #tpu.memory_space<semaphore_mem>>
        tpu.enqueue_dma source(%arg4 : memref<10240x128xf32, #tpu.memory_space<hbm>>) target(%arg8 : memref<10240x128xf32, #tpu.memory_space<vmem_shared>>) target_semaphore(%run_scoped3A : memref<!tpu.dma_semaphore, #tpu.memory_space<semaphore_mem>>)
        tpu.wait_dma2 semaphore(%run_scoped3A : memref<!tpu.dma_semaphore, #tpu.memory_space<semaphore_mem>>) src(%arg4 : memref<10240x128xf32, #tpu.memory_space<hbm>>) dst(%arg8 : memref<10240x128xf32, #tpu.memory_space<vmem_shared>>)
        tpu.yield
      }) : () -> ()
    } else {
    }
    %barrier3A = arith.constant 0 : index
    tpu.barrier barrier_id(%barrier3A)
    %mul3A_3 = arith.constant 5280 : i32
    %mul3A_4 = arith.muli %add3A, %mul3A_3 : i32
    %scan3A = arith.constant 0 : i32
    %scan3A_5 = arith.constant 0 : i32
    %scan3A_6 = arith.constant 44 : i32
    %scan3A_7 = arith.addi %scan3A_5, %scan3A_6 : i32
    %scan3A_8 = arith.constant 1 : i32
    scf.for %scan3A_15 = %scan3A_5 to %scan3A_7 step %scan3A_8  : i32 {
      %mul3A_16 = arith.constant 120 : i32
      %mul3A_17 = arith.muli %scan3A_15, %mul3A_16 : i32
      %add3A_18 = arith.addi %mul3A_4, %mul3A_17 : i32
      "tpu.region"() ({
        %run_scoped3A = tpu.sem_alloc : memref<!tpu.dma_semaphore, #tpu.memory_space<semaphore_mem>>
        %dma_start3A = tpu.memref_slice %arg3[%add3A_18] : memref<168960xi32, #tpu.memory_space<hbm>> -> memref<120xi32, #tpu.memory_space<hbm>>
        %dma_start3A_19 = tpu.memref_slice %arg3[%add3A_18] : memref<168960xi32, #tpu.memory_space<hbm>> -> memref<120xi32, #tpu.memory_space<hbm>>
        tpu.enqueue_dma source(%dma_start3A_19 : memref<120xi32, #tpu.memory_space<hbm>>) target(%arg6 : memref<120xi32, #tpu.memory_space<vmem>>) target_semaphore(%run_scoped3A : memref<!tpu.dma_semaphore, #tpu.memory_space<semaphore_mem>>)
        %dma_wait3A = tpu.memref_slice %arg3[%add3A_18] : memref<168960xi32, #tpu.memory_space<hbm>> -> memref<120xi32, #tpu.memory_space<hbm>>
        %dma_wait3A_20 = tpu.memref_slice %arg3[%add3A_18] : memref<168960xi32, #tpu.memory_space<hbm>> -> memref<120xi32, #tpu.memory_space<hbm>>
        tpu.wait_dma2 semaphore(%run_scoped3A : memref<!tpu.dma_semaphore, #tpu.memory_space<semaphore_mem>>) src(%dma_wait3A_20 : memref<120xi32, #tpu.memory_space<hbm>>) dst(%arg6 : memref<120xi32, #tpu.memory_space<vmem>>)
        tpu.yield
      }) : () -> ()
      "tpu.region"() ({
        %run_scoped3A = tpu.sem_alloc : memref<!tpu.dma_semaphore, #tpu.memory_space<semaphore_mem>>
        %dma_start3A = arith.constant 0 : i32
        %dma_start3A_19 = tpu.memref_slice %arg2[%add3A_18, %dma_start3A] : memref<168960x128xf32, #tpu.memory_space<hbm>> -> memref<120x128xf32, #tpu.memory_space<hbm>>
        %dma_start3A_20 = arith.constant 0 : i32
        %dma_start3A_21 = tpu.memref_slice %arg2[%add3A_18, %dma_start3A_20] : memref<168960x128xf32, #tpu.memory_space<hbm>> -> memref<120x128xf32, #tpu.memory_space<hbm>>
        tpu.enqueue_dma source(%dma_start3A_21 : memref<120x128xf32, #tpu.memory_space<hbm>>) target(%arg7 : memref<120x128xf32, #tpu.memory_space<vmem>>) target_semaphore(%run_scoped3A : memref<!tpu.dma_semaphore, #tpu.memory_space<semaphore_mem>>)
        %dma_wait3A = arith.constant 0 : i32
        %dma_wait3A_22 = tpu.memref_slice %arg2[%add3A_18, %dma_wait3A] : memref<168960x128xf32, #tpu.memory_space<hbm>> -> memref<120x128xf32, #tpu.memory_space<hbm>>
        %dma_wait3A_23 = arith.constant 0 : i32
        %dma_wait3A_24 = tpu.memref_slice %arg2[%add3A_18, %dma_wait3A_23] : memref<168960x128xf32, #tpu.memory_space<hbm>> -> memref<120x128xf32, #tpu.memory_space<hbm>>
        tpu.wait_dma2 semaphore(%run_scoped3A : memref<!tpu.dma_semaphore, #tpu.memory_space<semaphore_mem>>) src(%dma_wait3A_24 : memref<120x128xf32, #tpu.memory_space<hbm>>) dst(%arg7 : memref<120x128xf32, #tpu.memory_space<vmem>>)
        tpu.yield
      }) : () -> ()
      "tpu.region"() ({
        %run_scoped3A = tpu.sem_alloc : memref<!tpu.dma_semaphore, #tpu.memory_space<semaphore_mem>>
        %dma_start3A = arith.constant 0 : i32
        %dma_start3A_19 = arith.constant 0 : i32
        %dma_start3A_20 = tpu.memref_slice %arg8[%dma_start3A, %dma_start3A_19] : memref<10240x128xf32, #tpu.memory_space<vmem_shared>> -> memref<10240x128xf32, #tpu.memory_space<vmem_shared>>
        tpu.enqueue_indirect_dma source(%arg7 : memref<120x128xf32, #tpu.memory_space<vmem>>) target(%dma_start3A_20 : memref<10240x128xf32, #tpu.memory_space<vmem_shared>>) offsets(%arg6 : memref<120xi32, #tpu.memory_space<vmem>>) semaphore(%run_scoped3A : memref<!tpu.dma_semaphore, #tpu.memory_space<semaphore_mem>>) {add = true}
        %dma_wait3A = arith.constant 0 : i32
        %dma_wait3A_21 = arith.constant 0 : i32
        %dma_wait3A_22 = tpu.memref_slice %arg8[%dma_wait3A, %dma_wait3A_21] : memref<10240x128xf32, #tpu.memory_space<vmem_shared>> -> memref<10240x128xf32, #tpu.memory_space<vmem_shared>>
        tpu.wait_indirect_dma semaphore(%run_scoped3A : memref<!tpu.dma_semaphore, #tpu.memory_space<semaphore_mem>>) src(%arg7 : memref<120x128xf32, #tpu.memory_space<vmem>>) dst(%dma_wait3A_22 : memref<10240x128xf32, #tpu.memory_space<vmem_shared>>)
        tpu.yield
      }) : () -> ()
    }
    %scan3A_9 = arith.constant 44 : i32
    %barrier3A_10 = arith.constant 0 : index
    tpu.barrier barrier_id(%barrier3A_10)
    %mul3A_11 = arith.constant 640 : i32
    %mul3A_12 = arith.muli %arg1, %mul3A_11 : i32
    %mul3A_13 = arith.constant 640 : i32
    %mul3A_14 = arith.muli %arg1, %mul3A_13 : i32
    "tpu.region"() ({
      %run_scoped3A = tpu.sem_alloc : memref<!tpu.dma_semaphore, #tpu.memory_space<semaphore_mem>>
      %dma_start3A = arith.constant 0 : i32
      %dma_start3A_15 = tpu.memref_slice %arg5[%arg0, %mul3A_14, %dma_start3A] : memref<2x10240x128xf32, #tpu.memory_space<hbm>> -> memref<1x640x128xf32, #tpu.memory_space<hbm>>
      %dma_start3A_16 = tpu.memref_squeeze %dma_start3A_15 : memref<1x640x128xf32, #tpu.memory_space<hbm>> -> memref<640x128xf32, #tpu.memory_space<hbm>>
      %dma_start3A_17 = arith.constant 0 : i32
      %dma_start3A_18 = tpu.memref_slice %arg8[%mul3A_12, %dma_start3A_17] : memref<10240x128xf32, #tpu.memory_space<vmem_shared>> -> memref<640x128xf32, #tpu.memory_space<vmem_shared>>
      tpu.enqueue_dma source(%dma_start3A_18 : memref<640x128xf32, #tpu.memory_space<vmem_shared>>) target(%dma_start3A_16 : memref<640x128xf32, #tpu.memory_space<hbm>>) target_semaphore(%run_scoped3A : memref<!tpu.dma_semaphore, #tpu.memory_space<semaphore_mem>>)
      %dma_wait3A = arith.constant 0 : i32
      %dma_wait3A_19 = tpu.memref_slice %arg5[%arg0, %mul3A_14, %dma_wait3A] : memref<2x10240x128xf32, #tpu.memory_space<hbm>> -> memref<1x640x128xf32, #tpu.memory_space<hbm>>
      %dma_wait3A_20 = tpu.memref_squeeze %dma_wait3A_19 : memref<1x640x128xf32, #tpu.memory_space<hbm>> -> memref<640x128xf32, #tpu.memory_space<hbm>>
      %dma_wait3A_21 = arith.constant 0 : i32
      %dma_wait3A_22 = tpu.memref_slice %arg8[%mul3A_12, %dma_wait3A_21] : memref<10240x128xf32, #tpu.memory_space<vmem_shared>> -> memref<640x128xf32, #tpu.memory_space<vmem_shared>>
      tpu.wait_dma2 semaphore(%run_scoped3A : memref<!tpu.dma_semaphore, #tpu.memory_space<semaphore_mem>>) src(%dma_wait3A_22 : memref<640x128xf32, #tpu.memory_space<vmem_shared>>) dst(%dma_wait3A_20 : memref<640x128xf32, #tpu.memory_space<hbm>>)
      tpu.yield
    }) : () -> ()
    return
  }
}

#map = affine_map<(d0, d1) -> (0, 0)>
#map1 = affine_map<(d0, d1) -> (0)>
module attributes {stable_mosaic.version = 14 : i64} {
  func.func @k(%arg0: i32, %arg1: i32, %arg2: memref<10240x128xf32, #tpu.memory_space<hbm>>, %arg3: memref<168960xi32, #tpu.memory_space<hbm>>, %arg4: memref<168960x128xf32, #tpu.memory_space<hbm>>, %arg5: memref<120xi32, #tpu.memory_space<vmem>>, %arg6: memref<120x128xf32, #tpu.memory_space<vmem>>, %arg7: memref<!tpu.dma_semaphore, #tpu.memory_space<semaphore_mem>>) attributes {dimension_semantics = [#tpu.dimension_semantics<core_parallel>, #tpu.dimension_semantics<subcore_parallel>], iteration_bounds = array<i64: 2, 16>, scalar_prefetch = 0 : i64, scratch_operands = 3 : i64, tpu.core_type = #tpu.core_type<sc_vector_subcore>, window_params = [{transform_indices = #map}, {transform_indices = #map1}, {transform_indices = #map}]} {
    %mul3A = arith.constant 2 : i32
    %mul3A_0 = arith.muli %arg1, %mul3A : i32
    %add3A = arith.addi %mul3A_0, %arg0 : i32
    %mul3A_1 = arith.constant 5280 : i32
    %mul3A_2 = arith.muli %add3A, %mul3A_1 : i32
    %scan3A = arith.constant 0 : i32
    %scan3A_3 = arith.constant 0 : i32
    %scan3A_4 = arith.constant 44 : i32
    %scan3A_5 = arith.addi %scan3A_3, %scan3A_4 : i32
    %scan3A_6 = arith.constant 1 : i32
    scf.for %scan3A_8 = %scan3A_3 to %scan3A_5 step %scan3A_6  : i32 {
      %mul3A_9 = arith.constant 120 : i32
      %mul3A_10 = arith.muli %scan3A_8, %mul3A_9 : i32
      %add3A_11 = arith.addi %mul3A_2, %mul3A_10 : i32
      "tpu.region"() ({
        %run_scoped3A = tpu.sem_alloc : memref<!tpu.dma_semaphore, #tpu.memory_space<semaphore_mem>>
        %dma_start3A_16 = tpu.memref_slice %arg3[%add3A_11] : memref<168960xi32, #tpu.memory_space<hbm>> -> memref<120xi32, #tpu.memory_space<hbm>>
        %dma_start3A_17 = tpu.memref_slice %arg3[%add3A_11] : memref<168960xi32, #tpu.memory_space<hbm>> -> memref<120xi32, #tpu.memory_space<hbm>>
        tpu.enqueue_dma source(%dma_start3A_17 : memref<120xi32, #tpu.memory_space<hbm>>) target(%arg5 : memref<120xi32, #tpu.memory_space<vmem>>) target_semaphore(%run_scoped3A : memref<!tpu.dma_semaphore, #tpu.memory_space<semaphore_mem>>)
        %dma_wait3A_18 = tpu.memref_slice %arg3[%add3A_11] : memref<168960xi32, #tpu.memory_space<hbm>> -> memref<120xi32, #tpu.memory_space<hbm>>
        %dma_wait3A_19 = tpu.memref_slice %arg3[%add3A_11] : memref<168960xi32, #tpu.memory_space<hbm>> -> memref<120xi32, #tpu.memory_space<hbm>>
        tpu.wait_dma2 semaphore(%run_scoped3A : memref<!tpu.dma_semaphore, #tpu.memory_space<semaphore_mem>>) src(%dma_wait3A_19 : memref<120xi32, #tpu.memory_space<hbm>>) dst(%arg5 : memref<120xi32, #tpu.memory_space<vmem>>)
        tpu.yield
      }) : () -> ()
      %dma_start3A = arith.constant 0 : i32
      %dma_start3A_12 = arith.constant 0 : i32
      %dma_start3A_13 = tpu.memref_slice %arg2[%dma_start3A, %dma_start3A_12] : memref<10240x128xf32, #tpu.memory_space<hbm>> -> memref<10240x128xf32, #tpu.memory_space<hbm>>
      tpu.enqueue_indirect_dma source(%dma_start3A_13 : memref<10240x128xf32, #tpu.memory_space<hbm>>) target(%arg6 : memref<120x128xf32, #tpu.memory_space<vmem>>) offsets(%arg5 : memref<120xi32, #tpu.memory_space<vmem>>) semaphore(%arg7 : memref<!tpu.dma_semaphore, #tpu.memory_space<semaphore_mem>>)
      %dma_wait3A = arith.constant 0 : i32
      %dma_wait3A_14 = arith.constant 0 : i32
      %dma_wait3A_15 = tpu.memref_slice %arg2[%dma_wait3A, %dma_wait3A_14] : memref<10240x128xf32, #tpu.memory_space<hbm>> -> memref<10240x128xf32, #tpu.memory_space<hbm>>
      tpu.wait_indirect_dma semaphore(%arg7 : memref<!tpu.dma_semaphore, #tpu.memory_space<semaphore_mem>>) src(%dma_wait3A_15 : memref<10240x128xf32, #tpu.memory_space<hbm>>) dst(%arg6 : memref<120x128xf32, #tpu.memory_space<vmem>>)
      "tpu.region"() ({
        %run_scoped3A = tpu.sem_alloc : memref<!tpu.dma_semaphore, #tpu.memory_space<semaphore_mem>>
        %dma_start3A_16 = arith.constant 0 : i32
        %dma_start3A_17 = tpu.memref_slice %arg4[%add3A_11, %dma_start3A_16] : memref<168960x128xf32, #tpu.memory_space<hbm>> -> memref<120x128xf32, #tpu.memory_space<hbm>>
        %dma_start3A_18 = arith.constant 0 : i32
        %dma_start3A_19 = tpu.memref_slice %arg4[%add3A_11, %dma_start3A_18] : memref<168960x128xf32, #tpu.memory_space<hbm>> -> memref<120x128xf32, #tpu.memory_space<hbm>>
        tpu.enqueue_dma source(%arg6 : memref<120x128xf32, #tpu.memory_space<vmem>>) target(%dma_start3A_19 : memref<120x128xf32, #tpu.memory_space<hbm>>) target_semaphore(%run_scoped3A : memref<!tpu.dma_semaphore, #tpu.memory_space<semaphore_mem>>)
        %dma_wait3A_20 = arith.constant 0 : i32
        %dma_wait3A_21 = tpu.memref_slice %arg4[%add3A_11, %dma_wait3A_20] : memref<168960x128xf32, #tpu.memory_space<hbm>> -> memref<120x128xf32, #tpu.memory_space<hbm>>
        %dma_wait3A_22 = arith.constant 0 : i32
        %dma_wait3A_23 = tpu.memref_slice %arg4[%add3A_11, %dma_wait3A_22] : memref<168960x128xf32, #tpu.memory_space<hbm>> -> memref<120x128xf32, #tpu.memory_space<hbm>>
        tpu.wait_dma2 semaphore(%run_scoped3A : memref<!tpu.dma_semaphore, #tpu.memory_space<semaphore_mem>>) src(%arg6 : memref<120x128xf32, #tpu.memory_space<vmem>>) dst(%dma_wait3A_23 : memref<120x128xf32, #tpu.memory_space<hbm>>)
        tpu.yield
      }) : () -> ()
    }
    %scan3A_7 = arith.constant 44 : i32
    return
  }
}

#map = affine_map<(d0, d1) -> (0, 0)>
#map1 = affine_map<(d0, d1) -> (0)>
#map2 = affine_map<(d0, d1) -> (0, 0, 0)>
module attributes {stable_mosaic.version = 14 : i64} {
  func.func @k(%arg0: i32, %arg1: i32, %arg2: memref<168960x128xf32, #tpu.memory_space<hbm>>, %arg3: memref<168960xi32, #tpu.memory_space<hbm>>, %arg4: memref<10240x128xf32, #tpu.memory_space<hbm>>, %arg5: memref<2x10240x128xf32, #tpu.memory_space<hbm>>, %arg6: memref<120xi32, #tpu.memory_space<vmem>>, %arg7: memref<120x128xf32, #tpu.memory_space<vmem>>, %arg8: memref<10240x128xf32, #tpu.memory_space<vmem_shared>>) attributes {dimension_semantics = [#tpu.dimension_semantics<core_parallel>, #tpu.dimension_semantics<subcore_parallel>], iteration_bounds = array<i64: 2, 16>, scalar_prefetch = 0 : i64, scratch_operands = 3 : i64, tpu.core_type = #tpu.core_type<sc_vector_subcore>, window_params = [{transform_indices = #map}, {transform_indices = #map1}, {transform_indices = #map}, {transform_indices = #map2}]} {
    %mul3A = arith.constant 2 : i32
    %mul3A_0 = arith.muli %arg1, %mul3A : i32
    %add3A = arith.addi %mul3A_0, %arg0 : i32
    %eq3A = arith.constant 0 : i32
    %eq3A_1 = arith.cmpi eq, %arg1, %eq3A : i32
    %convert_element_type3A = arith.extui %eq3A_1 : i1 to i32
    %cond3A = arith.constant 0 : i32
    %cond3A_2 = arith.cmpi ne, %convert_element_type3A, %cond3A : i32
    scf.if %cond3A_2 {
      "tpu.region"() ({
        %run_scoped3A = tpu.sem_alloc : memref<!tpu.dma_semaphore, #tpu.memory_space<semaphore_mem>>
        tpu.enqueue_dma source(%arg4 : memref<10240x128xf32, #tpu.memory_space<hbm>>) target(%arg8 : memref<10240x128xf32, #tpu.memory_space<vmem_shared>>) target_semaphore(%run_scoped3A : memref<!tpu.dma_semaphore, #tpu.memory_space<semaphore_mem>>)
        tpu.wait_dma2 semaphore(%run_scoped3A : memref<!tpu.dma_semaphore, #tpu.memory_space<semaphore_mem>>) src(%arg4 : memref<10240x128xf32, #tpu.memory_space<hbm>>) dst(%arg8 : memref<10240x128xf32, #tpu.memory_space<vmem_shared>>)
        tpu.yield
      }) : () -> ()
    } else {
    }
    %barrier3A = arith.constant 0 : index
    tpu.barrier barrier_id(%barrier3A)
    %mul3A_3 = arith.constant 5280 : i32
    %mul3A_4 = arith.muli %add3A, %mul3A_3 : i32
    %scan3A = arith.constant 0 : i32
    %scan3A_5 = arith.constant 0 : i32
    %scan3A_6 = arith.constant 44 : i32
    %scan3A_7 = arith.addi %scan3A_5, %scan3A_6 : i32
    %scan3A_8 = arith.constant 1 : i32
    scf.for %scan3A_15 = %scan3A_5 to %scan3A_7 step %scan3A_8  : i32 {
      %mul3A_16 = arith.constant 120 : i32
      %mul3A_17 = arith.muli %scan3A_15, %mul3A_16 : i32
      %add3A_18 = arith.addi %mul3A_4, %mul3A_17 : i32
      "tpu.region"() ({
        %run_scoped3A = tpu.sem_alloc : memref<!tpu.dma_semaphore, #tpu.memory_space<semaphore_mem>>
        %dma_start3A = tpu.memref_slice %arg3[%add3A_18] : memref<168960xi32, #tpu.memory_space<hbm>> -> memref<120xi32, #tpu.memory_space<hbm>>
        %dma_start3A_19 = tpu.memref_slice %arg3[%add3A_18] : memref<168960xi32, #tpu.memory_space<hbm>> -> memref<120xi32, #tpu.memory_space<hbm>>
        tpu.enqueue_dma source(%dma_start3A_19 : memref<120xi32, #tpu.memory_space<hbm>>) target(%arg6 : memref<120xi32, #tpu.memory_space<vmem>>) target_semaphore(%run_scoped3A : memref<!tpu.dma_semaphore, #tpu.memory_space<semaphore_mem>>)
        %dma_wait3A = tpu.memref_slice %arg3[%add3A_18] : memref<168960xi32, #tpu.memory_space<hbm>> -> memref<120xi32, #tpu.memory_space<hbm>>
        %dma_wait3A_20 = tpu.memref_slice %arg3[%add3A_18] : memref<168960xi32, #tpu.memory_space<hbm>> -> memref<120xi32, #tpu.memory_space<hbm>>
        tpu.wait_dma2 semaphore(%run_scoped3A : memref<!tpu.dma_semaphore, #tpu.memory_space<semaphore_mem>>) src(%dma_wait3A_20 : memref<120xi32, #tpu.memory_space<hbm>>) dst(%arg6 : memref<120xi32, #tpu.memory_space<vmem>>)
        tpu.yield
      }) : () -> ()
      "tpu.region"() ({
        %run_scoped3A = tpu.sem_alloc : memref<!tpu.dma_semaphore, #tpu.memory_space<semaphore_mem>>
        %dma_start3A = arith.constant 0 : i32
        %dma_start3A_19 = tpu.memref_slice %arg2[%add3A_18, %dma_start3A] : memref<168960x128xf32, #tpu.memory_space<hbm>> -> memref<120x128xf32, #tpu.memory_space<hbm>>
        %dma_start3A_20 = arith.constant 0 : i32
        %dma_start3A_21 = tpu.memref_slice %arg2[%add3A_18, %dma_start3A_20] : memref<168960x128xf32, #tpu.memory_space<hbm>> -> memref<120x128xf32, #tpu.memory_space<hbm>>
        tpu.enqueue_dma source(%dma_start3A_21 : memref<120x128xf32, #tpu.memory_space<hbm>>) target(%arg7 : memref<120x128xf32, #tpu.memory_space<vmem>>) target_semaphore(%run_scoped3A : memref<!tpu.dma_semaphore, #tpu.memory_space<semaphore_mem>>)
        %dma_wait3A = arith.constant 0 : i32
        %dma_wait3A_22 = tpu.memref_slice %arg2[%add3A_18, %dma_wait3A] : memref<168960x128xf32, #tpu.memory_space<hbm>> -> memref<120x128xf32, #tpu.memory_space<hbm>>
        %dma_wait3A_23 = arith.constant 0 : i32
        %dma_wait3A_24 = tpu.memref_slice %arg2[%add3A_18, %dma_wait3A_23] : memref<168960x128xf32, #tpu.memory_space<hbm>> -> memref<120x128xf32, #tpu.memory_space<hbm>>
        tpu.wait_dma2 semaphore(%run_scoped3A : memref<!tpu.dma_semaphore, #tpu.memory_space<semaphore_mem>>) src(%dma_wait3A_24 : memref<120x128xf32, #tpu.memory_space<hbm>>) dst(%arg7 : memref<120x128xf32, #tpu.memory_space<vmem>>)
        tpu.yield
      }) : () -> ()
      "tpu.region"() ({
        %run_scoped3A = tpu.sem_alloc : memref<!tpu.dma_semaphore, #tpu.memory_space<semaphore_mem>>
        %dma_start3A = arith.constant 0 : i32
        %dma_start3A_19 = arith.constant 0 : i32
        %dma_start3A_20 = tpu.memref_slice %arg8[%dma_start3A, %dma_start3A_19] : memref<10240x128xf32, #tpu.memory_space<vmem_shared>> -> memref<10240x128xf32, #tpu.memory_space<vmem_shared>>
        tpu.enqueue_indirect_dma source(%arg7 : memref<120x128xf32, #tpu.memory_space<vmem>>) target(%dma_start3A_20 : memref<10240x128xf32, #tpu.memory_space<vmem_shared>>) offsets(%arg6 : memref<120xi32, #tpu.memory_space<vmem>>) semaphore(%run_scoped3A : memref<!tpu.dma_semaphore, #tpu.memory_space<semaphore_mem>>) {add = true}
        %dma_wait3A = arith.constant 0 : i32
        %dma_wait3A_21 = arith.constant 0 : i32
        %dma_wait3A_22 = tpu.memref_slice %arg8[%dma_wait3A, %dma_wait3A_21] : memref<10240x128xf32, #tpu.memory_space<vmem_shared>> -> memref<10240x128xf32, #tpu.memory_space<vmem_shared>>
        tpu.wait_indirect_dma semaphore(%run_scoped3A : memref<!tpu.dma_semaphore, #tpu.memory_space<semaphore_mem>>) src(%arg7 : memref<120x128xf32, #tpu.memory_space<vmem>>) dst(%dma_wait3A_22 : memref<10240x128xf32, #tpu.memory_space<vmem_shared>>)
        tpu.yield
      }) : () -> ()
    }
    %scan3A_9 = arith.constant 44 : i32
    %barrier3A_10 = arith.constant 0 : index
    tpu.barrier barrier_id(%barrier3A_10)
    %mul3A_11 = arith.constant 640 : i32
    %mul3A_12 = arith.muli %arg1, %mul3A_11 : i32
    %mul3A_13 = arith.constant 640 : i32
    %mul3A_14 = arith.muli %arg1, %mul3A_13 : i32
    "tpu.region"() ({
      %run_scoped3A = tpu.sem_alloc : memref<!tpu.dma_semaphore, #tpu.memory_space<semaphore_mem>>
      %dma_start3A = arith.constant 0 : i32
      %dma_start3A_15 = tpu.memref_slice %arg5[%arg0, %mul3A_14, %dma_start3A] : memref<2x10240x128xf32, #tpu.memory_space<hbm>> -> memref<1x640x128xf32, #tpu.memory_space<hbm>>
      %dma_start3A_16 = tpu.memref_squeeze %dma_start3A_15 : memref<1x640x128xf32, #tpu.memory_space<hbm>> -> memref<640x128xf32, #tpu.memory_space<hbm>>
      %dma_start3A_17 = arith.constant 0 : i32
      %dma_start3A_18 = tpu.memref_slice %arg8[%mul3A_12, %dma_start3A_17] : memref<10240x128xf32, #tpu.memory_space<vmem_shared>> -> memref<640x128xf32, #tpu.memory_space<vmem_shared>>
      tpu.enqueue_dma source(%dma_start3A_18 : memref<640x128xf32, #tpu.memory_space<vmem_shared>>) target(%dma_start3A_16 : memref<640x128xf32, #tpu.memory_space<hbm>>) target_semaphore(%run_scoped3A : memref<!tpu.dma_semaphore, #tpu.memory_space<semaphore_mem>>)
      %dma_wait3A = arith.constant 0 : i32
      %dma_wait3A_19 = tpu.memref_slice %arg5[%arg0, %mul3A_14, %dma_wait3A] : memref<2x10240x128xf32, #tpu.memory_space<hbm>> -> memref<1x640x128xf32, #tpu.memory_space<hbm>>
      %dma_wait3A_20 = tpu.memref_squeeze %dma_wait3A_19 : memref<1x640x128xf32, #tpu.memory_space<hbm>> -> memref<640x128xf32, #tpu.memory_space<hbm>>
      %dma_wait3A_21 = arith.constant 0 : i32
      %dma_wait3A_22 = tpu.memref_slice %arg8[%mul3A_12, %dma_wait3A_21] : memref<10240x128xf32, #tpu.memory_space<vmem_shared>> -> memref<640x128xf32, #tpu.memory_space<vmem_shared>>
      tpu.wait_dma2 semaphore(%run_scoped3A : memref<!tpu.dma_semaphore, #tpu.memory_space<semaphore_mem>>) src(%dma_wait3A_22 : memref<640x128xf32, #tpu.memory_space<vmem_shared>>) dst(%dma_wait3A_20 : memref<640x128xf32, #tpu.memory_space<hbm>>)
      tpu.yield
    }) : () -> ()
    return
  }
}

module attributes {stable_mosaic.version = 14 : i64} {
  func.func @body(%arg0: i32, %arg1: memref<1320xi32, #tpu.memory_space<smem>>, %arg2: memref<128x3xf32, #tpu.memory_space<vmem>>, %arg3: memref<128x128xf32, #tpu.memory_space<vmem>>, %arg4: memref<128x1xf32, #tpu.memory_space<vmem>>, %arg5: memref<1x64x32xf32, #tpu.memory_space<vmem>>, %arg6: memref<128x128xf32, #tpu.memory_space<vmem>>) attributes {dimension_semantics = [#tpu.dimension_semantics<arbitrary>], iteration_bounds = array<i64: 1320>, scalar_prefetch = 1 : i64, scratch_operands = 0 : i64, tpu.core_type = #tpu.core_type<tc>, window_params = [{transform_indices = @transform_0, window_bounds = array<i64: 128, 3>}, {transform_indices = @transform_1, window_bounds = array<i64: 128, 128>}, {transform_indices = @transform_2, window_bounds = array<i64: 128, 1>}, {transform_indices = @transform_3, window_bounds = array<i64: 1, 64, 32>}, {transform_indices = @transform_4, window_bounds = array<i64: 128, 128>}]} {
    %get3A = arith.constant 0 : index
    %get3A_0 = arith.constant 0 : index
    %get3A_1 = vector.load %arg2[%get3A, %get3A_0] : memref<128x3xf32, #tpu.memory_space<vmem>>, vector<128x3xf32>
    %jit3A = arith.constant 0.000000e+00 : f32
    %jit3A_2 = arith.constant 1.000000e+00 : f32
    %max3A = vector.broadcast %jit3A : f32 to vector<128x3xf32>
    %max3A_3 = arith.maximumf %max3A, %get3A_1 : vector<128x3xf32>
    %min3A = vector.broadcast %jit3A_2 : f32 to vector<128x3xf32>
    %min3A_4 = arith.minimumf %min3A, %max3A_3 : vector<128x3xf32>
    %mul3A = arith.constant 4.000000e+00 : f32
    %mul3A_5 = vector.broadcast %mul3A : f32 to vector<128x3xf32>
    %mul3A_6 = arith.mulf %min3A_4, %mul3A_5 : vector<128x3xf32>
    %floor3A = math.floor %mul3A_6 : vector<128x3xf32>
    %jit3A_7 = arith.constant 0.000000e+00 : f32
    %jit3A_8 = arith.constant 3.000000e+00 : f32
    %max3A_9 = vector.broadcast %jit3A_7 : f32 to vector<128x3xf32>
    %max3A_10 = arith.maximumf %max3A_9, %floor3A : vector<128x3xf32>
    %min3A_11 = vector.broadcast %jit3A_8 : f32 to vector<128x3xf32>
    %min3A_12 = arith.minimumf %min3A_11, %max3A_10 : vector<128x3xf32>
    %sub3A = arith.subf %mul3A_6, %min3A_12 : vector<128x3xf32>
    %get3A_13 = arith.constant 0 : index
    %get3A_14 = arith.constant 0 : index
    %get3A_15 = vector.load %arg3[%get3A_13, %get3A_14] : memref<128x128xf32, #tpu.memory_space<vmem>>, vector<128x128xf32>
    %slice3A = vector.extract_strided_slice %get3A_15 {offsets = [0, 0], sizes = [128, 8], strides = [1, 1]} : vector<128x128xf32> to vector<128x8xf32>
    %broadcast_in_dim3A = arith.constant 1.000000e+00 : f32
    %broadcast_in_dim3A_16 = vector.broadcast %broadcast_in_dim3A : f32 to vector<128x1xf32>
    %slice3A_17 = vector.extract_strided_slice %sub3A {offsets = [0, 0], sizes = [128, 1], strides = [1, 1]} : vector<128x3xf32> to vector<128x1xf32>
    %sub3A_18 = arith.constant 1.000000e+00 : f32
    %sub3A_19 = vector.broadcast %sub3A_18 : f32 to vector<128x1xf32>
    %sub3A_20 = arith.subf %sub3A_19, %slice3A_17 : vector<128x1xf32>
    %mul3A_21 = arith.mulf %broadcast_in_dim3A_16, %sub3A_20 : vector<128x1xf32>
    %slice3A_22 = vector.extract_strided_slice %sub3A {offsets = [0, 1], sizes = [128, 1], strides = [1, 1]} : vector<128x3xf32> to vector<128x1xf32>
    %sub3A_23 = arith.constant 1.000000e+00 : f32
    %sub3A_24 = vector.broadcast %sub3A_23 : f32 to vector<128x1xf32>
    %sub3A_25 = arith.subf %sub3A_24, %slice3A_22 : vector<128x1xf32>
    %mul3A_26 = arith.mulf %mul3A_21, %sub3A_25 : vector<128x1xf32>
    %slice3A_27 = vector.extract_strided_slice %sub3A {offsets = [0, 2], sizes = [128, 1], strides = [1, 1]} : vector<128x3xf32> to vector<128x1xf32>
    %sub3A_28 = arith.constant 1.000000e+00 : f32
    %sub3A_29 = vector.broadcast %sub3A_28 : f32 to vector<128x1xf32>
    %sub3A_30 = arith.subf %sub3A_29, %slice3A_27 : vector<128x1xf32>
    %mul3A_31 = arith.mulf %mul3A_26, %sub3A_30 : vector<128x1xf32>
    %mul3A_32 = vector.broadcast %mul3A_31 : vector<128x1xf32> to vector<128x8xf32>
    %mul3A_33 = arith.mulf %slice3A, %mul3A_32 : vector<128x8xf32>
    %broadcast_in_dim3A_34 = arith.constant 1.000000e+00 : f32
    %broadcast_in_dim3A_35 = vector.broadcast %broadcast_in_dim3A_34 : f32 to vector<128x1xf32>
    %slice3A_36 = vector.extract_strided_slice %sub3A {offsets = [0, 0], sizes = [128, 1], strides = [1, 1]} : vector<128x3xf32> to vector<128x1xf32>
    %mul3A_37 = arith.mulf %broadcast_in_dim3A_35, %slice3A_36 : vector<128x1xf32>
    %slice3A_38 = vector.extract_strided_slice %sub3A {offsets = [0, 1], sizes = [128, 1], strides = [1, 1]} : vector<128x3xf32> to vector<128x1xf32>
    %sub3A_39 = arith.constant 1.000000e+00 : f32
    %sub3A_40 = vector.broadcast %sub3A_39 : f32 to vector<128x1xf32>
    %sub3A_41 = arith.subf %sub3A_40, %slice3A_38 : vector<128x1xf32>
    %mul3A_42 = arith.mulf %mul3A_37, %sub3A_41 : vector<128x1xf32>
    %slice3A_43 = vector.extract_strided_slice %sub3A {offsets = [0, 2], sizes = [128, 1], strides = [1, 1]} : vector<128x3xf32> to vector<128x1xf32>
    %sub3A_44 = arith.constant 1.000000e+00 : f32
    %sub3A_45 = vector.broadcast %sub3A_44 : f32 to vector<128x1xf32>
    %sub3A_46 = arith.subf %sub3A_45, %slice3A_43 : vector<128x1xf32>
    %mul3A_47 = arith.mulf %mul3A_42, %sub3A_46 : vector<128x1xf32>
    %mul3A_48 = vector.broadcast %mul3A_47 : vector<128x1xf32> to vector<128x8xf32>
    %mul3A_49 = arith.mulf %slice3A, %mul3A_48 : vector<128x8xf32>
    %broadcast_in_dim3A_50 = arith.constant 1.000000e+00 : f32
    %broadcast_in_dim3A_51 = vector.broadcast %broadcast_in_dim3A_50 : f32 to vector<128x1xf32>
    %slice3A_52 = vector.extract_strided_slice %sub3A {offsets = [0, 0], sizes = [128, 1], strides = [1, 1]} : vector<128x3xf32> to vector<128x1xf32>
    %sub3A_53 = arith.constant 1.000000e+00 : f32
    %sub3A_54 = vector.broadcast %sub3A_53 : f32 to vector<128x1xf32>
    %sub3A_55 = arith.subf %sub3A_54, %slice3A_52 : vector<128x1xf32>
    %mul3A_56 = arith.mulf %broadcast_in_dim3A_51, %sub3A_55 : vector<128x1xf32>
    %slice3A_57 = vector.extract_strided_slice %sub3A {offsets = [0, 1], sizes = [128, 1], strides = [1, 1]} : vector<128x3xf32> to vector<128x1xf32>
    %mul3A_58 = arith.mulf %mul3A_56, %slice3A_57 : vector<128x1xf32>
    %slice3A_59 = vector.extract_strided_slice %sub3A {offsets = [0, 2], sizes = [128, 1], strides = [1, 1]} : vector<128x3xf32> to vector<128x1xf32>
    %sub3A_60 = arith.constant 1.000000e+00 : f32
    %sub3A_61 = vector.broadcast %sub3A_60 : f32 to vector<128x1xf32>
    %sub3A_62 = arith.subf %sub3A_61, %slice3A_59 : vector<128x1xf32>
    %mul3A_63 = arith.mulf %mul3A_58, %sub3A_62 : vector<128x1xf32>
    %mul3A_64 = vector.broadcast %mul3A_63 : vector<128x1xf32> to vector<128x8xf32>
    %mul3A_65 = arith.mulf %slice3A, %mul3A_64 : vector<128x8xf32>
    %broadcast_in_dim3A_66 = arith.constant 1.000000e+00 : f32
    %broadcast_in_dim3A_67 = vector.broadcast %broadcast_in_dim3A_66 : f32 to vector<128x1xf32>
    %slice3A_68 = vector.extract_strided_slice %sub3A {offsets = [0, 0], sizes = [128, 1], strides = [1, 1]} : vector<128x3xf32> to vector<128x1xf32>
    %mul3A_69 = arith.mulf %broadcast_in_dim3A_67, %slice3A_68 : vector<128x1xf32>
    %slice3A_70 = vector.extract_strided_slice %sub3A {offsets = [0, 1], sizes = [128, 1], strides = [1, 1]} : vector<128x3xf32> to vector<128x1xf32>
    %mul3A_71 = arith.mulf %mul3A_69, %slice3A_70 : vector<128x1xf32>
    %slice3A_72 = vector.extract_strided_slice %sub3A {offsets = [0, 2], sizes = [128, 1], strides = [1, 1]} : vector<128x3xf32> to vector<128x1xf32>
    %sub3A_73 = arith.constant 1.000000e+00 : f32
    %sub3A_74 = vector.broadcast %sub3A_73 : f32 to vector<128x1xf32>
    %sub3A_75 = arith.subf %sub3A_74, %slice3A_72 : vector<128x1xf32>
    %mul3A_76 = arith.mulf %mul3A_71, %sub3A_75 : vector<128x1xf32>
    %mul3A_77 = vector.broadcast %mul3A_76 : vector<128x1xf32> to vector<128x8xf32>
    %mul3A_78 = arith.mulf %slice3A, %mul3A_77 : vector<128x8xf32>
    %broadcast_in_dim3A_79 = arith.constant 1.000000e+00 : f32
    %broadcast_in_dim3A_80 = vector.broadcast %broadcast_in_dim3A_79 : f32 to vector<128x1xf32>
    %slice3A_81 = vector.extract_strided_slice %sub3A {offsets = [0, 0], sizes = [128, 1], strides = [1, 1]} : vector<128x3xf32> to vector<128x1xf32>
    %sub3A_82 = arith.constant 1.000000e+00 : f32
    %sub3A_83 = vector.broadcast %sub3A_82 : f32 to vector<128x1xf32>
    %sub3A_84 = arith.subf %sub3A_83, %slice3A_81 : vector<128x1xf32>
    %mul3A_85 = arith.mulf %broadcast_in_dim3A_80, %sub3A_84 : vector<128x1xf32>
    %slice3A_86 = vector.extract_strided_slice %sub3A {offsets = [0, 1], sizes = [128, 1], strides = [1, 1]} : vector<128x3xf32> to vector<128x1xf32>
    %sub3A_87 = arith.constant 1.000000e+00 : f32
    %sub3A_88 = vector.broadcast %sub3A_87 : f32 to vector<128x1xf32>
    %sub3A_89 = arith.subf %sub3A_88, %slice3A_86 : vector<128x1xf32>
    %mul3A_90 = arith.mulf %mul3A_85, %sub3A_89 : vector<128x1xf32>
    %slice3A_91 = vector.extract_strided_slice %sub3A {offsets = [0, 2], sizes = [128, 1], strides = [1, 1]} : vector<128x3xf32> to vector<128x1xf32>
    %mul3A_92 = arith.mulf %mul3A_90, %slice3A_91 : vector<128x1xf32>
    %mul3A_93 = vector.broadcast %mul3A_92 : vector<128x1xf32> to vector<128x8xf32>
    %mul3A_94 = arith.mulf %slice3A, %mul3A_93 : vector<128x8xf32>
    %broadcast_in_dim3A_95 = arith.constant 1.000000e+00 : f32
    %broadcast_in_dim3A_96 = vector.broadcast %broadcast_in_dim3A_95 : f32 to vector<128x1xf32>
    %slice3A_97 = vector.extract_strided_slice %sub3A {offsets = [0, 0], sizes = [128, 1], strides = [1, 1]} : vector<128x3xf32> to vector<128x1xf32>
    %mul3A_98 = arith.mulf %broadcast_in_dim3A_96, %slice3A_97 : vector<128x1xf32>
    %slice3A_99 = vector.extract_strided_slice %sub3A {offsets = [0, 1], sizes = [128, 1], strides = [1, 1]} : vector<128x3xf32> to vector<128x1xf32>
    %sub3A_100 = arith.constant 1.000000e+00 : f32
    %sub3A_101 = vector.broadcast %sub3A_100 : f32 to vector<128x1xf32>
    %sub3A_102 = arith.subf %sub3A_101, %slice3A_99 : vector<128x1xf32>
    %mul3A_103 = arith.mulf %mul3A_98, %sub3A_102 : vector<128x1xf32>
    %slice3A_104 = vector.extract_strided_slice %sub3A {offsets = [0, 2], sizes = [128, 1], strides = [1, 1]} : vector<128x3xf32> to vector<128x1xf32>
    %mul3A_105 = arith.mulf %mul3A_103, %slice3A_104 : vector<128x1xf32>
    %mul3A_106 = vector.broadcast %mul3A_105 : vector<128x1xf32> to vector<128x8xf32>
    %mul3A_107 = arith.mulf %slice3A, %mul3A_106 : vector<128x8xf32>
    %broadcast_in_dim3A_108 = arith.constant 1.000000e+00 : f32
    %broadcast_in_dim3A_109 = vector.broadcast %broadcast_in_dim3A_108 : f32 to vector<128x1xf32>
    %slice3A_110 = vector.extract_strided_slice %sub3A {offsets = [0, 0], sizes = [128, 1], strides = [1, 1]} : vector<128x3xf32> to vector<128x1xf32>
    %sub3A_111 = arith.constant 1.000000e+00 : f32
    %sub3A_112 = vector.broadcast %sub3A_111 : f32 to vector<128x1xf32>
    %sub3A_113 = arith.subf %sub3A_112, %slice3A_110 : vector<128x1xf32>
    %mul3A_114 = arith.mulf %broadcast_in_dim3A_109, %sub3A_113 : vector<128x1xf32>
    %slice3A_115 = vector.extract_strided_slice %sub3A {offsets = [0, 1], sizes = [128, 1], strides = [1, 1]} : vector<128x3xf32> to vector<128x1xf32>
    %mul3A_116 = arith.mulf %mul3A_114, %slice3A_115 : vector<128x1xf32>
    %slice3A_117 = vector.extract_strided_slice %sub3A {offsets = [0, 2], sizes = [128, 1], strides = [1, 1]} : vector<128x3xf32> to vector<128x1xf32>
    %mul3A_118 = arith.mulf %mul3A_116, %slice3A_117 : vector<128x1xf32>
    %mul3A_119 = vector.broadcast %mul3A_118 : vector<128x1xf32> to vector<128x8xf32>
    %mul3A_120 = arith.mulf %slice3A, %mul3A_119 : vector<128x8xf32>
    %broadcast_in_dim3A_121 = arith.constant 1.000000e+00 : f32
    %broadcast_in_dim3A_122 = vector.broadcast %broadcast_in_dim3A_121 : f32 to vector<128x1xf32>
    %slice3A_123 = vector.extract_strided_slice %sub3A {offsets = [0, 0], sizes = [128, 1], strides = [1, 1]} : vector<128x3xf32> to vector<128x1xf32>
    %mul3A_124 = arith.mulf %broadcast_in_dim3A_122, %slice3A_123 : vector<128x1xf32>
    %slice3A_125 = vector.extract_strided_slice %sub3A {offsets = [0, 1], sizes = [128, 1], strides = [1, 1]} : vector<128x3xf32> to vector<128x1xf32>
    %mul3A_126 = arith.mulf %mul3A_124, %slice3A_125 : vector<128x1xf32>
    %slice3A_127 = vector.extract_strided_slice %sub3A {offsets = [0, 2], sizes = [128, 1], strides = [1, 1]} : vector<128x3xf32> to vector<128x1xf32>
    %mul3A_128 = arith.mulf %mul3A_126, %slice3A_127 : vector<128x1xf32>
    %mul3A_129 = vector.broadcast %mul3A_128 : vector<128x1xf32> to vector<128x8xf32>
    %mul3A_130 = arith.mulf %slice3A, %mul3A_129 : vector<128x8xf32>
    %concatenate3A = tpu.concatenate %mul3A_33, %mul3A_49, %mul3A_65, %mul3A_78, %mul3A_94, %mul3A_107, %mul3A_120, %mul3A_130 in 1 : vector<128x8xf32>, vector<128x8xf32>, vector<128x8xf32>, vector<128x8xf32>, vector<128x8xf32>, vector<128x8xf32>, vector<128x8xf32>, vector<128x8xf32> -> vector<128x64xf32>
    %get3A_131 = arith.constant 0 : index
    %get3A_132 = arith.constant 0 : index
    %get3A_133 = arith.constant 0 : index
    %get3A_134 = vector.load %arg5[%get3A_131, %get3A_132, %get3A_133] : memref<1x64x32xf32, #tpu.memory_space<vmem>>, vector<1x64x32xf32>
    %get3A_135 = vector.shape_cast %get3A_134 : vector<1x64x32xf32> to vector<64x32xf32>
    %dot_general3A = arith.constant dense<0.000000e+00> : vector<128x32xf32>
    %dot_general3A_136 = tpu.matmul %concatenate3A, %get3A_135, %dot_general3A {dimension_numbers = #tpu.dot_dimension_numbers<[1], [0], [0], [1], [0, 0, 1, 1], [], []>, transpose_lhs_hint = false} : vector<128x64xf32>, vector<64x32xf32>, vector<128x32xf32> -> vector<128x32xf32>
    %get3A_137 = arith.constant 0 : index
    %get3A_138 = arith.constant 0 : index
    %get3A_139 = vector.load %arg4[%get3A_137, %get3A_138] : memref<128x1xf32, #tpu.memory_space<vmem>>, vector<128x1xf32>
    %mul3A_140 = vector.broadcast %get3A_139 : vector<128x1xf32> to vector<128x32xf32>
    %mul3A_141 = arith.mulf %dot_general3A_136, %mul3A_140 : vector<128x32xf32>
    %broadcast_in_dim3A_142 = arith.constant 0.000000e+00 : f32
    %broadcast_in_dim3A_143 = vector.broadcast %broadcast_in_dim3A_142 : f32 to vector<128x96xf32>
    %concatenate3A_144 = tpu.concatenate %mul3A_141, %broadcast_in_dim3A_143 in 1 : vector<128x32xf32>, vector<128x96xf32> -> vector<128x128xf32>
    %swap3A = arith.constant 0 : index
    %swap3A_145 = arith.constant 0 : index
    %swap3A_146 = vector.load %arg6[%swap3A, %swap3A_145] : memref<128x128xf32, #tpu.memory_space<vmem>>, vector<128x128xf32>
    tpu.vector_store %arg6[%swap3A, %swap3A_145], %concatenate3A_144 {strides = array<i32>} : memref<128x128xf32, #tpu.memory_space<vmem>>, vector<128x128xf32>,
    return
  }
  func.func @transform_0(%arg0: i32, %arg1: memref<1320xi32, #tpu.memory_space<smem>>) -> (i32, i32) {
    %c0_i32 = arith.constant 0 : i32
    %c0_i32_0 = arith.constant 0 : i32
    return %arg0, %c0_i32 : i32, i32
  }
  func.func @transform_1(%arg0: i32, %arg1: memref<1320xi32, #tpu.memory_space<smem>>) -> (i32, i32) {
    %c0_i32 = arith.constant 0 : i32
    %c0_i32_0 = arith.constant 0 : i32
    return %arg0, %c0_i32 : i32, i32
  }
  func.func @transform_2(%arg0: i32, %arg1: memref<1320xi32, #tpu.memory_space<smem>>) -> (i32, i32) {
    %c0_i32 = arith.constant 0 : i32
    %c0_i32_0 = arith.constant 0 : i32
    return %arg0, %c0_i32 : i32, i32
  }
  func.func @transform_3(%arg0: i32, %arg1: memref<1320xi32, #tpu.memory_space<smem>>) -> (i32, i32, i32) {
    %get3A = arith.index_cast %arg0 : i32 to index
    %get3A_0 = memref.load %arg1[%get3A] : memref<1320xi32, #tpu.memory_space<smem>>
    %c0_i32 = arith.constant 0 : i32
    %c0_i32_1 = arith.constant 0 : i32
    %c0_i32_2 = arith.constant 0 : i32
    return %get3A_0, %c0_i32, %c0_i32_1 : i32, i32, i32
  }
  func.func @transform_4(%arg0: i32, %arg1: memref<1320xi32, #tpu.memory_space<smem>>) -> (i32, i32) {
    %c0_i32 = arith.constant 0 : i32
    %c0_i32_0 = arith.constant 0 : i32
    return %arg0, %c0_i32 : i32, i32
  }
}

module attributes {stable_mosaic.version = 14 : i64} {
  func.func @body(%arg0: i32, %arg1: memref<2x256x128xf32, #tpu.memory_space<vmem>>, %arg2: memref<2x256x128xf32, #tpu.memory_space<vmem>>, %arg3: memref<256x128xf32, #tpu.memory_space<vmem>>, %arg4: memref<128x32xf32, #tpu.memory_space<vmem>>, %arg5: memref<1x32xf32, #tpu.memory_space<vmem>>, %arg6: memref<256x128xf32, #tpu.memory_space<vmem>>) attributes {dimension_semantics = [#tpu.dimension_semantics<arbitrary>], iteration_bounds = array<i64: 40>, scalar_prefetch = 0 : i64, scratch_operands = 0 : i64, tpu.core_type = #tpu.core_type<tc>, window_params = [{transform_indices = @transform_0, window_bounds = array<i64: 2, 256, 128>}, {transform_indices = @transform_1, window_bounds = array<i64: 2, 256, 128>}, {transform_indices = @transform_2, window_bounds = array<i64: 256, 128>}, {pipeline_mode = #tpu.pipeline_mode<synchronous>, transform_indices = @transform_3, window_bounds = array<i64: 128, 32>}, {pipeline_mode = #tpu.pipeline_mode<synchronous>, transform_indices = @transform_4, window_bounds = array<i64: 1, 32>}, {transform_indices = @transform_5, window_bounds = array<i64: 256, 128>}]} {
    %get3A = arith.constant 0 : index
    %get3A_0 = arith.constant 0 : index
    %get3A_1 = arith.constant 0 : index
    %get3A_2 = vector.load %arg1[%get3A, %get3A_0, %get3A_1] : memref<2x256x128xf32, #tpu.memory_space<vmem>>, vector<1x256x128xf32>
    %get3A_3 = vector.shape_cast %get3A_2 : vector<1x256x128xf32> to vector<256x128xf32>
    %get3A_4 = arith.constant 1 : index
    %get3A_5 = arith.constant 0 : index
    %get3A_6 = arith.constant 0 : index
    %get3A_7 = vector.load %arg1[%get3A_4, %get3A_5, %get3A_6] : memref<2x256x128xf32, #tpu.memory_space<vmem>>, vector<1x256x128xf32>
    %get3A_8 = vector.shape_cast %get3A_7 : vector<1x256x128xf32> to vector<256x128xf32>
    %add3A = arith.addf %get3A_3, %get3A_8 : vector<256x128xf32>
    %get3A_9 = arith.constant 0 : index
    %get3A_10 = arith.constant 0 : index
    %get3A_11 = arith.constant 0 : index
    %get3A_12 = vector.load %arg2[%get3A_9, %get3A_10, %get3A_11] : memref<2x256x128xf32, #tpu.memory_space<vmem>>, vector<1x256x128xf32>
    %get3A_13 = vector.shape_cast %get3A_12 : vector<1x256x128xf32> to vector<256x128xf32>
    %get3A_14 = arith.constant 1 : index
    %get3A_15 = arith.constant 0 : index
    %get3A_16 = arith.constant 0 : index
    %get3A_17 = vector.load %arg2[%get3A_14, %get3A_15, %get3A_16] : memref<2x256x128xf32, #tpu.memory_space<vmem>>, vector<1x256x128xf32>
    %get3A_18 = vector.shape_cast %get3A_17 : vector<1x256x128xf32> to vector<256x128xf32>
    %add3A_19 = arith.addf %get3A_13, %get3A_18 : vector<256x128xf32>
    %slice3A = vector.extract_strided_slice %add3A_19 {offsets = [0, 0], sizes = [256, 1], strides = [1, 1]} : vector<256x128xf32> to vector<256x1xf32>
    %slice3A_20 = vector.extract_strided_slice %add3A {offsets = [0, 0], sizes = [256, 32], strides = [1, 1]} : vector<256x128xf32> to vector<256x32xf32>
    %max3A = arith.constant 1.000000e+00 : f32
    %max3A_21 = vector.broadcast %max3A : f32 to vector<256x1xf32>
    %max3A_22 = arith.maximumf %slice3A, %max3A_21 : vector<256x1xf32>
    %div3A = vector.broadcast %max3A_22 : vector<256x1xf32> to vector<256x32xf32>
    %div3A_23 = arith.divf %slice3A_20, %div3A : vector<256x32xf32>
    %get3A_24 = arith.constant 0 : index
    %get3A_25 = arith.constant 0 : index
    %get3A_26 = vector.load %arg3[%get3A_24, %get3A_25] : memref<256x128xf32, #tpu.memory_space<vmem>>, vector<256x128xf32>
    %get3A_27 = arith.constant 0 : index
    %get3A_28 = arith.constant 0 : index
    %get3A_29 = vector.load %arg4[%get3A_27, %get3A_28] : memref<128x32xf32, #tpu.memory_space<vmem>>, vector<128x32xf32>
    %dot_general3A = arith.constant dense<0.000000e+00> : vector<256x32xf32>
    %dot_general3A_30 = tpu.matmul %get3A_26, %get3A_29, %dot_general3A {dimension_numbers = #tpu.dot_dimension_numbers<[1], [0], [0], [1], [0, 0, 1, 1], [], []>, transpose_lhs_hint = false} : vector<256x128xf32>, vector<128x32xf32>, vector<256x32xf32> -> vector<256x32xf32>
    %add3A_31 = arith.addf %div3A_23, %dot_general3A_30 : vector<256x32xf32>
    %get3A_32 = arith.constant 0 : index
    %get3A_33 = arith.constant 0 : index
    %get3A_34 = vector.load %arg5[%get3A_32, %get3A_33] : memref<1x32xf32, #tpu.memory_space<vmem>>, vector<1x32xf32>
    %add3A_35 = vector.broadcast %get3A_34 : vector<1x32xf32> to vector<256x32xf32>
    %add3A_36 = arith.addf %add3A_31, %add3A_35 : vector<256x32xf32>
    %gt3A = arith.constant 0.000000e+00 : f32
    %gt3A_37 = vector.broadcast %gt3A : f32 to vector<256x32xf32>
    %gt3A_38 = arith.cmpf ogt, %add3A_36, %gt3A_37 : vector<256x32xf32>
    %exp3A = math.exp %add3A_36 : vector<256x32xf32>
    %sub3A = arith.constant 1.000000e+00 : f32
    %sub3A_39 = vector.broadcast %sub3A : f32 to vector<256x32xf32>
    %sub3A_40 = arith.subf %exp3A, %sub3A_39 : vector<256x32xf32>
    %select_n3A = arith.select %gt3A_38, %add3A_36, %sub3A_40 : vector<256x32xi1>, vector<256x32xf32>
    %broadcast_in_dim3A = arith.constant 0.000000e+00 : f32
    %broadcast_in_dim3A_41 = vector.broadcast %broadcast_in_dim3A : f32 to vector<256x96xf32>
    %concatenate3A = tpu.concatenate %select_n3A, %broadcast_in_dim3A_41 in 1 : vector<256x32xf32>, vector<256x96xf32> -> vector<256x128xf32>
    %swap3A = arith.constant 0 : index
    %swap3A_42 = arith.constant 0 : index
    %swap3A_43 = vector.load %arg6[%swap3A, %swap3A_42] : memref<256x128xf32, #tpu.memory_space<vmem>>, vector<256x128xf32>
    tpu.vector_store %arg6[%swap3A, %swap3A_42], %concatenate3A {strides = array<i32>} : memref<256x128xf32, #tpu.memory_space<vmem>>, vector<256x128xf32>,
    return
  }
  func.func @transform_0(%arg0: i32) -> (i32, i32, i32) {
    %c0_i32 = arith.constant 0 : i32
    %c0_i32_0 = arith.constant 0 : i32
    %c0_i32_1 = arith.constant 0 : i32
    return %c0_i32, %arg0, %c0_i32_0 : i32, i32, i32
  }
  func.func @transform_1(%arg0: i32) -> (i32, i32, i32) {
    %c0_i32 = arith.constant 0 : i32
    %c0_i32_0 = arith.constant 0 : i32
    %c0_i32_1 = arith.constant 0 : i32
    return %c0_i32, %arg0, %c0_i32_0 : i32, i32, i32
  }
  func.func @transform_2(%arg0: i32) -> (i32, i32) {
    %c0_i32 = arith.constant 0 : i32
    %c0_i32_0 = arith.constant 0 : i32
    return %arg0, %c0_i32 : i32, i32
  }
  func.func @transform_3(%arg0: i32) -> (i32, i32) {
    %c0_i32 = arith.constant 0 : i32
    %c0_i32_0 = arith.constant 0 : i32
    %c0_i32_1 = arith.constant 0 : i32
    return %c0_i32, %c0_i32_0 : i32, i32
  }
  func.func @transform_4(%arg0: i32) -> (i32, i32) {
    %c0_i32 = arith.constant 0 : i32
    %c0_i32_0 = arith.constant 0 : i32
    %c0_i32_1 = arith.constant 0 : i32
    return %c0_i32, %c0_i32_0 : i32, i32
  }
  func.func @transform_5(%arg0: i32) -> (i32, i32) {
    %c0_i32 = arith.constant 0 : i32
    %c0_i32_0 = arith.constant 0 : i32
    return %arg0, %c0_i32 : i32, i32
  }
}

module attributes {stable_mosaic.version = 14 : i64} {
  func.func @body(%arg0: i32, %arg1: memref<1320xi32, #tpu.memory_space<smem>>, %arg2: memref<128x3xf32, #tpu.memory_space<vmem>>, %arg3: memref<128x128xf32, #tpu.memory_space<vmem>>, %arg4: memref<128x1xf32, #tpu.memory_space<vmem>>, %arg5: memref<1x256x64xf32, #tpu.memory_space<vmem>>, %arg6: memref<128x128xf32, #tpu.memory_space<vmem>>) attributes {dimension_semantics = [#tpu.dimension_semantics<arbitrary>], iteration_bounds = array<i64: 1320>, scalar_prefetch = 1 : i64, scratch_operands = 0 : i64, tpu.core_type = #tpu.core_type<tc>, window_params = [{transform_indices = @transform_0, window_bounds = array<i64: 128, 3>}, {transform_indices = @transform_1, window_bounds = array<i64: 128, 128>}, {transform_indices = @transform_2, window_bounds = array<i64: 128, 1>}, {transform_indices = @transform_3, window_bounds = array<i64: 1, 256, 64>}, {transform_indices = @transform_4, window_bounds = array<i64: 128, 128>}]} {
    %get3A = arith.constant 0 : index
    %get3A_0 = arith.constant 0 : index
    %get3A_1 = vector.load %arg2[%get3A, %get3A_0] : memref<128x3xf32, #tpu.memory_space<vmem>>, vector<128x3xf32>
    %jit3A = arith.constant 0.000000e+00 : f32
    %jit3A_2 = arith.constant 1.000000e+00 : f32
    %max3A = vector.broadcast %jit3A : f32 to vector<128x3xf32>
    %max3A_3 = arith.maximumf %max3A, %get3A_1 : vector<128x3xf32>
    %min3A = vector.broadcast %jit3A_2 : f32 to vector<128x3xf32>
    %min3A_4 = arith.minimumf %min3A, %max3A_3 : vector<128x3xf32>
    %mul3A = arith.constant 4.000000e+00 : f32
    %mul3A_5 = vector.broadcast %mul3A : f32 to vector<128x3xf32>
    %mul3A_6 = arith.mulf %min3A_4, %mul3A_5 : vector<128x3xf32>
    %floor3A = math.floor %mul3A_6 : vector<128x3xf32>
    %jit3A_7 = arith.constant 0.000000e+00 : f32
    %jit3A_8 = arith.constant 3.000000e+00 : f32
    %max3A_9 = vector.broadcast %jit3A_7 : f32 to vector<128x3xf32>
    %max3A_10 = arith.maximumf %max3A_9, %floor3A : vector<128x3xf32>
    %min3A_11 = vector.broadcast %jit3A_8 : f32 to vector<128x3xf32>
    %min3A_12 = arith.minimumf %min3A_11, %max3A_10 : vector<128x3xf32>
    %sub3A = arith.subf %mul3A_6, %min3A_12 : vector<128x3xf32>
    %get3A_13 = arith.constant 0 : index
    %get3A_14 = arith.constant 0 : index
    %get3A_15 = vector.load %arg3[%get3A_13, %get3A_14] : memref<128x128xf32, #tpu.memory_space<vmem>>, vector<128x128xf32>
    %slice3A = vector.extract_strided_slice %get3A_15 {offsets = [0, 0], sizes = [128, 32], strides = [1, 1]} : vector<128x128xf32> to vector<128x32xf32>
    %broadcast_in_dim3A = arith.constant 1.000000e+00 : f32
    %broadcast_in_dim3A_16 = vector.broadcast %broadcast_in_dim3A : f32 to vector<128x1xf32>
    %slice3A_17 = vector.extract_strided_slice %sub3A {offsets = [0, 0], sizes = [128, 1], strides = [1, 1]} : vector<128x3xf32> to vector<128x1xf32>
    %sub3A_18 = arith.constant 1.000000e+00 : f32
    %sub3A_19 = vector.broadcast %sub3A_18 : f32 to vector<128x1xf32>
    %sub3A_20 = arith.subf %sub3A_19, %slice3A_17 : vector<128x1xf32>
    %mul3A_21 = arith.mulf %broadcast_in_dim3A_16, %sub3A_20 : vector<128x1xf32>
    %slice3A_22 = vector.extract_strided_slice %sub3A {offsets = [0, 1], sizes = [128, 1], strides = [1, 1]} : vector<128x3xf32> to vector<128x1xf32>
    %sub3A_23 = arith.constant 1.000000e+00 : f32
    %sub3A_24 = vector.broadcast %sub3A_23 : f32 to vector<128x1xf32>
    %sub3A_25 = arith.subf %sub3A_24, %slice3A_22 : vector<128x1xf32>
    %mul3A_26 = arith.mulf %mul3A_21, %sub3A_25 : vector<128x1xf32>
    %slice3A_27 = vector.extract_strided_slice %sub3A {offsets = [0, 2], sizes = [128, 1], strides = [1, 1]} : vector<128x3xf32> to vector<128x1xf32>
    %sub3A_28 = arith.constant 1.000000e+00 : f32
    %sub3A_29 = vector.broadcast %sub3A_28 : f32 to vector<128x1xf32>
    %sub3A_30 = arith.subf %sub3A_29, %slice3A_27 : vector<128x1xf32>
    %mul3A_31 = arith.mulf %mul3A_26, %sub3A_30 : vector<128x1xf32>
    %mul3A_32 = vector.broadcast %mul3A_31 : vector<128x1xf32> to vector<128x32xf32>
    %mul3A_33 = arith.mulf %slice3A, %mul3A_32 : vector<128x32xf32>
    %broadcast_in_dim3A_34 = arith.constant 1.000000e+00 : f32
    %broadcast_in_dim3A_35 = vector.broadcast %broadcast_in_dim3A_34 : f32 to vector<128x1xf32>
    %slice3A_36 = vector.extract_strided_slice %sub3A {offsets = [0, 0], sizes = [128, 1], strides = [1, 1]} : vector<128x3xf32> to vector<128x1xf32>
    %mul3A_37 = arith.mulf %broadcast_in_dim3A_35, %slice3A_36 : vector<128x1xf32>
    %slice3A_38 = vector.extract_strided_slice %sub3A {offsets = [0, 1], sizes = [128, 1], strides = [1, 1]} : vector<128x3xf32> to vector<128x1xf32>
    %sub3A_39 = arith.constant 1.000000e+00 : f32
    %sub3A_40 = vector.broadcast %sub3A_39 : f32 to vector<128x1xf32>
    %sub3A_41 = arith.subf %sub3A_40, %slice3A_38 : vector<128x1xf32>
    %mul3A_42 = arith.mulf %mul3A_37, %sub3A_41 : vector<128x1xf32>
    %slice3A_43 = vector.extract_strided_slice %sub3A {offsets = [0, 2], sizes = [128, 1], strides = [1, 1]} : vector<128x3xf32> to vector<128x1xf32>
    %sub3A_44 = arith.constant 1.000000e+00 : f32
    %sub3A_45 = vector.broadcast %sub3A_44 : f32 to vector<128x1xf32>
    %sub3A_46 = arith.subf %sub3A_45, %slice3A_43 : vector<128x1xf32>
    %mul3A_47 = arith.mulf %mul3A_42, %sub3A_46 : vector<128x1xf32>
    %mul3A_48 = vector.broadcast %mul3A_47 : vector<128x1xf32> to vector<128x32xf32>
    %mul3A_49 = arith.mulf %slice3A, %mul3A_48 : vector<128x32xf32>
    %broadcast_in_dim3A_50 = arith.constant 1.000000e+00 : f32
    %broadcast_in_dim3A_51 = vector.broadcast %broadcast_in_dim3A_50 : f32 to vector<128x1xf32>
    %slice3A_52 = vector.extract_strided_slice %sub3A {offsets = [0, 0], sizes = [128, 1], strides = [1, 1]} : vector<128x3xf32> to vector<128x1xf32>
    %sub3A_53 = arith.constant 1.000000e+00 : f32
    %sub3A_54 = vector.broadcast %sub3A_53 : f32 to vector<128x1xf32>
    %sub3A_55 = arith.subf %sub3A_54, %slice3A_52 : vector<128x1xf32>
    %mul3A_56 = arith.mulf %broadcast_in_dim3A_51, %sub3A_55 : vector<128x1xf32>
    %slice3A_57 = vector.extract_strided_slice %sub3A {offsets = [0, 1], sizes = [128, 1], strides = [1, 1]} : vector<128x3xf32> to vector<128x1xf32>
    %mul3A_58 = arith.mulf %mul3A_56, %slice3A_57 : vector<128x1xf32>
    %slice3A_59 = vector.extract_strided_slice %sub3A {offsets = [0, 2], sizes = [128, 1], strides = [1, 1]} : vector<128x3xf32> to vector<128x1xf32>
    %sub3A_60 = arith.constant 1.000000e+00 : f32
    %sub3A_61 = vector.broadcast %sub3A_60 : f32 to vector<128x1xf32>
    %sub3A_62 = arith.subf %sub3A_61, %slice3A_59 : vector<128x1xf32>
    %mul3A_63 = arith.mulf %mul3A_58, %sub3A_62 : vector<128x1xf32>
    %mul3A_64 = vector.broadcast %mul3A_63 : vector<128x1xf32> to vector<128x32xf32>
    %mul3A_65 = arith.mulf %slice3A, %mul3A_64 : vector<128x32xf32>
    %broadcast_in_dim3A_66 = arith.constant 1.000000e+00 : f32
    %broadcast_in_dim3A_67 = vector.broadcast %broadcast_in_dim3A_66 : f32 to vector<128x1xf32>
    %slice3A_68 = vector.extract_strided_slice %sub3A {offsets = [0, 0], sizes = [128, 1], strides = [1, 1]} : vector<128x3xf32> to vector<128x1xf32>
    %mul3A_69 = arith.mulf %broadcast_in_dim3A_67, %slice3A_68 : vector<128x1xf32>
    %slice3A_70 = vector.extract_strided_slice %sub3A {offsets = [0, 1], sizes = [128, 1], strides = [1, 1]} : vector<128x3xf32> to vector<128x1xf32>
    %mul3A_71 = arith.mulf %mul3A_69, %slice3A_70 : vector<128x1xf32>
    %slice3A_72 = vector.extract_strided_slice %sub3A {offsets = [0, 2], sizes = [128, 1], strides = [1, 1]} : vector<128x3xf32> to vector<128x1xf32>
    %sub3A_73 = arith.constant 1.000000e+00 : f32
    %sub3A_74 = vector.broadcast %sub3A_73 : f32 to vector<128x1xf32>
    %sub3A_75 = arith.subf %sub3A_74, %slice3A_72 : vector<128x1xf32>
    %mul3A_76 = arith.mulf %mul3A_71, %sub3A_75 : vector<128x1xf32>
    %mul3A_77 = vector.broadcast %mul3A_76 : vector<128x1xf32> to vector<128x32xf32>
    %mul3A_78 = arith.mulf %slice3A, %mul3A_77 : vector<128x32xf32>
    %broadcast_in_dim3A_79 = arith.constant 1.000000e+00 : f32
    %broadcast_in_dim3A_80 = vector.broadcast %broadcast_in_dim3A_79 : f32 to vector<128x1xf32>
    %slice3A_81 = vector.extract_strided_slice %sub3A {offsets = [0, 0], sizes = [128, 1], strides = [1, 1]} : vector<128x3xf32> to vector<128x1xf32>
    %sub3A_82 = arith.constant 1.000000e+00 : f32
    %sub3A_83 = vector.broadcast %sub3A_82 : f32 to vector<128x1xf32>
    %sub3A_84 = arith.subf %sub3A_83, %slice3A_81 : vector<128x1xf32>
    %mul3A_85 = arith.mulf %broadcast_in_dim3A_80, %sub3A_84 : vector<128x1xf32>
    %slice3A_86 = vector.extract_strided_slice %sub3A {offsets = [0, 1], sizes = [128, 1], strides = [1, 1]} : vector<128x3xf32> to vector<128x1xf32>
    %sub3A_87 = arith.constant 1.000000e+00 : f32
    %sub3A_88 = vector.broadcast %sub3A_87 : f32 to vector<128x1xf32>
    %sub3A_89 = arith.subf %sub3A_88, %slice3A_86 : vector<128x1xf32>
    %mul3A_90 = arith.mulf %mul3A_85, %sub3A_89 : vector<128x1xf32>
    %slice3A_91 = vector.extract_strided_slice %sub3A {offsets = [0, 2], sizes = [128, 1], strides = [1, 1]} : vector<128x3xf32> to vector<128x1xf32>
    %mul3A_92 = arith.mulf %mul3A_90, %slice3A_91 : vector<128x1xf32>
    %mul3A_93 = vector.broadcast %mul3A_92 : vector<128x1xf32> to vector<128x32xf32>
    %mul3A_94 = arith.mulf %slice3A, %mul3A_93 : vector<128x32xf32>
    %broadcast_in_dim3A_95 = arith.constant 1.000000e+00 : f32
    %broadcast_in_dim3A_96 = vector.broadcast %broadcast_in_dim3A_95 : f32 to vector<128x1xf32>
    %slice3A_97 = vector.extract_strided_slice %sub3A {offsets = [0, 0], sizes = [128, 1], strides = [1, 1]} : vector<128x3xf32> to vector<128x1xf32>
    %mul3A_98 = arith.mulf %broadcast_in_dim3A_96, %slice3A_97 : vector<128x1xf32>
    %slice3A_99 = vector.extract_strided_slice %sub3A {offsets = [0, 1], sizes = [128, 1], strides = [1, 1]} : vector<128x3xf32> to vector<128x1xf32>
    %sub3A_100 = arith.constant 1.000000e+00 : f32
    %sub3A_101 = vector.broadcast %sub3A_100 : f32 to vector<128x1xf32>
    %sub3A_102 = arith.subf %sub3A_101, %slice3A_99 : vector<128x1xf32>
    %mul3A_103 = arith.mulf %mul3A_98, %sub3A_102 : vector<128x1xf32>
    %slice3A_104 = vector.extract_strided_slice %sub3A {offsets = [0, 2], sizes = [128, 1], strides = [1, 1]} : vector<128x3xf32> to vector<128x1xf32>
    %mul3A_105 = arith.mulf %mul3A_103, %slice3A_104 : vector<128x1xf32>
    %mul3A_106 = vector.broadcast %mul3A_105 : vector<128x1xf32> to vector<128x32xf32>
    %mul3A_107 = arith.mulf %slice3A, %mul3A_106 : vector<128x32xf32>
    %broadcast_in_dim3A_108 = arith.constant 1.000000e+00 : f32
    %broadcast_in_dim3A_109 = vector.broadcast %broadcast_in_dim3A_108 : f32 to vector<128x1xf32>
    %slice3A_110 = vector.extract_strided_slice %sub3A {offsets = [0, 0], sizes = [128, 1], strides = [1, 1]} : vector<128x3xf32> to vector<128x1xf32>
    %sub3A_111 = arith.constant 1.000000e+00 : f32
    %sub3A_112 = vector.broadcast %sub3A_111 : f32 to vector<128x1xf32>
    %sub3A_113 = arith.subf %sub3A_112, %slice3A_110 : vector<128x1xf32>
    %mul3A_114 = arith.mulf %broadcast_in_dim3A_109, %sub3A_113 : vector<128x1xf32>
    %slice3A_115 = vector.extract_strided_slice %sub3A {offsets = [0, 1], sizes = [128, 1], strides = [1, 1]} : vector<128x3xf32> to vector<128x1xf32>
    %mul3A_116 = arith.mulf %mul3A_114, %slice3A_115 : vector<128x1xf32>
    %slice3A_117 = vector.extract_strided_slice %sub3A {offsets = [0, 2], sizes = [128, 1], strides = [1, 1]} : vector<128x3xf32> to vector<128x1xf32>
    %mul3A_118 = arith.mulf %mul3A_116, %slice3A_117 : vector<128x1xf32>
    %mul3A_119 = vector.broadcast %mul3A_118 : vector<128x1xf32> to vector<128x32xf32>
    %mul3A_120 = arith.mulf %slice3A, %mul3A_119 : vector<128x32xf32>
    %broadcast_in_dim3A_121 = arith.constant 1.000000e+00 : f32
    %broadcast_in_dim3A_122 = vector.broadcast %broadcast_in_dim3A_121 : f32 to vector<128x1xf32>
    %slice3A_123 = vector.extract_strided_slice %sub3A {offsets = [0, 0], sizes = [128, 1], strides = [1, 1]} : vector<128x3xf32> to vector<128x1xf32>
    %mul3A_124 = arith.mulf %broadcast_in_dim3A_122, %slice3A_123 : vector<128x1xf32>
    %slice3A_125 = vector.extract_strided_slice %sub3A {offsets = [0, 1], sizes = [128, 1], strides = [1, 1]} : vector<128x3xf32> to vector<128x1xf32>
    %mul3A_126 = arith.mulf %mul3A_124, %slice3A_125 : vector<128x1xf32>
    %slice3A_127 = vector.extract_strided_slice %sub3A {offsets = [0, 2], sizes = [128, 1], strides = [1, 1]} : vector<128x3xf32> to vector<128x1xf32>
    %mul3A_128 = arith.mulf %mul3A_126, %slice3A_127 : vector<128x1xf32>
    %mul3A_129 = vector.broadcast %mul3A_128 : vector<128x1xf32> to vector<128x32xf32>
    %mul3A_130 = arith.mulf %slice3A, %mul3A_129 : vector<128x32xf32>
    %concatenate3A = tpu.concatenate %mul3A_33, %mul3A_49, %mul3A_65, %mul3A_78, %mul3A_94, %mul3A_107, %mul3A_120, %mul3A_130 in 1 : vector<128x32xf32>, vector<128x32xf32>, vector<128x32xf32>, vector<128x32xf32>, vector<128x32xf32>, vector<128x32xf32>, vector<128x32xf32>, vector<128x32xf32> -> vector<128x256xf32>
    %get3A_131 = arith.constant 0 : index
    %get3A_132 = arith.constant 0 : index
    %get3A_133 = arith.constant 0 : index
    %get3A_134 = vector.load %arg5[%get3A_131, %get3A_132, %get3A_133] : memref<1x256x64xf32, #tpu.memory_space<vmem>>, vector<1x256x64xf32>
    %get3A_135 = vector.shape_cast %get3A_134 : vector<1x256x64xf32> to vector<256x64xf32>
    %dot_general3A = arith.constant dense<0.000000e+00> : vector<128x64xf32>
    %dot_general3A_136 = tpu.matmul %concatenate3A, %get3A_135, %dot_general3A {dimension_numbers = #tpu.dot_dimension_numbers<[1], [0], [0], [1], [0, 0, 1, 1], [], []>, transpose_lhs_hint = false} : vector<128x256xf32>, vector<256x64xf32>, vector<128x64xf32> -> vector<128x64xf32>
    %get3A_137 = arith.constant 0 : index
    %get3A_138 = arith.constant 0 : index
    %get3A_139 = vector.load %arg4[%get3A_137, %get3A_138] : memref<128x1xf32, #tpu.memory_space<vmem>>, vector<128x1xf32>
    %mul3A_140 = vector.broadcast %get3A_139 : vector<128x1xf32> to vector<128x64xf32>
    %mul3A_141 = arith.mulf %dot_general3A_136, %mul3A_140 : vector<128x64xf32>
    %broadcast_in_dim3A_142 = arith.constant 0.000000e+00 : f32
    %broadcast_in_dim3A_143 = vector.broadcast %broadcast_in_dim3A_142 : f32 to vector<128x64xf32>
    %concatenate3A_144 = tpu.concatenate %mul3A_141, %broadcast_in_dim3A_143 in 1 : vector<128x64xf32>, vector<128x64xf32> -> vector<128x128xf32>
    %swap3A = arith.constant 0 : index
    %swap3A_145 = arith.constant 0 : index
    %swap3A_146 = vector.load %arg6[%swap3A, %swap3A_145] : memref<128x128xf32, #tpu.memory_space<vmem>>, vector<128x128xf32>
    tpu.vector_store %arg6[%swap3A, %swap3A_145], %concatenate3A_144 {strides = array<i32>} : memref<128x128xf32, #tpu.memory_space<vmem>>, vector<128x128xf32>,
    return
  }
  func.func @transform_0(%arg0: i32, %arg1: memref<1320xi32, #tpu.memory_space<smem>>) -> (i32, i32) {
    %c0_i32 = arith.constant 0 : i32
    %c0_i32_0 = arith.constant 0 : i32
    return %arg0, %c0_i32 : i32, i32
  }
  func.func @transform_1(%arg0: i32, %arg1: memref<1320xi32, #tpu.memory_space<smem>>) -> (i32, i32) {
    %c0_i32 = arith.constant 0 : i32
    %c0_i32_0 = arith.constant 0 : i32
    return %arg0, %c0_i32 : i32, i32
  }
  func.func @transform_2(%arg0: i32, %arg1: memref<1320xi32, #tpu.memory_space<smem>>) -> (i32, i32) {
    %c0_i32 = arith.constant 0 : i32
    %c0_i32_0 = arith.constant 0 : i32
    return %arg0, %c0_i32 : i32, i32
  }
  func.func @transform_3(%arg0: i32, %arg1: memref<1320xi32, #tpu.memory_space<smem>>) -> (i32, i32, i32) {
    %get3A = arith.index_cast %arg0 : i32 to index
    %get3A_0 = memref.load %arg1[%get3A] : memref<1320xi32, #tpu.memory_space<smem>>
    %c0_i32 = arith.constant 0 : i32
    %c0_i32_1 = arith.constant 0 : i32
    %c0_i32_2 = arith.constant 0 : i32
    return %get3A_0, %c0_i32, %c0_i32_1 : i32, i32, i32
  }
  func.func @transform_4(%arg0: i32, %arg1: memref<1320xi32, #tpu.memory_space<smem>>) -> (i32, i32) {
    %c0_i32 = arith.constant 0 : i32
    %c0_i32_0 = arith.constant 0 : i32
    return %arg0, %c0_i32 : i32, i32
  }
}

module attributes {stable_mosaic.version = 14 : i64} {
  func.func @body(%arg0: i32, %arg1: memref<2x256x128xf32, #tpu.memory_space<vmem>>, %arg2: memref<2x256x128xf32, #tpu.memory_space<vmem>>, %arg3: memref<256x128xf32, #tpu.memory_space<vmem>>, %arg4: memref<128x64xf32, #tpu.memory_space<vmem>>, %arg5: memref<1x64xf32, #tpu.memory_space<vmem>>, %arg6: memref<256x128xf32, #tpu.memory_space<vmem>>) attributes {dimension_semantics = [#tpu.dimension_semantics<arbitrary>], iteration_bounds = array<i64: 40>, scalar_prefetch = 0 : i64, scratch_operands = 0 : i64, tpu.core_type = #tpu.core_type<tc>, window_params = [{transform_indices = @transform_0, window_bounds = array<i64: 2, 256, 128>}, {transform_indices = @transform_1, window_bounds = array<i64: 2, 256, 128>}, {transform_indices = @transform_2, window_bounds = array<i64: 256, 128>}, {pipeline_mode = #tpu.pipeline_mode<synchronous>, transform_indices = @transform_3, window_bounds = array<i64: 128, 64>}, {pipeline_mode = #tpu.pipeline_mode<synchronous>, transform_indices = @transform_4, window_bounds = array<i64: 1, 64>}, {transform_indices = @transform_5, window_bounds = array<i64: 256, 128>}]} {
    %get3A = arith.constant 0 : index
    %get3A_0 = arith.constant 0 : index
    %get3A_1 = arith.constant 0 : index
    %get3A_2 = vector.load %arg1[%get3A, %get3A_0, %get3A_1] : memref<2x256x128xf32, #tpu.memory_space<vmem>>, vector<1x256x128xf32>
    %get3A_3 = vector.shape_cast %get3A_2 : vector<1x256x128xf32> to vector<256x128xf32>
    %get3A_4 = arith.constant 1 : index
    %get3A_5 = arith.constant 0 : index
    %get3A_6 = arith.constant 0 : index
    %get3A_7 = vector.load %arg1[%get3A_4, %get3A_5, %get3A_6] : memref<2x256x128xf32, #tpu.memory_space<vmem>>, vector<1x256x128xf32>
    %get3A_8 = vector.shape_cast %get3A_7 : vector<1x256x128xf32> to vector<256x128xf32>
    %add3A = arith.addf %get3A_3, %get3A_8 : vector<256x128xf32>
    %get3A_9 = arith.constant 0 : index
    %get3A_10 = arith.constant 0 : index
    %get3A_11 = arith.constant 0 : index
    %get3A_12 = vector.load %arg2[%get3A_9, %get3A_10, %get3A_11] : memref<2x256x128xf32, #tpu.memory_space<vmem>>, vector<1x256x128xf32>
    %get3A_13 = vector.shape_cast %get3A_12 : vector<1x256x128xf32> to vector<256x128xf32>
    %get3A_14 = arith.constant 1 : index
    %get3A_15 = arith.constant 0 : index
    %get3A_16 = arith.constant 0 : index
    %get3A_17 = vector.load %arg2[%get3A_14, %get3A_15, %get3A_16] : memref<2x256x128xf32, #tpu.memory_space<vmem>>, vector<1x256x128xf32>
    %get3A_18 = vector.shape_cast %get3A_17 : vector<1x256x128xf32> to vector<256x128xf32>
    %add3A_19 = arith.addf %get3A_13, %get3A_18 : vector<256x128xf32>
    %slice3A = vector.extract_strided_slice %add3A_19 {offsets = [0, 0], sizes = [256, 1], strides = [1, 1]} : vector<256x128xf32> to vector<256x1xf32>
    %slice3A_20 = vector.extract_strided_slice %add3A {offsets = [0, 0], sizes = [256, 64], strides = [1, 1]} : vector<256x128xf32> to vector<256x64xf32>
    %max3A = arith.constant 1.000000e+00 : f32
    %max3A_21 = vector.broadcast %max3A : f32 to vector<256x1xf32>
    %max3A_22 = arith.maximumf %slice3A, %max3A_21 : vector<256x1xf32>
    %div3A = vector.broadcast %max3A_22 : vector<256x1xf32> to vector<256x64xf32>
    %div3A_23 = arith.divf %slice3A_20, %div3A : vector<256x64xf32>
    %get3A_24 = arith.constant 0 : index
    %get3A_25 = arith.constant 0 : index
    %get3A_26 = vector.load %arg3[%get3A_24, %get3A_25] : memref<256x128xf32, #tpu.memory_space<vmem>>, vector<256x128xf32>
    %get3A_27 = arith.constant 0 : index
    %get3A_28 = arith.constant 0 : index
    %get3A_29 = vector.load %arg4[%get3A_27, %get3A_28] : memref<128x64xf32, #tpu.memory_space<vmem>>, vector<128x64xf32>
    %dot_general3A = arith.constant dense<0.000000e+00> : vector<256x64xf32>
    %dot_general3A_30 = tpu.matmul %get3A_26, %get3A_29, %dot_general3A {dimension_numbers = #tpu.dot_dimension_numbers<[1], [0], [0], [1], [0, 0, 1, 1], [], []>, transpose_lhs_hint = false} : vector<256x128xf32>, vector<128x64xf32>, vector<256x64xf32> -> vector<256x64xf32>
    %add3A_31 = arith.addf %div3A_23, %dot_general3A_30 : vector<256x64xf32>
    %get3A_32 = arith.constant 0 : index
    %get3A_33 = arith.constant 0 : index
    %get3A_34 = vector.load %arg5[%get3A_32, %get3A_33] : memref<1x64xf32, #tpu.memory_space<vmem>>, vector<1x64xf32>
    %add3A_35 = vector.broadcast %get3A_34 : vector<1x64xf32> to vector<256x64xf32>
    %add3A_36 = arith.addf %add3A_31, %add3A_35 : vector<256x64xf32>
    %gt3A = arith.constant 0.000000e+00 : f32
    %gt3A_37 = vector.broadcast %gt3A : f32 to vector<256x64xf32>
    %gt3A_38 = arith.cmpf ogt, %add3A_36, %gt3A_37 : vector<256x64xf32>
    %exp3A = math.exp %add3A_36 : vector<256x64xf32>
    %sub3A = arith.constant 1.000000e+00 : f32
    %sub3A_39 = vector.broadcast %sub3A : f32 to vector<256x64xf32>
    %sub3A_40 = arith.subf %exp3A, %sub3A_39 : vector<256x64xf32>
    %select_n3A = arith.select %gt3A_38, %add3A_36, %sub3A_40 : vector<256x64xi1>, vector<256x64xf32>
    %broadcast_in_dim3A = arith.constant 0.000000e+00 : f32
    %broadcast_in_dim3A_41 = vector.broadcast %broadcast_in_dim3A : f32 to vector<256x64xf32>
    %concatenate3A = tpu.concatenate %select_n3A, %broadcast_in_dim3A_41 in 1 : vector<256x64xf32>, vector<256x64xf32> -> vector<256x128xf32>
    %swap3A = arith.constant 0 : index
    %swap3A_42 = arith.constant 0 : index
    %swap3A_43 = vector.load %arg6[%swap3A, %swap3A_42] : memref<256x128xf32, #tpu.memory_space<vmem>>, vector<256x128xf32>
    tpu.vector_store %arg6[%swap3A, %swap3A_42], %concatenate3A {strides = array<i32>} : memref<256x128xf32, #tpu.memory_space<vmem>>, vector<256x128xf32>,
    return
  }
  func.func @transform_0(%arg0: i32) -> (i32, i32, i32) {
    %c0_i32 = arith.constant 0 : i32
    %c0_i32_0 = arith.constant 0 : i32
    %c0_i32_1 = arith.constant 0 : i32
    return %c0_i32, %arg0, %c0_i32_0 : i32, i32, i32
  }
  func.func @transform_1(%arg0: i32) -> (i32, i32, i32) {
    %c0_i32 = arith.constant 0 : i32
    %c0_i32_0 = arith.constant 0 : i32
    %c0_i32_1 = arith.constant 0 : i32
    return %c0_i32, %arg0, %c0_i32_0 : i32, i32, i32
  }
  func.func @transform_2(%arg0: i32) -> (i32, i32) {
    %c0_i32 = arith.constant 0 : i32
    %c0_i32_0 = arith.constant 0 : i32
    return %arg0, %c0_i32 : i32, i32
  }
  func.func @transform_3(%arg0: i32) -> (i32, i32) {
    %c0_i32 = arith.constant 0 : i32
    %c0_i32_0 = arith.constant 0 : i32
    %c0_i32_1 = arith.constant 0 : i32
    return %c0_i32, %c0_i32_0 : i32, i32
  }
  func.func @transform_4(%arg0: i32) -> (i32, i32) {
    %c0_i32 = arith.constant 0 : i32
    %c0_i32_0 = arith.constant 0 : i32
    %c0_i32_1 = arith.constant 0 : i32
    return %c0_i32, %c0_i32_0 : i32, i32
  }
  func.func @transform_5(%arg0: i32) -> (i32, i32) {
    %c0_i32 = arith.constant 0 : i32
    %c0_i32_0 = arith.constant 0 : i32
    return %arg0, %c0_i32 : i32, i32
  }
}

module attributes {stable_mosaic.version = 14 : i64} {
  func.func @body(%arg0: i32, %arg1: memref<1320xi32, #tpu.memory_space<smem>>, %arg2: memref<128x3xf32, #tpu.memory_space<vmem>>, %arg3: memref<128x128xf32, #tpu.memory_space<vmem>>, %arg4: memref<128x1xf32, #tpu.memory_space<vmem>>, %arg5: memref<1x512x64xf32, #tpu.memory_space<vmem>>, %arg6: memref<128x128xf32, #tpu.memory_space<vmem>>) attributes {dimension_semantics = [#tpu.dimension_semantics<arbitrary>], iteration_bounds = array<i64: 1320>, scalar_prefetch = 1 : i64, scratch_operands = 0 : i64, tpu.core_type = #tpu.core_type<tc>, window_params = [{transform_indices = @transform_0, window_bounds = array<i64: 128, 3>}, {transform_indices = @transform_1, window_bounds = array<i64: 128, 128>}, {transform_indices = @transform_2, window_bounds = array<i64: 128, 1>}, {transform_indices = @transform_3, window_bounds = array<i64: 1, 512, 64>}, {transform_indices = @transform_4, window_bounds = array<i64: 128, 128>}]} {
    %get3A = arith.constant 0 : index
    %get3A_0 = arith.constant 0 : index
    %get3A_1 = vector.load %arg2[%get3A, %get3A_0] : memref<128x3xf32, #tpu.memory_space<vmem>>, vector<128x3xf32>
    %jit3A = arith.constant 0.000000e+00 : f32
    %jit3A_2 = arith.constant 1.000000e+00 : f32
    %max3A = vector.broadcast %jit3A : f32 to vector<128x3xf32>
    %max3A_3 = arith.maximumf %max3A, %get3A_1 : vector<128x3xf32>
    %min3A = vector.broadcast %jit3A_2 : f32 to vector<128x3xf32>
    %min3A_4 = arith.minimumf %min3A, %max3A_3 : vector<128x3xf32>
    %mul3A = arith.constant 4.000000e+00 : f32
    %mul3A_5 = vector.broadcast %mul3A : f32 to vector<128x3xf32>
    %mul3A_6 = arith.mulf %min3A_4, %mul3A_5 : vector<128x3xf32>
    %floor3A = math.floor %mul3A_6 : vector<128x3xf32>
    %jit3A_7 = arith.constant 0.000000e+00 : f32
    %jit3A_8 = arith.constant 3.000000e+00 : f32
    %max3A_9 = vector.broadcast %jit3A_7 : f32 to vector<128x3xf32>
    %max3A_10 = arith.maximumf %max3A_9, %floor3A : vector<128x3xf32>
    %min3A_11 = vector.broadcast %jit3A_8 : f32 to vector<128x3xf32>
    %min3A_12 = arith.minimumf %min3A_11, %max3A_10 : vector<128x3xf32>
    %sub3A = arith.subf %mul3A_6, %min3A_12 : vector<128x3xf32>
    %get3A_13 = arith.constant 0 : index
    %get3A_14 = arith.constant 0 : index
    %get3A_15 = vector.load %arg3[%get3A_13, %get3A_14] : memref<128x128xf32, #tpu.memory_space<vmem>>, vector<128x128xf32>
    %slice3A = vector.extract_strided_slice %get3A_15 {offsets = [0, 0], sizes = [128, 64], strides = [1, 1]} : vector<128x128xf32> to vector<128x64xf32>
    %broadcast_in_dim3A = arith.constant 1.000000e+00 : f32
    %broadcast_in_dim3A_16 = vector.broadcast %broadcast_in_dim3A : f32 to vector<128x1xf32>
    %slice3A_17 = vector.extract_strided_slice %sub3A {offsets = [0, 0], sizes = [128, 1], strides = [1, 1]} : vector<128x3xf32> to vector<128x1xf32>
    %sub3A_18 = arith.constant 1.000000e+00 : f32
    %sub3A_19 = vector.broadcast %sub3A_18 : f32 to vector<128x1xf32>
    %sub3A_20 = arith.subf %sub3A_19, %slice3A_17 : vector<128x1xf32>
    %mul3A_21 = arith.mulf %broadcast_in_dim3A_16, %sub3A_20 : vector<128x1xf32>
    %slice3A_22 = vector.extract_strided_slice %sub3A {offsets = [0, 1], sizes = [128, 1], strides = [1, 1]} : vector<128x3xf32> to vector<128x1xf32>
    %sub3A_23 = arith.constant 1.000000e+00 : f32
    %sub3A_24 = vector.broadcast %sub3A_23 : f32 to vector<128x1xf32>
    %sub3A_25 = arith.subf %sub3A_24, %slice3A_22 : vector<128x1xf32>
    %mul3A_26 = arith.mulf %mul3A_21, %sub3A_25 : vector<128x1xf32>
    %slice3A_27 = vector.extract_strided_slice %sub3A {offsets = [0, 2], sizes = [128, 1], strides = [1, 1]} : vector<128x3xf32> to vector<128x1xf32>
    %sub3A_28 = arith.constant 1.000000e+00 : f32
    %sub3A_29 = vector.broadcast %sub3A_28 : f32 to vector<128x1xf32>
    %sub3A_30 = arith.subf %sub3A_29, %slice3A_27 : vector<128x1xf32>
    %mul3A_31 = arith.mulf %mul3A_26, %sub3A_30 : vector<128x1xf32>
    %mul3A_32 = vector.broadcast %mul3A_31 : vector<128x1xf32> to vector<128x64xf32>
    %mul3A_33 = arith.mulf %slice3A, %mul3A_32 : vector<128x64xf32>
    %broadcast_in_dim3A_34 = arith.constant 1.000000e+00 : f32
    %broadcast_in_dim3A_35 = vector.broadcast %broadcast_in_dim3A_34 : f32 to vector<128x1xf32>
    %slice3A_36 = vector.extract_strided_slice %sub3A {offsets = [0, 0], sizes = [128, 1], strides = [1, 1]} : vector<128x3xf32> to vector<128x1xf32>
    %mul3A_37 = arith.mulf %broadcast_in_dim3A_35, %slice3A_36 : vector<128x1xf32>
    %slice3A_38 = vector.extract_strided_slice %sub3A {offsets = [0, 1], sizes = [128, 1], strides = [1, 1]} : vector<128x3xf32> to vector<128x1xf32>
    %sub3A_39 = arith.constant 1.000000e+00 : f32
    %sub3A_40 = vector.broadcast %sub3A_39 : f32 to vector<128x1xf32>
    %sub3A_41 = arith.subf %sub3A_40, %slice3A_38 : vector<128x1xf32>
    %mul3A_42 = arith.mulf %mul3A_37, %sub3A_41 : vector<128x1xf32>
    %slice3A_43 = vector.extract_strided_slice %sub3A {offsets = [0, 2], sizes = [128, 1], strides = [1, 1]} : vector<128x3xf32> to vector<128x1xf32>
    %sub3A_44 = arith.constant 1.000000e+00 : f32
    %sub3A_45 = vector.broadcast %sub3A_44 : f32 to vector<128x1xf32>
    %sub3A_46 = arith.subf %sub3A_45, %slice3A_43 : vector<128x1xf32>
    %mul3A_47 = arith.mulf %mul3A_42, %sub3A_46 : vector<128x1xf32>
    %mul3A_48 = vector.broadcast %mul3A_47 : vector<128x1xf32> to vector<128x64xf32>
    %mul3A_49 = arith.mulf %slice3A, %mul3A_48 : vector<128x64xf32>
    %broadcast_in_dim3A_50 = arith.constant 1.000000e+00 : f32
    %broadcast_in_dim3A_51 = vector.broadcast %broadcast_in_dim3A_50 : f32 to vector<128x1xf32>
    %slice3A_52 = vector.extract_strided_slice %sub3A {offsets = [0, 0], sizes = [128, 1], strides = [1, 1]} : vector<128x3xf32> to vector<128x1xf32>
    %sub3A_53 = arith.constant 1.000000e+00 : f32
    %sub3A_54 = vector.broadcast %sub3A_53 : f32 to vector<128x1xf32>
    %sub3A_55 = arith.subf %sub3A_54, %slice3A_52 : vector<128x1xf32>
    %mul3A_56 = arith.mulf %broadcast_in_dim3A_51, %sub3A_55 : vector<128x1xf32>
    %slice3A_57 = vector.extract_strided_slice %sub3A {offsets = [0, 1], sizes = [128, 1], strides = [1, 1]} : vector<128x3xf32> to vector<128x1xf32>
    %mul3A_58 = arith.mulf %mul3A_56, %slice3A_57 : vector<128x1xf32>
    %slice3A_59 = vector.extract_strided_slice %sub3A {offsets = [0, 2], sizes = [128, 1], strides = [1, 1]} : vector<128x3xf32> to vector<128x1xf32>
    %sub3A_60 = arith.constant 1.000000e+00 : f32
    %sub3A_61 = vector.broadcast %sub3A_60 : f32 to vector<128x1xf32>
    %sub3A_62 = arith.subf %sub3A_61, %slice3A_59 : vector<128x1xf32>
    %mul3A_63 = arith.mulf %mul3A_58, %sub3A_62 : vector<128x1xf32>
    %mul3A_64 = vector.broadcast %mul3A_63 : vector<128x1xf32> to vector<128x64xf32>
    %mul3A_65 = arith.mulf %slice3A, %mul3A_64 : vector<128x64xf32>
    %broadcast_in_dim3A_66 = arith.constant 1.000000e+00 : f32
    %broadcast_in_dim3A_67 = vector.broadcast %broadcast_in_dim3A_66 : f32 to vector<128x1xf32>
    %slice3A_68 = vector.extract_strided_slice %sub3A {offsets = [0, 0], sizes = [128, 1], strides = [1, 1]} : vector<128x3xf32> to vector<128x1xf32>
    %mul3A_69 = arith.mulf %broadcast_in_dim3A_67, %slice3A_68 : vector<128x1xf32>
    %slice3A_70 = vector.extract_strided_slice %sub3A {offsets = [0, 1], sizes = [128, 1], strides = [1, 1]} : vector<128x3xf32> to vector<128x1xf32>
    %mul3A_71 = arith.mulf %mul3A_69, %slice3A_70 : vector<128x1xf32>
    %slice3A_72 = vector.extract_strided_slice %sub3A {offsets = [0, 2], sizes = [128, 1], strides = [1, 1]} : vector<128x3xf32> to vector<128x1xf32>
    %sub3A_73 = arith.constant 1.000000e+00 : f32
    %sub3A_74 = vector.broadcast %sub3A_73 : f32 to vector<128x1xf32>
    %sub3A_75 = arith.subf %sub3A_74, %slice3A_72 : vector<128x1xf32>
    %mul3A_76 = arith.mulf %mul3A_71, %sub3A_75 : vector<128x1xf32>
    %mul3A_77 = vector.broadcast %mul3A_76 : vector<128x1xf32> to vector<128x64xf32>
    %mul3A_78 = arith.mulf %slice3A, %mul3A_77 : vector<128x64xf32>
    %broadcast_in_dim3A_79 = arith.constant 1.000000e+00 : f32
    %broadcast_in_dim3A_80 = vector.broadcast %broadcast_in_dim3A_79 : f32 to vector<128x1xf32>
    %slice3A_81 = vector.extract_strided_slice %sub3A {offsets = [0, 0], sizes = [128, 1], strides = [1, 1]} : vector<128x3xf32> to vector<128x1xf32>
    %sub3A_82 = arith.constant 1.000000e+00 : f32
    %sub3A_83 = vector.broadcast %sub3A_82 : f32 to vector<128x1xf32>
    %sub3A_84 = arith.subf %sub3A_83, %slice3A_81 : vector<128x1xf32>
    %mul3A_85 = arith.mulf %broadcast_in_dim3A_80, %sub3A_84 : vector<128x1xf32>
    %slice3A_86 = vector.extract_strided_slice %sub3A {offsets = [0, 1], sizes = [128, 1], strides = [1, 1]} : vector<128x3xf32> to vector<128x1xf32>
    %sub3A_87 = arith.constant 1.000000e+00 : f32
    %sub3A_88 = vector.broadcast %sub3A_87 : f32 to vector<128x1xf32>
    %sub3A_89 = arith.subf %sub3A_88, %slice3A_86 : vector<128x1xf32>
    %mul3A_90 = arith.mulf %mul3A_85, %sub3A_89 : vector<128x1xf32>
    %slice3A_91 = vector.extract_strided_slice %sub3A {offsets = [0, 2], sizes = [128, 1], strides = [1, 1]} : vector<128x3xf32> to vector<128x1xf32>
    %mul3A_92 = arith.mulf %mul3A_90, %slice3A_91 : vector<128x1xf32>
    %mul3A_93 = vector.broadcast %mul3A_92 : vector<128x1xf32> to vector<128x64xf32>
    %mul3A_94 = arith.mulf %slice3A, %mul3A_93 : vector<128x64xf32>
    %broadcast_in_dim3A_95 = arith.constant 1.000000e+00 : f32
    %broadcast_in_dim3A_96 = vector.broadcast %broadcast_in_dim3A_95 : f32 to vector<128x1xf32>
    %slice3A_97 = vector.extract_strided_slice %sub3A {offsets = [0, 0], sizes = [128, 1], strides = [1, 1]} : vector<128x3xf32> to vector<128x1xf32>
    %mul3A_98 = arith.mulf %broadcast_in_dim3A_96, %slice3A_97 : vector<128x1xf32>
    %slice3A_99 = vector.extract_strided_slice %sub3A {offsets = [0, 1], sizes = [128, 1], strides = [1, 1]} : vector<128x3xf32> to vector<128x1xf32>
    %sub3A_100 = arith.constant 1.000000e+00 : f32
    %sub3A_101 = vector.broadcast %sub3A_100 : f32 to vector<128x1xf32>
    %sub3A_102 = arith.subf %sub3A_101, %slice3A_99 : vector<128x1xf32>
    %mul3A_103 = arith.mulf %mul3A_98, %sub3A_102 : vector<128x1xf32>
    %slice3A_104 = vector.extract_strided_slice %sub3A {offsets = [0, 2], sizes = [128, 1], strides = [1, 1]} : vector<128x3xf32> to vector<128x1xf32>
    %mul3A_105 = arith.mulf %mul3A_103, %slice3A_104 : vector<128x1xf32>
    %mul3A_106 = vector.broadcast %mul3A_105 : vector<128x1xf32> to vector<128x64xf32>
    %mul3A_107 = arith.mulf %slice3A, %mul3A_106 : vector<128x64xf32>
    %broadcast_in_dim3A_108 = arith.constant 1.000000e+00 : f32
    %broadcast_in_dim3A_109 = vector.broadcast %broadcast_in_dim3A_108 : f32 to vector<128x1xf32>
    %slice3A_110 = vector.extract_strided_slice %sub3A {offsets = [0, 0], sizes = [128, 1], strides = [1, 1]} : vector<128x3xf32> to vector<128x1xf32>
    %sub3A_111 = arith.constant 1.000000e+00 : f32
    %sub3A_112 = vector.broadcast %sub3A_111 : f32 to vector<128x1xf32>
    %sub3A_113 = arith.subf %sub3A_112, %slice3A_110 : vector<128x1xf32>
    %mul3A_114 = arith.mulf %broadcast_in_dim3A_109, %sub3A_113 : vector<128x1xf32>
    %slice3A_115 = vector.extract_strided_slice %sub3A {offsets = [0, 1], sizes = [128, 1], strides = [1, 1]} : vector<128x3xf32> to vector<128x1xf32>
    %mul3A_116 = arith.mulf %mul3A_114, %slice3A_115 : vector<128x1xf32>
    %slice3A_117 = vector.extract_strided_slice %sub3A {offsets = [0, 2], sizes = [128, 1], strides = [1, 1]} : vector<128x3xf32> to vector<128x1xf32>
    %mul3A_118 = arith.mulf %mul3A_116, %slice3A_117 : vector<128x1xf32>
    %mul3A_119 = vector.broadcast %mul3A_118 : vector<128x1xf32> to vector<128x64xf32>
    %mul3A_120 = arith.mulf %slice3A, %mul3A_119 : vector<128x64xf32>
    %broadcast_in_dim3A_121 = arith.constant 1.000000e+00 : f32
    %broadcast_in_dim3A_122 = vector.broadcast %broadcast_in_dim3A_121 : f32 to vector<128x1xf32>
    %slice3A_123 = vector.extract_strided_slice %sub3A {offsets = [0, 0], sizes = [128, 1], strides = [1, 1]} : vector<128x3xf32> to vector<128x1xf32>
    %mul3A_124 = arith.mulf %broadcast_in_dim3A_122, %slice3A_123 : vector<128x1xf32>
    %slice3A_125 = vector.extract_strided_slice %sub3A {offsets = [0, 1], sizes = [128, 1], strides = [1, 1]} : vector<128x3xf32> to vector<128x1xf32>
    %mul3A_126 = arith.mulf %mul3A_124, %slice3A_125 : vector<128x1xf32>
    %slice3A_127 = vector.extract_strided_slice %sub3A {offsets = [0, 2], sizes = [128, 1], strides = [1, 1]} : vector<128x3xf32> to vector<128x1xf32>
    %mul3A_128 = arith.mulf %mul3A_126, %slice3A_127 : vector<128x1xf32>
    %mul3A_129 = vector.broadcast %mul3A_128 : vector<128x1xf32> to vector<128x64xf32>
    %mul3A_130 = arith.mulf %slice3A, %mul3A_129 : vector<128x64xf32>
    %concatenate3A = tpu.concatenate %mul3A_33, %mul3A_49, %mul3A_65, %mul3A_78, %mul3A_94, %mul3A_107, %mul3A_120, %mul3A_130 in 1 : vector<128x64xf32>, vector<128x64xf32>, vector<128x64xf32>, vector<128x64xf32>, vector<128x64xf32>, vector<128x64xf32>, vector<128x64xf32>, vector<128x64xf32> -> vector<128x512xf32>
    %get3A_131 = arith.constant 0 : index
    %get3A_132 = arith.constant 0 : index
    %get3A_133 = arith.constant 0 : index
    %get3A_134 = vector.load %arg5[%get3A_131, %get3A_132, %get3A_133] : memref<1x512x64xf32, #tpu.memory_space<vmem>>, vector<1x512x64xf32>
    %get3A_135 = vector.shape_cast %get3A_134 : vector<1x512x64xf32> to vector<512x64xf32>
    %dot_general3A = arith.constant dense<0.000000e+00> : vector<128x64xf32>
    %dot_general3A_136 = tpu.matmul %concatenate3A, %get3A_135, %dot_general3A {dimension_numbers = #tpu.dot_dimension_numbers<[1], [0], [0], [1], [0, 0, 1, 1], [], []>, transpose_lhs_hint = false} : vector<128x512xf32>, vector<512x64xf32>, vector<128x64xf32> -> vector<128x64xf32>
    %get3A_137 = arith.constant 0 : index
    %get3A_138 = arith.constant 0 : index
    %get3A_139 = vector.load %arg4[%get3A_137, %get3A_138] : memref<128x1xf32, #tpu.memory_space<vmem>>, vector<128x1xf32>
    %mul3A_140 = vector.broadcast %get3A_139 : vector<128x1xf32> to vector<128x64xf32>
    %mul3A_141 = arith.mulf %dot_general3A_136, %mul3A_140 : vector<128x64xf32>
    %broadcast_in_dim3A_142 = arith.constant 0.000000e+00 : f32
    %broadcast_in_dim3A_143 = vector.broadcast %broadcast_in_dim3A_142 : f32 to vector<128x64xf32>
    %concatenate3A_144 = tpu.concatenate %mul3A_141, %broadcast_in_dim3A_143 in 1 : vector<128x64xf32>, vector<128x64xf32> -> vector<128x128xf32>
    %swap3A = arith.constant 0 : index
    %swap3A_145 = arith.constant 0 : index
    %swap3A_146 = vector.load %arg6[%swap3A, %swap3A_145] : memref<128x128xf32, #tpu.memory_space<vmem>>, vector<128x128xf32>
    tpu.vector_store %arg6[%swap3A, %swap3A_145], %concatenate3A_144 {strides = array<i32>} : memref<128x128xf32, #tpu.memory_space<vmem>>, vector<128x128xf32>,
    return
  }
  func.func @transform_0(%arg0: i32, %arg1: memref<1320xi32, #tpu.memory_space<smem>>) -> (i32, i32) {
    %c0_i32 = arith.constant 0 : i32
    %c0_i32_0 = arith.constant 0 : i32
    return %arg0, %c0_i32 : i32, i32
  }
  func.func @transform_1(%arg0: i32, %arg1: memref<1320xi32, #tpu.memory_space<smem>>) -> (i32, i32) {
    %c0_i32 = arith.constant 0 : i32
    %c0_i32_0 = arith.constant 0 : i32
    return %arg0, %c0_i32 : i32, i32
  }
  func.func @transform_2(%arg0: i32, %arg1: memref<1320xi32, #tpu.memory_space<smem>>) -> (i32, i32) {
    %c0_i32 = arith.constant 0 : i32
    %c0_i32_0 = arith.constant 0 : i32
    return %arg0, %c0_i32 : i32, i32
  }
  func.func @transform_3(%arg0: i32, %arg1: memref<1320xi32, #tpu.memory_space<smem>>) -> (i32, i32, i32) {
    %get3A = arith.index_cast %arg0 : i32 to index
    %get3A_0 = memref.load %arg1[%get3A] : memref<1320xi32, #tpu.memory_space<smem>>
    %c0_i32 = arith.constant 0 : i32
    %c0_i32_1 = arith.constant 0 : i32
    %c0_i32_2 = arith.constant 0 : i32
    return %get3A_0, %c0_i32, %c0_i32_1 : i32, i32, i32
  }
  func.func @transform_4(%arg0: i32, %arg1: memref<1320xi32, #tpu.memory_space<smem>>) -> (i32, i32) {
    %c0_i32 = arith.constant 0 : i32
    %c0_i32_0 = arith.constant 0 : i32
    return %arg0, %c0_i32 : i32, i32
  }
}

module attributes {stable_mosaic.version = 14 : i64} {
  func.func @body(%arg0: i32, %arg1: memref<1320xi32, #tpu.memory_space<smem>>, %arg2: memref<128x3xf32, #tpu.memory_space<vmem>>, %arg3: memref<128x128xf32, #tpu.memory_space<vmem>>, %arg4: memref<128x1xf32, #tpu.memory_space<vmem>>, %arg5: memref<1x512x128xf32, #tpu.memory_space<vmem>>, %arg6: memref<128x128xf32, #tpu.memory_space<vmem>>) attributes {dimension_semantics = [#tpu.dimension_semantics<arbitrary>], iteration_bounds = array<i64: 1320>, scalar_prefetch = 1 : i64, scratch_operands = 0 : i64, tpu.core_type = #tpu.core_type<tc>, window_params = [{transform_indices = @transform_0, window_bounds = array<i64: 128, 3>}, {transform_indices = @transform_1, window_bounds = array<i64: 128, 128>}, {transform_indices = @transform_2, window_bounds = array<i64: 128, 1>}, {transform_indices = @transform_3, window_bounds = array<i64: 1, 512, 128>}, {transform_indices = @transform_4, window_bounds = array<i64: 128, 128>}]} {
    %get3A = arith.constant 0 : index
    %get3A_0 = arith.constant 0 : index
    %get3A_1 = vector.load %arg2[%get3A, %get3A_0] : memref<128x3xf32, #tpu.memory_space<vmem>>, vector<128x3xf32>
    %jit3A = arith.constant 0.000000e+00 : f32
    %jit3A_2 = arith.constant 1.000000e+00 : f32
    %max3A = vector.broadcast %jit3A : f32 to vector<128x3xf32>
    %max3A_3 = arith.maximumf %max3A, %get3A_1 : vector<128x3xf32>
    %min3A = vector.broadcast %jit3A_2 : f32 to vector<128x3xf32>
    %min3A_4 = arith.minimumf %min3A, %max3A_3 : vector<128x3xf32>
    %mul3A = arith.constant 4.000000e+00 : f32
    %mul3A_5 = vector.broadcast %mul3A : f32 to vector<128x3xf32>
    %mul3A_6 = arith.mulf %min3A_4, %mul3A_5 : vector<128x3xf32>
    %floor3A = math.floor %mul3A_6 : vector<128x3xf32>
    %jit3A_7 = arith.constant 0.000000e+00 : f32
    %jit3A_8 = arith.constant 3.000000e+00 : f32
    %max3A_9 = vector.broadcast %jit3A_7 : f32 to vector<128x3xf32>
    %max3A_10 = arith.maximumf %max3A_9, %floor3A : vector<128x3xf32>
    %min3A_11 = vector.broadcast %jit3A_8 : f32 to vector<128x3xf32>
    %min3A_12 = arith.minimumf %min3A_11, %max3A_10 : vector<128x3xf32>
    %sub3A = arith.subf %mul3A_6, %min3A_12 : vector<128x3xf32>
    %get3A_13 = arith.constant 0 : index
    %get3A_14 = arith.constant 0 : index
    %get3A_15 = vector.load %arg3[%get3A_13, %get3A_14] : memref<128x128xf32, #tpu.memory_space<vmem>>, vector<128x128xf32>
    %slice3A = vector.extract_strided_slice %get3A_15 {offsets = [0, 0], sizes = [128, 64], strides = [1, 1]} : vector<128x128xf32> to vector<128x64xf32>
    %broadcast_in_dim3A = arith.constant 1.000000e+00 : f32
    %broadcast_in_dim3A_16 = vector.broadcast %broadcast_in_dim3A : f32 to vector<128x1xf32>
    %slice3A_17 = vector.extract_strided_slice %sub3A {offsets = [0, 0], sizes = [128, 1], strides = [1, 1]} : vector<128x3xf32> to vector<128x1xf32>
    %sub3A_18 = arith.constant 1.000000e+00 : f32
    %sub3A_19 = vector.broadcast %sub3A_18 : f32 to vector<128x1xf32>
    %sub3A_20 = arith.subf %sub3A_19, %slice3A_17 : vector<128x1xf32>
    %mul3A_21 = arith.mulf %broadcast_in_dim3A_16, %sub3A_20 : vector<128x1xf32>
    %slice3A_22 = vector.extract_strided_slice %sub3A {offsets = [0, 1], sizes = [128, 1], strides = [1, 1]} : vector<128x3xf32> to vector<128x1xf32>
    %sub3A_23 = arith.constant 1.000000e+00 : f32
    %sub3A_24 = vector.broadcast %sub3A_23 : f32 to vector<128x1xf32>
    %sub3A_25 = arith.subf %sub3A_24, %slice3A_22 : vector<128x1xf32>
    %mul3A_26 = arith.mulf %mul3A_21, %sub3A_25 : vector<128x1xf32>
    %slice3A_27 = vector.extract_strided_slice %sub3A {offsets = [0, 2], sizes = [128, 1], strides = [1, 1]} : vector<128x3xf32> to vector<128x1xf32>
    %sub3A_28 = arith.constant 1.000000e+00 : f32
    %sub3A_29 = vector.broadcast %sub3A_28 : f32 to vector<128x1xf32>
    %sub3A_30 = arith.subf %sub3A_29, %slice3A_27 : vector<128x1xf32>
    %mul3A_31 = arith.mulf %mul3A_26, %sub3A_30 : vector<128x1xf32>
    %mul3A_32 = vector.broadcast %mul3A_31 : vector<128x1xf32> to vector<128x64xf32>
    %mul3A_33 = arith.mulf %slice3A, %mul3A_32 : vector<128x64xf32>
    %broadcast_in_dim3A_34 = arith.constant 1.000000e+00 : f32
    %broadcast_in_dim3A_35 = vector.broadcast %broadcast_in_dim3A_34 : f32 to vector<128x1xf32>
    %slice3A_36 = vector.extract_strided_slice %sub3A {offsets = [0, 0], sizes = [128, 1], strides = [1, 1]} : vector<128x3xf32> to vector<128x1xf32>
    %mul3A_37 = arith.mulf %broadcast_in_dim3A_35, %slice3A_36 : vector<128x1xf32>
    %slice3A_38 = vector.extract_strided_slice %sub3A {offsets = [0, 1], sizes = [128, 1], strides = [1, 1]} : vector<128x3xf32> to vector<128x1xf32>
    %sub3A_39 = arith.constant 1.000000e+00 : f32
    %sub3A_40 = vector.broadcast %sub3A_39 : f32 to vector<128x1xf32>
    %sub3A_41 = arith.subf %sub3A_40, %slice3A_38 : vector<128x1xf32>
    %mul3A_42 = arith.mulf %mul3A_37, %sub3A_41 : vector<128x1xf32>
    %slice3A_43 = vector.extract_strided_slice %sub3A {offsets = [0, 2], sizes = [128, 1], strides = [1, 1]} : vector<128x3xf32> to vector<128x1xf32>
    %sub3A_44 = arith.constant 1.000000e+00 : f32
    %sub3A_45 = vector.broadcast %sub3A_44 : f32 to vector<128x1xf32>
    %sub3A_46 = arith.subf %sub3A_45, %slice3A_43 : vector<128x1xf32>
    %mul3A_47 = arith.mulf %mul3A_42, %sub3A_46 : vector<128x1xf32>
    %mul3A_48 = vector.broadcast %mul3A_47 : vector<128x1xf32> to vector<128x64xf32>
    %mul3A_49 = arith.mulf %slice3A, %mul3A_48 : vector<128x64xf32>
    %broadcast_in_dim3A_50 = arith.constant 1.000000e+00 : f32
    %broadcast_in_dim3A_51 = vector.broadcast %broadcast_in_dim3A_50 : f32 to vector<128x1xf32>
    %slice3A_52 = vector.extract_strided_slice %sub3A {offsets = [0, 0], sizes = [128, 1], strides = [1, 1]} : vector<128x3xf32> to vector<128x1xf32>
    %sub3A_53 = arith.constant 1.000000e+00 : f32
    %sub3A_54 = vector.broadcast %sub3A_53 : f32 to vector<128x1xf32>
    %sub3A_55 = arith.subf %sub3A_54, %slice3A_52 : vector<128x1xf32>
    %mul3A_56 = arith.mulf %broadcast_in_dim3A_51, %sub3A_55 : vector<128x1xf32>
    %slice3A_57 = vector.extract_strided_slice %sub3A {offsets = [0, 1], sizes = [128, 1], strides = [1, 1]} : vector<128x3xf32> to vector<128x1xf32>
    %mul3A_58 = arith.mulf %mul3A_56, %slice3A_57 : vector<128x1xf32>
    %slice3A_59 = vector.extract_strided_slice %sub3A {offsets = [0, 2], sizes = [128, 1], strides = [1, 1]} : vector<128x3xf32> to vector<128x1xf32>
    %sub3A_60 = arith.constant 1.000000e+00 : f32
    %sub3A_61 = vector.broadcast %sub3A_60 : f32 to vector<128x1xf32>
    %sub3A_62 = arith.subf %sub3A_61, %slice3A_59 : vector<128x1xf32>
    %mul3A_63 = arith.mulf %mul3A_58, %sub3A_62 : vector<128x1xf32>
    %mul3A_64 = vector.broadcast %mul3A_63 : vector<128x1xf32> to vector<128x64xf32>
    %mul3A_65 = arith.mulf %slice3A, %mul3A_64 : vector<128x64xf32>
    %broadcast_in_dim3A_66 = arith.constant 1.000000e+00 : f32
    %broadcast_in_dim3A_67 = vector.broadcast %broadcast_in_dim3A_66 : f32 to vector<128x1xf32>
    %slice3A_68 = vector.extract_strided_slice %sub3A {offsets = [0, 0], sizes = [128, 1], strides = [1, 1]} : vector<128x3xf32> to vector<128x1xf32>
    %mul3A_69 = arith.mulf %broadcast_in_dim3A_67, %slice3A_68 : vector<128x1xf32>
    %slice3A_70 = vector.extract_strided_slice %sub3A {offsets = [0, 1], sizes = [128, 1], strides = [1, 1]} : vector<128x3xf32> to vector<128x1xf32>
    %mul3A_71 = arith.mulf %mul3A_69, %slice3A_70 : vector<128x1xf32>
    %slice3A_72 = vector.extract_strided_slice %sub3A {offsets = [0, 2], sizes = [128, 1], strides = [1, 1]} : vector<128x3xf32> to vector<128x1xf32>
    %sub3A_73 = arith.constant 1.000000e+00 : f32
    %sub3A_74 = vector.broadcast %sub3A_73 : f32 to vector<128x1xf32>
    %sub3A_75 = arith.subf %sub3A_74, %slice3A_72 : vector<128x1xf32>
    %mul3A_76 = arith.mulf %mul3A_71, %sub3A_75 : vector<128x1xf32>
    %mul3A_77 = vector.broadcast %mul3A_76 : vector<128x1xf32> to vector<128x64xf32>
    %mul3A_78 = arith.mulf %slice3A, %mul3A_77 : vector<128x64xf32>
    %broadcast_in_dim3A_79 = arith.constant 1.000000e+00 : f32
    %broadcast_in_dim3A_80 = vector.broadcast %broadcast_in_dim3A_79 : f32 to vector<128x1xf32>
    %slice3A_81 = vector.extract_strided_slice %sub3A {offsets = [0, 0], sizes = [128, 1], strides = [1, 1]} : vector<128x3xf32> to vector<128x1xf32>
    %sub3A_82 = arith.constant 1.000000e+00 : f32
    %sub3A_83 = vector.broadcast %sub3A_82 : f32 to vector<128x1xf32>
    %sub3A_84 = arith.subf %sub3A_83, %slice3A_81 : vector<128x1xf32>
    %mul3A_85 = arith.mulf %broadcast_in_dim3A_80, %sub3A_84 : vector<128x1xf32>
    %slice3A_86 = vector.extract_strided_slice %sub3A {offsets = [0, 1], sizes = [128, 1], strides = [1, 1]} : vector<128x3xf32> to vector<128x1xf32>
    %sub3A_87 = arith.constant 1.000000e+00 : f32
    %sub3A_88 = vector.broadcast %sub3A_87 : f32 to vector<128x1xf32>
    %sub3A_89 = arith.subf %sub3A_88, %slice3A_86 : vector<128x1xf32>
    %mul3A_90 = arith.mulf %mul3A_85, %sub3A_89 : vector<128x1xf32>
    %slice3A_91 = vector.extract_strided_slice %sub3A {offsets = [0, 2], sizes = [128, 1], strides = [1, 1]} : vector<128x3xf32> to vector<128x1xf32>
    %mul3A_92 = arith.mulf %mul3A_90, %slice3A_91 : vector<128x1xf32>
    %mul3A_93 = vector.broadcast %mul3A_92 : vector<128x1xf32> to vector<128x64xf32>
    %mul3A_94 = arith.mulf %slice3A, %mul3A_93 : vector<128x64xf32>
    %broadcast_in_dim3A_95 = arith.constant 1.000000e+00 : f32
    %broadcast_in_dim3A_96 = vector.broadcast %broadcast_in_dim3A_95 : f32 to vector<128x1xf32>
    %slice3A_97 = vector.extract_strided_slice %sub3A {offsets = [0, 0], sizes = [128, 1], strides = [1, 1]} : vector<128x3xf32> to vector<128x1xf32>
    %mul3A_98 = arith.mulf %broadcast_in_dim3A_96, %slice3A_97 : vector<128x1xf32>
    %slice3A_99 = vector.extract_strided_slice %sub3A {offsets = [0, 1], sizes = [128, 1], strides = [1, 1]} : vector<128x3xf32> to vector<128x1xf32>
    %sub3A_100 = arith.constant 1.000000e+00 : f32
    %sub3A_101 = vector.broadcast %sub3A_100 : f32 to vector<128x1xf32>
    %sub3A_102 = arith.subf %sub3A_101, %slice3A_99 : vector<128x1xf32>
    %mul3A_103 = arith.mulf %mul3A_98, %sub3A_102 : vector<128x1xf32>
    %slice3A_104 = vector.extract_strided_slice %sub3A {offsets = [0, 2], sizes = [128, 1], strides = [1, 1]} : vector<128x3xf32> to vector<128x1xf32>
    %mul3A_105 = arith.mulf %mul3A_103, %slice3A_104 : vector<128x1xf32>
    %mul3A_106 = vector.broadcast %mul3A_105 : vector<128x1xf32> to vector<128x64xf32>
    %mul3A_107 = arith.mulf %slice3A, %mul3A_106 : vector<128x64xf32>
    %broadcast_in_dim3A_108 = arith.constant 1.000000e+00 : f32
    %broadcast_in_dim3A_109 = vector.broadcast %broadcast_in_dim3A_108 : f32 to vector<128x1xf32>
    %slice3A_110 = vector.extract_strided_slice %sub3A {offsets = [0, 0], sizes = [128, 1], strides = [1, 1]} : vector<128x3xf32> to vector<128x1xf32>
    %sub3A_111 = arith.constant 1.000000e+00 : f32
    %sub3A_112 = vector.broadcast %sub3A_111 : f32 to vector<128x1xf32>
    %sub3A_113 = arith.subf %sub3A_112, %slice3A_110 : vector<128x1xf32>
    %mul3A_114 = arith.mulf %broadcast_in_dim3A_109, %sub3A_113 : vector<128x1xf32>
    %slice3A_115 = vector.extract_strided_slice %sub3A {offsets = [0, 1], sizes = [128, 1], strides = [1, 1]} : vector<128x3xf32> to vector<128x1xf32>
    %mul3A_116 = arith.mulf %mul3A_114, %slice3A_115 : vector<128x1xf32>
    %slice3A_117 = vector.extract_strided_slice %sub3A {offsets = [0, 2], sizes = [128, 1], strides = [1, 1]} : vector<128x3xf32> to vector<128x1xf32>
    %mul3A_118 = arith.mulf %mul3A_116, %slice3A_117 : vector<128x1xf32>
    %mul3A_119 = vector.broadcast %mul3A_118 : vector<128x1xf32> to vector<128x64xf32>
    %mul3A_120 = arith.mulf %slice3A, %mul3A_119 : vector<128x64xf32>
    %broadcast_in_dim3A_121 = arith.constant 1.000000e+00 : f32
    %broadcast_in_dim3A_122 = vector.broadcast %broadcast_in_dim3A_121 : f32 to vector<128x1xf32>
    %slice3A_123 = vector.extract_strided_slice %sub3A {offsets = [0, 0], sizes = [128, 1], strides = [1, 1]} : vector<128x3xf32> to vector<128x1xf32>
    %mul3A_124 = arith.mulf %broadcast_in_dim3A_122, %slice3A_123 : vector<128x1xf32>
    %slice3A_125 = vector.extract_strided_slice %sub3A {offsets = [0, 1], sizes = [128, 1], strides = [1, 1]} : vector<128x3xf32> to vector<128x1xf32>
    %mul3A_126 = arith.mulf %mul3A_124, %slice3A_125 : vector<128x1xf32>
    %slice3A_127 = vector.extract_strided_slice %sub3A {offsets = [0, 2], sizes = [128, 1], strides = [1, 1]} : vector<128x3xf32> to vector<128x1xf32>
    %mul3A_128 = arith.mulf %mul3A_126, %slice3A_127 : vector<128x1xf32>
    %mul3A_129 = vector.broadcast %mul3A_128 : vector<128x1xf32> to vector<128x64xf32>
    %mul3A_130 = arith.mulf %slice3A, %mul3A_129 : vector<128x64xf32>
    %concatenate3A = tpu.concatenate %mul3A_33, %mul3A_49, %mul3A_65, %mul3A_78, %mul3A_94, %mul3A_107, %mul3A_120, %mul3A_130 in 1 : vector<128x64xf32>, vector<128x64xf32>, vector<128x64xf32>, vector<128x64xf32>, vector<128x64xf32>, vector<128x64xf32>, vector<128x64xf32>, vector<128x64xf32> -> vector<128x512xf32>
    %get3A_131 = arith.constant 0 : index
    %get3A_132 = arith.constant 0 : index
    %get3A_133 = arith.constant 0 : index
    %get3A_134 = vector.load %arg5[%get3A_131, %get3A_132, %get3A_133] : memref<1x512x128xf32, #tpu.memory_space<vmem>>, vector<1x512x128xf32>
    %get3A_135 = vector.shape_cast %get3A_134 : vector<1x512x128xf32> to vector<512x128xf32>
    %dot_general3A = arith.constant dense<0.000000e+00> : vector<128x128xf32>
    %dot_general3A_136 = tpu.matmul %concatenate3A, %get3A_135, %dot_general3A {dimension_numbers = #tpu.dot_dimension_numbers<[1], [0], [0], [1], [0, 0, 1, 1], [], []>, transpose_lhs_hint = false} : vector<128x512xf32>, vector<512x128xf32>, vector<128x128xf32> -> vector<128x128xf32>
    %get3A_137 = arith.constant 0 : index
    %get3A_138 = arith.constant 0 : index
    %get3A_139 = vector.load %arg4[%get3A_137, %get3A_138] : memref<128x1xf32, #tpu.memory_space<vmem>>, vector<128x1xf32>
    %mul3A_140 = vector.broadcast %get3A_139 : vector<128x1xf32> to vector<128x128xf32>
    %mul3A_141 = arith.mulf %dot_general3A_136, %mul3A_140 : vector<128x128xf32>
    %swap3A = arith.constant 0 : index
    %swap3A_142 = arith.constant 0 : index
    %swap3A_143 = vector.load %arg6[%swap3A, %swap3A_142] : memref<128x128xf32, #tpu.memory_space<vmem>>, vector<128x128xf32>
    tpu.vector_store %arg6[%swap3A, %swap3A_142], %mul3A_141 {strides = array<i32>} : memref<128x128xf32, #tpu.memory_space<vmem>>, vector<128x128xf32>,
    return
  }
  func.func @transform_0(%arg0: i32, %arg1: memref<1320xi32, #tpu.memory_space<smem>>) -> (i32, i32) {
    %c0_i32 = arith.constant 0 : i32
    %c0_i32_0 = arith.constant 0 : i32
    return %arg0, %c0_i32 : i32, i32
  }
  func.func @transform_1(%arg0: i32, %arg1: memref<1320xi32, #tpu.memory_space<smem>>) -> (i32, i32) {
    %c0_i32 = arith.constant 0 : i32
    %c0_i32_0 = arith.constant 0 : i32
    return %arg0, %c0_i32 : i32, i32
  }
  func.func @transform_2(%arg0: i32, %arg1: memref<1320xi32, #tpu.memory_space<smem>>) -> (i32, i32) {
    %c0_i32 = arith.constant 0 : i32
    %c0_i32_0 = arith.constant 0 : i32
    return %arg0, %c0_i32 : i32, i32
  }
  func.func @transform_3(%arg0: i32, %arg1: memref<1320xi32, #tpu.memory_space<smem>>) -> (i32, i32, i32) {
    %get3A = arith.index_cast %arg0 : i32 to index
    %get3A_0 = memref.load %arg1[%get3A] : memref<1320xi32, #tpu.memory_space<smem>>
    %c0_i32 = arith.constant 0 : i32
    %c0_i32_1 = arith.constant 0 : i32
    %c0_i32_2 = arith.constant 0 : i32
    return %get3A_0, %c0_i32, %c0_i32_1 : i32, i32, i32
  }
  func.func @transform_4(%arg0: i32, %arg1: memref<1320xi32, #tpu.memory_space<smem>>) -> (i32, i32) {
    %c0_i32 = arith.constant 0 : i32
    %c0_i32_0 = arith.constant 0 : i32
    return %arg0, %c0_i32 : i32, i32
  }
}

module attributes {stable_mosaic.version = 14 : i64} {
  func.func @body(%arg0: i32, %arg1: memref<2x256x128xf32, #tpu.memory_space<vmem>>, %arg2: memref<2x256x128xf32, #tpu.memory_space<vmem>>, %arg3: memref<256x128xf32, #tpu.memory_space<vmem>>, %arg4: memref<128x128xf32, #tpu.memory_space<vmem>>, %arg5: memref<1x128xf32, #tpu.memory_space<vmem>>, %arg6: memref<256x128xf32, #tpu.memory_space<vmem>>) attributes {dimension_semantics = [#tpu.dimension_semantics<arbitrary>], iteration_bounds = array<i64: 40>, scalar_prefetch = 0 : i64, scratch_operands = 0 : i64, tpu.core_type = #tpu.core_type<tc>, window_params = [{transform_indices = @transform_0, window_bounds = array<i64: 2, 256, 128>}, {transform_indices = @transform_1, window_bounds = array<i64: 2, 256, 128>}, {transform_indices = @transform_2, window_bounds = array<i64: 256, 128>}, {pipeline_mode = #tpu.pipeline_mode<synchronous>, transform_indices = @transform_3, window_bounds = array<i64: 128, 128>}, {pipeline_mode = #tpu.pipeline_mode<synchronous>, transform_indices = @transform_4, window_bounds = array<i64: 1, 128>}, {transform_indices = @transform_5, window_bounds = array<i64: 256, 128>}]} {
    %get3A = arith.constant 0 : index
    %get3A_0 = arith.constant 0 : index
    %get3A_1 = arith.constant 0 : index
    %get3A_2 = vector.load %arg1[%get3A, %get3A_0, %get3A_1] : memref<2x256x128xf32, #tpu.memory_space<vmem>>, vector<1x256x128xf32>
    %get3A_3 = vector.shape_cast %get3A_2 : vector<1x256x128xf32> to vector<256x128xf32>
    %get3A_4 = arith.constant 1 : index
    %get3A_5 = arith.constant 0 : index
    %get3A_6 = arith.constant 0 : index
    %get3A_7 = vector.load %arg1[%get3A_4, %get3A_5, %get3A_6] : memref<2x256x128xf32, #tpu.memory_space<vmem>>, vector<1x256x128xf32>
    %get3A_8 = vector.shape_cast %get3A_7 : vector<1x256x128xf32> to vector<256x128xf32>
    %add3A = arith.addf %get3A_3, %get3A_8 : vector<256x128xf32>
    %get3A_9 = arith.constant 0 : index
    %get3A_10 = arith.constant 0 : index
    %get3A_11 = arith.constant 0 : index
    %get3A_12 = vector.load %arg2[%get3A_9, %get3A_10, %get3A_11] : memref<2x256x128xf32, #tpu.memory_space<vmem>>, vector<1x256x128xf32>
    %get3A_13 = vector.shape_cast %get3A_12 : vector<1x256x128xf32> to vector<256x128xf32>
    %get3A_14 = arith.constant 1 : index
    %get3A_15 = arith.constant 0 : index
    %get3A_16 = arith.constant 0 : index
    %get3A_17 = vector.load %arg2[%get3A_14, %get3A_15, %get3A_16] : memref<2x256x128xf32, #tpu.memory_space<vmem>>, vector<1x256x128xf32>
    %get3A_18 = vector.shape_cast %get3A_17 : vector<1x256x128xf32> to vector<256x128xf32>
    %add3A_19 = arith.addf %get3A_13, %get3A_18 : vector<256x128xf32>
    %slice3A = vector.extract_strided_slice %add3A_19 {offsets = [0, 0], sizes = [256, 1], strides = [1, 1]} : vector<256x128xf32> to vector<256x1xf32>
    %max3A = arith.constant 1.000000e+00 : f32
    %max3A_20 = vector.broadcast %max3A : f32 to vector<256x1xf32>
    %max3A_21 = arith.maximumf %slice3A, %max3A_20 : vector<256x1xf32>
    %div3A = vector.broadcast %max3A_21 : vector<256x1xf32> to vector<256x128xf32>
    %div3A_22 = arith.divf %add3A, %div3A : vector<256x128xf32>
    %get3A_23 = arith.constant 0 : index
    %get3A_24 = arith.constant 0 : index
    %get3A_25 = vector.load %arg3[%get3A_23, %get3A_24] : memref<256x128xf32, #tpu.memory_space<vmem>>, vector<256x128xf32>
    %get3A_26 = arith.constant 0 : index
    %get3A_27 = arith.constant 0 : index
    %get3A_28 = vector.load %arg4[%get3A_26, %get3A_27] : memref<128x128xf32, #tpu.memory_space<vmem>>, vector<128x128xf32>
    %dot_general3A = arith.constant dense<0.000000e+00> : vector<256x128xf32>
    %dot_general3A_29 = tpu.matmul %get3A_25, %get3A_28, %dot_general3A {dimension_numbers = #tpu.dot_dimension_numbers<[1], [0], [0], [1], [0, 0, 1, 1], [], []>, transpose_lhs_hint = false} : vector<256x128xf32>, vector<128x128xf32>, vector<256x128xf32> -> vector<256x128xf32>
    %add3A_30 = arith.addf %div3A_22, %dot_general3A_29 : vector<256x128xf32>
    %get3A_31 = arith.constant 0 : index
    %get3A_32 = arith.constant 0 : index
    %get3A_33 = vector.load %arg5[%get3A_31, %get3A_32] : memref<1x128xf32, #tpu.memory_space<vmem>>, vector<1x128xf32>
    %add3A_34 = vector.broadcast %get3A_33 : vector<1x128xf32> to vector<256x128xf32>
    %add3A_35 = arith.addf %add3A_30, %add3A_34 : vector<256x128xf32>
    %gt3A = arith.constant 0.000000e+00 : f32
    %gt3A_36 = vector.broadcast %gt3A : f32 to vector<256x128xf32>
    %gt3A_37 = arith.cmpf ogt, %add3A_35, %gt3A_36 : vector<256x128xf32>
    %exp3A = math.exp %add3A_35 : vector<256x128xf32>
    %sub3A = arith.constant 1.000000e+00 : f32
    %sub3A_38 = vector.broadcast %sub3A : f32 to vector<256x128xf32>
    %sub3A_39 = arith.subf %exp3A, %sub3A_38 : vector<256x128xf32>
    %select_n3A = arith.select %gt3A_37, %add3A_35, %sub3A_39 : vector<256x128xi1>, vector<256x128xf32>
    %swap3A = arith.constant 0 : index
    %swap3A_40 = arith.constant 0 : index
    %swap3A_41 = vector.load %arg6[%swap3A, %swap3A_40] : memref<256x128xf32, #tpu.memory_space<vmem>>, vector<256x128xf32>
    tpu.vector_store %arg6[%swap3A, %swap3A_40], %select_n3A {strides = array<i32>} : memref<256x128xf32, #tpu.memory_space<vmem>>, vector<256x128xf32>,
    return
  }
  func.func @transform_0(%arg0: i32) -> (i32, i32, i32) {
    %c0_i32 = arith.constant 0 : i32
    %c0_i32_0 = arith.constant 0 : i32
    %c0_i32_1 = arith.constant 0 : i32
    return %c0_i32, %arg0, %c0_i32_0 : i32, i32, i32
  }
  func.func @transform_1(%arg0: i32) -> (i32, i32, i32) {
    %c0_i32 = arith.constant 0 : i32
    %c0_i32_0 = arith.constant 0 : i32
    %c0_i32_1 = arith.constant 0 : i32
    return %c0_i32, %arg0, %c0_i32_0 : i32, i32, i32
  }
  func.func @transform_2(%arg0: i32) -> (i32, i32) {
    %c0_i32 = arith.constant 0 : i32
    %c0_i32_0 = arith.constant 0 : i32
    return %arg0, %c0_i32 : i32, i32
  }
  func.func @transform_3(%arg0: i32) -> (i32, i32) {
    %c0_i32 = arith.constant 0 : i32
    %c0_i32_0 = arith.constant 0 : i32
    %c0_i32_1 = arith.constant 0 : i32
    return %c0_i32, %c0_i32_0 : i32, i32
  }
  func.func @transform_4(%arg0: i32) -> (i32, i32) {
    %c0_i32 = arith.constant 0 : i32
    %c0_i32_0 = arith.constant 0 : i32
    %c0_i32_1 = arith.constant 0 : i32
    return %c0_i32, %c0_i32_0 : i32, i32
  }
  func.func @transform_5(%arg0: i32) -> (i32, i32) {
    %c0_i32 = arith.constant 0 : i32
    %c0_i32_0 = arith.constant 0 : i32
    return %arg0, %c0_i32 : i32, i32
  }
}

module attributes {stable_mosaic.version = 14 : i64} {
  func.func @body(%arg0: memref<10240x128xf32, #tpu.memory_space<vmem>>, %arg1: memref<10240x1xi32, #tpu.memory_space<vmem>>, %arg2: memref<8x128x256xf32, #tpu.memory_space<vmem>>, %arg3: memref<1x256xf32, #tpu.memory_space<vmem>>, %arg4: memref<256x128xf32, #tpu.memory_space<vmem>>, %arg5: memref<1x128xf32, #tpu.memory_space<vmem>>, %arg6: memref<1x128xf32, #tpu.memory_space<vmem>>) attributes {dimension_semantics = [], scalar_prefetch = 0 : i64, scratch_operands = 0 : i64, tpu.core_type = #tpu.core_type<tc>} {
    %get3A = arith.constant 0 : index
    %get3A_0 = arith.constant 0 : index
    %get3A_1 = vector.load %arg0[%get3A, %get3A_0] : memref<10240x128xf32, #tpu.memory_space<vmem>>, vector<10240x128xf32>
    %get3A_2 = arith.constant 0 : index
    %get3A_3 = arith.constant 0 : index
    %get3A_4 = vector.load %arg1[%get3A_2, %get3A_3] : memref<10240x1xi32, #tpu.memory_space<vmem>>, vector<10240x1xi32>
    %iota3A = tpu.iota {dimensions = array<i32: 1>} : vector<10240x8xi32>
    %eq3A = vector.broadcast %get3A_4 : vector<10240x1xi32> to vector<10240x8xi32>
    %eq3A_5 = arith.cmpi eq, %eq3A, %iota3A : vector<10240x8xi32>
    %get3A_6 = arith.constant 0 : index
    %get3A_7 = arith.constant 0 : index
    %get3A_8 = vector.load %arg3[%get3A_6, %get3A_7] : memref<1x256xf32, #tpu.memory_space<vmem>>, vector<1x256xf32>
    %slice3A = vector.extract_strided_slice %eq3A_5 {offsets = [0, 0], sizes = [10240, 1], strides = [1, 1]} : vector<10240x8xi1> to vector<10240x1xi1>
    %jit3A = arith.constant 0xFF800000 : f32
    %broadcast_in_dim3A = vector.shape_cast %slice3A : vector<10240x1xi1> to vector<10240x1xi1>
    %broadcast_in_dim3A_9 = vector.broadcast %broadcast_in_dim3A : vector<10240x1xi1> to vector<10240x128xi1>
    %broadcast_in_dim3A_10 = vector.broadcast %jit3A : f32 to vector<10240x128xf32>
    %select_n3A = arith.select %broadcast_in_dim3A_9, %get3A_1, %broadcast_in_dim3A_10 : vector<10240x128xi1>, vector<10240x128xf32>
    %reduce_max3A = arith.constant dense<0xFF800000> : vector<128xf32>
    %reduce_max3A_11 = vector.multi_reduction <maximumf>, %select_n3A, %reduce_max3A [0] : vector<10240x128xf32> to vector<128xf32>
    %broadcast_in_dim3A_12 = vector.shape_cast %reduce_max3A_11 : vector<128xf32> to vector<1x128xf32>
    %is_finite3A = tpu.weird %broadcast_in_dim3A_12 : vector<1x128xf32> -> vector<1x128xi1>
    %is_finite3A_13 = arith.constant dense<true> : vector<1x128xi1>
    %is_finite3A_14 = arith.xori %is_finite3A, %is_finite3A_13 : vector<1x128xi1>
    %jit3A_15 = arith.constant 0.000000e+00 : f32
    %broadcast_in_dim3A_16 = vector.broadcast %jit3A_15 : f32 to vector<1x128xf32>
    %select_n3A_17 = arith.select %is_finite3A_14, %broadcast_in_dim3A_12, %broadcast_in_dim3A_16 : vector<1x128xi1>, vector<1x128xf32>
    %get3A_18 = arith.constant 0 : index
    %get3A_19 = arith.constant 0 : index
    %get3A_20 = arith.constant 0 : index
    %get3A_21 = vector.load %arg2[%get3A_18, %get3A_19, %get3A_20] : memref<8x128x256xf32, #tpu.memory_space<vmem>>, vector<1x128x256xf32>
    %get3A_22 = vector.shape_cast %get3A_21 : vector<1x128x256xf32> to vector<128x256xf32>
    %dot_general3A = arith.constant dense<0.000000e+00> : vector<1x256xf32>
    %dot_general3A_23 = tpu.matmul %select_n3A_17, %get3A_22, %dot_general3A {dimension_numbers = #tpu.dot_dimension_numbers<[1], [0], [0], [1], [0, 0, 1, 1], [], []>, transpose_lhs_hint = false} : vector<1x128xf32>, vector<128x256xf32>, vector<1x256xf32> -> vector<1x256xf32>
    %add3A = arith.addf %get3A_8, %dot_general3A_23 : vector<1x256xf32>
    %slice3A_24 = vector.extract_strided_slice %eq3A_5 {offsets = [0, 1], sizes = [10240, 1], strides = [1, 1]} : vector<10240x8xi1> to vector<10240x1xi1>
    %jit3A_25 = arith.constant 0xFF800000 : f32
    %broadcast_in_dim3A_26 = vector.shape_cast %slice3A_24 : vector<10240x1xi1> to vector<10240x1xi1>
    %broadcast_in_dim3A_27 = vector.broadcast %broadcast_in_dim3A_26 : vector<10240x1xi1> to vector<10240x128xi1>
    %broadcast_in_dim3A_28 = vector.broadcast %jit3A_25 : f32 to vector<10240x128xf32>
    %select_n3A_29 = arith.select %broadcast_in_dim3A_27, %get3A_1, %broadcast_in_dim3A_28 : vector<10240x128xi1>, vector<10240x128xf32>
    %reduce_max3A_30 = arith.constant dense<0xFF800000> : vector<128xf32>
    %reduce_max3A_31 = vector.multi_reduction <maximumf>, %select_n3A_29, %reduce_max3A_30 [0] : vector<10240x128xf32> to vector<128xf32>
    %broadcast_in_dim3A_32 = vector.shape_cast %reduce_max3A_31 : vector<128xf32> to vector<1x128xf32>
    %is_finite3A_33 = tpu.weird %broadcast_in_dim3A_32 : vector<1x128xf32> -> vector<1x128xi1>
    %is_finite3A_34 = arith.constant dense<true> : vector<1x128xi1>
    %is_finite3A_35 = arith.xori %is_finite3A_33, %is_finite3A_34 : vector<1x128xi1>
    %jit3A_36 = arith.constant 0.000000e+00 : f32
    %broadcast_in_dim3A_37 = vector.broadcast %jit3A_36 : f32 to vector<1x128xf32>
    %select_n3A_38 = arith.select %is_finite3A_35, %broadcast_in_dim3A_32, %broadcast_in_dim3A_37 : vector<1x128xi1>, vector<1x128xf32>
    %get3A_39 = arith.constant 1 : index
    %get3A_40 = arith.constant 0 : index
    %get3A_41 = arith.constant 0 : index
    %get3A_42 = vector.load %arg2[%get3A_39, %get3A_40, %get3A_41] : memref<8x128x256xf32, #tpu.memory_space<vmem>>, vector<1x128x256xf32>
    %get3A_43 = vector.shape_cast %get3A_42 : vector<1x128x256xf32> to vector<128x256xf32>
    %dot_general3A_44 = arith.constant dense<0.000000e+00> : vector<1x256xf32>
    %dot_general3A_45 = tpu.matmul %select_n3A_38, %get3A_43, %dot_general3A_44 {dimension_numbers = #tpu.dot_dimension_numbers<[1], [0], [0], [1], [0, 0, 1, 1], [], []>, transpose_lhs_hint = false} : vector<1x128xf32>, vector<128x256xf32>, vector<1x256xf32> -> vector<1x256xf32>
    %add3A_46 = arith.addf %add3A, %dot_general3A_45 : vector<1x256xf32>
    %slice3A_47 = vector.extract_strided_slice %eq3A_5 {offsets = [0, 2], sizes = [10240, 1], strides = [1, 1]} : vector<10240x8xi1> to vector<10240x1xi1>
    %jit3A_48 = arith.constant 0xFF800000 : f32
    %broadcast_in_dim3A_49 = vector.shape_cast %slice3A_47 : vector<10240x1xi1> to vector<10240x1xi1>
    %broadcast_in_dim3A_50 = vector.broadcast %broadcast_in_dim3A_49 : vector<10240x1xi1> to vector<10240x128xi1>
    %broadcast_in_dim3A_51 = vector.broadcast %jit3A_48 : f32 to vector<10240x128xf32>
    %select_n3A_52 = arith.select %broadcast_in_dim3A_50, %get3A_1, %broadcast_in_dim3A_51 : vector<10240x128xi1>, vector<10240x128xf32>
    %reduce_max3A_53 = arith.constant dense<0xFF800000> : vector<128xf32>
    %reduce_max3A_54 = vector.multi_reduction <maximumf>, %select_n3A_52, %reduce_max3A_53 [0] : vector<10240x128xf32> to vector<128xf32>
    %broadcast_in_dim3A_55 = vector.shape_cast %reduce_max3A_54 : vector<128xf32> to vector<1x128xf32>
    %is_finite3A_56 = tpu.weird %broadcast_in_dim3A_55 : vector<1x128xf32> -> vector<1x128xi1>
    %is_finite3A_57 = arith.constant dense<true> : vector<1x128xi1>
    %is_finite3A_58 = arith.xori %is_finite3A_56, %is_finite3A_57 : vector<1x128xi1>
    %jit3A_59 = arith.constant 0.000000e+00 : f32
    %broadcast_in_dim3A_60 = vector.broadcast %jit3A_59 : f32 to vector<1x128xf32>
    %select_n3A_61 = arith.select %is_finite3A_58, %broadcast_in_dim3A_55, %broadcast_in_dim3A_60 : vector<1x128xi1>, vector<1x128xf32>
    %get3A_62 = arith.constant 2 : index
    %get3A_63 = arith.constant 0 : index
    %get3A_64 = arith.constant 0 : index
    %get3A_65 = vector.load %arg2[%get3A_62, %get3A_63, %get3A_64] : memref<8x128x256xf32, #tpu.memory_space<vmem>>, vector<1x128x256xf32>
    %get3A_66 = vector.shape_cast %get3A_65 : vector<1x128x256xf32> to vector<128x256xf32>
    %dot_general3A_67 = arith.constant dense<0.000000e+00> : vector<1x256xf32>
    %dot_general3A_68 = tpu.matmul %select_n3A_61, %get3A_66, %dot_general3A_67 {dimension_numbers = #tpu.dot_dimension_numbers<[1], [0], [0], [1], [0, 0, 1, 1], [], []>, transpose_lhs_hint = false} : vector<1x128xf32>, vector<128x256xf32>, vector<1x256xf32> -> vector<1x256xf32>
    %add3A_69 = arith.addf %add3A_46, %dot_general3A_68 : vector<1x256xf32>
    %slice3A_70 = vector.extract_strided_slice %eq3A_5 {offsets = [0, 3], sizes = [10240, 1], strides = [1, 1]} : vector<10240x8xi1> to vector<10240x1xi1>
    %jit3A_71 = arith.constant 0xFF800000 : f32
    %broadcast_in_dim3A_72 = vector.shape_cast %slice3A_70 : vector<10240x1xi1> to vector<10240x1xi1>
    %broadcast_in_dim3A_73 = vector.broadcast %broadcast_in_dim3A_72 : vector<10240x1xi1> to vector<10240x128xi1>
    %broadcast_in_dim3A_74 = vector.broadcast %jit3A_71 : f32 to vector<10240x128xf32>
    %select_n3A_75 = arith.select %broadcast_in_dim3A_73, %get3A_1, %broadcast_in_dim3A_74 : vector<10240x128xi1>, vector<10240x128xf32>
    %reduce_max3A_76 = arith.constant dense<0xFF800000> : vector<128xf32>
    %reduce_max3A_77 = vector.multi_reduction <maximumf>, %select_n3A_75, %reduce_max3A_76 [0] : vector<10240x128xf32> to vector<128xf32>
    %broadcast_in_dim3A_78 = vector.shape_cast %reduce_max3A_77 : vector<128xf32> to vector<1x128xf32>
    %is_finite3A_79 = tpu.weird %broadcast_in_dim3A_78 : vector<1x128xf32> -> vector<1x128xi1>
    %is_finite3A_80 = arith.constant dense<true> : vector<1x128xi1>
    %is_finite3A_81 = arith.xori %is_finite3A_79, %is_finite3A_80 : vector<1x128xi1>
    %jit3A_82 = arith.constant 0.000000e+00 : f32
    %broadcast_in_dim3A_83 = vector.broadcast %jit3A_82 : f32 to vector<1x128xf32>
    %select_n3A_84 = arith.select %is_finite3A_81, %broadcast_in_dim3A_78, %broadcast_in_dim3A_83 : vector<1x128xi1>, vector<1x128xf32>
    %get3A_85 = arith.constant 3 : index
    %get3A_86 = arith.constant 0 : index
    %get3A_87 = arith.constant 0 : index
    %get3A_88 = vector.load %arg2[%get3A_85, %get3A_86, %get3A_87] : memref<8x128x256xf32, #tpu.memory_space<vmem>>, vector<1x128x256xf32>
    %get3A_89 = vector.shape_cast %get3A_88 : vector<1x128x256xf32> to vector<128x256xf32>
    %dot_general3A_90 = arith.constant dense<0.000000e+00> : vector<1x256xf32>
    %dot_general3A_91 = tpu.matmul %select_n3A_84, %get3A_89, %dot_general3A_90 {dimension_numbers = #tpu.dot_dimension_numbers<[1], [0], [0], [1], [0, 0, 1, 1], [], []>, transpose_lhs_hint = false} : vector<1x128xf32>, vector<128x256xf32>, vector<1x256xf32> -> vector<1x256xf32>
    %add3A_92 = arith.addf %add3A_69, %dot_general3A_91 : vector<1x256xf32>
    %slice3A_93 = vector.extract_strided_slice %eq3A_5 {offsets = [0, 4], sizes = [10240, 1], strides = [1, 1]} : vector<10240x8xi1> to vector<10240x1xi1>
    %jit3A_94 = arith.constant 0xFF800000 : f32
    %broadcast_in_dim3A_95 = vector.shape_cast %slice3A_93 : vector<10240x1xi1> to vector<10240x1xi1>
    %broadcast_in_dim3A_96 = vector.broadcast %broadcast_in_dim3A_95 : vector<10240x1xi1> to vector<10240x128xi1>
    %broadcast_in_dim3A_97 = vector.broadcast %jit3A_94 : f32 to vector<10240x128xf32>
    %select_n3A_98 = arith.select %broadcast_in_dim3A_96, %get3A_1, %broadcast_in_dim3A_97 : vector<10240x128xi1>, vector<10240x128xf32>
    %reduce_max3A_99 = arith.constant dense<0xFF800000> : vector<128xf32>
    %reduce_max3A_100 = vector.multi_reduction <maximumf>, %select_n3A_98, %reduce_max3A_99 [0] : vector<10240x128xf32> to vector<128xf32>
    %broadcast_in_dim3A_101 = vector.shape_cast %reduce_max3A_100 : vector<128xf32> to vector<1x128xf32>
    %is_finite3A_102 = tpu.weird %broadcast_in_dim3A_101 : vector<1x128xf32> -> vector<1x128xi1>
    %is_finite3A_103 = arith.constant dense<true> : vector<1x128xi1>
    %is_finite3A_104 = arith.xori %is_finite3A_102, %is_finite3A_103 : vector<1x128xi1>
    %jit3A_105 = arith.constant 0.000000e+00 : f32
    %broadcast_in_dim3A_106 = vector.broadcast %jit3A_105 : f32 to vector<1x128xf32>
    %select_n3A_107 = arith.select %is_finite3A_104, %broadcast_in_dim3A_101, %broadcast_in_dim3A_106 : vector<1x128xi1>, vector<1x128xf32>
    %get3A_108 = arith.constant 4 : index
    %get3A_109 = arith.constant 0 : index
    %get3A_110 = arith.constant 0 : index
    %get3A_111 = vector.load %arg2[%get3A_108, %get3A_109, %get3A_110] : memref<8x128x256xf32, #tpu.memory_space<vmem>>, vector<1x128x256xf32>
    %get3A_112 = vector.shape_cast %get3A_111 : vector<1x128x256xf32> to vector<128x256xf32>
    %dot_general3A_113 = arith.constant dense<0.000000e+00> : vector<1x256xf32>
    %dot_general3A_114 = tpu.matmul %select_n3A_107, %get3A_112, %dot_general3A_113 {dimension_numbers = #tpu.dot_dimension_numbers<[1], [0], [0], [1], [0, 0, 1, 1], [], []>, transpose_lhs_hint = false} : vector<1x128xf32>, vector<128x256xf32>, vector<1x256xf32> -> vector<1x256xf32>
    %add3A_115 = arith.addf %add3A_92, %dot_general3A_114 : vector<1x256xf32>
    %slice3A_116 = vector.extract_strided_slice %eq3A_5 {offsets = [0, 5], sizes = [10240, 1], strides = [1, 1]} : vector<10240x8xi1> to vector<10240x1xi1>
    %jit3A_117 = arith.constant 0xFF800000 : f32
    %broadcast_in_dim3A_118 = vector.shape_cast %slice3A_116 : vector<10240x1xi1> to vector<10240x1xi1>
    %broadcast_in_dim3A_119 = vector.broadcast %broadcast_in_dim3A_118 : vector<10240x1xi1> to vector<10240x128xi1>
    %broadcast_in_dim3A_120 = vector.broadcast %jit3A_117 : f32 to vector<10240x128xf32>
    %select_n3A_121 = arith.select %broadcast_in_dim3A_119, %get3A_1, %broadcast_in_dim3A_120 : vector<10240x128xi1>, vector<10240x128xf32>
    %reduce_max3A_122 = arith.constant dense<0xFF800000> : vector<128xf32>
    %reduce_max3A_123 = vector.multi_reduction <maximumf>, %select_n3A_121, %reduce_max3A_122 [0] : vector<10240x128xf32> to vector<128xf32>
    %broadcast_in_dim3A_124 = vector.shape_cast %reduce_max3A_123 : vector<128xf32> to vector<1x128xf32>
    %is_finite3A_125 = tpu.weird %broadcast_in_dim3A_124 : vector<1x128xf32> -> vector<1x128xi1>
    %is_finite3A_126 = arith.constant dense<true> : vector<1x128xi1>
    %is_finite3A_127 = arith.xori %is_finite3A_125, %is_finite3A_126 : vector<1x128xi1>
    %jit3A_128 = arith.constant 0.000000e+00 : f32
    %broadcast_in_dim3A_129 = vector.broadcast %jit3A_128 : f32 to vector<1x128xf32>
    %select_n3A_130 = arith.select %is_finite3A_127, %broadcast_in_dim3A_124, %broadcast_in_dim3A_129 : vector<1x128xi1>, vector<1x128xf32>
    %get3A_131 = arith.constant 5 : index
    %get3A_132 = arith.constant 0 : index
    %get3A_133 = arith.constant 0 : index
    %get3A_134 = vector.load %arg2[%get3A_131, %get3A_132, %get3A_133] : memref<8x128x256xf32, #tpu.memory_space<vmem>>, vector<1x128x256xf32>
    %get3A_135 = vector.shape_cast %get3A_134 : vector<1x128x256xf32> to vector<128x256xf32>
    %dot_general3A_136 = arith.constant dense<0.000000e+00> : vector<1x256xf32>
    %dot_general3A_137 = tpu.matmul %select_n3A_130, %get3A_135, %dot_general3A_136 {dimension_numbers = #tpu.dot_dimension_numbers<[1], [0], [0], [1], [0, 0, 1, 1], [], []>, transpose_lhs_hint = false} : vector<1x128xf32>, vector<128x256xf32>, vector<1x256xf32> -> vector<1x256xf32>
    %add3A_138 = arith.addf %add3A_115, %dot_general3A_137 : vector<1x256xf32>
    %slice3A_139 = vector.extract_strided_slice %eq3A_5 {offsets = [0, 6], sizes = [10240, 1], strides = [1, 1]} : vector<10240x8xi1> to vector<10240x1xi1>
    %jit3A_140 = arith.constant 0xFF800000 : f32
    %broadcast_in_dim3A_141 = vector.shape_cast %slice3A_139 : vector<10240x1xi1> to vector<10240x1xi1>
    %broadcast_in_dim3A_142 = vector.broadcast %broadcast_in_dim3A_141 : vector<10240x1xi1> to vector<10240x128xi1>
    %broadcast_in_dim3A_143 = vector.broadcast %jit3A_140 : f32 to vector<10240x128xf32>
    %select_n3A_144 = arith.select %broadcast_in_dim3A_142, %get3A_1, %broadcast_in_dim3A_143 : vector<10240x128xi1>, vector<10240x128xf32>
    %reduce_max3A_145 = arith.constant dense<0xFF800000> : vector<128xf32>
    %reduce_max3A_146 = vector.multi_reduction <maximumf>, %select_n3A_144, %reduce_max3A_145 [0] : vector<10240x128xf32> to vector<128xf32>
    %broadcast_in_dim3A_147 = vector.shape_cast %reduce_max3A_146 : vector<128xf32> to vector<1x128xf32>
    %is_finite3A_148 = tpu.weird %broadcast_in_dim3A_147 : vector<1x128xf32> -> vector<1x128xi1>
    %is_finite3A_149 = arith.constant dense<true> : vector<1x128xi1>
    %is_finite3A_150 = arith.xori %is_finite3A_148, %is_finite3A_149 : vector<1x128xi1>
    %jit3A_151 = arith.constant 0.000000e+00 : f32
    %broadcast_in_dim3A_152 = vector.broadcast %jit3A_151 : f32 to vector<1x128xf32>
    %select_n3A_153 = arith.select %is_finite3A_150, %broadcast_in_dim3A_147, %broadcast_in_dim3A_152 : vector<1x128xi1>, vector<1x128xf32>
    %get3A_154 = arith.constant 6 : index
    %get3A_155 = arith.constant 0 : index
    %get3A_156 = arith.constant 0 : index
    %get3A_157 = vector.load %arg2[%get3A_154, %get3A_155, %get3A_156] : memref<8x128x256xf32, #tpu.memory_space<vmem>>, vector<1x128x256xf32>
    %get3A_158 = vector.shape_cast %get3A_157 : vector<1x128x256xf32> to vector<128x256xf32>
    %dot_general3A_159 = arith.constant dense<0.000000e+00> : vector<1x256xf32>
    %dot_general3A_160 = tpu.matmul %select_n3A_153, %get3A_158, %dot_general3A_159 {dimension_numbers = #tpu.dot_dimension_numbers<[1], [0], [0], [1], [0, 0, 1, 1], [], []>, transpose_lhs_hint = false} : vector<1x128xf32>, vector<128x256xf32>, vector<1x256xf32> -> vector<1x256xf32>
    %add3A_161 = arith.addf %add3A_138, %dot_general3A_160 : vector<1x256xf32>
    %slice3A_162 = vector.extract_strided_slice %eq3A_5 {offsets = [0, 7], sizes = [10240, 1], strides = [1, 1]} : vector<10240x8xi1> to vector<10240x1xi1>
    %jit3A_163 = arith.constant 0xFF800000 : f32
    %broadcast_in_dim3A_164 = vector.shape_cast %slice3A_162 : vector<10240x1xi1> to vector<10240x1xi1>
    %broadcast_in_dim3A_165 = vector.broadcast %broadcast_in_dim3A_164 : vector<10240x1xi1> to vector<10240x128xi1>
    %broadcast_in_dim3A_166 = vector.broadcast %jit3A_163 : f32 to vector<10240x128xf32>
    %select_n3A_167 = arith.select %broadcast_in_dim3A_165, %get3A_1, %broadcast_in_dim3A_166 : vector<10240x128xi1>, vector<10240x128xf32>
    %reduce_max3A_168 = arith.constant dense<0xFF800000> : vector<128xf32>
    %reduce_max3A_169 = vector.multi_reduction <maximumf>, %select_n3A_167, %reduce_max3A_168 [0] : vector<10240x128xf32> to vector<128xf32>
    %broadcast_in_dim3A_170 = vector.shape_cast %reduce_max3A_169 : vector<128xf32> to vector<1x128xf32>
    %is_finite3A_171 = tpu.weird %broadcast_in_dim3A_170 : vector<1x128xf32> -> vector<1x128xi1>
    %is_finite3A_172 = arith.constant dense<true> : vector<1x128xi1>
    %is_finite3A_173 = arith.xori %is_finite3A_171, %is_finite3A_172 : vector<1x128xi1>
    %jit3A_174 = arith.constant 0.000000e+00 : f32
    %broadcast_in_dim3A_175 = vector.broadcast %jit3A_174 : f32 to vector<1x128xf32>
    %select_n3A_176 = arith.select %is_finite3A_173, %broadcast_in_dim3A_170, %broadcast_in_dim3A_175 : vector<1x128xi1>, vector<1x128xf32>
    %get3A_177 = arith.constant 7 : index
    %get3A_178 = arith.constant 0 : index
    %get3A_179 = arith.constant 0 : index
    %get3A_180 = vector.load %arg2[%get3A_177, %get3A_178, %get3A_179] : memref<8x128x256xf32, #tpu.memory_space<vmem>>, vector<1x128x256xf32>
    %get3A_181 = vector.shape_cast %get3A_180 : vector<1x128x256xf32> to vector<128x256xf32>
    %dot_general3A_182 = arith.constant dense<0.000000e+00> : vector<1x256xf32>
    %dot_general3A_183 = tpu.matmul %select_n3A_176, %get3A_181, %dot_general3A_182 {dimension_numbers = #tpu.dot_dimension_numbers<[1], [0], [0], [1], [0, 0, 1, 1], [], []>, transpose_lhs_hint = false} : vector<1x128xf32>, vector<128x256xf32>, vector<1x256xf32> -> vector<1x256xf32>
    %add3A_184 = arith.addf %add3A_161, %dot_general3A_183 : vector<1x256xf32>
    %gt3A = arith.constant 0.000000e+00 : f32
    %gt3A_185 = vector.broadcast %gt3A : f32 to vector<1x256xf32>
    %gt3A_186 = arith.cmpf ogt, %add3A_184, %gt3A_185 : vector<1x256xf32>
    %exp3A = math.exp %add3A_184 : vector<1x256xf32>
    %sub3A = arith.constant 1.000000e+00 : f32
    %sub3A_187 = vector.broadcast %sub3A : f32 to vector<1x256xf32>
    %sub3A_188 = arith.subf %exp3A, %sub3A_187 : vector<1x256xf32>
    %select_n3A_189 = arith.select %gt3A_186, %add3A_184, %sub3A_188 : vector<1x256xi1>, vector<1x256xf32>
    %get3A_190 = arith.constant 0 : index
    %get3A_191 = arith.constant 0 : index
    %get3A_192 = vector.load %arg4[%get3A_190, %get3A_191] : memref<256x128xf32, #tpu.memory_space<vmem>>, vector<256x128xf32>
    %dot_general3A_193 = arith.constant dense<0.000000e+00> : vector<1x128xf32>
    %dot_general3A_194 = tpu.matmul %select_n3A_189, %get3A_192, %dot_general3A_193 {dimension_numbers = #tpu.dot_dimension_numbers<[1], [0], [0], [1], [0, 0, 1, 1], [], []>, transpose_lhs_hint = false} : vector<1x256xf32>, vector<256x128xf32>, vector<1x128xf32> -> vector<1x128xf32>
    %get3A_195 = arith.constant 0 : index
    %get3A_196 = arith.constant 0 : index
    %get3A_197 = vector.load %arg5[%get3A_195, %get3A_196] : memref<1x128xf32, #tpu.memory_space<vmem>>, vector<1x128xf32>
    %add3A_198 = arith.addf %dot_general3A_194, %get3A_197 : vector<1x128xf32>
    %iota3A_199 = tpu.iota {dimensions = array<i32: 1>} : vector<1x128xi32>
    %lt3A = arith.constant 10 : i32
    %lt3A_200 = vector.broadcast %lt3A : i32 to vector<1x128xi32>
    %lt3A_201 = arith.cmpi slt, %iota3A_199, %lt3A_200 : vector<1x128xi32>
    %jit3A_202 = arith.constant 0xFF800000 : f32
    %broadcast_in_dim3A_203 = vector.broadcast %jit3A_202 : f32 to vector<1x128xf32>
    %select_n3A_204 = arith.select %lt3A_201, %add3A_198, %broadcast_in_dim3A_203 : vector<1x128xi1>, vector<1x128xf32>
    %reduce_max3A_205 = vector.shape_cast %select_n3A_204 : vector<1x128xf32> to vector<1x1x128xf32>
    %reduce_max3A_206 = arith.constant dense<0xFF800000> : vector<1xf32>
    %reduce_max3A_207 = vector.multi_reduction <maximumf>, %reduce_max3A_205, %reduce_max3A_206 [1, 2] : vector<1x1x128xf32> to vector<1xf32>
    %reduce_max3A_208 = vector.shape_cast %reduce_max3A_207 : vector<1xf32> to vector<1x1x1xf32>
    %reduce_max3A_209 = vector.extract %reduce_max3A_208[0, 0, 0] : f32 from vector<1x1x1xf32>
    %sub3A_210 = vector.broadcast %reduce_max3A_209 : f32 to vector<1x128xf32>
    %sub3A_211 = arith.subf %add3A_198, %sub3A_210 : vector<1x128xf32>
    %exp3A_212 = math.exp %sub3A_211 : vector<1x128xf32>
    %jit3A_213 = arith.constant 0.000000e+00 : f32
    %broadcast_in_dim3A_214 = vector.broadcast %jit3A_213 : f32 to vector<1x128xf32>
    %select_n3A_215 = arith.select %lt3A_201, %exp3A_212, %broadcast_in_dim3A_214 : vector<1x128xi1>, vector<1x128xf32>
    %reduce_sum3A = vector.shape_cast %select_n3A_215 : vector<1x128xf32> to vector<1x1x128xf32>
    %reduce_sum3A_216 = arith.constant dense<0.000000e+00> : vector<1xf32>
    %reduce_sum3A_217 = vector.multi_reduction <add>, %reduce_sum3A, %reduce_sum3A_216 [1, 2] : vector<1x1x128xf32> to vector<1xf32>
    %reduce_sum3A_218 = vector.shape_cast %reduce_sum3A_217 : vector<1xf32> to vector<1x1x1xf32>
    %reduce_sum3A_219 = vector.extract %reduce_sum3A_218[0, 0, 0] : f32 from vector<1x1x1xf32>
    %log3A = math.log %reduce_sum3A_219 : f32
    %add3A_220 = arith.addf %log3A, %reduce_max3A_209 : f32
    %sub3A_221 = vector.broadcast %add3A_220 : f32 to vector<1x128xf32>
    %sub3A_222 = arith.subf %add3A_198, %sub3A_221 : vector<1x128xf32>
    %swap3A = arith.constant 0 : index
    %swap3A_223 = arith.constant 0 : index
    %swap3A_224 = vector.load %arg6[%swap3A, %swap3A_223] : memref<1x128xf32, #tpu.memory_space<vmem>>, vector<1x128xf32>
    tpu.vector_store %arg6[%swap3A, %swap3A_223], %sub3A_222 {strides = array<i32>} : memref<1x128xf32, #tpu.memory_space<vmem>>, vector<1x128xf32>,
    return
  }
}

</mosaic_0001>

<sc_bundles>
// kernel: gather_offload_async_start.1
scs
__scs_entry_jumppad:
0x0: {  	(pc) =	sbr.rel $0x88, $3  }
0x1: {  	(tag) =	ssettag $0x0;
	lr =	simm.s32 $0x1  }
0x2: {  	[smem:$0x3F8D] =	sst lr;
	_ =	strace $0xD0000000  }
0x3: {  	_ = 	snop  }
0x4: {  	_ = 	snop  }
0x5: {  	_ = 	snop  }
0x6: {  	_ = 	snop  }
0x7: {  	_ = 	snop  }
__scs_overlays_trampoline_lowered:
0x8: {  	[smem:$0x3F9C] =	sst s0  }
0x9: {  	[smem:$0x3F9D] =	sst s1  }
0xa: {  	[smem:$0x3F9E] =	sst s2  }
0xb: {  	[smem:$0x3F9F] =	sst s3  }
0xc: {  	[smem:$0x3FA0] =	sst s4  }
0xd: {  	[smem:$0x3FA1] =	sst s5  }
0xe: {  	[smem:$0x3FA2] =	sst s6  }
0xf: {  	[smem:$0x3FA3] =	sst s7  }
0x10: {  	[smem:$0x3FA4] =	sst s8  }
0x11: {  	[smem:$0x3FA5] =	sst s9;
	s0 =	simm.s32 @!p0 $0x0  }
0x12: {  	s1 =	sld [smem:$0x3F8B];
	s0 =	simm.s32 @p0 $0x1  }
0x13: {  	[smem:$0x3FA6] =	sst s0;
	s0 =	simm.s32 @!p1 $0x0  }
0x14: {  	s2 =	sld [smem:$0x3F8A];
	s0 =	simm.s32 @p1 $0x1  }
0x15: {  	[smem:$0x3FA7] =	sst s0;
	s0 =	simm.s32 @!p2 $0x0  }
0x16: {  	s3 =	sld [smem:$0x3FDB];
	s0 =	simm.s32 @p2 $0x1  }
0x17: {  	s4 =	simm.s32 $0x1BF5;
	[smem:$0x3FA9] =	sst s0  }
0x18: {  	s0 =	sld [smem:$0x3F8C];
	_ =	swait.ge [sflag:s4], $0x0  }
0x19: {  	s7 =	sld [smem:$0x3F8D]  }
0x1a: {  	s8 =	sadd.s32 $0xFFFFE003, lr  }
0x1b: {  	s9 =	sadd.s32 $0xFFFFFEF7, lr;
	s5 =	simm.s32 $0xFFFFFFFF;
	p2 =	slt.u32 s8, $0xFFFFF086  }
0x1c: {  	p1 =	slt.u32 s9, $0xF7A;
	s5 =	simm.s32 @!p2 $0x0  }
0x1d: {  	s5 =	simm.s32 @p1 $0x1;
	p0 =	seq.s32 s7, s2  }
0x1e: {  	s7 =	smul.u32 @!p0 $0xF7A, s2;
	p2 =	seq.s32 @!p0 s5, $0x0  }
0x1f: {  	s9 =	smul.u32 $0xF7A, s1;
	s8 =	simm.s32 @!p0 $0x1BF5;
	p2 =	por !p2, p0  }
0x20: {  	[sflag:s8] =	ssyncset.s32 @!p0 $0xFFFFF086;
	s6 =	sadd.s32 @!p0 s3, s7;
	s7 =	simm.s32 @!p0 $0x108  }
0x21: {  	s3 =	sadd.s32 s3, s9;
	s6 =	sadd.s32 @!p0 $0x88, s6;
	s7 =	simm.s32 @p2 $0x1082  }
0x22: {  	[simem:s7], [sflag:s8] =	dma.local @!p0 [hbm:s6], $0xF7A  }
0x23: {  	s9 =	sor.u32 $0xD0000000, s2;
	s6 =	simm.s32 $0x108;
	_ =	swait.ge @!p0 [sflag:s8], $0x0  }
0x24: {  	s3 =	sadd.s32 $0x88, s3;
	s6 =	simm.s32 @!p1 $0x1082;
	[sflag:s4] =	ssyncset.s32 $0xFFFFF086  }
0x25: {  	[simem:s6], [sflag:s4] =	dma.local [hbm:s3], $0xF7A  }
0x26: {  	[smem:$0x3F8D] =	sst s1;
	(tag) =	ssettag s2;
	_ =	strace s9  }
0x27: {  	s1 =	sld [smem:$0x3F9D]  }
0x28: {  	s2 =	sld [smem:$0x3F9E]  }
0x29: {  	s4 =	sld [smem:$0x3FA0]  }
0x2a: {  	p0 =	seq.s32 s5, $0x0;
	s5 =	sld [smem:$0x3FA1]  }
0x2b: {  	s6 =	sld [smem:$0x3FA2]  }
0x2c: {  	s7 =	sld [smem:$0x3FA3]  }
0x2d: {  	s3 =	simm.s32 $0x108;
	s8 =	sld [smem:$0x3FA4]  }
0x2e: {  	s3 =	simm.s32 @!p0 $0x1082;
	s9 =	sld [smem:$0x3FA5]  }
0x2f: {  	lr =	sadd.s32 s0, s3;
	s0 =	sld [smem:$0x3F9C]  }
0x30: {  	s3 =	sld [smem:$0x3F9F]  }
0x31: {  	[smem:$0x3FA8] =	sst s10  }
0x32: {  	s10 =	sld [smem:$0x3FA6];
	_ =	sdelay $0x3  }
0x33: {  	p0 =	seq.s32 s10, $0x1;
	s10 =	sld [smem:$0x3FA8];
	_ =	sdelay $0x3  }
0x34: {  	[smem:$0x3FA8] =	sst s10  }
0x35: {  	s10 =	sld [smem:$0x3FA7];
	_ =	sdelay $0x3  }
0x36: {  	p1 =	seq.s32 s10, $0x1;
	s10 =	sld [smem:$0x3FA8];
	_ =	sdelay $0x3  }
0x37: {  	[smem:$0x3FA8] =	sst s10  }
0x38: {  	s10 =	sld [smem:$0x3FA9]  }
0x39: {  	_ = 	snop;
	(pc) =	sbr.ind lr, $3  }
0x3a: {  	_ = 	snop  }
0x3b: {  	_ = 	snop  }
0x3c: {  	p2 =	seq.s32 s10, $0x1;
	s10 =	sld [smem:$0x3FA8]  }
0x3d: {  	_ =	shalt  }
0x3e: {  	_ =	shalt  }
0x3f: {  	_ =	shalt  }
0x40: {  	_ =	shalt  }
0x41: {  	_ =	shalt  }
0x42: {  	_ =	shalt  }
0x43: {  	_ =	shalt  }
0x44: {  	_ =	shalt  }
0x45: {  	_ =	shalt  }
0x46: {  	_ =	shalt  }
0x47: {  	_ =	shalt  }
0x48: {  	_ =	shalt  }
0x49: {  	_ =	shalt  }
0x4a: {  	_ =	shalt  }
0x4b: {  	_ =	shalt  }
0x4c: {  	_ =	shalt  }
0x4d: {  	_ =	shalt  }
0x4e: {  	_ =	shalt  }
0x4f: {  	_ =	shalt  }
0x50: {  	_ =	shalt  }
0x51: {  	_ =	shalt  }
0x52: {  	_ =	shalt  }
0x53: {  	_ =	shalt  }
0x54: {  	_ =	shalt  }
0x55: {  	_ =	shalt  }
0x56: {  	_ =	shalt  }
0x57: {  	_ =	shalt  }
0x58: {  	_ =	shalt  }
0x59: {  	_ =	shalt  }
0x5a: {  	_ =	shalt  }
0x5b: {  	_ =	shalt  }
0x5c: {  	_ =	shalt  }
0x5d: {  	_ =	shalt  }
0x5e: {  	_ =	shalt  }
0x5f: {  	_ =	shalt  }
0x60: {  	_ =	shalt  }
0x61: {  	_ =	shalt  }
0x62: {  	_ =	shalt  }
0x63: {  	_ =	shalt  }
0x64: {  	_ =	shalt  }
0x65: {  	_ =	shalt  }
0x66: {  	_ =	shalt  }
0x67: {  	_ =	shalt  }
0x68: {  	_ =	shalt  }
0x69: {  	_ =	shalt  }
0x6a: {  	_ =	shalt  }
0x6b: {  	_ =	shalt  }
0x6c: {  	_ =	shalt  }
0x6d: {  	_ =	shalt  }
0x6e: {  	_ =	shalt  }
0x6f: {  	_ =	shalt  }
0x70: {  	_ =	shalt  }
0x71: {  	_ =	shalt  }
0x72: {  	_ =	shalt  }
0x73: {  	_ =	shalt  }
0x74: {  	_ =	shalt  }
0x75: {  	_ =	shalt  }
0x76: {  	_ =	shalt  }
0x77: {  	_ =	shalt  }
0x78: {  	_ =	shalt  }
0x79: {  	_ =	shalt  }
0x7a: {  	_ =	shalt  }
0x7b: {  	_ =	shalt  }
0x7c: {  	_ =	shalt  }
0x7d: {  	_ =	shalt  }
0x7e: {  	_ =	shalt  }
0x7f: {  	_ =	shalt  }
0x80: {  	_ =	shalt  }
0x81: {  	_ =	shalt  }
0x82: {  	_ =	shalt  }
0x83: {  	_ =	shalt  }
0x84: {  	_ =	shalt  }
0x85: {  	_ =	shalt  }
0x86: {  	_ =	shalt  }
0x87: {  	_ =	shalt  }
.Lfunc_end0:
.L_simem_size_0:
called_computation.3_lowered:
.L_overlay_start_0:
0x88: {  	s2 =	sld [smem:$0x3FD9]  }
0x89: {  	s3 =	sld [smem:$0x3FFE];
	_ =	sdelay $0x1  }
0x8a: {  	s1 =	srdreg.scid  }
0x8b: {  	s0 =	sand.u32 $0x1, s1  }
0x8c: {  	s16 =	sshll.u32 s0, $0xA;
	s2 =	sadd.s32 s3, s2  }
0x8d: {  	s2 =	sadd.s32 s2, s16  }
0x8e: {  	[smem:$0x3FB4] =	sst s2  }
0x8f: {  	_ = 	snop  }
0x90: {  	(tm) =	ssettm $0x1  }
0x91: {  	s17 =	sld [smem:$0x3FFB];
	_ =	sdelay $0x3  }
0x92: {  	_ =	strace s17  }
0x93: {  	s2 =	sld [smem:$0x3FFC];
	_ =	sdelay $0x3  }
0x94: {  	_ =	strace s2  }
0x95: {  	s2 =	sld [smem:$0x3FFD];
	_ =	sdelay $0x3  }
0x96: {  	_ =	strace s2  }
0x97: {  	_ =	strace $0x8FFFFFFF  }
0x98: {  	s18 =	sld [smem:$0x3FDB];
	_ =	sdelay $0x1  }
0x99: {  	s19 =	simm.s32 $_scs_section_size  }
0x9a: {  	s4 =	simm.s32 $_size__tile_overlayer_lowered;
	s5 =	simm.s32 $_tile_overlayer_lowered  }
0x9b: {  	s22 =	simm.s32 $0x1BFF;
	s21 =	sshll.u32 s5, $0x1;
	s2 =	sadd.s32 s19, s18  }
0x9c: {  	s6 =	simm.s32 $0x0;
	s20 =	sshll.u32 s4, $0x1;
	s4 =	sadd.s32 s21, s2  }
0x9d: {  	[timem:s6], [sflag:s22] =	dma.local [hbm:s4], s20  }
0x9e: {  	_ =	swait.ge [sflag:s22], s20  }
0x9f: {  	s3 =	ssub.s32 $0x0, s20;
	[sflag:s22] =	ssyncset.done $0x0  }
0xa0: {  	[sflag:s22] =	ssyncadd.s32 s3;
	_ =	sdelay $0x1  }
0xa1: {  	s23 =	simm.s32 $0x1B8B  }
0xa2: {  	_ =	swait.ge [sflag:s23], $0x1  }
0xa3: {  	[sflag:s23] =	ssyncset.done $0x0  }
0xa4: {  	s25 =	simm.s32 $0x1B8E;
	s24 =	sld [smem:$0x3FFE];
	[sflag:s23] =	ssyncadd.s32 $0xFFFFFFFF  }
0xa5: {  	s26 =	simm.s32 $execute0_lowered;
	[smem:$0x3FD2] =	sst s25  }
0xa6: {  	s4 =	sshll.u32 s26, $0x1;
	_ =	strace $0x8000004C;
	[dreg:$0x1] =	wrdreg $0xFFFFFFFF  }
0xa7: {  	s28 =	simm.s32 $_size_execute0_lowered;
	s2 =	sadd.s32 s2, s4;
	[dreg:$0x0] =	wrdreg $0x0  }
0xa8: {  	s4 =	sshll.u32 s28, $0x1;
	[dreg:$0x2] =	wrdreg s2  }
0xa9: {  	[dreg:$0x3] =	wrdreg s4  }
0xaa: {  	[dreg:$0x4] =	wrdreg $0xC0  }
0xab: {  	_ =	task [dreg:s6], $0x5FFFF  }
0xac: {  	[dreg:$0x1] =	wrdreg $0xFFFFFFFF  }
0xad: {  	[dreg:$0x0] =	wrdreg $0x60  }
0xae: {  	[dreg:$0x2] =	wrdreg s24  }
0xaf: {  	[dreg:$0x3] =	wrdreg $0xC  }
0xb0: {  	_ =	task.clear_ibuf [dreg:s6], $0x4FFFF;
	_ =	strace $0x9000004C  }
0xb1: {  	s29 =	simm.s32 $0xC;
	_ =	strace $0x8000004E  }
0xb2: {  	_ =	swait.ge [sflag:s29], $0x1  }
0xb3: {  	[sflag:s29] =	ssyncadd.s32 $0xFFFFFFFF  }
0xb4: {  	_ =	strace $0x9000004E  }
0xb5: {  	_ =	sfence  }
0xb6: {  	s30 =	sld [smem:$0x0];
	_ =	sdelay $0x2  }
0xb7: {  	s31 =	sshll.u32 s1, $0xD;
	s1 =	sshrl.u32 s1, $0x2  }
0xb8: {  	s3 =	sand.u32 $0x4000, s31;
	s1 =	sadd.s32 s1, s30  }
0xb9: {  	s0 =	sor.u32 s3, s0;
	s1 =	sshll.u32 s1, $0x11  }
0xba: {  	s0 =	sor.u32 s1, s0  }
0xbb: {  	s0 =	sadd.s32 $0x8F2B, s0  }
0xbc: {  	[sflag:s0] =	ssyncadd.remote.s32 $0x1  }
0xbd: {  	_ =	sfence.sel $0xFFFF  }
0xbe: {  	[dreg:$0x0] =	wrdreg $0xFFFFFFFF;
	(pc) =	sbr.abs _section_cstart, $3  }
0xbf: {  	[dreg:$0x1] =	wrdreg $0xFFFFFFFF  }
0xc0: {  	_ =	task.clear_ibuf [dreg:s6], $0x2FFFF;
	_ =	strace $0x9FFFFFFF  }
0xc1: {  	(tm) =	ssettm $0x7FFFFFFF  }
tec
execute0_lowered:
.L_overlay_start_1:
0x0: {  	(tag) =	ssettag $0x1  }
0x1: {  	s8 =	rddreg [dreg:$0x0]  }
0x2: {  	s0 =	rddreg [dreg:$0x1];
	_ =	strace $0x8000004D;
	s1 =	stileid.u32  }
0x3: {  	s3 =	srdreg.scid;
	s4 =	simm.s32 $0x1;
	s7 =	simm.s32 $0x1  }
0x4: {  	s9 =	simm.s32 $0x1;
	s10 =	simm.s32 $0x3;
	s13 =	simm.s32 $0x0  }
0x5: {  	s12 =	simm.s32 $0x0;
	s5 =	sand.u32 $0x1, s3;
	s6 =	sshll.u32 s1, $0x1  }
0x6: {  	s2 =	sadd.s32 $0x280000, s8;
	s3 =	sadd.s32 $0x27B000, s8;
	s5 =	sor.u32 s6, s5  }
.Ltmp0:
0x7: {  	[sflag:s4] =	ssyncpa.u1 $0x0;
	p0 =	slt.u32 s5, $0x9;
	(pc) =	sbr.rel .LBB2_1-.Ltmp0, $4  }
0x8: {  	s6 =	simm.s32 $0x2;
	s7 =	simm.s32 @!p0 $0x0;
	p0 =	sne.s32 s5, $0x8  }
0x9: {  	[sflag:s6] =	ssyncpa.u1 $0x0;
	s5 =	smul.u32 $0xFA0, s5;
	s9 =	simm.s32 @!p0 $0x0  }
0xa: {  	s8 =	sadd.s32 $0x307800, s8;
	[sflag:s10] =	ssyncpa.u1 $0x0;
	s7 =	sadd.s32 s9, s7  }
0xb: {  	vm0 =	vmmov $0xffff;
	s10 =	simm.s32 $0x0;
	s11 =	smov.u32 s5;
	s9 =	sadd.s32 $0x1, s7  }
.LBB2_4:
0xc: {  	v2 =	vnsel vm1, $0x0, v2  }
0xd: {  	vm1 =	vgt.s32 v0, $0x0;
	v2 =	vmin.u32 v2, $0x270FF  }
0xe: {  	v0 =	vnsel vm1, $0x0, v0  }
0xf: {  	v0 =	vmin.u32 v0, $0x270FF  }
0x10: {  	[tilespmem:s18], [sflag:$0x1] =	stream.indirect_vreg.gather [hbm4b:s2+s10], $0x1, v1, vm0, $0x4038;
	[tilespmem:$0x3E80] =	vst v63  }
0x11: {  	(ifvalue) =	ssetifvalue $0x7FFFFFFF  }
0x12: {  	[tilespmem:s15], [sflag:$0x1] =	stream.indirect_vreg.gather [hbm4b:s2+s10], $0x1, v2, vm0, $0x4038;
	[tilespmem:$0x3E80] =	vst v63  }
0x13: {  	s29 =	sadd.s32 $0x10, s15;
	(ifvalue) =	ssetifvalue $0x7FFFFFFF  }
0x14: {  	[tilespmem:s29], [sflag:$0x1] =	stream.indirect_vreg.gather [hbm4b:s2+s10], $0x1, v0, vm0, $0x4038;
	[tilespmem:$0x3E80] =	vst v63  }
0x15: {  	_ =	swait.ge [sflag:s4], $0xFA0  }
0x16: {  	s30 =	sshrl.u32 s13, $0x3;
	[sflag:s4] =	ssyncset.done $0x0  }
0x17: {  	s31 =	sand.u32 $0x7, s13;
	s15 =	sadd.s32 s8, s30;
	[sflag:s4] =	ssyncadd.s32 $0xFFFFF060  }
0x18: {  	[hbm4b:s15+s31] =	stream.linear.scatter [tilespmem:s14], [sflag:$0x3], $0xFA0, $0x38;
	[tilespmem:$0x3E80] =	vst v63  }
.LBB2_5:
0x19: {  	s15 =	sadd.s32 $0x1F400, s11  }
0x1a: {  	p1 =	sgt.s32 s15, $0x270FF  }
0x1b: {  	s15 =	smov.u32 @p1 s5;
	p1 =	sne.s32 s12, s9  }
.Ltmp1:
0x1c: {  	p0 =	slt.u32 s12, $0x2;
	(pc) =	sbr.rel @!p1 .LBB2_6-.Ltmp1, $4  }
0x1d: {  	s14 =	simm.s32 @!p0 $0x3  }
0x1e: {  	_ =	swait.ge @!p0 [sflag:s14], $0xFA0  }
0x1f: {  	s16 =	sadd.s32 $0x1, s12;
	s13 =	smov.u32 s11;
	[sflag:s14] =	ssyncset.done @!p0 $0x0  }
0x20: {  	s12 =	smov.u32 s16;
	s11 =	smov.u32 s15;
	[sflag:s14] =	ssyncadd.s32 @!p0 $0xFFFFF060  }
.LBB2_1:
0x21: {  	p0 =	sge.u32 s12, s7  }
0x22: {  	s14 =	sxor.u32 @!p0 $0x1, s12  }
0x23: {  	s14 =	smul.u32 @!p0 $0x3E80, s14  }
0x24: {  	s31 =	sadd.s32 $0xFFFFFFFF, s12;
	s15 =	sshrl.u32 @!p0 s11, $0x3  }
0x25: {  	s16 =	sand.u32 @!p0 $0x7, s11;
	s15 =	sadd.s32 @!p0 s3, s15;
	s14 =	sshra.s32 @!p0 s14, $0x2  }
0x26: {  	[tilespmem:s14], [sflag:$0x2] =	stream.linear.gather @!p0 [hbm4b:s15+s16], $0xFA0, $0x38;
	[tilespmem:$0x3E80] =	vst v63  }
0x27: {  	p0 =	sge.u32 s31, s7  }
.Ltmp2:
0x28: {  	_ = 	snop;
	(pc) =	sbr.rel @p0 .LBB2_5-.Ltmp2, $1  }
0x29: {  	_ =	sdelay $0x3  }
0x2a: {  	s14 =	sand.u32 $0x1, s12  }
0x2b: {  	_ =	swait.ge [sflag:s6], $0xFA0;
	p0 =	seq.s32 s14, $0x1;
	s14 =	simm.s32 $0xFA0  }
0x2c: {  	[sflag:s6] =	ssyncset.done $0x0;
	s14 =	simm.s32 @!p0 $0x0  }
0x2d: {  	[sflag:s6] =	ssyncadd.s32 $0xFFFFF060;
	(ifvalue) =	ssetifvalue $0x7FFFFFFF;
	v0 =	vld.msk [tilespmem:s14+$0x0 ss:$0x1], $0xffff;
	_ =	sdelay $0x4  }
0x2e: {  	s15 =	sadd.s32 $0x10, s14;
	vm1 =	vgt.s32 v0, $0x0  }
0x2f: {  	v2 =	vld.msk [tilespmem:s15+$0x0 ss:$0x1], $0xffff;
	v1 =	vnsel vm1, $0x0, v0  }
0x30: {  	v1 =	vmin.u32 v1, $0x270FF;
	_ =	sdelay $0x2  }
0x31: {  	s17 =	simm.s32 $0x20;
	s14 =	sadd.s32 $0x1F40, s14;
	s16 =	sadd.s32 $0x10, s15  }
0x32: {  	s15 =	sadd.s32 $0x10, s14;
	s18 =	smov.u32 s14;
	v0 =	vld.msk [tilespmem:s16+$0x0 ss:$0x1], $0xffff;
	vm1 =	vgt.s32 v2, $0x0;
	(ifvalue) =	ssetifvalue $0x7FFFFFFF  }
.LBB2_3:
0x33: {  	[tilespmem:s18], [sflag:$0x1] =	stream.indirect_vreg.gather [hbm4b:s2+s10], $0x1, v1, vm0, $0x4038;
	[tilespmem:$0x3E80] =	vst v63  }
0x34: {  	s17 =	sadd.s32 $0x10, s17  }
0x35: {  	v2 =	vnsel vm1, $0x0, v2;
	p0 =	slt.u32 s17, $0xF90  }
.Ltmp3:
0x36: {  	s18 =	smov.u32 s15;
	v1 =	vmin.u32 v2, $0x270FF;
	(pc) =	sbr.rel @p0 .LBB2_3-.Ltmp3, $3  }
0x37: {  	_ =	sdelay $0x1  }
0x38: {  	s16 =	sadd.s32 $0x10, s16  }
0x39: {  	vm1 =	vgt.s32 v0, $0x0;
	s15 =	sadd.s32 $0x10, s15;
	v2 =	vmov v0;
	(ifvalue) =	ssetifvalue $0x7FFFFFFF;
	v0 =	vld.msk [tilespmem:s16+$0x0 ss:$0x1], $0xffff  }
.Ltmp4:
0x3a: {  	_ = 	snop;
	(pc) =	sbr.rel .LBB2_4-.Ltmp4, $1  }
0x3b: {  	_ =	sdelay $0x3  }
.LBB2_6:
0x3c: {  	_ =	sfence.sel $0x180000  }
0x3d: {  	s2 =	simm.s32 $0x2;
	[bflag:$0x0] =	sbarrier.arrive $0xFFFF  }
0x3e: {  	s30 =	simm.s32 $0x3;
	[sflag:s2] =	ssyncpa.u1 $0x1  }
0x3f: {  	s31 =	simm.s32 $0x1;
	[sflag:s30] =	ssyncpa.u1 $0x1  }
0x40: {  	[sflag:s31] =	ssyncpa.u1 $0x1  }
0x41: {  	p0 =	sne.s32 s1, $0x0;
	_ =	strace $0x9000004D  }
0x42: {  	s0 =	sadd.s32 @!p0 $0x100000, s0;
	[bflag:$0x2] =	sbarrier.arrive $0xFFFF  }
0x43: {  	[sflag:s0] =	ssyncadd.tile.s32 @!p0 $0x1;
	_ =	shalt  }
.Lfunc_end2:
_tile_overlayer_lowered:
.L_overlay_start_2:
0x44: {  	(tag) =	ssettag $0x2  }
0x45: {  	s0 =	rddreg [dreg:$0x0];
	s2 =	stileid.u32  }
0x46: {  	s1 =	rddreg [dreg:$0x1];
	p0 =	sne.s32 s2, $0x0  }
0x47: {  	s3 =	rddreg [dreg:$0x2];
	[bflag:$0x3] =	sbarrier.arrive $0xFFFF;
	s2 =	simm.s32 @!p0 $0x1C01  }
0x48: {  	[timem:s3], [sflag:s2] =	dma.local @!p0 [hbm:s0], s1  }
0x49: {  	s0 =	simm.s32 @!p0 $0x1  }
0x4a: {  	_ =	swait.ge @!p0 [sflag:s0], s1  }
0x4b: {  	s1 =	ssub.s32 @!p0 $0x0, s1;
	[sflag:s0] =	ssyncset.done @!p0 $0x0  }
0x4c: {  	[sflag:s0] =	ssyncadd.s32 @!p0 s1  }
0x4d: {  	[bflag:$0x3] =	sbarrier.arrive $0xFFFF  }
0x4e: {  	_ =	shalt  }

// kernel: gather_offload_async_start.2
scs
__scs_entry_jumppad:
0x0: {  	(pc) =	sbr.rel $0x88, $3  }
0x1: {  	(tag) =	ssettag $0x0;
	lr =	simm.s32 $0x1  }
0x2: {  	[smem:$0x3F8D] =	sst lr;
	_ =	strace $0xD0000000  }
0x3: {  	_ = 	snop  }
0x4: {  	_ = 	snop  }
0x5: {  	_ = 	snop  }
0x6: {  	_ = 	snop  }
0x7: {  	_ = 	snop  }
__scs_overlays_trampoline_lowered:
0x8: {  	[smem:$0x3F9C] =	sst s0  }
0x9: {  	[smem:$0x3F9D] =	sst s1  }
0xa: {  	[smem:$0x3F9E] =	sst s2  }
0xb: {  	[smem:$0x3F9F] =	sst s3  }
0xc: {  	[smem:$0x3FA0] =	sst s4  }
0xd: {  	[smem:$0x3FA1] =	sst s5  }
0xe: {  	[smem:$0x3FA2] =	sst s6  }
0xf: {  	[smem:$0x3FA3] =	sst s7  }
0x10: {  	[smem:$0x3FA4] =	sst s8  }
0x11: {  	[smem:$0x3FA5] =	sst s9;
	s0 =	simm.s32 @!p0 $0x0  }
0x12: {  	s1 =	sld [smem:$0x3F8B];
	s0 =	simm.s32 @p0 $0x1  }
0x13: {  	[smem:$0x3FA6] =	sst s0;
	s0 =	simm.s32 @!p1 $0x0  }
0x14: {  	s2 =	sld [smem:$0x3F8A];
	s0 =	simm.s32 @p1 $0x1  }
0x15: {  	[smem:$0x3FA7] =	sst s0;
	s0 =	simm.s32 @!p2 $0x0  }
0x16: {  	s3 =	sld [smem:$0x3FDB];
	s0 =	simm.s32 @p2 $0x1  }
0x17: {  	s4 =	simm.s32 $0x1BF5;
	[smem:$0x3FA9] =	sst s0  }
0x18: {  	s0 =	sld [smem:$0x3F8C];
	_ =	swait.ge [sflag:s4], $0x0  }
0x19: {  	s7 =	sld [smem:$0x3F8D]  }
0x1a: {  	s8 =	sadd.s32 $0xFFFFE003, lr  }
0x1b: {  	s9 =	sadd.s32 $0xFFFFFEF7, lr;
	s5 =	simm.s32 $0xFFFFFFFF;
	p2 =	slt.u32 s8, $0xFFFFF086  }
0x1c: {  	p1 =	slt.u32 s9, $0xF7A;
	s5 =	simm.s32 @!p2 $0x0  }
0x1d: {  	s5 =	simm.s32 @p1 $0x1;
	p0 =	seq.s32 s7, s2  }
0x1e: {  	s7 =	smul.u32 @!p0 $0xF7A, s2;
	p2 =	seq.s32 @!p0 s5, $0x0  }
0x1f: {  	s9 =	smul.u32 $0xF7A, s1;
	s8 =	simm.s32 @!p0 $0x1BF5;
	p2 =	por !p2, p0  }
0x20: {  	[sflag:s8] =	ssyncset.s32 @!p0 $0xFFFFF086;
	s6 =	sadd.s32 @!p0 s3, s7;
	s7 =	simm.s32 @!p0 $0x108  }
0x21: {  	s3 =	sadd.s32 s3, s9;
	s6 =	sadd.s32 @!p0 $0x88, s6;
	s7 =	simm.s32 @p2 $0x1082  }
0x22: {  	[simem:s7], [sflag:s8] =	dma.local @!p0 [hbm:s6], $0xF7A  }
0x23: {  	s9 =	sor.u32 $0xD0000000, s2;
	s6 =	simm.s32 $0x108;
	_ =	swait.ge @!p0 [sflag:s8], $0x0  }
0x24: {  	s3 =	sadd.s32 $0x88, s3;
	s6 =	simm.s32 @!p1 $0x1082;
	[sflag:s4] =	ssyncset.s32 $0xFFFFF086  }
0x25: {  	[simem:s6], [sflag:s4] =	dma.local [hbm:s3], $0xF7A  }
0x26: {  	[smem:$0x3F8D] =	sst s1;
	(tag) =	ssettag s2;
	_ =	strace s9  }
0x27: {  	s1 =	sld [smem:$0x3F9D]  }
0x28: {  	s2 =	sld [smem:$0x3F9E]  }
0x29: {  	s4 =	sld [smem:$0x3FA0]  }
0x2a: {  	p0 =	seq.s32 s5, $0x0;
	s5 =	sld [smem:$0x3FA1]  }
0x2b: {  	s6 =	sld [smem:$0x3FA2]  }
0x2c: {  	s7 =	sld [smem:$0x3FA3]  }
0x2d: {  	s3 =	simm.s32 $0x108;
	s8 =	sld [smem:$0x3FA4]  }
0x2e: {  	s3 =	simm.s32 @!p0 $0x1082;
	s9 =	sld [smem:$0x3FA5]  }
0x2f: {  	lr =	sadd.s32 s0, s3;
	s0 =	sld [smem:$0x3F9C]  }
0x30: {  	s3 =	sld [smem:$0x3F9F]  }
0x31: {  	[smem:$0x3FA8] =	sst s10  }
0x32: {  	s10 =	sld [smem:$0x3FA6];
	_ =	sdelay $0x3  }
0x33: {  	p0 =	seq.s32 s10, $0x1;
	s10 =	sld [smem:$0x3FA8];
	_ =	sdelay $0x3  }
0x34: {  	[smem:$0x3FA8] =	sst s10  }
0x35: {  	s10 =	sld [smem:$0x3FA7];
	_ =	sdelay $0x3  }
0x36: {  	p1 =	seq.s32 s10, $0x1;
	s10 =	sld [smem:$0x3FA8];
	_ =	sdelay $0x3  }
0x37: {  	[smem:$0x3FA8] =	sst s10  }
0x38: {  	s10 =	sld [smem:$0x3FA9]  }
0x39: {  	_ = 	snop;
	(pc) =	sbr.ind lr, $3  }
0x3a: {  	_ = 	snop  }
0x3b: {  	_ = 	snop  }
0x3c: {  	p2 =	seq.s32 s10, $0x1;
	s10 =	sld [smem:$0x3FA8]  }
0x3d: {  	_ =	shalt  }
0x3e: {  	_ =	shalt  }
0x3f: {  	_ =	shalt  }
0x40: {  	_ =	shalt  }
0x41: {  	_ =	shalt  }
0x42: {  	_ =	shalt  }
0x43: {  	_ =	shalt  }
0x44: {  	_ =	shalt  }
0x45: {  	_ =	shalt  }
0x46: {  	_ =	shalt  }
0x47: {  	_ =	shalt  }
0x48: {  	_ =	shalt  }
0x49: {  	_ =	shalt  }
0x4a: {  	_ =	shalt  }
0x4b: {  	_ =	shalt  }
0x4c: {  	_ =	shalt  }
0x4d: {  	_ =	shalt  }
0x4e: {  	_ =	shalt  }
0x4f: {  	_ =	shalt  }
0x50: {  	_ =	shalt  }
0x51: {  	_ =	shalt  }
0x52: {  	_ =	shalt  }
0x53: {  	_ =	shalt  }
0x54: {  	_ =	shalt  }
0x55: {  	_ =	shalt  }
0x56: {  	_ =	shalt  }
0x57: {  	_ =	shalt  }
0x58: {  	_ =	shalt  }
0x59: {  	_ =	shalt  }
0x5a: {  	_ =	shalt  }
0x5b: {  	_ =	shalt  }
0x5c: {  	_ =	shalt  }
0x5d: {  	_ =	shalt  }
0x5e: {  	_ =	shalt  }
0x5f: {  	_ =	shalt  }
0x60: {  	_ =	shalt  }
0x61: {  	_ =	shalt  }
0x62: {  	_ =	shalt  }
0x63: {  	_ =	shalt  }
0x64: {  	_ =	shalt  }
0x65: {  	_ =	shalt  }
0x66: {  	_ =	shalt  }
0x67: {  	_ =	shalt  }
0x68: {  	_ =	shalt  }
0x69: {  	_ =	shalt  }
0x6a: {  	_ =	shalt  }
0x6b: {  	_ =	shalt  }
0x6c: {  	_ =	shalt  }
0x6d: {  	_ =	shalt  }
0x6e: {  	_ =	shalt  }
0x6f: {  	_ =	shalt  }
0x70: {  	_ =	shalt  }
0x71: {  	_ =	shalt  }
0x72: {  	_ =	shalt  }
0x73: {  	_ =	shalt  }
0x74: {  	_ =	shalt  }
0x75: {  	_ =	shalt  }
0x76: {  	_ =	shalt  }
0x77: {  	_ =	shalt  }
0x78: {  	_ =	shalt  }
0x79: {  	_ =	shalt  }
0x7a: {  	_ =	shalt  }
0x7b: {  	_ =	shalt  }
0x7c: {  	_ =	shalt  }
0x7d: {  	_ =	shalt  }
0x7e: {  	_ =	shalt  }
0x7f: {  	_ =	shalt  }
0x80: {  	_ =	shalt  }
0x81: {  	_ =	shalt  }
0x82: {  	_ =	shalt  }
0x83: {  	_ =	shalt  }
0x84: {  	_ =	shalt  }
0x85: {  	_ =	shalt  }
0x86: {  	_ =	shalt  }
0x87: {  	_ =	shalt  }
.Lfunc_end0:
.L_simem_size_0:
called_computation.4_lowered:
.L_overlay_start_0:
0x88: {  	s2 =	sld [smem:$0x3FD9]  }
0x89: {  	s3 =	sld [smem:$0x3FFE];
	_ =	sdelay $0x1  }
0x8a: {  	s1 =	srdreg.scid  }
0x8b: {  	s0 =	sand.u32 $0x1, s1  }
0x8c: {  	s17 =	sshll.u32 s0, $0xA;
	s2 =	sadd.s32 s3, s2  }
0x8d: {  	s2 =	sadd.s32 s2, s17  }
0x8e: {  	[smem:$0x3FB4] =	sst s2  }
0x8f: {  	_ = 	snop  }
0x90: {  	(tm) =	ssettm $0x1  }
0x91: {  	s18 =	sld [smem:$0x3FFB];
	_ =	sdelay $0x3  }
0x92: {  	_ =	strace s18  }
0x93: {  	s2 =	sld [smem:$0x3FFC];
	_ =	sdelay $0x3  }
0x94: {  	_ =	strace s2  }
0x95: {  	s2 =	sld [smem:$0x3FFD];
	_ =	sdelay $0x3  }
0x96: {  	_ =	strace s2  }
0x97: {  	_ =	strace $0x8FFFFFFF  }
0x98: {  	s19 =	sld [smem:$0x3FDB];
	_ =	sdelay $0x1  }
0x99: {  	s20 =	simm.s32 $_scs_section_size  }
0x9a: {  	s4 =	simm.s32 $_size__tile_overlayer_lowered;
	s5 =	simm.s32 $_tile_overlayer_lowered  }
0x9b: {  	s6 =	simm.s32 $0x1BFF;
	s21 =	sshll.u32 s5, $0x1;
	s3 =	sadd.s32 s20, s19  }
0x9c: {  	s22 =	simm.s32 $0x0;
	s4 =	sshll.u32 s4, $0x1;
	s5 =	sadd.s32 s21, s3  }
0x9d: {  	[timem:s22], [sflag:s6] =	dma.local [hbm:s5], s4  }
0x9e: {  	_ =	swait.ge [sflag:s6], s4  }
0x9f: {  	s4 =	ssub.s32 $0x0, s4;
	[sflag:s6] =	ssyncset.done $0x0  }
0xa0: {  	[sflag:s6] =	ssyncadd.s32 s4;
	_ =	sdelay $0x1  }
0xa1: {  	s23 =	simm.s32 $0x1B8B  }
0xa2: {  	_ =	swait.ge [sflag:s23], $0x1  }
0xa3: {  	[sflag:s23] =	ssyncset.done $0x0  }
0xa4: {  	[sflag:s23] =	ssyncadd.s32 $0xFFFFFFFF  }
0xa5: {  	s4 =	sld [smem:$0x0]  }
0xa6: {  	s5 =	sand.u32 $0xFFFFFFFE, s1  }
0xa7: {  	p0 =	sne.s32 s1, s5  }
0xa8: {  	s5 =	sshll.u32 @p0 s5, $0xE  }
0xa9: {  	s5 =	sadd.s32 @p0 $0x11B8D, s5;
	s6 =	sshll.u32 @p0 s4, $0x11  }
0xaa: {  	s5 =	sor.u32 @p0 s6, s5  }
0xab: {  	[sflag:s5] =	ssyncadd.remote.s32 @p0 $0x1;
	_ =	sdelay $0x1  }
0xac: {  	s5 =	simm.s32 @p0 $0x1B8D  }
0xad: {  	_ =	swait.eq @p0 [sflag:s5], $0x1  }
0xae: {  	[sflag:s5] =	ssyncadd.s32 @p0 $0xFFFFFFFF  }
0xaf: {  	s6 =	sshll.u32 @!p0 s1, $0xE  }
0xb0: {  	s6 =	sor.u32 @!p0 $0x4000, s6;
	s5 =	simm.s32 @!p0 $0x1B8D  }
0xb1: {  	s4 =	sshll.u32 @!p0 s4, $0x11;
	s6 =	sadd.s32 @!p0 $0x11B8D, s6;
	_ =	swait.eq @!p0 [sflag:s5], $0x1  }
0xb2: {  	s4 =	sor.u32 @!p0 s4, s6;
	[sflag:s5] =	ssyncadd.s32 @!p0 $0xFFFFFFFF  }
0xb3: {  	s25 =	simm.s32 $0x1B8E;
	s24 =	sld [smem:$0x3FFE];
	[sflag:s4] =	ssyncadd.remote.s32 @!p0 $0x1  }
0xb4: {  	s26 =	simm.s32 $execute0_lowered;
	[smem:$0x3FD2] =	sst s25  }
0xb5: {  	s5 =	sshll.u32 s26, $0x1;
	_ =	strace $0x8000004F;
	[dreg:$0x1] =	wrdreg $0xFFFFFFFF  }
0xb6: {  	s28 =	simm.s32 $_size_execute0_lowered;
	s3 =	sadd.s32 s3, s5;
	[dreg:$0x0] =	wrdreg $0x0  }
0xb7: {  	s5 =	sshll.u32 s28, $0x1;
	[dreg:$0x2] =	wrdreg s3  }
0xb8: {  	[dreg:$0x3] =	wrdreg s5  }
0xb9: {  	[dreg:$0x4] =	wrdreg $0xC0  }
0xba: {  	_ =	task [dreg:s22], $0x5FFFF  }
0xbb: {  	[dreg:$0x1] =	wrdreg $0xFFFFFFFF  }
0xbc: {  	[dreg:$0x0] =	wrdreg $0x60  }
0xbd: {  	[dreg:$0x2] =	wrdreg s24  }
0xbe: {  	[dreg:$0x3] =	wrdreg $0xB  }
0xbf: {  	_ =	task.clear_ibuf [dreg:s22], $0x4FFFF;
	_ =	strace $0x9000004F  }
0xc0: {  	s29 =	simm.s32 $0xB;
	_ =	strace $0x80000051  }
0xc1: {  	_ =	swait.ge [sflag:s29], $0x1  }
0xc2: {  	[sflag:s29] =	ssyncadd.s32 $0xFFFFFFFF  }
0xc3: {  	_ =	strace $0x90000051  }
0xc4: {  	_ =	sfence  }
0xc5: {  	s30 =	sld [smem:$0x0];
	_ =	sdelay $0x2  }
0xc6: {  	s31 =	sshll.u32 s1, $0xD;
	s1 =	sshrl.u32 s1, $0x2  }
0xc7: {  	s4 =	sand.u32 $0x4000, s31;
	s1 =	sadd.s32 s1, s30  }
0xc8: {  	s0 =	sor.u32 s4, s0;
	s1 =	sshll.u32 s1, $0x11  }
0xc9: {  	s0 =	sor.u32 s1, s0  }
0xca: {  	s0 =	sadd.s32 $0x8F2B, s0  }
0xcb: {  	[sflag:s0] =	ssyncadd.remote.s32 $0x1  }
0xcc: {  	_ =	sfence.sel $0xFFFF  }
0xcd: {  	[dreg:$0x0] =	wrdreg $0xFFFFFFFF;
	(pc) =	sbr.abs _section_cstart, $3  }
0xce: {  	[dreg:$0x1] =	wrdreg $0xFFFFFFFF  }
0xcf: {  	_ =	task.clear_ibuf [dreg:s22], $0x2FFFF;
	_ =	strace $0x9FFFFFFF  }
0xd0: {  	(tm) =	ssettm $0x7FFFFFFF  }
0xd1: {  	_ =	shalt  }
tec
execute0_lowered:
.L_overlay_start_1:
0x0: {  	(tag) =	ssettag $0x1  }
0x1: {  	s8 =	rddreg [dreg:$0x0]  }
0x2: {  	s0 =	rddreg [dreg:$0x1];
	_ =	strace $0x80000050;
	s1 =	stileid.u32  }
0x3: {  	s3 =	srdreg.scid;
	s4 =	simm.s32 $0x1;
	s7 =	simm.s32 $0x1  }
0x4: {  	s9 =	simm.s32 $0x1;
	s10 =	simm.s32 $0x3;
	s13 =	simm.s32 $0x0  }
0x5: {  	s12 =	simm.s32 $0x0;
	s5 =	sand.u32 $0x1, s3;
	s6 =	sshll.u32 s1, $0x1  }
0x6: {  	s2 =	sadd.s32 $0x285000, s8;
	s3 =	sadd.s32 $0x27B000, s8;
	s5 =	sor.u32 s6, s5  }
.Ltmp0:
0x7: {  	[sflag:s4] =	ssyncpa.u1 $0x0;
	p0 =	slt.u32 s5, $0x9;
	(pc) =	sbr.rel .LBB2_1-.Ltmp0, $4  }
0x8: {  	s6 =	simm.s32 $0x2;
	s7 =	simm.s32 @!p0 $0x0;
	p0 =	sne.s32 s5, $0x8  }
0x9: {  	[sflag:s6] =	ssyncpa.u1 $0x0;
	s5 =	smul.u32 $0xFA0, s5;
	s9 =	simm.s32 @!p0 $0x0  }
0xa: {  	s8 =	sadd.s32 $0x30C800, s8;
	[sflag:s10] =	ssyncpa.u1 $0x0;
	s7 =	sadd.s32 s9, s7  }
0xb: {  	vm0 =	vmmov $0xffff;
	s10 =	simm.s32 $0x0;
	s11 =	smov.u32 s5;
	s9 =	sadd.s32 $0x1, s7  }
.LBB2_4:
0xc: {  	v2 =	vnsel vm1, $0x0, v2  }
0xd: {  	vm1 =	vgt.s32 v0, $0x0;
	v2 =	vmin.u32 v2, $0x270FF  }
0xe: {  	v0 =	vnsel vm1, $0x0, v0  }
0xf: {  	v0 =	vmin.u32 v0, $0x270FF  }
0x10: {  	[tilespmem:s18], [sflag:$0x1] =	stream.indirect_vreg.gather [hbm4b:s2+s10], $0x1, v1, vm0, $0x4038;
	[tilespmem:$0x3E80] =	vst v63  }
0x11: {  	(ifvalue) =	ssetifvalue $0x7FFFFFFF  }
0x12: {  	[tilespmem:s15], [sflag:$0x1] =	stream.indirect_vreg.gather [hbm4b:s2+s10], $0x1, v2, vm0, $0x4038;
	[tilespmem:$0x3E80] =	vst v63  }
0x13: {  	s29 =	sadd.s32 $0x10, s15;
	(ifvalue) =	ssetifvalue $0x7FFFFFFF  }
0x14: {  	[tilespmem:s29], [sflag:$0x1] =	stream.indirect_vreg.gather [hbm4b:s2+s10], $0x1, v0, vm0, $0x4038;
	[tilespmem:$0x3E80] =	vst v63  }
0x15: {  	_ =	swait.ge [sflag:s4], $0xFA0  }
0x16: {  	s30 =	sshrl.u32 s13, $0x3;
	[sflag:s4] =	ssyncset.done $0x0  }
0x17: {  	s31 =	sand.u32 $0x7, s13;
	s15 =	sadd.s32 s8, s30;
	[sflag:s4] =	ssyncadd.s32 $0xFFFFF060  }
0x18: {  	[hbm4b:s15+s31] =	stream.linear.scatter [tilespmem:s14], [sflag:$0x3], $0xFA0, $0x38;
	[tilespmem:$0x3E80] =	vst v63  }
.LBB2_5:
0x19: {  	s15 =	sadd.s32 $0x1F400, s11  }
0x1a: {  	p1 =	sgt.s32 s15, $0x270FF  }
0x1b: {  	s15 =	smov.u32 @p1 s5;
	p1 =	sne.s32 s12, s9  }
.Ltmp1:
0x1c: {  	p0 =	slt.u32 s12, $0x2;
	(pc) =	sbr.rel @!p1 .LBB2_6-.Ltmp1, $4  }
0x1d: {  	s14 =	simm.s32 @!p0 $0x3  }
0x1e: {  	_ =	swait.ge @!p0 [sflag:s14], $0xFA0  }
0x1f: {  	s16 =	sadd.s32 $0x1, s12;
	s13 =	smov.u32 s11;
	[sflag:s14] =	ssyncset.done @!p0 $0x0  }
0x20: {  	s12 =	smov.u32 s16;
	s11 =	smov.u32 s15;
	[sflag:s14] =	ssyncadd.s32 @!p0 $0xFFFFF060  }
.LBB2_1:
0x21: {  	p0 =	sge.u32 s12, s7  }
0x22: {  	s14 =	sxor.u32 @!p0 $0x1, s12  }
0x23: {  	s14 =	smul.u32 @!p0 $0x3E80, s14  }
0x24: {  	s31 =	sadd.s32 $0xFFFFFFFF, s12;
	s15 =	sshrl.u32 @!p0 s11, $0x3  }
0x25: {  	s16 =	sand.u32 @!p0 $0x7, s11;
	s15 =	sadd.s32 @!p0 s3, s15;
	s14 =	sshra.s32 @!p0 s14, $0x2  }
0x26: {  	[tilespmem:s14], [sflag:$0x2] =	stream.linear.gather @!p0 [hbm4b:s15+s16], $0xFA0, $0x38;
	[tilespmem:$0x3E80] =	vst v63  }
0x27: {  	p0 =	sge.u32 s31, s7  }
.Ltmp2:
0x28: {  	_ = 	snop;
	(pc) =	sbr.rel @p0 .LBB2_5-.Ltmp2, $1  }
0x29: {  	_ =	sdelay $0x3  }
0x2a: {  	s14 =	sand.u32 $0x1, s12  }
0x2b: {  	_ =	swait.ge [sflag:s6], $0xFA0;
	p0 =	seq.s32 s14, $0x1;
	s14 =	simm.s32 $0xFA0  }
0x2c: {  	[sflag:s6] =	ssyncset.done $0x0;
	s14 =	simm.s32 @!p0 $0x0  }
0x2d: {  	[sflag:s6] =	ssyncadd.s32 $0xFFFFF060;
	(ifvalue) =	ssetifvalue $0x7FFFFFFF;
	v0 =	vld.msk [tilespmem:s14+$0x0 ss:$0x1], $0xffff;
	_ =	sdelay $0x4  }
0x2e: {  	s15 =	sadd.s32 $0x10, s14;
	vm1 =	vgt.s32 v0, $0x0  }
0x2f: {  	v2 =	vld.msk [tilespmem:s15+$0x0 ss:$0x1], $0xffff;
	v1 =	vnsel vm1, $0x0, v0  }
0x30: {  	v1 =	vmin.u32 v1, $0x270FF;
	_ =	sdelay $0x2  }
0x31: {  	s17 =	simm.s32 $0x20;
	s14 =	sadd.s32 $0x1F40, s14;
	s16 =	sadd.s32 $0x10, s15  }
0x32: {  	s15 =	sadd.s32 $0x10, s14;
	s18 =	smov.u32 s14;
	v0 =	vld.msk [tilespmem:s16+$0x0 ss:$0x1], $0xffff;
	vm1 =	vgt.s32 v2, $0x0;
	(ifvalue) =	ssetifvalue $0x7FFFFFFF  }
.LBB2_3:
0x33: {  	[tilespmem:s18], [sflag:$0x1] =	stream.indirect_vreg.gather [hbm4b:s2+s10], $0x1, v1, vm0, $0x4038;
	[tilespmem:$0x3E80] =	vst v63  }
0x34: {  	s17 =	sadd.s32 $0x10, s17  }
0x35: {  	v2 =	vnsel vm1, $0x0, v2;
	p0 =	slt.u32 s17, $0xF90  }
.Ltmp3:
0x36: {  	s18 =	smov.u32 s15;
	v1 =	vmin.u32 v2, $0x270FF;
	(pc) =	sbr.rel @p0 .LBB2_3-.Ltmp3, $3  }
0x37: {  	_ =	sdelay $0x1  }
0x38: {  	s16 =	sadd.s32 $0x10, s16  }
0x39: {  	vm1 =	vgt.s32 v0, $0x0;
	s15 =	sadd.s32 $0x10, s15;
	v2 =	vmov v0;
	(ifvalue) =	ssetifvalue $0x7FFFFFFF;
	v0 =	vld.msk [tilespmem:s16+$0x0 ss:$0x1], $0xffff  }
.Ltmp4:
0x3a: {  	_ = 	snop;
	(pc) =	sbr.rel .LBB2_4-.Ltmp4, $1  }
0x3b: {  	_ =	sdelay $0x3  }
.LBB2_6:
0x3c: {  	_ =	sfence.sel $0x180000  }
0x3d: {  	s2 =	simm.s32 $0x2;
	[bflag:$0x0] =	sbarrier.arrive $0xFFFF  }
0x3e: {  	s30 =	simm.s32 $0x3;
	[sflag:s2] =	ssyncpa.u1 $0x1  }
0x3f: {  	s31 =	simm.s32 $0x1;
	[sflag:s30] =	ssyncpa.u1 $0x1  }
0x40: {  	[sflag:s31] =	ssyncpa.u1 $0x1  }
0x41: {  	p0 =	sne.s32 s1, $0x0;
	_ =	strace $0x90000050  }
0x42: {  	s0 =	sadd.s32 @!p0 $0x100000, s0;
	[bflag:$0x2] =	sbarrier.arrive $0xFFFF  }
0x43: {  	[sflag:s0] =	ssyncadd.tile.s32 @!p0 $0x1;
	_ =	shalt  }
.Lfunc_end2:
_tile_overlayer_lowered:
.L_overlay_start_2:
0x44: {  	(tag) =	ssettag $0x2  }
0x45: {  	s0 =	rddreg [dreg:$0x0];
	s2 =	stileid.u32  }
0x46: {  	s1 =	rddreg [dreg:$0x1];
	p0 =	sne.s32 s2, $0x0  }
0x47: {  	s3 =	rddreg [dreg:$0x2];
	[bflag:$0x3] =	sbarrier.arrive $0xFFFF;
	s2 =	simm.s32 @!p0 $0x1C01  }
0x48: {  	[timem:s3], [sflag:s2] =	dma.local @!p0 [hbm:s0], s1  }
0x49: {  	s0 =	simm.s32 @!p0 $0x1  }
0x4a: {  	_ =	swait.ge @!p0 [sflag:s0], s1  }
0x4b: {  	s1 =	ssub.s32 @!p0 $0x0, s1;
	[sflag:s0] =	ssyncset.done @!p0 $0x0  }
0x4c: {  	[sflag:s0] =	ssyncadd.s32 @!p0 s1  }
0x4d: {  	[bflag:$0x3] =	sbarrier.arrive $0xFFFF  }
0x4e: {  	_ =	shalt  }

// kernel: gather_offload_async_start.3
scs
__scs_entry_jumppad:
0x0: {  	(pc) =	sbr.rel $0x88, $3  }
0x1: {  	(tag) =	ssettag $0x0;
	lr =	simm.s32 $0x1  }
0x2: {  	[smem:$0x3F8D] =	sst lr;
	_ =	strace $0xD0000000  }
0x3: {  	_ = 	snop  }
0x4: {  	_ = 	snop  }
0x5: {  	_ = 	snop  }
0x6: {  	_ = 	snop  }
0x7: {  	_ = 	snop  }
__scs_overlays_trampoline_lowered:
0x8: {  	[smem:$0x3F9C] =	sst s0  }
0x9: {  	[smem:$0x3F9D] =	sst s1  }
0xa: {  	[smem:$0x3F9E] =	sst s2  }
0xb: {  	[smem:$0x3F9F] =	sst s3  }
0xc: {  	[smem:$0x3FA0] =	sst s4  }
0xd: {  	[smem:$0x3FA1] =	sst s5  }
0xe: {  	[smem:$0x3FA2] =	sst s6  }
0xf: {  	[smem:$0x3FA3] =	sst s7  }
0x10: {  	[smem:$0x3FA4] =	sst s8  }
0x11: {  	[smem:$0x3FA5] =	sst s9;
	s0 =	simm.s32 @!p0 $0x0  }
0x12: {  	s1 =	sld [smem:$0x3F8B];
	s0 =	simm.s32 @p0 $0x1  }
0x13: {  	[smem:$0x3FA6] =	sst s0;
	s0 =	simm.s32 @!p1 $0x0  }
0x14: {  	s2 =	sld [smem:$0x3F8A];
	s0 =	simm.s32 @p1 $0x1  }
0x15: {  	[smem:$0x3FA7] =	sst s0;
	s0 =	simm.s32 @!p2 $0x0  }
0x16: {  	s3 =	sld [smem:$0x3FDB];
	s0 =	simm.s32 @p2 $0x1  }
0x17: {  	s4 =	simm.s32 $0x1BF5;
	[smem:$0x3FA9] =	sst s0  }
0x18: {  	s0 =	sld [smem:$0x3F8C];
	_ =	swait.ge [sflag:s4], $0x0  }
0x19: {  	s7 =	sld [smem:$0x3F8D]  }
0x1a: {  	s8 =	sadd.s32 $0xFFFFE003, lr  }
0x1b: {  	s9 =	sadd.s32 $0xFFFFFEF7, lr;
	s5 =	simm.s32 $0xFFFFFFFF;
	p2 =	slt.u32 s8, $0xFFFFF086  }
0x1c: {  	p1 =	slt.u32 s9, $0xF7A;
	s5 =	simm.s32 @!p2 $0x0  }
0x1d: {  	s5 =	simm.s32 @p1 $0x1;
	p0 =	seq.s32 s7, s2  }
0x1e: {  	s7 =	smul.u32 @!p0 $0xF7A, s2;
	p2 =	seq.s32 @!p0 s5, $0x0  }
0x1f: {  	s9 =	smul.u32 $0xF7A, s1;
	s8 =	simm.s32 @!p0 $0x1BF5;
	p2 =	por !p2, p0  }
0x20: {  	[sflag:s8] =	ssyncset.s32 @!p0 $0xFFFFF086;
	s6 =	sadd.s32 @!p0 s3, s7;
	s7 =	simm.s32 @!p0 $0x108  }
0x21: {  	s3 =	sadd.s32 s3, s9;
	s6 =	sadd.s32 @!p0 $0x88, s6;
	s7 =	simm.s32 @p2 $0x1082  }
0x22: {  	[simem:s7], [sflag:s8] =	dma.local @!p0 [hbm:s6], $0xF7A  }
0x23: {  	s9 =	sor.u32 $0xD0000000, s2;
	s6 =	simm.s32 $0x108;
	_ =	swait.ge @!p0 [sflag:s8], $0x0  }
0x24: {  	s3 =	sadd.s32 $0x88, s3;
	s6 =	simm.s32 @!p1 $0x1082;
	[sflag:s4] =	ssyncset.s32 $0xFFFFF086  }
0x25: {  	[simem:s6], [sflag:s4] =	dma.local [hbm:s3], $0xF7A  }
0x26: {  	[smem:$0x3F8D] =	sst s1;
	(tag) =	ssettag s2;
	_ =	strace s9  }
0x27: {  	s1 =	sld [smem:$0x3F9D]  }
0x28: {  	s2 =	sld [smem:$0x3F9E]  }
0x29: {  	s4 =	sld [smem:$0x3FA0]  }
0x2a: {  	p0 =	seq.s32 s5, $0x0;
	s5 =	sld [smem:$0x3FA1]  }
0x2b: {  	s6 =	sld [smem:$0x3FA2]  }
0x2c: {  	s7 =	sld [smem:$0x3FA3]  }
0x2d: {  	s3 =	simm.s32 $0x108;
	s8 =	sld [smem:$0x3FA4]  }
0x2e: {  	s3 =	simm.s32 @!p0 $0x1082;
	s9 =	sld [smem:$0x3FA5]  }
0x2f: {  	lr =	sadd.s32 s0, s3;
	s0 =	sld [smem:$0x3F9C]  }
0x30: {  	s3 =	sld [smem:$0x3F9F]  }
0x31: {  	[smem:$0x3FA8] =	sst s10  }
0x32: {  	s10 =	sld [smem:$0x3FA6];
	_ =	sdelay $0x3  }
0x33: {  	p0 =	seq.s32 s10, $0x1;
	s10 =	sld [smem:$0x3FA8];
	_ =	sdelay $0x3  }
0x34: {  	[smem:$0x3FA8] =	sst s10  }
0x35: {  	s10 =	sld [smem:$0x3FA7];
	_ =	sdelay $0x3  }
0x36: {  	p1 =	seq.s32 s10, $0x1;
	s10 =	sld [smem:$0x3FA8];
	_ =	sdelay $0x3  }
0x37: {  	[smem:$0x3FA8] =	sst s10  }
0x38: {  	s10 =	sld [smem:$0x3FA9]  }
0x39: {  	_ = 	snop;
	(pc) =	sbr.ind lr, $3  }
0x3a: {  	_ = 	snop  }
0x3b: {  	_ = 	snop  }
0x3c: {  	p2 =	seq.s32 s10, $0x1;
	s10 =	sld [smem:$0x3FA8]  }
0x3d: {  	_ =	shalt  }
0x3e: {  	_ =	shalt  }
0x3f: {  	_ =	shalt  }
0x40: {  	_ =	shalt  }
0x41: {  	_ =	shalt  }
0x42: {  	_ =	shalt  }
0x43: {  	_ =	shalt  }
0x44: {  	_ =	shalt  }
0x45: {  	_ =	shalt  }
0x46: {  	_ =	shalt  }
0x47: {  	_ =	shalt  }
0x48: {  	_ =	shalt  }
0x49: {  	_ =	shalt  }
0x4a: {  	_ =	shalt  }
0x4b: {  	_ =	shalt  }
0x4c: {  	_ =	shalt  }
0x4d: {  	_ =	shalt  }
0x4e: {  	_ =	shalt  }
0x4f: {  	_ =	shalt  }
0x50: {  	_ =	shalt  }
0x51: {  	_ =	shalt  }
0x52: {  	_ =	shalt  }
0x53: {  	_ =	shalt  }
0x54: {  	_ =	shalt  }
0x55: {  	_ =	shalt  }
0x56: {  	_ =	shalt  }
0x57: {  	_ =	shalt  }
0x58: {  	_ =	shalt  }
0x59: {  	_ =	shalt  }
0x5a: {  	_ =	shalt  }
0x5b: {  	_ =	shalt  }
0x5c: {  	_ =	shalt  }
0x5d: {  	_ =	shalt  }
0x5e: {  	_ =	shalt  }
0x5f: {  	_ =	shalt  }
0x60: {  	_ =	shalt  }
0x61: {  	_ =	shalt  }
0x62: {  	_ =	shalt  }
0x63: {  	_ =	shalt  }
0x64: {  	_ =	shalt  }
0x65: {  	_ =	shalt  }
0x66: {  	_ =	shalt  }
0x67: {  	_ =	shalt  }
0x68: {  	_ =	shalt  }
0x69: {  	_ =	shalt  }
0x6a: {  	_ =	shalt  }
0x6b: {  	_ =	shalt  }
0x6c: {  	_ =	shalt  }
0x6d: {  	_ =	shalt  }
0x6e: {  	_ =	shalt  }
0x6f: {  	_ =	shalt  }
0x70: {  	_ =	shalt  }
0x71: {  	_ =	shalt  }
0x72: {  	_ =	shalt  }
0x73: {  	_ =	shalt  }
0x74: {  	_ =	shalt  }
0x75: {  	_ =	shalt  }
0x76: {  	_ =	shalt  }
0x77: {  	_ =	shalt  }
0x78: {  	_ =	shalt  }
0x79: {  	_ =	shalt  }
0x7a: {  	_ =	shalt  }
0x7b: {  	_ =	shalt  }
0x7c: {  	_ =	shalt  }
0x7d: {  	_ =	shalt  }
0x7e: {  	_ =	shalt  }
0x7f: {  	_ =	shalt  }
0x80: {  	_ =	shalt  }
0x81: {  	_ =	shalt  }
0x82: {  	_ =	shalt  }
0x83: {  	_ =	shalt  }
0x84: {  	_ =	shalt  }
0x85: {  	_ =	shalt  }
0x86: {  	_ =	shalt  }
0x87: {  	_ =	shalt  }
.Lfunc_end0:
.L_simem_size_0:
called_computation.5_lowered:
.L_overlay_start_0:
0x88: {  	s2 =	sld [smem:$0x3FD9]  }
0x89: {  	s3 =	sld [smem:$0x3FFE];
	_ =	sdelay $0x1  }
0x8a: {  	s1 =	srdreg.scid  }
0x8b: {  	s0 =	sand.u32 $0x1, s1  }
0x8c: {  	s17 =	sshll.u32 s0, $0xA;
	s2 =	sadd.s32 s3, s2  }
0x8d: {  	s2 =	sadd.s32 s2, s17  }
0x8e: {  	[smem:$0x3FB4] =	sst s2  }
0x8f: {  	_ = 	snop  }
0x90: {  	(tm) =	ssettm $0x1  }
0x91: {  	s18 =	sld [smem:$0x3FFB];
	_ =	sdelay $0x3  }
0x92: {  	_ =	strace s18  }
0x93: {  	s2 =	sld [smem:$0x3FFC];
	_ =	sdelay $0x3  }
0x94: {  	_ =	strace s2  }
0x95: {  	s2 =	sld [smem:$0x3FFD];
	_ =	sdelay $0x3  }
0x96: {  	_ =	strace s2  }
0x97: {  	_ =	strace $0x8FFFFFFF  }
0x98: {  	s19 =	sld [smem:$0x3FDB];
	_ =	sdelay $0x1  }
0x99: {  	s20 =	simm.s32 $_scs_section_size  }
0x9a: {  	s4 =	simm.s32 $_size__tile_overlayer_lowered;
	s5 =	simm.s32 $_tile_overlayer_lowered  }
0x9b: {  	s6 =	simm.s32 $0x1BFF;
	s21 =	sshll.u32 s5, $0x1;
	s3 =	sadd.s32 s20, s19  }
0x9c: {  	s22 =	simm.s32 $0x0;
	s4 =	sshll.u32 s4, $0x1;
	s5 =	sadd.s32 s21, s3  }
0x9d: {  	[timem:s22], [sflag:s6] =	dma.local [hbm:s5], s4  }
0x9e: {  	_ =	swait.ge [sflag:s6], s4  }
0x9f: {  	s4 =	ssub.s32 $0x0, s4;
	[sflag:s6] =	ssyncset.done $0x0  }
0xa0: {  	[sflag:s6] =	ssyncadd.s32 s4;
	_ =	sdelay $0x1  }
0xa1: {  	s23 =	simm.s32 $0x1B8B  }
0xa2: {  	_ =	swait.ge [sflag:s23], $0x1  }
0xa3: {  	[sflag:s23] =	ssyncset.done $0x0  }
0xa4: {  	[sflag:s23] =	ssyncadd.s32 $0xFFFFFFFF  }
0xa5: {  	s4 =	sld [smem:$0x0]  }
0xa6: {  	s5 =	sand.u32 $0xFFFFFFFE, s1  }
0xa7: {  	p0 =	sne.s32 s1, s5  }
0xa8: {  	s5 =	sshll.u32 @p0 s5, $0xE  }
0xa9: {  	s5 =	sadd.s32 @p0 $0x11B8D, s5;
	s6 =	sshll.u32 @p0 s4, $0x11  }
0xaa: {  	s5 =	sor.u32 @p0 s6, s5  }
0xab: {  	[sflag:s5] =	ssyncadd.remote.s32 @p0 $0x1;
	_ =	sdelay $0x1  }
0xac: {  	s5 =	simm.s32 @p0 $0x1B8D  }
0xad: {  	_ =	swait.eq @p0 [sflag:s5], $0x1  }
0xae: {  	[sflag:s5] =	ssyncadd.s32 @p0 $0xFFFFFFFF  }
0xaf: {  	s6 =	sshll.u32 @!p0 s1, $0xE  }
0xb0: {  	s6 =	sor.u32 @!p0 $0x4000, s6;
	s5 =	simm.s32 @!p0 $0x1B8D  }
0xb1: {  	s4 =	sshll.u32 @!p0 s4, $0x11;
	s6 =	sadd.s32 @!p0 $0x11B8D, s6;
	_ =	swait.eq @!p0 [sflag:s5], $0x1  }
0xb2: {  	s4 =	sor.u32 @!p0 s4, s6;
	[sflag:s5] =	ssyncadd.s32 @!p0 $0xFFFFFFFF  }
0xb3: {  	s25 =	simm.s32 $0x1B8E;
	s24 =	sld [smem:$0x3FFE];
	[sflag:s4] =	ssyncadd.remote.s32 @!p0 $0x1  }
0xb4: {  	s26 =	simm.s32 $execute0_lowered;
	[smem:$0x3FD2] =	sst s25  }
0xb5: {  	s5 =	sshll.u32 s26, $0x1;
	_ =	strace $0x80000055;
	[dreg:$0x1] =	wrdreg $0xFFFFFFFF  }
0xb6: {  	s28 =	simm.s32 $_size_execute0_lowered;
	s3 =	sadd.s32 s3, s5;
	[dreg:$0x0] =	wrdreg $0x0  }
0xb7: {  	s5 =	sshll.u32 s28, $0x1;
	[dreg:$0x2] =	wrdreg s3  }
0xb8: {  	[dreg:$0x3] =	wrdreg s5  }
0xb9: {  	[dreg:$0x4] =	wrdreg $0xC0  }
0xba: {  	_ =	task [dreg:s22], $0x5FFFF  }
0xbb: {  	[dreg:$0x1] =	wrdreg $0xFFFFFFFF  }
0xbc: {  	[dreg:$0x0] =	wrdreg $0x60  }
0xbd: {  	[dreg:$0x2] =	wrdreg s24  }
0xbe: {  	[dreg:$0x3] =	wrdreg $0xA  }
0xbf: {  	_ =	task.clear_ibuf [dreg:s22], $0x4FFFF;
	_ =	strace $0x90000055  }
0xc0: {  	s29 =	simm.s32 $0xA;
	_ =	strace $0x80000057  }
0xc1: {  	_ =	swait.ge [sflag:s29], $0x1  }
0xc2: {  	[sflag:s29] =	ssyncadd.s32 $0xFFFFFFFF  }
0xc3: {  	_ =	strace $0x90000057  }
0xc4: {  	_ =	sfence  }
0xc5: {  	s30 =	sld [smem:$0x0];
	_ =	sdelay $0x2  }
0xc6: {  	s31 =	sshll.u32 s1, $0xD;
	s1 =	sshrl.u32 s1, $0x2  }
0xc7: {  	s4 =	sand.u32 $0x4000, s31;
	s1 =	sadd.s32 s1, s30  }
0xc8: {  	s0 =	sor.u32 s4, s0;
	s1 =	sshll.u32 s1, $0x11  }
0xc9: {  	s0 =	sor.u32 s1, s0  }
0xca: {  	s0 =	sadd.s32 $0x8F2B, s0  }
0xcb: {  	[sflag:s0] =	ssyncadd.remote.s32 $0x1  }
0xcc: {  	_ =	sfence.sel $0xFFFF  }
0xcd: {  	[dreg:$0x0] =	wrdreg $0xFFFFFFFF;
	(pc) =	sbr.abs _section_cstart, $3  }
0xce: {  	[dreg:$0x1] =	wrdreg $0xFFFFFFFF  }
0xcf: {  	_ =	task.clear_ibuf [dreg:s22], $0x2FFFF;
	_ =	strace $0x9FFFFFFF  }
0xd0: {  	(tm) =	ssettm $0x7FFFFFFF  }
0xd1: {  	_ =	shalt  }
tec
execute0_lowered:
.L_overlay_start_1:
0x0: {  	(tag) =	ssettag $0x1  }
0x1: {  	s0 =	srdreg.scid  }
0x2: {  	s1 =	sshll.u32 s0, $0x4  }
0x3: {  	s0 =	stileid.u32;
	s1 =	sand.u32 $0x10, s1  }
0x4: {  	s1 =	sor.u32 s0, s1  }
0x5: {  	s2 =	smul.u32 $0xF, s1  }
0x6: {  	s3 =	smin.u32 s1, $0x14  }
0x7: {  	s2 =	sadd.s32 s3, s2  }
0x8: {  	p0 =	slt.u32 s1, $0x14;
	s1 =	simm.s32 $0x1400;
	s2 =	smul.u32 $0x140, s2  }
0x9: {  	s1 =	simm.s32 @!p0 $0x12C0  }
0xa: {  	s1 =	sadd.s32 s1, s2  }
0xb: {  	s3 =	smin.u32 s1, $0x27100  }
0xc: {  	s7 =	ssub.s32 s3, s2  }
0xd: {  	p0 =	sgt.s32 s7, $0x0  }
0xe: {  	s7 =	simm.s32 @!p0 $0x0  }
0xf: {  	s31 =	smulhi.u32 $0x66666667, s7  }
0x10: {  	s4 =	rddreg [dreg:$0x0];
	s6 =	simm.s32 $0x1  }
0x11: {  	s10 =	simm.s32 $0x3;
	s13 =	simm.s32 $0x0;
	s8 =	sshrl.u32 s31, $0x7  }
0x12: {  	s12 =	simm.s32 $0x0;
	s5 =	sadd.s32 $0x27B000, s4;
	s9 =	smul.u32 $0x140, s8  }
.Ltmp0:
0x13: {  	s11 =	smov.u32 s2;
	s1 =	rddreg [dreg:$0x1];
	(pc) =	sbr.rel .LBB2_1-.Ltmp0, $4  }
0x14: {  	_ =	strace $0x80000056;
	p0 =	sne.s32 s7, s9;
	s9 =	simm.s32 $0x1  }
0x15: {  	[sflag:s6] =	ssyncpa.u1 $0x0;
	s7 =	simm.s32 $0x2;
	s9 =	simm.s32 @!p0 $0x0  }
0x16: {  	[sflag:s7] =	ssyncpa.u1 $0x0;
	p0 =	por $0x0, $0x0;
	s8 =	sadd.s32 s9, s8  }
0x17: {  	vm0 =	vmmov $0xff;
	vm1 =	vcmask $0x3F20;
	s9 =	sadd.s32 $0x311C00, s4;
	[sflag:s10] =	ssyncpa.u1 $0x0;
	s10 =	sadd.s32 $0x1, s8  }
.LBB2_6:
0x18: {  	[hbm:s17] =	stream.linear.scatter [tilespmem:s14], [sflag:$0x3], $0x400, $0x38;
	[tilespmem:$0x14280] =	vst v63  }
.LBB2_7:
0x19: {  	s13 =	sadd.s32 $0x140, s11  }
0x1a: {  	s15 =	smov.u32 s2;
	p2 =	slt.s32 s13, s3  }
0x1b: {  	s15 =	smov.u32 @p2 s13;
	p2 =	sne.s32 s12, s10  }
.Ltmp1:
0x1c: {  	p1 =	slt.u32 s12, $0x2;
	(pc) =	sbr.rel @!p2 .LBB2_8-.Ltmp1, $4  }
0x1d: {  	s14 =	simm.s32 @!p1 $0x3  }
0x1e: {  	s16 =	sadd.s32 $0x1, s12;
	_ =	swait.ge @!p1 [sflag:s14], $0xA000  }
0x1f: {  	p0 =	por !p0, !p0;
	s13 =	smov.u32 s11;
	[sflag:s14] =	ssyncset.done @!p1 $0x0  }
0x20: {  	s12 =	smov.u32 s16;
	s11 =	smov.u32 s15;
	[sflag:s14] =	ssyncadd.s32 @!p1 $0xFFFF6000  }
.LBB2_1:
0x21: {  	p1 =	sge.u32 s12, s8  }
0x22: {  	s14 =	sxor.u32 @!p1 $0xFFFFFFFF, s12  }
0x23: {  	s14 =	sand.u32 @!p1 $0x1, s14  }
0x24: {  	s14 =	smul.u32 @!p1 $0x500, s14  }
0x25: {  	s31 =	sadd.s32 $0xFFFFFFFF, s12;
	s15 =	sshrl.u32 @!p1 s11, $0x3  }
0x26: {  	s16 =	sand.u32 @!p1 $0x7, s11;
	s15 =	sadd.s32 @!p1 s5, s15;
	s14 =	sshrl.u32 @!p1 s14, $0x2  }
0x27: {  	[tilespmem:s14], [sflag:$0x2] =	stream.linear.gather @!p1 [hbm4b:s15+s16], $0x140, $0x38;
	[tilespmem:$0x14280] =	vst v63  }
0x28: {  	p1 =	sge.u32 s31, s8  }
.Ltmp2:
0x29: {  	_ = 	snop;
	(pc) =	sbr.rel @p1 .LBB2_7-.Ltmp2, $1  }
0x2a: {  	_ =	sdelay $0x3  }
0x2b: {  	s14 =	simm.s32 $0x1  }
0x2c: {  	s14 =	simm.s32 @!p0 $0x0  }
0x2d: {  	s15 =	smul.u32 $0x500, s14  }
0x2e: {  	_ =	swait.ge [sflag:s7], $0x140  }
0x2f: {  	[sflag:s7] =	ssyncset.done $0x0;
	s16 =	sshrl.u32 s15, $0x2  }
0x30: {  	[sflag:s7] =	ssyncadd.s32 $0xFFFFFEC0;
	s15 =	sadd.s32 $0x0, s16  }
0x31: {  	v0 =	vld.msk [tilespmem:s15+$0x0 ss:$0x1], $0xffff;
	_ =	sdelay $0x4  }
0x32: {  	vm2 =	vgt.s32 v0, $0x0  }
0x33: {  	v0 =	vnsel vm2, $0x0, v0  }
0x34: {  	v0 =	vmin.u32 v0, $0x270FF  }
0x35: {  	v0 =	vshll.u32 v0, $0x4  }
0x36: {  	s14 =	smul.u32 $0x28000, s14;
	_ =	sdelay $0x1  }
0x37: {  	s14 =	sshrl.u32 s14, $0x2  }
0x38: {  	s14 =	sor.u32 $0x280, s14  }
0x39: {  	[tilespmem:s14], [sflag:$0x1] =	stream.indirect_vreg.gather [hbm:s4], $0x80, v0, vm0, $0x38;
	[tilespmem:$0x14280] =	vst v63  }
0x3a: {  	s17 =	sadd.s32 $0x10, s16;
	s15 =	sadd.s32 $0x400, s14  }
0x3b: {  	[tilespmem:s15], [sflag:$0x1] =	stream.indirect_vreg.gather [hbm:s4], $0x80, v0, vm1, $0x38;
	[tilespmem:$0x14280] =	vst v63  }
0x3c: {  	s18 =	simm.s32 $0x80;
	v0 =	vld.msk [tilespmem:s17+$0x0 ss:$0x1], $0xffff;
	s17 =	smov.u32 s14  }
.LBB2_3:
0x3d: {  	p1 =	sne.s32 s18, $0x4C0;
	_ =	sdelay $0x4  }
0x3e: {  	vm2 =	vgt.s32 v0, $0x0  }
0x3f: {  	v0 =	vnsel vm2, $0x0, v0  }
0x40: {  	v0 =	vmin.u32 v0, $0x270FF  }
0x41: {  	v0 =	vshll.u32 v0, $0x4;
	_ =	sdelay $0x3  }
.Ltmp3:
0x42: {  	s19 =	sshra.s32 s18, $0x2;
	s17 =	sadd.s32 $0x800, s17;
	(pc) =	sbr.rel @p1 .LBB2_3-.Ltmp3, $4  }
0x43: {  	[tilespmem:s17], [sflag:$0x1] =	stream.indirect_vreg.gather [hbm:s4], $0x80, v0, vm0, $0x38;
	[tilespmem:$0x14280] =	vst v63  }
0x44: {  	s19 =	sadd.s32 s19, s16;
	s20 =	sadd.s32 $0x400, s17  }
0x45: {  	[tilespmem:s20], [sflag:$0x1] =	stream.indirect_vreg.gather [hbm:s4], $0x80, v0, vm1, $0x38;
	[tilespmem:$0x14280] =	vst v63  }
0x46: {  	s18 =	sadd.s32 $0x40, s18;
	v0 =	vld.msk [tilespmem:s19+$0x0 ss:$0x1], $0xffff  }
0x47: {  	_ =	sdelay $0x3  }
0x48: {  	vm2 =	vgt.s32 v0, $0x0  }
0x49: {  	v0 =	vnsel vm2, $0x0, v0  }
0x4a: {  	v0 =	vmin.u32 v0, $0x270FF  }
0x4b: {  	v0 =	vshll.u32 v0, $0x4;
	_ =	sdelay $0x3  }
0x4c: {  	s16 =	sadd.s32 $0x800, s17  }
0x4d: {  	[tilespmem:s16], [sflag:$0x1] =	stream.indirect_vreg.gather [hbm:s4], $0x80, v0, vm0, $0x38;
	[tilespmem:$0x14280] =	vst v63  }
0x4e: {  	s16 =	sadd.s32 $0x400, s16  }
0x4f: {  	[tilespmem:s16], [sflag:$0x1] =	stream.indirect_vreg.gather [hbm:s4], $0x80, v0, vm1, $0x38;
	[tilespmem:$0x14280] =	vst v63  }
0x50: {  	s13 =	sshll.u32 s13, $0x4;
	_ =	swait.ge [sflag:s6], $0xA000  }
0x51: {  	s13 =	sadd.s32 s13, s9;
	[sflag:s6] =	ssyncset.done $0x0  }
0x52: {  	s17 =	sadd.s32 $0x0, s13;
	s16 =	simm.s32 $0x80;
	[sflag:s6] =	ssyncadd.s32 $0xFFFF6000  }
.LBB2_5:
0x53: {  	[hbm:s17] =	stream.linear.scatter [tilespmem:s14], [sflag:$0x3], $0x400, $0x38;
	[tilespmem:$0x14280] =	vst v63  }
0x54: {  	s17 =	smov.u32 s16;
	s14 =	smov.u32 s15;
	p1 =	sne.s32 s16, $0x1380  }
.Ltmp4:
0x55: {  	s16 =	sadd.s32 $0x80, s16;
	(pc) =	sbr.rel @p1 .LBB2_5-.Ltmp4, $2  }
0x56: {  	_ =	sdelay $0x2  }
0x57: {  	s15 =	sadd.s32 $0x400, s15;
	s17 =	sadd.s32 s17, s13  }
.Ltmp5:
0x58: {  	_ = 	snop;
	(pc) =	sbr.rel .LBB2_6-.Ltmp5, $1  }
0x59: {  	_ =	sdelay $0x3  }
.LBB2_8:
0x5a: {  	_ =	sfence.sel $0x180000  }
0x5b: {  	s2 =	simm.s32 $0x2;
	[bflag:$0x0] =	sbarrier.arrive $0xFFFF  }
0x5c: {  	s30 =	simm.s32 $0x3;
	[sflag:s2] =	ssyncpa.u1 $0x1  }
0x5d: {  	s31 =	simm.s32 $0x1;
	[sflag:s30] =	ssyncpa.u1 $0x1  }
0x5e: {  	[sflag:s31] =	ssyncpa.u1 $0x1  }
0x5f: {  	p0 =	sne.s32 s0, $0x0;
	_ =	strace $0x90000056  }
0x60: {  	s0 =	sadd.s32 @!p0 $0x100000, s1;
	[bflag:$0x2] =	sbarrier.arrive $0xFFFF  }
0x61: {  	[sflag:s0] =	ssyncadd.tile.s32 @!p0 $0x1;
	_ =	shalt  }
.Lfunc_end2:
_tile_overlayer_lowered:
.L_overlay_start_2:
0x62: {  	(tag) =	ssettag $0x2  }
0x63: {  	s0 =	rddreg [dreg:$0x0];
	s2 =	stileid.u32  }
0x64: {  	s1 =	rddreg [dreg:$0x1];
	p0 =	sne.s32 s2, $0x0  }
0x65: {  	s3 =	rddreg [dreg:$0x2];
	[bflag:$0x3] =	sbarrier.arrive $0xFFFF;
	s2 =	simm.s32 @!p0 $0x1C01  }
0x66: {  	[timem:s3], [sflag:s2] =	dma.local @!p0 [hbm:s0], s1  }
0x67: {  	s0 =	simm.s32 @!p0 $0x1  }
0x68: {  	_ =	swait.ge @!p0 [sflag:s0], s1  }
0x69: {  	s1 =	ssub.s32 @!p0 $0x0, s1;
	[sflag:s0] =	ssyncset.done @!p0 $0x0  }
0x6a: {  	[sflag:s0] =	ssyncadd.s32 @!p0 s1  }
0x6b: {  	[bflag:$0x3] =	sbarrier.arrive $0xFFFF  }
0x6c: {  	_ =	shalt  }

// kernel: gather_offload_async_start
scs
__scs_entry_jumppad:
0x0: {  	(pc) =	sbr.rel $0x88, $3  }
0x1: {  	(tag) =	ssettag $0x0;
	lr =	simm.s32 $0x1  }
0x2: {  	[smem:$0x3F8D] =	sst lr;
	_ =	strace $0xD0000000  }
0x3: {  	_ = 	snop  }
0x4: {  	_ = 	snop  }
0x5: {  	_ = 	snop  }
0x6: {  	_ = 	snop  }
0x7: {  	_ = 	snop  }
__scs_overlays_trampoline_lowered:
0x8: {  	[smem:$0x3F9C] =	sst s0  }
0x9: {  	[smem:$0x3F9D] =	sst s1  }
0xa: {  	[smem:$0x3F9E] =	sst s2  }
0xb: {  	[smem:$0x3F9F] =	sst s3  }
0xc: {  	[smem:$0x3FA0] =	sst s4  }
0xd: {  	[smem:$0x3FA1] =	sst s5  }
0xe: {  	[smem:$0x3FA2] =	sst s6  }
0xf: {  	[smem:$0x3FA3] =	sst s7  }
0x10: {  	[smem:$0x3FA4] =	sst s8  }
0x11: {  	[smem:$0x3FA5] =	sst s9;
	s0 =	simm.s32 @!p0 $0x0  }
0x12: {  	s1 =	sld [smem:$0x3F8B];
	s0 =	simm.s32 @p0 $0x1  }
0x13: {  	[smem:$0x3FA6] =	sst s0;
	s0 =	simm.s32 @!p1 $0x0  }
0x14: {  	s2 =	sld [smem:$0x3F8A];
	s0 =	simm.s32 @p1 $0x1  }
0x15: {  	[smem:$0x3FA7] =	sst s0;
	s0 =	simm.s32 @!p2 $0x0  }
0x16: {  	s3 =	sld [smem:$0x3FDB];
	s0 =	simm.s32 @p2 $0x1  }
0x17: {  	s4 =	simm.s32 $0x1BF5;
	[smem:$0x3FA9] =	sst s0  }
0x18: {  	s0 =	sld [smem:$0x3F8C];
	_ =	swait.ge [sflag:s4], $0x0  }
0x19: {  	s7 =	sld [smem:$0x3F8D]  }
0x1a: {  	s8 =	sadd.s32 $0xFFFFE003, lr  }
0x1b: {  	s9 =	sadd.s32 $0xFFFFFEF7, lr;
	s5 =	simm.s32 $0xFFFFFFFF;
	p2 =	slt.u32 s8, $0xFFFFF086  }
0x1c: {  	p1 =	slt.u32 s9, $0xF7A;
	s5 =	simm.s32 @!p2 $0x0  }
0x1d: {  	s5 =	simm.s32 @p1 $0x1;
	p0 =	seq.s32 s7, s2  }
0x1e: {  	s7 =	smul.u32 @!p0 $0xF7A, s2;
	p2 =	seq.s32 @!p0 s5, $0x0  }
0x1f: {  	s9 =	smul.u32 $0xF7A, s1;
	s8 =	simm.s32 @!p0 $0x1BF5;
	p2 =	por !p2, p0  }
0x20: {  	[sflag:s8] =	ssyncset.s32 @!p0 $0xFFFFF086;
	s6 =	sadd.s32 @!p0 s3, s7;
	s7 =	simm.s32 @!p0 $0x108  }
0x21: {  	s3 =	sadd.s32 s3, s9;
	s6 =	sadd.s32 @!p0 $0x88, s6;
	s7 =	simm.s32 @p2 $0x1082  }
0x22: {  	[simem:s7], [sflag:s8] =	dma.local @!p0 [hbm:s6], $0xF7A  }
0x23: {  	s9 =	sor.u32 $0xD0000000, s2;
	s6 =	simm.s32 $0x108;
	_ =	swait.ge @!p0 [sflag:s8], $0x0  }
0x24: {  	s3 =	sadd.s32 $0x88, s3;
	s6 =	simm.s32 @!p1 $0x1082;
	[sflag:s4] =	ssyncset.s32 $0xFFFFF086  }
0x25: {  	[simem:s6], [sflag:s4] =	dma.local [hbm:s3], $0xF7A  }
0x26: {  	[smem:$0x3F8D] =	sst s1;
	(tag) =	ssettag s2;
	_ =	strace s9  }
0x27: {  	s1 =	sld [smem:$0x3F9D]  }
0x28: {  	s2 =	sld [smem:$0x3F9E]  }
0x29: {  	s4 =	sld [smem:$0x3FA0]  }
0x2a: {  	p0 =	seq.s32 s5, $0x0;
	s5 =	sld [smem:$0x3FA1]  }
0x2b: {  	s6 =	sld [smem:$0x3FA2]  }
0x2c: {  	s7 =	sld [smem:$0x3FA3]  }
0x2d: {  	s3 =	simm.s32 $0x108;
	s8 =	sld [smem:$0x3FA4]  }
0x2e: {  	s3 =	simm.s32 @!p0 $0x1082;
	s9 =	sld [smem:$0x3FA5]  }
0x2f: {  	lr =	sadd.s32 s0, s3;
	s0 =	sld [smem:$0x3F9C]  }
0x30: {  	s3 =	sld [smem:$0x3F9F]  }
0x31: {  	[smem:$0x3FA8] =	sst s10  }
0x32: {  	s10 =	sld [smem:$0x3FA6];
	_ =	sdelay $0x3  }
0x33: {  	p0 =	seq.s32 s10, $0x1;
	s10 =	sld [smem:$0x3FA8];
	_ =	sdelay $0x3  }
0x34: {  	[smem:$0x3FA8] =	sst s10  }
0x35: {  	s10 =	sld [smem:$0x3FA7];
	_ =	sdelay $0x3  }
0x36: {  	p1 =	seq.s32 s10, $0x1;
	s10 =	sld [smem:$0x3FA8];
	_ =	sdelay $0x3  }
0x37: {  	[smem:$0x3FA8] =	sst s10  }
0x38: {  	s10 =	sld [smem:$0x3FA9]  }
0x39: {  	_ = 	snop;
	(pc) =	sbr.ind lr, $3  }
0x3a: {  	_ = 	snop  }
0x3b: {  	_ = 	snop  }
0x3c: {  	p2 =	seq.s32 s10, $0x1;
	s10 =	sld [smem:$0x3FA8]  }
0x3d: {  	_ =	shalt  }
0x3e: {  	_ =	shalt  }
0x3f: {  	_ =	shalt  }
0x40: {  	_ =	shalt  }
0x41: {  	_ =	shalt  }
0x42: {  	_ =	shalt  }
0x43: {  	_ =	shalt  }
0x44: {  	_ =	shalt  }
0x45: {  	_ =	shalt  }
0x46: {  	_ =	shalt  }
0x47: {  	_ =	shalt  }
0x48: {  	_ =	shalt  }
0x49: {  	_ =	shalt  }
0x4a: {  	_ =	shalt  }
0x4b: {  	_ =	shalt  }
0x4c: {  	_ =	shalt  }
0x4d: {  	_ =	shalt  }
0x4e: {  	_ =	shalt  }
0x4f: {  	_ =	shalt  }
0x50: {  	_ =	shalt  }
0x51: {  	_ =	shalt  }
0x52: {  	_ =	shalt  }
0x53: {  	_ =	shalt  }
0x54: {  	_ =	shalt  }
0x55: {  	_ =	shalt  }
0x56: {  	_ =	shalt  }
0x57: {  	_ =	shalt  }
0x58: {  	_ =	shalt  }
0x59: {  	_ =	shalt  }
0x5a: {  	_ =	shalt  }
0x5b: {  	_ =	shalt  }
0x5c: {  	_ =	shalt  }
0x5d: {  	_ =	shalt  }
0x5e: {  	_ =	shalt  }
0x5f: {  	_ =	shalt  }
0x60: {  	_ =	shalt  }
0x61: {  	_ =	shalt  }
0x62: {  	_ =	shalt  }
0x63: {  	_ =	shalt  }
0x64: {  	_ =	shalt  }
0x65: {  	_ =	shalt  }
0x66: {  	_ =	shalt  }
0x67: {  	_ =	shalt  }
0x68: {  	_ =	shalt  }
0x69: {  	_ =	shalt  }
0x6a: {  	_ =	shalt  }
0x6b: {  	_ =	shalt  }
0x6c: {  	_ =	shalt  }
0x6d: {  	_ =	shalt  }
0x6e: {  	_ =	shalt  }
0x6f: {  	_ =	shalt  }
0x70: {  	_ =	shalt  }
0x71: {  	_ =	shalt  }
0x72: {  	_ =	shalt  }
0x73: {  	_ =	shalt  }
0x74: {  	_ =	shalt  }
0x75: {  	_ =	shalt  }
0x76: {  	_ =	shalt  }
0x77: {  	_ =	shalt  }
0x78: {  	_ =	shalt  }
0x79: {  	_ =	shalt  }
0x7a: {  	_ =	shalt  }
0x7b: {  	_ =	shalt  }
0x7c: {  	_ =	shalt  }
0x7d: {  	_ =	shalt  }
0x7e: {  	_ =	shalt  }
0x7f: {  	_ =	shalt  }
0x80: {  	_ =	shalt  }
0x81: {  	_ =	shalt  }
0x82: {  	_ =	shalt  }
0x83: {  	_ =	shalt  }
0x84: {  	_ =	shalt  }
0x85: {  	_ =	shalt  }
0x86: {  	_ =	shalt  }
0x87: {  	_ =	shalt  }
.Lfunc_end0:
.L_simem_size_0:
called_computation.2_lowered:
.L_overlay_start_0:
0x88: {  	s2 =	sld [smem:$0x3FD9]  }
0x89: {  	s3 =	sld [smem:$0x3FFE];
	_ =	sdelay $0x1  }
0x8a: {  	s1 =	srdreg.scid  }
0x8b: {  	s0 =	sand.u32 $0x1, s1  }
0x8c: {  	s16 =	sshll.u32 s0, $0xA;
	s2 =	sadd.s32 s3, s2  }
0x8d: {  	s2 =	sadd.s32 s2, s16  }
0x8e: {  	[smem:$0x3FB4] =	sst s2  }
0x8f: {  	_ = 	snop  }
0x90: {  	(tm) =	ssettm $0x1  }
0x91: {  	s17 =	sld [smem:$0x3FFB];
	_ =	sdelay $0x3  }
0x92: {  	_ =	strace s17  }
0x93: {  	s2 =	sld [smem:$0x3FFC];
	_ =	sdelay $0x3  }
0x94: {  	_ =	strace s2  }
0x95: {  	s2 =	sld [smem:$0x3FFD];
	_ =	sdelay $0x3  }
0x96: {  	_ =	strace s2  }
0x97: {  	_ =	strace $0x8FFFFFFF  }
0x98: {  	s18 =	sld [smem:$0x3FDB];
	_ =	sdelay $0x1  }
0x99: {  	s19 =	simm.s32 $_scs_section_size  }
0x9a: {  	s4 =	simm.s32 $_size__tile_overlayer_lowered;
	s5 =	simm.s32 $_tile_overlayer_lowered  }
0x9b: {  	s22 =	simm.s32 $0x1BFF;
	s21 =	sshll.u32 s5, $0x1;
	s2 =	sadd.s32 s19, s18  }
0x9c: {  	s6 =	simm.s32 $0x0;
	s20 =	sshll.u32 s4, $0x1;
	s4 =	sadd.s32 s21, s2  }
0x9d: {  	[timem:s6], [sflag:s22] =	dma.local [hbm:s4], s20  }
0x9e: {  	_ =	swait.ge [sflag:s22], s20  }
0x9f: {  	s3 =	ssub.s32 $0x0, s20;
	[sflag:s22] =	ssyncset.done $0x0  }
0xa0: {  	[sflag:s22] =	ssyncadd.s32 s3;
	_ =	sdelay $0x1  }
0xa1: {  	s23 =	simm.s32 $0x1B8B  }
0xa2: {  	_ =	swait.ge [sflag:s23], $0x1  }
0xa3: {  	[sflag:s23] =	ssyncset.done $0x0  }
0xa4: {  	s25 =	simm.s32 $0x1B8E;
	s24 =	sld [smem:$0x3FFE];
	[sflag:s23] =	ssyncadd.s32 $0xFFFFFFFF  }
0xa5: {  	s26 =	simm.s32 $execute0_lowered;
	[smem:$0x3FD2] =	sst s25  }
0xa6: {  	s4 =	sshll.u32 s26, $0x1;
	_ =	strace $0x80000049;
	[dreg:$0x1] =	wrdreg $0xFFFFFFFF  }
0xa7: {  	s28 =	simm.s32 $_size_execute0_lowered;
	s2 =	sadd.s32 s2, s4;
	[dreg:$0x0] =	wrdreg $0x0  }
0xa8: {  	s4 =	sshll.u32 s28, $0x1;
	[dreg:$0x2] =	wrdreg s2  }
0xa9: {  	[dreg:$0x3] =	wrdreg s4  }
0xaa: {  	[dreg:$0x4] =	wrdreg $0xC0  }
0xab: {  	_ =	task [dreg:s6], $0x5FFFF  }
0xac: {  	[dreg:$0x1] =	wrdreg $0xFFFFFFFF  }
0xad: {  	[dreg:$0x0] =	wrdreg $0x60  }
0xae: {  	[dreg:$0x2] =	wrdreg s24  }
0xaf: {  	[dreg:$0x3] =	wrdreg $0x9  }
0xb0: {  	_ =	task.clear_ibuf [dreg:s6], $0x4FFFF;
	_ =	strace $0x90000049  }
0xb1: {  	s29 =	simm.s32 $0x9;
	_ =	strace $0x8000004B  }
0xb2: {  	_ =	swait.ge [sflag:s29], $0x1  }
0xb3: {  	[sflag:s29] =	ssyncadd.s32 $0xFFFFFFFF  }
0xb4: {  	_ =	strace $0x9000004B  }
0xb5: {  	_ =	sfence  }
0xb6: {  	s30 =	sld [smem:$0x0];
	_ =	sdelay $0x2  }
0xb7: {  	s31 =	sshll.u32 s1, $0xD;
	s1 =	sshrl.u32 s1, $0x2  }
0xb8: {  	s3 =	sand.u32 $0x4000, s31;
	s1 =	sadd.s32 s1, s30  }
0xb9: {  	s0 =	sor.u32 s3, s0;
	s1 =	sshll.u32 s1, $0x11  }
0xba: {  	s0 =	sor.u32 s1, s0  }
0xbb: {  	s0 =	sadd.s32 $0x8F2B, s0  }
0xbc: {  	[sflag:s0] =	ssyncadd.remote.s32 $0x1  }
0xbd: {  	_ =	sfence.sel $0xFFFF  }
0xbe: {  	[dreg:$0x0] =	wrdreg $0xFFFFFFFF;
	(pc) =	sbr.abs _section_cstart, $3  }
0xbf: {  	[dreg:$0x1] =	wrdreg $0xFFFFFFFF  }
0xc0: {  	_ =	task.clear_ibuf [dreg:s6], $0x2FFFF;
	_ =	strace $0x9FFFFFFF  }
0xc1: {  	(tm) =	ssettm $0x7FFFFFFF  }
tec
execute0_lowered:
.L_overlay_start_1:
0x0: {  	(tag) =	ssettag $0x1  }
0x1: {  	s8 =	rddreg [dreg:$0x0]  }
0x2: {  	s0 =	rddreg [dreg:$0x1];
	_ =	strace $0x8000004A;
	s1 =	stileid.u32  }
0x3: {  	s3 =	srdreg.scid;
	s4 =	simm.s32 $0x1;
	s7 =	simm.s32 $0x1  }
0x4: {  	s9 =	simm.s32 $0x1;
	s10 =	simm.s32 $0x3;
	s13 =	simm.s32 $0x0  }
0x5: {  	s12 =	simm.s32 $0x0;
	s5 =	sand.u32 $0x1, s3;
	s6 =	sshll.u32 s1, $0x1  }
0x6: {  	s2 =	sadd.s32 $0x276000, s8;
	s3 =	sadd.s32 $0x27B000, s8;
	s5 =	sor.u32 s6, s5  }
.Ltmp0:
0x7: {  	[sflag:s4] =	ssyncpa.u1 $0x0;
	p0 =	slt.u32 s5, $0x9;
	(pc) =	sbr.rel .LBB2_1-.Ltmp0, $4  }
0x8: {  	s6 =	simm.s32 $0x2;
	s7 =	simm.s32 @!p0 $0x0;
	p0 =	sne.s32 s5, $0x8  }
0x9: {  	[sflag:s6] =	ssyncpa.u1 $0x0;
	s5 =	smul.u32 $0xFA0, s5;
	s9 =	simm.s32 @!p0 $0x0  }
0xa: {  	s8 =	sadd.s32 $0x28AE00, s8;
	[sflag:s10] =	ssyncpa.u1 $0x0;
	s7 =	sadd.s32 s9, s7  }
0xb: {  	vm0 =	vmmov $0xffff;
	s10 =	simm.s32 $0x0;
	s11 =	smov.u32 s5;
	s9 =	sadd.s32 $0x1, s7  }
.LBB2_4:
0xc: {  	v2 =	vnsel vm1, $0x0, v2  }
0xd: {  	vm1 =	vgt.s32 v0, $0x0;
	v2 =	vmin.u32 v2, $0x270FF  }
0xe: {  	v0 =	vnsel vm1, $0x0, v0  }
0xf: {  	v0 =	vmin.u32 v0, $0x270FF  }
0x10: {  	[tilespmem:s18], [sflag:$0x1] =	stream.indirect_vreg.gather [hbm4b:s2+s10], $0x1, v1, vm0, $0x4038;
	[tilespmem:$0x3E80] =	vst v63  }
0x11: {  	(ifvalue) =	ssetifvalue $0x7FFFFFFF  }
0x12: {  	[tilespmem:s15], [sflag:$0x1] =	stream.indirect_vreg.gather [hbm4b:s2+s10], $0x1, v2, vm0, $0x4038;
	[tilespmem:$0x3E80] =	vst v63  }
0x13: {  	s29 =	sadd.s32 $0x10, s15;
	(ifvalue) =	ssetifvalue $0x7FFFFFFF  }
0x14: {  	[tilespmem:s29], [sflag:$0x1] =	stream.indirect_vreg.gather [hbm4b:s2+s10], $0x1, v0, vm0, $0x4038;
	[tilespmem:$0x3E80] =	vst v63  }
0x15: {  	_ =	swait.ge [sflag:s4], $0xFA0  }
0x16: {  	s30 =	sshrl.u32 s13, $0x3;
	[sflag:s4] =	ssyncset.done $0x0  }
0x17: {  	s31 =	sand.u32 $0x7, s13;
	s15 =	sadd.s32 s8, s30;
	[sflag:s4] =	ssyncadd.s32 $0xFFFFF060  }
0x18: {  	[hbm4b:s15+s31] =	stream.linear.scatter [tilespmem:s14], [sflag:$0x3], $0xFA0, $0x38;
	[tilespmem:$0x3E80] =	vst v63  }
.LBB2_5:
0x19: {  	s15 =	sadd.s32 $0x1F400, s11  }
0x1a: {  	p1 =	sgt.s32 s15, $0x270FF  }
0x1b: {  	s15 =	smov.u32 @p1 s5;
	p1 =	sne.s32 s12, s9  }
.Ltmp1:
0x1c: {  	p0 =	slt.u32 s12, $0x2;
	(pc) =	sbr.rel @!p1 .LBB2_6-.Ltmp1, $4  }
0x1d: {  	s14 =	simm.s32 @!p0 $0x3  }
0x1e: {  	_ =	swait.ge @!p0 [sflag:s14], $0xFA0  }
0x1f: {  	s16 =	sadd.s32 $0x1, s12;
	s13 =	smov.u32 s11;
	[sflag:s14] =	ssyncset.done @!p0 $0x0  }
0x20: {  	s12 =	smov.u32 s16;
	s11 =	smov.u32 s15;
	[sflag:s14] =	ssyncadd.s32 @!p0 $0xFFFFF060  }
.LBB2_1:
0x21: {  	p0 =	sge.u32 s12, s7  }
0x22: {  	s14 =	sxor.u32 @!p0 $0x1, s12  }
0x23: {  	s14 =	smul.u32 @!p0 $0x3E80, s14  }
0x24: {  	s31 =	sadd.s32 $0xFFFFFFFF, s12;
	s15 =	sshrl.u32 @!p0 s11, $0x3  }
0x25: {  	s16 =	sand.u32 @!p0 $0x7, s11;
	s15 =	sadd.s32 @!p0 s3, s15;
	s14 =	sshra.s32 @!p0 s14, $0x2  }
0x26: {  	[tilespmem:s14], [sflag:$0x2] =	stream.linear.gather @!p0 [hbm4b:s15+s16], $0xFA0, $0x38;
	[tilespmem:$0x3E80] =	vst v63  }
0x27: {  	p0 =	sge.u32 s31, s7  }
.Ltmp2:
0x28: {  	_ = 	snop;
	(pc) =	sbr.rel @p0 .LBB2_5-.Ltmp2, $1  }
0x29: {  	_ =	sdelay $0x3  }
0x2a: {  	s14 =	sand.u32 $0x1, s12  }
0x2b: {  	_ =	swait.ge [sflag:s6], $0xFA0;
	p0 =	seq.s32 s14, $0x1;
	s14 =	simm.s32 $0xFA0  }
0x2c: {  	[sflag:s6] =	ssyncset.done $0x0;
	s14 =	simm.s32 @!p0 $0x0  }
0x2d: {  	[sflag:s6] =	ssyncadd.s32 $0xFFFFF060;
	(ifvalue) =	ssetifvalue $0x7FFFFFFF;
	v0 =	vld.msk [tilespmem:s14+$0x0 ss:$0x1], $0xffff;
	_ =	sdelay $0x4  }
0x2e: {  	s15 =	sadd.s32 $0x10, s14;
	vm1 =	vgt.s32 v0, $0x0  }
0x2f: {  	v2 =	vld.msk [tilespmem:s15+$0x0 ss:$0x1], $0xffff;
	v1 =	vnsel vm1, $0x0, v0  }
0x30: {  	v1 =	vmin.u32 v1, $0x270FF;
	_ =	sdelay $0x2  }
0x31: {  	s17 =	simm.s32 $0x20;
	s14 =	sadd.s32 $0x1F40, s14;
	s16 =	sadd.s32 $0x10, s15  }
0x32: {  	s15 =	sadd.s32 $0x10, s14;
	s18 =	smov.u32 s14;
	v0 =	vld.msk [tilespmem:s16+$0x0 ss:$0x1], $0xffff;
	vm1 =	vgt.s32 v2, $0x0;
	(ifvalue) =	ssetifvalue $0x7FFFFFFF  }
.LBB2_3:
0x33: {  	[tilespmem:s18], [sflag:$0x1] =	stream.indirect_vreg.gather [hbm4b:s2+s10], $0x1, v1, vm0, $0x4038;
	[tilespmem:$0x3E80] =	vst v63  }
0x34: {  	s17 =	sadd.s32 $0x10, s17  }
0x35: {  	v2 =	vnsel vm1, $0x0, v2;
	p0 =	slt.u32 s17, $0xF90  }
.Ltmp3:
0x36: {  	s18 =	smov.u32 s15;
	v1 =	vmin.u32 v2, $0x270FF;
	(pc) =	sbr.rel @p0 .LBB2_3-.Ltmp3, $3  }
0x37: {  	_ =	sdelay $0x1  }
0x38: {  	s16 =	sadd.s32 $0x10, s16  }
0x39: {  	vm1 =	vgt.s32 v0, $0x0;
	s15 =	sadd.s32 $0x10, s15;
	v2 =	vmov v0;
	(ifvalue) =	ssetifvalue $0x7FFFFFFF;
	v0 =	vld.msk [tilespmem:s16+$0x0 ss:$0x1], $0xffff  }
.Ltmp4:
0x3a: {  	_ = 	snop;
	(pc) =	sbr.rel .LBB2_4-.Ltmp4, $1  }
0x3b: {  	_ =	sdelay $0x3  }
.LBB2_6:
0x3c: {  	_ =	sfence.sel $0x180000  }
0x3d: {  	s2 =	simm.s32 $0x2;
	[bflag:$0x0] =	sbarrier.arrive $0xFFFF  }
0x3e: {  	s30 =	simm.s32 $0x3;
	[sflag:s2] =	ssyncpa.u1 $0x1  }
0x3f: {  	s31 =	simm.s32 $0x1;
	[sflag:s30] =	ssyncpa.u1 $0x1  }
0x40: {  	[sflag:s31] =	ssyncpa.u1 $0x1  }
0x41: {  	p0 =	sne.s32 s1, $0x0;
	_ =	strace $0x9000004A  }
0x42: {  	s0 =	sadd.s32 @!p0 $0x100000, s0;
	[bflag:$0x2] =	sbarrier.arrive $0xFFFF  }
0x43: {  	[sflag:s0] =	ssyncadd.tile.s32 @!p0 $0x1;
	_ =	shalt  }
.Lfunc_end2:
_tile_overlayer_lowered:
.L_overlay_start_2:
0x44: {  	(tag) =	ssettag $0x2  }
0x45: {  	s0 =	rddreg [dreg:$0x0];
	s2 =	stileid.u32  }
0x46: {  	s1 =	rddreg [dreg:$0x1];
	p0 =	sne.s32 s2, $0x0  }
0x47: {  	s3 =	rddreg [dreg:$0x2];
	[bflag:$0x3] =	sbarrier.arrive $0xFFFF;
	s2 =	simm.s32 @!p0 $0x1C01  }
0x48: {  	[timem:s3], [sflag:s2] =	dma.local @!p0 [hbm:s0], s1  }
0x49: {  	s0 =	simm.s32 @!p0 $0x1  }
0x4a: {  	_ =	swait.ge @!p0 [sflag:s0], s1  }
0x4b: {  	s1 =	ssub.s32 @!p0 $0x0, s1;
	[sflag:s0] =	ssyncset.done @!p0 $0x0  }
0x4c: {  	[sflag:s0] =	ssyncadd.s32 @!p0 s1  }
0x4d: {  	[bflag:$0x3] =	sbarrier.arrive $0xFFFF  }
0x4e: {  	_ =	shalt  }

// kernel: kernel.20.cloned.1.call-start
scs
__scs_entry_jumppad:
0x0: {  	(pc) =	sbr.rel $0x88, $3  }
0x1: {  	(tag) =	ssettag $0x0;
	lr =	simm.s32 $0x1  }
0x2: {  	[smem:$0x3F8D] =	sst lr;
	_ =	strace $0xD0000000  }
0x3: {  	_ = 	snop  }
0x4: {  	_ = 	snop  }
0x5: {  	_ = 	snop  }
0x6: {  	_ = 	snop  }
0x7: {  	_ = 	snop  }
__scs_overlays_trampoline_lowered:
0x8: {  	[smem:$0x3F9C] =	sst s0  }
0x9: {  	[smem:$0x3F9D] =	sst s1  }
0xa: {  	[smem:$0x3F9E] =	sst s2  }
0xb: {  	[smem:$0x3F9F] =	sst s3  }
0xc: {  	[smem:$0x3FA0] =	sst s4  }
0xd: {  	[smem:$0x3FA1] =	sst s5  }
0xe: {  	[smem:$0x3FA2] =	sst s6  }
0xf: {  	[smem:$0x3FA3] =	sst s7  }
0x10: {  	[smem:$0x3FA4] =	sst s8  }
0x11: {  	[smem:$0x3FA5] =	sst s9;
	s0 =	simm.s32 @!p0 $0x0  }
0x12: {  	s1 =	sld [smem:$0x3F8B];
	s0 =	simm.s32 @p0 $0x1  }
0x13: {  	[smem:$0x3FA6] =	sst s0;
	s0 =	simm.s32 @!p1 $0x0  }
0x14: {  	s2 =	sld [smem:$0x3F8A];
	s0 =	simm.s32 @p1 $0x1  }
0x15: {  	[smem:$0x3FA7] =	sst s0;
	s0 =	simm.s32 @!p2 $0x0  }
0x16: {  	s3 =	sld [smem:$0x3FDB];
	s0 =	simm.s32 @p2 $0x1  }
0x17: {  	s4 =	simm.s32 $0x1BF5;
	[smem:$0x3FA9] =	sst s0  }
0x18: {  	s0 =	sld [smem:$0x3F8C];
	_ =	swait.ge [sflag:s4], $0x0  }
0x19: {  	s7 =	sld [smem:$0x3F8D]  }
0x1a: {  	s8 =	sadd.s32 $0xFFFFE003, lr  }
0x1b: {  	s9 =	sadd.s32 $0xFFFFFEF7, lr;
	s5 =	simm.s32 $0xFFFFFFFF;
	p2 =	slt.u32 s8, $0xFFFFF086  }
0x1c: {  	p1 =	slt.u32 s9, $0xF7A;
	s5 =	simm.s32 @!p2 $0x0  }
0x1d: {  	s5 =	simm.s32 @p1 $0x1;
	p0 =	seq.s32 s7, s2  }
0x1e: {  	s7 =	smul.u32 @!p0 $0xF7A, s2;
	p2 =	seq.s32 @!p0 s5, $0x0  }
0x1f: {  	s9 =	smul.u32 $0xF7A, s1;
	s8 =	simm.s32 @!p0 $0x1BF5;
	p2 =	por !p2, p0  }
0x20: {  	[sflag:s8] =	ssyncset.s32 @!p0 $0xFFFFF086;
	s6 =	sadd.s32 @!p0 s3, s7;
	s7 =	simm.s32 @!p0 $0x108  }
0x21: {  	s3 =	sadd.s32 s3, s9;
	s6 =	sadd.s32 @!p0 $0x88, s6;
	s7 =	simm.s32 @p2 $0x1082  }
0x22: {  	[simem:s7], [sflag:s8] =	dma.local @!p0 [hbm:s6], $0xF7A  }
0x23: {  	s9 =	sor.u32 $0xD0000000, s2;
	s6 =	simm.s32 $0x108;
	_ =	swait.ge @!p0 [sflag:s8], $0x0  }
0x24: {  	s3 =	sadd.s32 $0x88, s3;
	s6 =	simm.s32 @!p1 $0x1082;
	[sflag:s4] =	ssyncset.s32 $0xFFFFF086  }
0x25: {  	[simem:s6], [sflag:s4] =	dma.local [hbm:s3], $0xF7A  }
0x26: {  	[smem:$0x3F8D] =	sst s1;
	(tag) =	ssettag s2;
	_ =	strace s9  }
0x27: {  	s1 =	sld [smem:$0x3F9D]  }
0x28: {  	s2 =	sld [smem:$0x3F9E]  }
0x29: {  	s4 =	sld [smem:$0x3FA0]  }
0x2a: {  	p0 =	seq.s32 s5, $0x0;
	s5 =	sld [smem:$0x3FA1]  }
0x2b: {  	s6 =	sld [smem:$0x3FA2]  }
0x2c: {  	s7 =	sld [smem:$0x3FA3]  }
0x2d: {  	s3 =	simm.s32 $0x108;
	s8 =	sld [smem:$0x3FA4]  }
0x2e: {  	s3 =	simm.s32 @!p0 $0x1082;
	s9 =	sld [smem:$0x3FA5]  }
0x2f: {  	lr =	sadd.s32 s0, s3;
	s0 =	sld [smem:$0x3F9C]  }
0x30: {  	s3 =	sld [smem:$0x3F9F]  }
0x31: {  	[smem:$0x3FA8] =	sst s10  }
0x32: {  	s10 =	sld [smem:$0x3FA6];
	_ =	sdelay $0x3  }
0x33: {  	p0 =	seq.s32 s10, $0x1;
	s10 =	sld [smem:$0x3FA8];
	_ =	sdelay $0x3  }
0x34: {  	[smem:$0x3FA8] =	sst s10  }
0x35: {  	s10 =	sld [smem:$0x3FA7];
	_ =	sdelay $0x3  }
0x36: {  	p1 =	seq.s32 s10, $0x1;
	s10 =	sld [smem:$0x3FA8];
	_ =	sdelay $0x3  }
0x37: {  	[smem:$0x3FA8] =	sst s10  }
0x38: {  	s10 =	sld [smem:$0x3FA9]  }
0x39: {  	_ = 	snop;
	(pc) =	sbr.ind lr, $3  }
0x3a: {  	_ = 	snop  }
0x3b: {  	_ = 	snop  }
0x3c: {  	p2 =	seq.s32 s10, $0x1;
	s10 =	sld [smem:$0x3FA8]  }
0x3d: {  	_ =	shalt  }
0x3e: {  	_ =	shalt  }
0x3f: {  	_ =	shalt  }
0x40: {  	_ =	shalt  }
0x41: {  	_ =	shalt  }
0x42: {  	_ =	shalt  }
0x43: {  	_ =	shalt  }
0x44: {  	_ =	shalt  }
0x45: {  	_ =	shalt  }
0x46: {  	_ =	shalt  }
0x47: {  	_ =	shalt  }
0x48: {  	_ =	shalt  }
0x49: {  	_ =	shalt  }
0x4a: {  	_ =	shalt  }
0x4b: {  	_ =	shalt  }
0x4c: {  	_ =	shalt  }
0x4d: {  	_ =	shalt  }
0x4e: {  	_ =	shalt  }
0x4f: {  	_ =	shalt  }
0x50: {  	_ =	shalt  }
0x51: {  	_ =	shalt  }
0x52: {  	_ =	shalt  }
0x53: {  	_ =	shalt  }
0x54: {  	_ =	shalt  }
0x55: {  	_ =	shalt  }
0x56: {  	_ =	shalt  }
0x57: {  	_ =	shalt  }
0x58: {  	_ =	shalt  }
0x59: {  	_ =	shalt  }
0x5a: {  	_ =	shalt  }
0x5b: {  	_ =	shalt  }
0x5c: {  	_ =	shalt  }
0x5d: {  	_ =	shalt  }
0x5e: {  	_ =	shalt  }
0x5f: {  	_ =	shalt  }
0x60: {  	_ =	shalt  }
0x61: {  	_ =	shalt  }
0x62: {  	_ =	shalt  }
0x63: {  	_ =	shalt  }
0x64: {  	_ =	shalt  }
0x65: {  	_ =	shalt  }
0x66: {  	_ =	shalt  }
0x67: {  	_ =	shalt  }
0x68: {  	_ =	shalt  }
0x69: {  	_ =	shalt  }
0x6a: {  	_ =	shalt  }
0x6b: {  	_ =	shalt  }
0x6c: {  	_ =	shalt  }
0x6d: {  	_ =	shalt  }
0x6e: {  	_ =	shalt  }
0x6f: {  	_ =	shalt  }
0x70: {  	_ =	shalt  }
0x71: {  	_ =	shalt  }
0x72: {  	_ =	shalt  }
0x73: {  	_ =	shalt  }
0x74: {  	_ =	shalt  }
0x75: {  	_ =	shalt  }
0x76: {  	_ =	shalt  }
0x77: {  	_ =	shalt  }
0x78: {  	_ =	shalt  }
0x79: {  	_ =	shalt  }
0x7a: {  	_ =	shalt  }
0x7b: {  	_ =	shalt  }
0x7c: {  	_ =	shalt  }
0x7d: {  	_ =	shalt  }
0x7e: {  	_ =	shalt  }
0x7f: {  	_ =	shalt  }
0x80: {  	_ =	shalt  }
0x81: {  	_ =	shalt  }
0x82: {  	_ =	shalt  }
0x83: {  	_ =	shalt  }
0x84: {  	_ =	shalt  }
0x85: {  	_ =	shalt  }
0x86: {  	_ =	shalt  }
0x87: {  	_ =	shalt  }
.Lfunc_end0:
.L_simem_size_0:
called_computation.6_lowered:
.L_overlay_start_0:
0x88: {  	s2 =	sld [smem:$0x3FD9]  }
0x89: {  	s3 =	sld [smem:$0x3FFE];
	_ =	sdelay $0x1  }
0x8a: {  	s1 =	srdreg.scid  }
0x8b: {  	s0 =	sand.u32 $0x1, s1  }
0x8c: {  	s17 =	sshll.u32 s0, $0xA;
	s2 =	sadd.s32 s3, s2  }
0x8d: {  	s2 =	sadd.s32 s2, s17  }
0x8e: {  	[smem:$0x3FB4] =	sst s2  }
0x8f: {  	_ = 	snop  }
0x90: {  	(tm) =	ssettm $0x1  }
0x91: {  	s18 =	sld [smem:$0x3FFB];
	_ =	sdelay $0x3  }
0x92: {  	_ =	strace s18  }
0x93: {  	s2 =	sld [smem:$0x3FFC];
	_ =	sdelay $0x3  }
0x94: {  	_ =	strace s2  }
0x95: {  	s2 =	sld [smem:$0x3FFD];
	_ =	sdelay $0x3  }
0x96: {  	_ =	strace s2  }
0x97: {  	_ =	strace $0x8FFFFFFF  }
0x98: {  	s19 =	sld [smem:$0x3FDB];
	_ =	sdelay $0x1  }
0x99: {  	s20 =	simm.s32 $_scs_section_size  }
0x9a: {  	s4 =	simm.s32 $_size__tile_overlayer_lowered;
	s5 =	simm.s32 $_tile_overlayer_lowered  }
0x9b: {  	s6 =	simm.s32 $0x1BFF;
	s21 =	sshll.u32 s5, $0x1;
	s3 =	sadd.s32 s20, s19  }
0x9c: {  	s22 =	simm.s32 $0x0;
	s4 =	sshll.u32 s4, $0x1;
	s5 =	sadd.s32 s21, s3  }
0x9d: {  	[timem:s22], [sflag:s6] =	dma.local [hbm:s5], s4  }
0x9e: {  	_ =	swait.ge [sflag:s6], s4  }
0x9f: {  	s4 =	ssub.s32 $0x0, s4;
	[sflag:s6] =	ssyncset.done $0x0  }
0xa0: {  	[sflag:s6] =	ssyncadd.s32 s4;
	_ =	sdelay $0x1  }
0xa1: {  	s23 =	simm.s32 $0x1B8B  }
0xa2: {  	_ =	swait.ge [sflag:s23], $0x1  }
0xa3: {  	[sflag:s23] =	ssyncset.done $0x0  }
0xa4: {  	[sflag:s23] =	ssyncadd.s32 $0xFFFFFFFF  }
0xa5: {  	s4 =	sld [smem:$0x0]  }
0xa6: {  	s5 =	sand.u32 $0xFFFFFFFE, s1  }
0xa7: {  	p0 =	sne.s32 s1, s5  }
0xa8: {  	s5 =	sshll.u32 @p0 s5, $0xE  }
0xa9: {  	s5 =	sadd.s32 @p0 $0x11B8D, s5;
	s6 =	sshll.u32 @p0 s4, $0x11  }
0xaa: {  	s5 =	sor.u32 @p0 s6, s5  }
0xab: {  	[sflag:s5] =	ssyncadd.remote.s32 @p0 $0x1;
	_ =	sdelay $0x1  }
0xac: {  	s5 =	simm.s32 @p0 $0x1B8D  }
0xad: {  	_ =	swait.eq @p0 [sflag:s5], $0x1  }
0xae: {  	[sflag:s5] =	ssyncadd.s32 @p0 $0xFFFFFFFF  }
0xaf: {  	s6 =	sshll.u32 @!p0 s1, $0xE  }
0xb0: {  	s6 =	sor.u32 @!p0 $0x4000, s6;
	s5 =	simm.s32 @!p0 $0x1B8D  }
0xb1: {  	s4 =	sshll.u32 @!p0 s4, $0x11;
	s6 =	sadd.s32 @!p0 $0x11B8D, s6;
	_ =	swait.eq @!p0 [sflag:s5], $0x1  }
0xb2: {  	s4 =	sor.u32 @!p0 s4, s6;
	[sflag:s5] =	ssyncadd.s32 @!p0 $0xFFFFFFFF  }
0xb3: {  	s25 =	simm.s32 $0x1B8E;
	s24 =	sld [smem:$0x3FFE];
	[sflag:s4] =	ssyncadd.remote.s32 @!p0 $0x1  }
0xb4: {  	s26 =	simm.s32 $execute0_lowered;
	[smem:$0x3FD2] =	sst s25  }
0xb5: {  	s5 =	sshll.u32 s26, $0x1;
	_ =	strace $0x8000005B;
	[dreg:$0x1] =	wrdreg $0xFFFFFFFF  }
0xb6: {  	s28 =	simm.s32 $_size_execute0_lowered;
	s3 =	sadd.s32 s3, s5;
	[dreg:$0x0] =	wrdreg $0x0  }
0xb7: {  	s5 =	sshll.u32 s28, $0x1;
	[dreg:$0x2] =	wrdreg s3  }
0xb8: {  	[dreg:$0x3] =	wrdreg s5  }
0xb9: {  	[dreg:$0x4] =	wrdreg $0xC0  }
0xba: {  	_ =	task [dreg:s22], $0x5FFFF  }
0xbb: {  	[dreg:$0x1] =	wrdreg $0xFFFFFFFF  }
0xbc: {  	[dreg:$0x0] =	wrdreg $0x60  }
0xbd: {  	[dreg:$0x2] =	wrdreg s24  }
0xbe: {  	[dreg:$0x3] =	wrdreg $0x3C800  }
0xbf: {  	[dreg:$0x4] =	wrdreg $0xB  }
0xc0: {  	_ =	task.clear_ibuf [dreg:s22], $0x5FFFF;
	_ =	strace $0x9000005B  }
0xc1: {  	s29 =	simm.s32 $0xB;
	_ =	strace $0x8000005D  }
0xc2: {  	_ =	swait.ge [sflag:s29], $0x1  }
0xc3: {  	[sflag:s29] =	ssyncadd.s32 $0xFFFFFFFF  }
0xc4: {  	_ =	strace $0x9000005D  }
0xc5: {  	_ =	sfence  }
0xc6: {  	s30 =	sld [smem:$0x0];
	_ =	sdelay $0x2  }
0xc7: {  	s31 =	sshll.u32 s1, $0xD;
	s1 =	sshrl.u32 s1, $0x2  }
0xc8: {  	s4 =	sand.u32 $0x4000, s31;
	s1 =	sadd.s32 s1, s30  }
0xc9: {  	s0 =	sor.u32 s4, s0;
	s1 =	sshll.u32 s1, $0x11  }
0xca: {  	s0 =	sor.u32 s1, s0  }
0xcb: {  	s0 =	sadd.s32 $0x8F2B, s0  }
0xcc: {  	[sflag:s0] =	ssyncadd.remote.s32 $0x1  }
0xcd: {  	_ =	sfence.sel $0xFFFF  }
0xce: {  	[dreg:$0x0] =	wrdreg $0xFFFFFFFF;
	(pc) =	sbr.abs _section_cstart, $3  }
0xcf: {  	[dreg:$0x1] =	wrdreg $0xFFFFFFFF  }
0xd0: {  	_ =	task.clear_ibuf [dreg:s22], $0x2FFFF;
	_ =	strace $0x9FFFFFFF  }
0xd1: {  	(tm) =	ssettm $0x7FFFFFFF  }
tec
execute0_lowered:
.L_overlay_start_1:
0x0: {  	(tag) =	ssettag $0x1  }
0x1: {  	s12 =	stileid.u32;
	s0 =	srdreg.scid  }
0x2: {  	s4 =	rddreg [dreg:$0x0];
	s3 =	smul.u32 $0x2940, s12  }
0x3: {  	s1 =	rddreg [dreg:$0x1];
	s2 =	simm.s32 $0x0;
	s7 =	smul.u32 $0x29400, s12  }
0x4: {  	s5 =	sand.u32 $0x1, s0;
	s0 =	rddreg [dreg:$0x2];
	s8 =	smul.u32 $0x14000, s12  }
0x5: {  	s14 =	simm.s32 $0x0;
	[smem:$0x7FF] =	sst s2;
	s10 =	smul.u32 $0x50000, s12  }
0x6: {  	p0 =	sne.s32 s12, $0x0;
	s12 =	sshll.u32 s12, $0x6;
	s6 =	smul.u32 $0x14A0, s5  }
0x7: {  	s28 =	smul.u32 $0x140000, s5;
	_ =	strace $0x8000005C;
	s29 =	ssub.s32 $0x2, s5  }
0x8: {  	s5 =	smul.u32 $0x14A00, s5;
	s12 =	sor.u32 $0x1C01, s12;
	s7 =	sadd.s32 s7, s4  }
0x9: {  	s11 =	sshrl.u32 s29, $0x1;
	s31 =	sshrl.u32 s10, $0x2;
	s10 =	simm.s32 $0x80  }
0xa: {  	s3 =	sadd.s32 s6, s3;
	s6 =	sadd.s32 s8, s28;
	s30 =	ssub.s32 s29, s11  }
0xb: {  	s13 =	sadd.s32 s31, s1;
	s7 =	sadd.s32 s5, s7;
	s8 =	sshrl.u32 @!p0 s1, $0x3  }
0xc: {  	s11 =	simm.s32 $0x78;
	s3 =	sshrl.u32 s3, $0x3;
	s6 =	sshrl.u32 s6, $0x3  }
0xd: {  	s5 =	smax.u32 s30, $0x1;
	s13 =	sshrl.u32 s13, $0x3;
	s9 =	sadd.s32 s3, s4  }
0xe: {  	s3 =	sadd.s32 $0x2E3600, s4;
	s4 =	sadd.s32 s6, s4;
	s6 =	sadd.s32 $0x816C00, s7  }
0xf: {  	s4 =	sadd.s32 $0xAAAC00, s4;
	s7 =	sadd.s32 $0x2DE200, s9;
	s9 =	simm.s32 $0x1  }
.LBB2_1:
0x10: {  	s15 =	simm.s32 @!p0 $0x1C01  }
0x11: {  	[spmem:s8], [sflag:s15] =	dma.local @!p0 [hbm:s3], $0x28000  }
0x12: {  	s15 =	simm.s32 @!p0 $0x1  }
0x13: {  	_ =	swait.ge @!p0 [sflag:s15], $0x28000  }
0x14: {  	[sflag:s15] =	ssyncset.done @!p0 $0x0  }
0x15: {  	[sflag:s15] =	ssyncadd.s32 @!p0 $0xFFFD8000  }
0x16: {  	s31 =	sadd.s32 $0x0, s7;
	[bflag:$0x0] =	sbarrier.arrive $0xFFFF  }
0x17: {  	[tilespmem:s2], [sflag:$0x1] =	stream.linear.gather [hbm4b:s31+s2], $0x78, $0x38;
	[tilespmem:$0x17C80] =	vst v63  }
0x18: {  	_ =	swait.ge [sflag:s9], $0x78  }
0x19: {  	[sflag:s9] =	ssyncset.done $0x0  }
0x1a: {  	[sflag:s9] =	ssyncadd.s32 $0xFFFFFF88  }
0x1b: {  	[tilespmem:s10], [sflag:$0x1] =	stream.linear.gather [hbm4b:s6+s2], $0x3C00, $0x38;
	[tilespmem:$0x17C80] =	vst v63  }
0x1c: {  	_ =	swait.ge [sflag:s9], $0x3C00  }
0x1d: {  	[sflag:s9] =	ssyncset.done $0x0  }
0x1e: {  	[sflag:s9] =	ssyncadd.s32 $0xFFFFC400  }
0x1f: {  	[spmem:s1] =	stream.indirect.scatter.add.f32 [tilespmem:s10], [sflag:$0x1], $0x80, s2, s11, $0xb8;
	[tilespmem:$0x17C80] =	vst v63  }
0x20: {  	s16 =	simm.s32 $0xF;
	_ =	swait.ge [sflag:s9], $0x3C00  }
0x21: {  	s17 =	simm.s32 $0x1E;
	s15 =	sadd.s32 $0x780, s6;
	[sflag:s9] =	ssyncset.done $0x0  }
.LBB2_2:
0x22: {  	s18 =	sadd.s32 s16, s7  }
0x23: {  	[sflag:s9] =	ssyncadd.s32 $0xFFFFC400;
	s16 =	smov.u32 s17;
	s19 =	sadd.s32 $0xF, s17  }
0x24: {  	[tilespmem:s2], [sflag:$0x1] =	stream.linear.gather [hbm4b:s18+s2], $0x78, $0x38;
	[tilespmem:$0x17C80] =	vst v63  }
0x25: {  	p1 =	sne.s32 s17, $0x285;
	_ =	swait.ge [sflag:s9], $0x78  }
0x26: {  	[sflag:s9] =	ssyncset.done $0x0  }
0x27: {  	[sflag:s9] =	ssyncadd.s32 $0xFFFFFF88  }
0x28: {  	[tilespmem:s10], [sflag:$0x1] =	stream.linear.gather [hbm4b:s15+s2], $0x3C00, $0x38;
	[tilespmem:$0x17C80] =	vst v63  }
0x29: {  	_ =	swait.ge [sflag:s9], $0x3C00  }
.Ltmp0:
0x2a: {  	[sflag:s9] =	ssyncset.done $0x0;
	(pc) =	sbr.rel @p1 .LBB2_2-.Ltmp0, $4  }
0x2b: {  	[sflag:s9] =	ssyncadd.s32 $0xFFFFC400  }
0x2c: {  	[spmem:s1] =	stream.indirect.scatter.add.f32 [tilespmem:s10], [sflag:$0x1], $0x80, s2, s11, $0xb8;
	[tilespmem:$0x17C80] =	vst v63  }
0x2d: {  	_ =	swait.ge [sflag:s9], $0x3C00  }
0x2e: {  	s17 =	smov.u32 s19;
	s15 =	sadd.s32 $0x780, s15;
	[sflag:s9] =	ssyncset.done $0x0  }
0x2f: {  	s16 =	sadd.s32 s16, s7;
	[sflag:s9] =	ssyncadd.s32 $0xFFFFC400  }
0x30: {  	[tilespmem:s2], [sflag:$0x1] =	stream.linear.gather [hbm4b:s16+s2], $0x78, $0x38;
	[tilespmem:$0x17C80] =	vst v63  }
0x31: {  	_ =	swait.ge [sflag:s9], $0x78  }
0x32: {  	[sflag:s9] =	ssyncset.done $0x0  }
0x33: {  	[sflag:s9] =	ssyncadd.s32 $0xFFFFFF88  }
0x34: {  	[tilespmem:s10], [sflag:$0x1] =	stream.linear.gather [hbm4b:s15+s2], $0x3C00, $0x38;
	[tilespmem:$0x17C80] =	vst v63  }
0x35: {  	_ =	swait.ge [sflag:s9], $0x3C00  }
0x36: {  	[sflag:s9] =	ssyncset.done $0x0  }
0x37: {  	[sflag:s9] =	ssyncadd.s32 $0xFFFFC400  }
0x38: {  	[spmem:s1] =	stream.indirect.scatter.add.f32 [tilespmem:s10], [sflag:$0x1], $0x80, s2, s11, $0xb8;
	[tilespmem:$0x17C80] =	vst v63  }
0x39: {  	_ =	swait.ge [sflag:s9], $0x3C00  }
0x3a: {  	s14 =	sadd.s32 $0x1, s14;
	[sflag:s9] =	ssyncset.done $0x0  }
0x3b: {  	p1 =	sne.s32 s14, s5;
	[sflag:s9] =	ssyncadd.s32 $0xFFFFC400  }
.Ltmp1:
0x3c: {  	[bflag:$0x0] =	sbarrier.arrive $0xFFFF;
	(pc) =	sbr.rel @p1 .LBB2_1-.Ltmp1, $4  }
0x3d: {  	[hbm:s4], [sflag:s12] =	dma.local [spmem:s13], $0x2800  }
0x3e: {  	_ =	swait.ge [sflag:s9], $0x2800  }
0x3f: {  	[sflag:s9] =	ssyncset.done $0x0  }
0x40: {  	[sflag:s9] =	ssyncadd.s32 $0xFFFFD800  }
0x41: {  	_ =	sfence.sel $0x180000  }
0x42: {  	[bflag:$0x0] =	sbarrier.arrive $0xFFFF  }
0x43: {  	_ =	strace $0x9000005C  }
0x44: {  	s0 =	sadd.s32 @!p0 $0x100000, s0;
	[bflag:$0x2] =	sbarrier.arrive $0xFFFF  }
0x45: {  	[sflag:s0] =	ssyncadd.tile.s32 @!p0 $0x1;
	_ =	shalt  }
.Lfunc_end2:
_tile_overlayer_lowered:
.L_overlay_start_2:
0x46: {  	(tag) =	ssettag $0x2  }
0x47: {  	s0 =	rddreg [dreg:$0x0];
	s2 =	stileid.u32  }
0x48: {  	s1 =	rddreg [dreg:$0x1];
	p0 =	sne.s32 s2, $0x0  }
0x49: {  	s3 =	rddreg [dreg:$0x2];
	[bflag:$0x3] =	sbarrier.arrive $0xFFFF;
	s2 =	simm.s32 @!p0 $0x1C01  }
0x4a: {  	[timem:s3], [sflag:s2] =	dma.local @!p0 [hbm:s0], s1  }
0x4b: {  	s0 =	simm.s32 @!p0 $0x1  }
0x4c: {  	_ =	swait.ge @!p0 [sflag:s0], s1  }
0x4d: {  	s1 =	ssub.s32 @!p0 $0x0, s1;
	[sflag:s0] =	ssyncset.done @!p0 $0x0  }
0x4e: {  	[sflag:s0] =	ssyncadd.s32 @!p0 s1  }
0x4f: {  	[bflag:$0x3] =	sbarrier.arrive $0xFFFF  }
0x50: {  	_ =	shalt  }

// kernel: kernel.23.cloned.1.call-start
scs
__scs_entry_jumppad:
0x0: {  	(pc) =	sbr.rel $0x88, $3  }
0x1: {  	(tag) =	ssettag $0x0;
	lr =	simm.s32 $0x1  }
0x2: {  	[smem:$0x3F8D] =	sst lr;
	_ =	strace $0xD0000000  }
0x3: {  	_ = 	snop  }
0x4: {  	_ = 	snop  }
0x5: {  	_ = 	snop  }
0x6: {  	_ = 	snop  }
0x7: {  	_ = 	snop  }
__scs_overlays_trampoline_lowered:
0x8: {  	[smem:$0x3F9C] =	sst s0  }
0x9: {  	[smem:$0x3F9D] =	sst s1  }
0xa: {  	[smem:$0x3F9E] =	sst s2  }
0xb: {  	[smem:$0x3F9F] =	sst s3  }
0xc: {  	[smem:$0x3FA0] =	sst s4  }
0xd: {  	[smem:$0x3FA1] =	sst s5  }
0xe: {  	[smem:$0x3FA2] =	sst s6  }
0xf: {  	[smem:$0x3FA3] =	sst s7  }
0x10: {  	[smem:$0x3FA4] =	sst s8  }
0x11: {  	[smem:$0x3FA5] =	sst s9;
	s0 =	simm.s32 @!p0 $0x0  }
0x12: {  	s1 =	sld [smem:$0x3F8B];
	s0 =	simm.s32 @p0 $0x1  }
0x13: {  	[smem:$0x3FA6] =	sst s0;
	s0 =	simm.s32 @!p1 $0x0  }
0x14: {  	s2 =	sld [smem:$0x3F8A];
	s0 =	simm.s32 @p1 $0x1  }
0x15: {  	[smem:$0x3FA7] =	sst s0;
	s0 =	simm.s32 @!p2 $0x0  }
0x16: {  	s3 =	sld [smem:$0x3FDB];
	s0 =	simm.s32 @p2 $0x1  }
0x17: {  	s4 =	simm.s32 $0x1BF5;
	[smem:$0x3FA9] =	sst s0  }
0x18: {  	s0 =	sld [smem:$0x3F8C];
	_ =	swait.ge [sflag:s4], $0x0  }
0x19: {  	s7 =	sld [smem:$0x3F8D]  }
0x1a: {  	s8 =	sadd.s32 $0xFFFFE003, lr  }
0x1b: {  	s9 =	sadd.s32 $0xFFFFFEF7, lr;
	s5 =	simm.s32 $0xFFFFFFFF;
	p2 =	slt.u32 s8, $0xFFFFF086  }
0x1c: {  	p1 =	slt.u32 s9, $0xF7A;
	s5 =	simm.s32 @!p2 $0x0  }
0x1d: {  	s5 =	simm.s32 @p1 $0x1;
	p0 =	seq.s32 s7, s2  }
0x1e: {  	s7 =	smul.u32 @!p0 $0xF7A, s2;
	p2 =	seq.s32 @!p0 s5, $0x0  }
0x1f: {  	s9 =	smul.u32 $0xF7A, s1;
	s8 =	simm.s32 @!p0 $0x1BF5;
	p2 =	por !p2, p0  }
0x20: {  	[sflag:s8] =	ssyncset.s32 @!p0 $0xFFFFF086;
	s6 =	sadd.s32 @!p0 s3, s7;
	s7 =	simm.s32 @!p0 $0x108  }
0x21: {  	s3 =	sadd.s32 s3, s9;
	s6 =	sadd.s32 @!p0 $0x88, s6;
	s7 =	simm.s32 @p2 $0x1082  }
0x22: {  	[simem:s7], [sflag:s8] =	dma.local @!p0 [hbm:s6], $0xF7A  }
0x23: {  	s9 =	sor.u32 $0xD0000000, s2;
	s6 =	simm.s32 $0x108;
	_ =	swait.ge @!p0 [sflag:s8], $0x0  }
0x24: {  	s3 =	sadd.s32 $0x88, s3;
	s6 =	simm.s32 @!p1 $0x1082;
	[sflag:s4] =	ssyncset.s32 $0xFFFFF086  }
0x25: {  	[simem:s6], [sflag:s4] =	dma.local [hbm:s3], $0xF7A  }
0x26: {  	[smem:$0x3F8D] =	sst s1;
	(tag) =	ssettag s2;
	_ =	strace s9  }
0x27: {  	s1 =	sld [smem:$0x3F9D]  }
0x28: {  	s2 =	sld [smem:$0x3F9E]  }
0x29: {  	s4 =	sld [smem:$0x3FA0]  }
0x2a: {  	p0 =	seq.s32 s5, $0x0;
	s5 =	sld [smem:$0x3FA1]  }
0x2b: {  	s6 =	sld [smem:$0x3FA2]  }
0x2c: {  	s7 =	sld [smem:$0x3FA3]  }
0x2d: {  	s3 =	simm.s32 $0x108;
	s8 =	sld [smem:$0x3FA4]  }
0x2e: {  	s3 =	simm.s32 @!p0 $0x1082;
	s9 =	sld [smem:$0x3FA5]  }
0x2f: {  	lr =	sadd.s32 s0, s3;
	s0 =	sld [smem:$0x3F9C]  }
0x30: {  	s3 =	sld [smem:$0x3F9F]  }
0x31: {  	[smem:$0x3FA8] =	sst s10  }
0x32: {  	s10 =	sld [smem:$0x3FA6];
	_ =	sdelay $0x3  }
0x33: {  	p0 =	seq.s32 s10, $0x1;
	s10 =	sld [smem:$0x3FA8];
	_ =	sdelay $0x3  }
0x34: {  	[smem:$0x3FA8] =	sst s10  }
0x35: {  	s10 =	sld [smem:$0x3FA7];
	_ =	sdelay $0x3  }
0x36: {  	p1 =	seq.s32 s10, $0x1;
	s10 =	sld [smem:$0x3FA8];
	_ =	sdelay $0x3  }
0x37: {  	[smem:$0x3FA8] =	sst s10  }
0x38: {  	s10 =	sld [smem:$0x3FA9]  }
0x39: {  	_ = 	snop;
	(pc) =	sbr.ind lr, $3  }
0x3a: {  	_ = 	snop  }
0x3b: {  	_ = 	snop  }
0x3c: {  	p2 =	seq.s32 s10, $0x1;
	s10 =	sld [smem:$0x3FA8]  }
0x3d: {  	_ =	shalt  }
0x3e: {  	_ =	shalt  }
0x3f: {  	_ =	shalt  }
0x40: {  	_ =	shalt  }
0x41: {  	_ =	shalt  }
0x42: {  	_ =	shalt  }
0x43: {  	_ =	shalt  }
0x44: {  	_ =	shalt  }
0x45: {  	_ =	shalt  }
0x46: {  	_ =	shalt  }
0x47: {  	_ =	shalt  }
0x48: {  	_ =	shalt  }
0x49: {  	_ =	shalt  }
0x4a: {  	_ =	shalt  }
0x4b: {  	_ =	shalt  }
0x4c: {  	_ =	shalt  }
0x4d: {  	_ =	shalt  }
0x4e: {  	_ =	shalt  }
0x4f: {  	_ =	shalt  }
0x50: {  	_ =	shalt  }
0x51: {  	_ =	shalt  }
0x52: {  	_ =	shalt  }
0x53: {  	_ =	shalt  }
0x54: {  	_ =	shalt  }
0x55: {  	_ =	shalt  }
0x56: {  	_ =	shalt  }
0x57: {  	_ =	shalt  }
0x58: {  	_ =	shalt  }
0x59: {  	_ =	shalt  }
0x5a: {  	_ =	shalt  }
0x5b: {  	_ =	shalt  }
0x5c: {  	_ =	shalt  }
0x5d: {  	_ =	shalt  }
0x5e: {  	_ =	shalt  }
0x5f: {  	_ =	shalt  }
0x60: {  	_ =	shalt  }
0x61: {  	_ =	shalt  }
0x62: {  	_ =	shalt  }
0x63: {  	_ =	shalt  }
0x64: {  	_ =	shalt  }
0x65: {  	_ =	shalt  }
0x66: {  	_ =	shalt  }
0x67: {  	_ =	shalt  }
0x68: {  	_ =	shalt  }
0x69: {  	_ =	shalt  }
0x6a: {  	_ =	shalt  }
0x6b: {  	_ =	shalt  }
0x6c: {  	_ =	shalt  }
0x6d: {  	_ =	shalt  }
0x6e: {  	_ =	shalt  }
0x6f: {  	_ =	shalt  }
0x70: {  	_ =	shalt  }
0x71: {  	_ =	shalt  }
0x72: {  	_ =	shalt  }
0x73: {  	_ =	shalt  }
0x74: {  	_ =	shalt  }
0x75: {  	_ =	shalt  }
0x76: {  	_ =	shalt  }
0x77: {  	_ =	shalt  }
0x78: {  	_ =	shalt  }
0x79: {  	_ =	shalt  }
0x7a: {  	_ =	shalt  }
0x7b: {  	_ =	shalt  }
0x7c: {  	_ =	shalt  }
0x7d: {  	_ =	shalt  }
0x7e: {  	_ =	shalt  }
0x7f: {  	_ =	shalt  }
0x80: {  	_ =	shalt  }
0x81: {  	_ =	shalt  }
0x82: {  	_ =	shalt  }
0x83: {  	_ =	shalt  }
0x84: {  	_ =	shalt  }
0x85: {  	_ =	shalt  }
0x86: {  	_ =	shalt  }
0x87: {  	_ =	shalt  }
.Lfunc_end0:
.L_simem_size_0:
called_computation.7_lowered:
.L_overlay_start_0:
0x88: {  	s2 =	sld [smem:$0x3FD9]  }
0x89: {  	s3 =	sld [smem:$0x3FFE];
	_ =	sdelay $0x1  }
0x8a: {  	s1 =	srdreg.scid  }
0x8b: {  	s0 =	sand.u32 $0x1, s1  }
0x8c: {  	s17 =	sshll.u32 s0, $0xA;
	s2 =	sadd.s32 s3, s2  }
0x8d: {  	s2 =	sadd.s32 s2, s17  }
0x8e: {  	[smem:$0x3FB4] =	sst s2  }
0x8f: {  	_ = 	snop  }
0x90: {  	(tm) =	ssettm $0x1  }
0x91: {  	s18 =	sld [smem:$0x3FFB];
	_ =	sdelay $0x3  }
0x92: {  	_ =	strace s18  }
0x93: {  	s2 =	sld [smem:$0x3FFC];
	_ =	sdelay $0x3  }
0x94: {  	_ =	strace s2  }
0x95: {  	s2 =	sld [smem:$0x3FFD];
	_ =	sdelay $0x3  }
0x96: {  	_ =	strace s2  }
0x97: {  	_ =	strace $0x8FFFFFFF  }
0x98: {  	s19 =	sld [smem:$0x3FDB];
	_ =	sdelay $0x1  }
0x99: {  	s20 =	simm.s32 $_scs_section_size  }
0x9a: {  	s4 =	simm.s32 $_size__tile_overlayer_lowered;
	s5 =	simm.s32 $_tile_overlayer_lowered  }
0x9b: {  	s6 =	simm.s32 $0x1BFF;
	s21 =	sshll.u32 s5, $0x1;
	s3 =	sadd.s32 s20, s19  }
0x9c: {  	s22 =	simm.s32 $0x0;
	s4 =	sshll.u32 s4, $0x1;
	s5 =	sadd.s32 s21, s3  }
0x9d: {  	[timem:s22], [sflag:s6] =	dma.local [hbm:s5], s4  }
0x9e: {  	_ =	swait.ge [sflag:s6], s4  }
0x9f: {  	s4 =	ssub.s32 $0x0, s4;
	[sflag:s6] =	ssyncset.done $0x0  }
0xa0: {  	[sflag:s6] =	ssyncadd.s32 s4;
	_ =	sdelay $0x1  }
0xa1: {  	s23 =	simm.s32 $0x1B8B  }
0xa2: {  	_ =	swait.ge [sflag:s23], $0x1  }
0xa3: {  	[sflag:s23] =	ssyncset.done $0x0  }
0xa4: {  	[sflag:s23] =	ssyncadd.s32 $0xFFFFFFFF  }
0xa5: {  	s4 =	sld [smem:$0x0]  }
0xa6: {  	s5 =	sand.u32 $0xFFFFFFFE, s1  }
0xa7: {  	p0 =	sne.s32 s1, s5  }
0xa8: {  	s5 =	sshll.u32 @p0 s5, $0xE  }
0xa9: {  	s5 =	sadd.s32 @p0 $0x11B8D, s5;
	s6 =	sshll.u32 @p0 s4, $0x11  }
0xaa: {  	s5 =	sor.u32 @p0 s6, s5  }
0xab: {  	[sflag:s5] =	ssyncadd.remote.s32 @p0 $0x1;
	_ =	sdelay $0x1  }
0xac: {  	s5 =	simm.s32 @p0 $0x1B8D  }
0xad: {  	_ =	swait.eq @p0 [sflag:s5], $0x1  }
0xae: {  	[sflag:s5] =	ssyncadd.s32 @p0 $0xFFFFFFFF  }
0xaf: {  	s6 =	sshll.u32 @!p0 s1, $0xE  }
0xb0: {  	s6 =	sor.u32 @!p0 $0x4000, s6;
	s5 =	simm.s32 @!p0 $0x1B8D  }
0xb1: {  	s4 =	sshll.u32 @!p0 s4, $0x11;
	s6 =	sadd.s32 @!p0 $0x11B8D, s6;
	_ =	swait.eq @!p0 [sflag:s5], $0x1  }
0xb2: {  	s4 =	sor.u32 @!p0 s4, s6;
	[sflag:s5] =	ssyncadd.s32 @!p0 $0xFFFFFFFF  }
0xb3: {  	s25 =	simm.s32 $0x1B8E;
	s24 =	sld [smem:$0x3FFE];
	[sflag:s4] =	ssyncadd.remote.s32 @!p0 $0x1  }
0xb4: {  	s26 =	simm.s32 $execute0_lowered;
	[smem:$0x3FD2] =	sst s25  }
0xb5: {  	s5 =	sshll.u32 s26, $0x1;
	_ =	strace $0x80000058;
	[dreg:$0x1] =	wrdreg $0xFFFFFFFF  }
0xb6: {  	s28 =	simm.s32 $_size_execute0_lowered;
	s3 =	sadd.s32 s3, s5;
	[dreg:$0x0] =	wrdreg $0x0  }
0xb7: {  	s5 =	sshll.u32 s28, $0x1;
	[dreg:$0x2] =	wrdreg s3  }
0xb8: {  	[dreg:$0x3] =	wrdreg s5  }
0xb9: {  	[dreg:$0x4] =	wrdreg $0xC0  }
0xba: {  	_ =	task [dreg:s22], $0x5FFFF  }
0xbb: {  	[dreg:$0x1] =	wrdreg $0xFFFFFFFF  }
0xbc: {  	[dreg:$0x0] =	wrdreg $0x60  }
0xbd: {  	[dreg:$0x2] =	wrdreg s24  }
0xbe: {  	[dreg:$0x3] =	wrdreg $0xC  }
0xbf: {  	_ =	task.clear_ibuf [dreg:s22], $0x4FFFF;
	_ =	strace $0x90000058  }
0xc0: {  	s29 =	simm.s32 $0xC;
	_ =	strace $0x8000005A  }
0xc1: {  	_ =	swait.ge [sflag:s29], $0x1  }
0xc2: {  	[sflag:s29] =	ssyncadd.s32 $0xFFFFFFFF  }
0xc3: {  	_ =	strace $0x9000005A  }
0xc4: {  	_ =	sfence  }
0xc5: {  	s30 =	sld [smem:$0x0];
	_ =	sdelay $0x2  }
0xc6: {  	s31 =	sshll.u32 s1, $0xD;
	s1 =	sshrl.u32 s1, $0x2  }
0xc7: {  	s4 =	sand.u32 $0x4000, s31;
	s1 =	sadd.s32 s1, s30  }
0xc8: {  	s0 =	sor.u32 s4, s0;
	s1 =	sshll.u32 s1, $0x11  }
0xc9: {  	s0 =	sor.u32 s1, s0  }
0xca: {  	s0 =	sadd.s32 $0x8F2B, s0  }
0xcb: {  	[sflag:s0] =	ssyncadd.remote.s32 $0x1  }
0xcc: {  	_ =	sfence.sel $0xFFFF  }
0xcd: {  	[dreg:$0x0] =	wrdreg $0xFFFFFFFF;
	(pc) =	sbr.abs _section_cstart, $3  }
0xce: {  	[dreg:$0x1] =	wrdreg $0xFFFFFFFF  }
0xcf: {  	_ =	task.clear_ibuf [dreg:s22], $0x2FFFF;
	_ =	strace $0x9FFFFFFF  }
0xd0: {  	(tm) =	ssettm $0x7FFFFFFF  }
0xd1: {  	_ =	shalt  }
tec
execute0_lowered:
.L_overlay_start_1:
0x0: {  	(tag) =	ssettag $0x1  }
0x1: {  	s4 =	rddreg [dreg:$0x0]  }
0x2: {  	s0 =	rddreg [dreg:$0x1]  }
0x3: {  	s3 =	srdreg.scid;
	s1 =	stileid.u32;
	s2 =	simm.s32 $0x0  }
0x4: {  	s10 =	simm.s32 $0x1;
	s11 =	simm.s32 $0x0;
	s6 =	smul.u32 $0x2940, s1  }
0x5: {  	s5 =	sand.u32 $0x1, s3;
	[smem:$0x7FF] =	sst s2;
	s8 =	smul.u32 $0x29400, s1  }
0x6: {  	s3 =	sadd.s32 $0x2B6200, s4;
	s7 =	smul.u32 $0x14A0, s5;
	s9 =	ssub.s32 $0x2, s5  }
0x7: {  	_ =	strace $0x80000059;
	s5 =	smul.u32 $0x14A00, s5;
	s31 =	sshrl.u32 s9, $0x1  }
0x8: {  	s30 =	sadd.s32 s8, s4;
	s6 =	sadd.s32 s7, s6;
	s8 =	ssub.s32 s9, s31  }
0x9: {  	s5 =	sadd.s32 s5, s30;
	s7 =	simm.s32 $0x2;
	s6 =	sshrl.u32 s6, $0x3  }
0xa: {  	s9 =	simm.s32 $0x80;
	s5 =	sadd.s32 $0x582C00, s5;
	s6 =	sadd.s32 s6, s4  }
0xb: {  	s4 =	smax.u32 s8, $0x1;
	s8 =	simm.s32 $0x78;
	s6 =	sadd.s32 $0x271000, s6  }
.LBB2_1:
0xc: {  	s12 =	sadd.s32 $0x0, s6  }
0xd: {  	[tilespmem:s2], [sflag:$0x2] =	stream.linear.gather [hbm4b:s12+s2], $0x78, $0x38;
	[tilespmem:$0x3C80] =	vst v63  }
0xe: {  	_ =	swait.ge [sflag:s7], $0x78  }
0xf: {  	[sflag:s7] =	ssyncset.done $0x0  }
0x10: {  	[sflag:s7] =	ssyncadd.s32 $0xFFFFFF88  }
0x11: {  	[tilespmem:s9], [sflag:$0x1] =	stream.indirect.gather [hbm4b:s3+s8], $0x80, s2, s8, $0xb8;
	[tilespmem:$0x3C80] =	vst v63  }
0x12: {  	_ =	swait.ge [sflag:s10], $0x3C00  }
0x13: {  	[sflag:s10] =	ssyncset.done $0x0  }
0x14: {  	[sflag:s10] =	ssyncadd.s32 $0xFFFFC400  }
0x15: {  	[hbm4b:s5+s2] =	stream.linear.scatter [tilespmem:s9], [sflag:$0x2], $0x3C00, $0x38;
	[tilespmem:$0x3C80] =	vst v63  }
0x16: {  	s13 =	simm.s32 $0xF;
	_ =	swait.ge [sflag:s7], $0x3C00  }
0x17: {  	s14 =	simm.s32 $0x1E;
	s12 =	sadd.s32 $0x780, s5;
	[sflag:s7] =	ssyncset.done $0x0  }
.LBB2_2:
0x18: {  	s15 =	sadd.s32 s13, s6  }
0x19: {  	[sflag:s7] =	ssyncadd.s32 $0xFFFFC400;
	s13 =	smov.u32 s14;
	s16 =	sadd.s32 $0xF, s14  }
0x1a: {  	[tilespmem:s2], [sflag:$0x2] =	stream.linear.gather [hbm4b:s15+s2], $0x78, $0x38;
	[tilespmem:$0x3C80] =	vst v63  }
0x1b: {  	p0 =	sne.s32 s14, $0x285;
	_ =	swait.ge [sflag:s7], $0x78  }
0x1c: {  	[sflag:s7] =	ssyncset.done $0x0  }
0x1d: {  	[sflag:s7] =	ssyncadd.s32 $0xFFFFFF88  }
0x1e: {  	[tilespmem:s9], [sflag:$0x1] =	stream.indirect.gather [hbm4b:s3+s8], $0x80, s2, s8, $0xb8;
	[tilespmem:$0x3C80] =	vst v63  }
0x1f: {  	_ =	swait.ge [sflag:s10], $0x3C00  }
.Ltmp0:
0x20: {  	[sflag:s10] =	ssyncset.done $0x0;
	(pc) =	sbr.rel @p0 .LBB2_2-.Ltmp0, $4  }
0x21: {  	[sflag:s10] =	ssyncadd.s32 $0xFFFFC400  }
0x22: {  	[hbm4b:s12+s2] =	stream.linear.scatter [tilespmem:s9], [sflag:$0x2], $0x3C00, $0x38;
	[tilespmem:$0x3C80] =	vst v63  }
0x23: {  	_ =	swait.ge [sflag:s7], $0x3C00  }
0x24: {  	s14 =	smov.u32 s16;
	s12 =	sadd.s32 $0x780, s12;
	[sflag:s7] =	ssyncset.done $0x0  }
0x25: {  	s13 =	sadd.s32 s13, s6;
	[sflag:s7] =	ssyncadd.s32 $0xFFFFC400  }
0x26: {  	[tilespmem:s2], [sflag:$0x2] =	stream.linear.gather [hbm4b:s13+s2], $0x78, $0x38;
	[tilespmem:$0x3C80] =	vst v63  }
0x27: {  	_ =	swait.ge [sflag:s7], $0x78  }
0x28: {  	[sflag:s7] =	ssyncset.done $0x0  }
0x29: {  	[sflag:s7] =	ssyncadd.s32 $0xFFFFFF88  }
0x2a: {  	[tilespmem:s9], [sflag:$0x1] =	stream.indirect.gather [hbm4b:s3+s8], $0x80, s2, s8, $0xb8;
	[tilespmem:$0x3C80] =	vst v63  }
0x2b: {  	s11 =	sadd.s32 $0x1, s11;
	_ =	swait.ge [sflag:s10], $0x3C00  }
0x2c: {  	p0 =	sne.s32 s11, s4;
	[sflag:s10] =	ssyncset.done $0x0  }
.Ltmp1:
0x2d: {  	[sflag:s10] =	ssyncadd.s32 $0xFFFFC400;
	(pc) =	sbr.rel @p0 .LBB2_1-.Ltmp1, $4  }
0x2e: {  	[hbm4b:s12+s2] =	stream.linear.scatter [tilespmem:s9], [sflag:$0x2], $0x3C00, $0x38;
	[tilespmem:$0x3C80] =	vst v63  }
0x2f: {  	_ =	swait.ge [sflag:s7], $0x3C00  }
0x30: {  	[sflag:s7] =	ssyncset.done $0x0  }
0x31: {  	[sflag:s7] =	ssyncadd.s32 $0xFFFFC400  }
0x32: {  	_ =	sfence.sel $0x180000  }
0x33: {  	[bflag:$0x0] =	sbarrier.arrive $0xFFFF  }
0x34: {  	p0 =	sne.s32 s1, $0x0;
	_ =	strace $0x90000059  }
0x35: {  	s0 =	sadd.s32 @!p0 $0x100000, s0;
	[bflag:$0x2] =	sbarrier.arrive $0xFFFF  }
0x36: {  	[sflag:s0] =	ssyncadd.tile.s32 @!p0 $0x1;
	_ =	shalt  }
.Lfunc_end2:
_tile_overlayer_lowered:
.L_overlay_start_2:
0x37: {  	(tag) =	ssettag $0x2  }
0x38: {  	s0 =	rddreg [dreg:$0x0];
	s2 =	stileid.u32  }
0x39: {  	s1 =	rddreg [dreg:$0x1];
	p0 =	sne.s32 s2, $0x0  }
0x3a: {  	s3 =	rddreg [dreg:$0x2];
	[bflag:$0x3] =	sbarrier.arrive $0xFFFF;
	s2 =	simm.s32 @!p0 $0x1C02  }
0x3b: {  	[timem:s3], [sflag:s2] =	dma.local @!p0 [hbm:s0], s1  }
0x3c: {  	s0 =	simm.s32 @!p0 $0x2  }
0x3d: {  	_ =	swait.ge @!p0 [sflag:s0], s1  }
0x3e: {  	s1 =	ssub.s32 @!p0 $0x0, s1;
	[sflag:s0] =	ssyncset.done @!p0 $0x0  }
0x3f: {  	[sflag:s0] =	ssyncadd.s32 @!p0 s1  }
0x40: {  	[bflag:$0x3] =	sbarrier.arrive $0xFFFF  }
0x41: {  	_ =	shalt  }

// kernel: kernel.26.cloned.1.call-start
scs
__scs_entry_jumppad:
0x0: {  	(pc) =	sbr.rel $0x88, $3  }
0x1: {  	(tag) =	ssettag $0x0;
	lr =	simm.s32 $0x1  }
0x2: {  	[smem:$0x3F8D] =	sst lr;
	_ =	strace $0xD0000000  }
0x3: {  	_ = 	snop  }
0x4: {  	_ = 	snop  }
0x5: {  	_ = 	snop  }
0x6: {  	_ = 	snop  }
0x7: {  	_ = 	snop  }
__scs_overlays_trampoline_lowered:
0x8: {  	[smem:$0x3F9C] =	sst s0  }
0x9: {  	[smem:$0x3F9D] =	sst s1  }
0xa: {  	[smem:$0x3F9E] =	sst s2  }
0xb: {  	[smem:$0x3F9F] =	sst s3  }
0xc: {  	[smem:$0x3FA0] =	sst s4  }
0xd: {  	[smem:$0x3FA1] =	sst s5  }
0xe: {  	[smem:$0x3FA2] =	sst s6  }
0xf: {  	[smem:$0x3FA3] =	sst s7  }
0x10: {  	[smem:$0x3FA4] =	sst s8  }
0x11: {  	[smem:$0x3FA5] =	sst s9;
	s0 =	simm.s32 @!p0 $0x0  }
0x12: {  	s1 =	sld [smem:$0x3F8B];
	s0 =	simm.s32 @p0 $0x1  }
0x13: {  	[smem:$0x3FA6] =	sst s0;
	s0 =	simm.s32 @!p1 $0x0  }
0x14: {  	s2 =	sld [smem:$0x3F8A];
	s0 =	simm.s32 @p1 $0x1  }
0x15: {  	[smem:$0x3FA7] =	sst s0;
	s0 =	simm.s32 @!p2 $0x0  }
0x16: {  	s3 =	sld [smem:$0x3FDB];
	s0 =	simm.s32 @p2 $0x1  }
0x17: {  	s4 =	simm.s32 $0x1BF5;
	[smem:$0x3FA9] =	sst s0  }
0x18: {  	s0 =	sld [smem:$0x3F8C];
	_ =	swait.ge [sflag:s4], $0x0  }
0x19: {  	s7 =	sld [smem:$0x3F8D]  }
0x1a: {  	s8 =	sadd.s32 $0xFFFFE003, lr  }
0x1b: {  	s9 =	sadd.s32 $0xFFFFFEF7, lr;
	s5 =	simm.s32 $0xFFFFFFFF;
	p2 =	slt.u32 s8, $0xFFFFF086  }
0x1c: {  	p1 =	slt.u32 s9, $0xF7A;
	s5 =	simm.s32 @!p2 $0x0  }
0x1d: {  	s5 =	simm.s32 @p1 $0x1;
	p0 =	seq.s32 s7, s2  }
0x1e: {  	s7 =	smul.u32 @!p0 $0xF7A, s2;
	p2 =	seq.s32 @!p0 s5, $0x0  }
0x1f: {  	s9 =	smul.u32 $0xF7A, s1;
	s8 =	simm.s32 @!p0 $0x1BF5;
	p2 =	por !p2, p0  }
0x20: {  	[sflag:s8] =	ssyncset.s32 @!p0 $0xFFFFF086;
	s6 =	sadd.s32 @!p0 s3, s7;
	s7 =	simm.s32 @!p0 $0x108  }
0x21: {  	s3 =	sadd.s32 s3, s9;
	s6 =	sadd.s32 @!p0 $0x88, s6;
	s7 =	simm.s32 @p2 $0x1082  }
0x22: {  	[simem:s7], [sflag:s8] =	dma.local @!p0 [hbm:s6], $0xF7A  }
0x23: {  	s9 =	sor.u32 $0xD0000000, s2;
	s6 =	simm.s32 $0x108;
	_ =	swait.ge @!p0 [sflag:s8], $0x0  }
0x24: {  	s3 =	sadd.s32 $0x88, s3;
	s6 =	simm.s32 @!p1 $0x1082;
	[sflag:s4] =	ssyncset.s32 $0xFFFFF086  }
0x25: {  	[simem:s6], [sflag:s4] =	dma.local [hbm:s3], $0xF7A  }
0x26: {  	[smem:$0x3F8D] =	sst s1;
	(tag) =	ssettag s2;
	_ =	strace s9  }
0x27: {  	s1 =	sld [smem:$0x3F9D]  }
0x28: {  	s2 =	sld [smem:$0x3F9E]  }
0x29: {  	s4 =	sld [smem:$0x3FA0]  }
0x2a: {  	p0 =	seq.s32 s5, $0x0;
	s5 =	sld [smem:$0x3FA1]  }
0x2b: {  	s6 =	sld [smem:$0x3FA2]  }
0x2c: {  	s7 =	sld [smem:$0x3FA3]  }
0x2d: {  	s3 =	simm.s32 $0x108;
	s8 =	sld [smem:$0x3FA4]  }
0x2e: {  	s3 =	simm.s32 @!p0 $0x1082;
	s9 =	sld [smem:$0x3FA5]  }
0x2f: {  	lr =	sadd.s32 s0, s3;
	s0 =	sld [smem:$0x3F9C]  }
0x30: {  	s3 =	sld [smem:$0x3F9F]  }
0x31: {  	[smem:$0x3FA8] =	sst s10  }
0x32: {  	s10 =	sld [smem:$0x3FA6];
	_ =	sdelay $0x3  }
0x33: {  	p0 =	seq.s32 s10, $0x1;
	s10 =	sld [smem:$0x3FA8];
	_ =	sdelay $0x3  }
0x34: {  	[smem:$0x3FA8] =	sst s10  }
0x35: {  	s10 =	sld [smem:$0x3FA7];
	_ =	sdelay $0x3  }
0x36: {  	p1 =	seq.s32 s10, $0x1;
	s10 =	sld [smem:$0x3FA8];
	_ =	sdelay $0x3  }
0x37: {  	[smem:$0x3FA8] =	sst s10  }
0x38: {  	s10 =	sld [smem:$0x3FA9]  }
0x39: {  	_ = 	snop;
	(pc) =	sbr.ind lr, $3  }
0x3a: {  	_ = 	snop  }
0x3b: {  	_ = 	snop  }
0x3c: {  	p2 =	seq.s32 s10, $0x1;
	s10 =	sld [smem:$0x3FA8]  }
0x3d: {  	_ =	shalt  }
0x3e: {  	_ =	shalt  }
0x3f: {  	_ =	shalt  }
0x40: {  	_ =	shalt  }
0x41: {  	_ =	shalt  }
0x42: {  	_ =	shalt  }
0x43: {  	_ =	shalt  }
0x44: {  	_ =	shalt  }
0x45: {  	_ =	shalt  }
0x46: {  	_ =	shalt  }
0x47: {  	_ =	shalt  }
0x48: {  	_ =	shalt  }
0x49: {  	_ =	shalt  }
0x4a: {  	_ =	shalt  }
0x4b: {  	_ =	shalt  }
0x4c: {  	_ =	shalt  }
0x4d: {  	_ =	shalt  }
0x4e: {  	_ =	shalt  }
0x4f: {  	_ =	shalt  }
0x50: {  	_ =	shalt  }
0x51: {  	_ =	shalt  }
0x52: {  	_ =	shalt  }
0x53: {  	_ =	shalt  }
0x54: {  	_ =	shalt  }
0x55: {  	_ =	shalt  }
0x56: {  	_ =	shalt  }
0x57: {  	_ =	shalt  }
0x58: {  	_ =	shalt  }
0x59: {  	_ =	shalt  }
0x5a: {  	_ =	shalt  }
0x5b: {  	_ =	shalt  }
0x5c: {  	_ =	shalt  }
0x5d: {  	_ =	shalt  }
0x5e: {  	_ =	shalt  }
0x5f: {  	_ =	shalt  }
0x60: {  	_ =	shalt  }
0x61: {  	_ =	shalt  }
0x62: {  	_ =	shalt  }
0x63: {  	_ =	shalt  }
0x64: {  	_ =	shalt  }
0x65: {  	_ =	shalt  }
0x66: {  	_ =	shalt  }
0x67: {  	_ =	shalt  }
0x68: {  	_ =	shalt  }
0x69: {  	_ =	shalt  }
0x6a: {  	_ =	shalt  }
0x6b: {  	_ =	shalt  }
0x6c: {  	_ =	shalt  }
0x6d: {  	_ =	shalt  }
0x6e: {  	_ =	shalt  }
0x6f: {  	_ =	shalt  }
0x70: {  	_ =	shalt  }
0x71: {  	_ =	shalt  }
0x72: {  	_ =	shalt  }
0x73: {  	_ =	shalt  }
0x74: {  	_ =	shalt  }
0x75: {  	_ =	shalt  }
0x76: {  	_ =	shalt  }
0x77: {  	_ =	shalt  }
0x78: {  	_ =	shalt  }
0x79: {  	_ =	shalt  }
0x7a: {  	_ =	shalt  }
0x7b: {  	_ =	shalt  }
0x7c: {  	_ =	shalt  }
0x7d: {  	_ =	shalt  }
0x7e: {  	_ =	shalt  }
0x7f: {  	_ =	shalt  }
0x80: {  	_ =	shalt  }
0x81: {  	_ =	shalt  }
0x82: {  	_ =	shalt  }
0x83: {  	_ =	shalt  }
0x84: {  	_ =	shalt  }
0x85: {  	_ =	shalt  }
0x86: {  	_ =	shalt  }
0x87: {  	_ =	shalt  }
.Lfunc_end0:
.L_simem_size_0:
called_computation.8_lowered:
.L_overlay_start_0:
0x88: {  	s2 =	sld [smem:$0x3FD9]  }
0x89: {  	s3 =	sld [smem:$0x3FFE];
	_ =	sdelay $0x1  }
0x8a: {  	s1 =	srdreg.scid  }
0x8b: {  	s0 =	sand.u32 $0x1, s1  }
0x8c: {  	s17 =	sshll.u32 s0, $0xA;
	s2 =	sadd.s32 s3, s2  }
0x8d: {  	s2 =	sadd.s32 s2, s17  }
0x8e: {  	[smem:$0x3FB4] =	sst s2  }
0x8f: {  	_ = 	snop  }
0x90: {  	(tm) =	ssettm $0x1  }
0x91: {  	s18 =	sld [smem:$0x3FFB];
	_ =	sdelay $0x3  }
0x92: {  	_ =	strace s18  }
0x93: {  	s2 =	sld [smem:$0x3FFC];
	_ =	sdelay $0x3  }
0x94: {  	_ =	strace s2  }
0x95: {  	s2 =	sld [smem:$0x3FFD];
	_ =	sdelay $0x3  }
0x96: {  	_ =	strace s2  }
0x97: {  	_ =	strace $0x8FFFFFFF  }
0x98: {  	s19 =	sld [smem:$0x3FDB];
	_ =	sdelay $0x1  }
0x99: {  	s20 =	simm.s32 $_scs_section_size  }
0x9a: {  	s4 =	simm.s32 $_size__tile_overlayer_lowered;
	s5 =	simm.s32 $_tile_overlayer_lowered  }
0x9b: {  	s6 =	simm.s32 $0x1BFF;
	s21 =	sshll.u32 s5, $0x1;
	s3 =	sadd.s32 s20, s19  }
0x9c: {  	s22 =	simm.s32 $0x0;
	s4 =	sshll.u32 s4, $0x1;
	s5 =	sadd.s32 s21, s3  }
0x9d: {  	[timem:s22], [sflag:s6] =	dma.local [hbm:s5], s4  }
0x9e: {  	_ =	swait.ge [sflag:s6], s4  }
0x9f: {  	s4 =	ssub.s32 $0x0, s4;
	[sflag:s6] =	ssyncset.done $0x0  }
0xa0: {  	[sflag:s6] =	ssyncadd.s32 s4;
	_ =	sdelay $0x1  }
0xa1: {  	s23 =	simm.s32 $0x1B8B  }
0xa2: {  	_ =	swait.ge [sflag:s23], $0x1  }
0xa3: {  	[sflag:s23] =	ssyncset.done $0x0  }
0xa4: {  	[sflag:s23] =	ssyncadd.s32 $0xFFFFFFFF  }
0xa5: {  	s4 =	sld [smem:$0x0]  }
0xa6: {  	s5 =	sand.u32 $0xFFFFFFFE, s1  }
0xa7: {  	p0 =	sne.s32 s1, s5  }
0xa8: {  	s5 =	sshll.u32 @p0 s5, $0xE  }
0xa9: {  	s5 =	sadd.s32 @p0 $0x11B8D, s5;
	s6 =	sshll.u32 @p0 s4, $0x11  }
0xaa: {  	s5 =	sor.u32 @p0 s6, s5  }
0xab: {  	[sflag:s5] =	ssyncadd.remote.s32 @p0 $0x1;
	_ =	sdelay $0x1  }
0xac: {  	s5 =	simm.s32 @p0 $0x1B8D  }
0xad: {  	_ =	swait.eq @p0 [sflag:s5], $0x1  }
0xae: {  	[sflag:s5] =	ssyncadd.s32 @p0 $0xFFFFFFFF  }
0xaf: {  	s6 =	sshll.u32 @!p0 s1, $0xE  }
0xb0: {  	s6 =	sor.u32 @!p0 $0x4000, s6;
	s5 =	simm.s32 @!p0 $0x1B8D  }
0xb1: {  	s4 =	sshll.u32 @!p0 s4, $0x11;
	s6 =	sadd.s32 @!p0 $0x11B8D, s6;
	_ =	swait.eq @!p0 [sflag:s5], $0x1  }
0xb2: {  	s4 =	sor.u32 @!p0 s4, s6;
	[sflag:s5] =	ssyncadd.s32 @!p0 $0xFFFFFFFF  }
0xb3: {  	s25 =	simm.s32 $0x1B8E;
	s24 =	sld [smem:$0x3FFE];
	[sflag:s4] =	ssyncadd.remote.s32 @!p0 $0x1  }
0xb4: {  	s26 =	simm.s32 $execute0_lowered;
	[smem:$0x3FD2] =	sst s25  }
0xb5: {  	s5 =	sshll.u32 s26, $0x1;
	_ =	strace $0x8000005E;
	[dreg:$0x1] =	wrdreg $0xFFFFFFFF  }
0xb6: {  	s28 =	simm.s32 $_size_execute0_lowered;
	s3 =	sadd.s32 s3, s5;
	[dreg:$0x0] =	wrdreg $0x0  }
0xb7: {  	s5 =	sshll.u32 s28, $0x1;
	[dreg:$0x2] =	wrdreg s3  }
0xb8: {  	[dreg:$0x3] =	wrdreg s5  }
0xb9: {  	[dreg:$0x4] =	wrdreg $0xC0  }
0xba: {  	_ =	task [dreg:s22], $0x5FFFF  }
0xbb: {  	[dreg:$0x1] =	wrdreg $0xFFFFFFFF  }
0xbc: {  	[dreg:$0x0] =	wrdreg $0x60  }
0xbd: {  	[dreg:$0x2] =	wrdreg s24  }
0xbe: {  	[dreg:$0x3] =	wrdreg $0x3C800  }
0xbf: {  	[dreg:$0x4] =	wrdreg $0x9  }
0xc0: {  	_ =	task.clear_ibuf [dreg:s22], $0x5FFFF;
	_ =	strace $0x9000005E  }
0xc1: {  	s29 =	simm.s32 $0x9;
	_ =	strace $0x80000060  }
0xc2: {  	_ =	swait.ge [sflag:s29], $0x1  }
0xc3: {  	[sflag:s29] =	ssyncadd.s32 $0xFFFFFFFF  }
0xc4: {  	_ =	strace $0x90000060  }
0xc5: {  	_ =	sfence  }
0xc6: {  	s30 =	sld [smem:$0x0];
	_ =	sdelay $0x2  }
0xc7: {  	s31 =	sshll.u32 s1, $0xD;
	s1 =	sshrl.u32 s1, $0x2  }
0xc8: {  	s4 =	sand.u32 $0x4000, s31;
	s1 =	sadd.s32 s1, s30  }
0xc9: {  	s0 =	sor.u32 s4, s0;
	s1 =	sshll.u32 s1, $0x11  }
0xca: {  	s0 =	sor.u32 s1, s0  }
0xcb: {  	s0 =	sadd.s32 $0x8F2B, s0  }
0xcc: {  	[sflag:s0] =	ssyncadd.remote.s32 $0x1  }
0xcd: {  	_ =	sfence.sel $0xFFFF  }
0xce: {  	[dreg:$0x0] =	wrdreg $0xFFFFFFFF;
	(pc) =	sbr.abs _section_cstart, $3  }
0xcf: {  	[dreg:$0x1] =	wrdreg $0xFFFFFFFF  }
0xd0: {  	_ =	task.clear_ibuf [dreg:s22], $0x2FFFF;
	_ =	strace $0x9FFFFFFF  }
0xd1: {  	(tm) =	ssettm $0x7FFFFFFF  }
tec
execute0_lowered:
.L_overlay_start_1:
0x0: {  	(tag) =	ssettag $0x1  }
0x1: {  	s12 =	stileid.u32;
	s0 =	srdreg.scid  }
0x2: {  	s4 =	rddreg [dreg:$0x0];
	s3 =	smul.u32 $0x2940, s12  }
0x3: {  	s1 =	rddreg [dreg:$0x1];
	s7 =	smul.u32 $0x29400, s12  }
0x4: {  	s2 =	simm.s32 $0x0;
	s14 =	simm.s32 $0x0;
	s9 =	smul.u32 $0x14000, s12  }
0x5: {  	s5 =	sand.u32 $0x1, s0;
	s0 =	rddreg [dreg:$0x2];
	s11 =	smul.u32 $0x50000, s12  }
0x6: {  	[smem:$0x7FF] =	sst s2;
	p0 =	sne.s32 s12, $0x0;
	s6 =	smul.u32 $0x14A0, s5  }
0x7: {  	s12 =	sshll.u32 s12, $0x6;
	_ =	strace $0x8000005F;
	s26 =	smul.u32 $0x140000, s5  }
0x8: {  	s10 =	ssub.s32 $0x2, s5;
	s5 =	smul.u32 $0x14A00, s5;
	s12 =	sor.u32 $0x1C01, s12  }
0x9: {  	s7 =	sadd.s32 s7, s4;
	s13 =	sshrl.u32 s10, $0x1;
	s29 =	sshrl.u32 s11, $0x2  }
0xa: {  	s11 =	simm.s32 $0x78;
	s3 =	sadd.s32 s6, s3;
	s6 =	sadd.s32 s9, s26  }
0xb: {  	s28 =	ssub.s32 s10, s13;
	s30 =	sadd.s32 s29, s1;
	s31 =	sadd.s32 s5, s7  }
0xc: {  	s9 =	simm.s32 $0x1;
	s10 =	simm.s32 $0x80;
	s3 =	sshrl.u32 s3, $0x3  }
0xd: {  	s6 =	sshrl.u32 s6, $0x3;
	s5 =	smax.u32 s28, $0x1;
	s13 =	sshrl.u32 s30, $0x3  }
0xe: {  	s8 =	sadd.s32 s3, s4;
	s3 =	sadd.s32 $0x2E3600, s4;
	s4 =	sadd.s32 s4, s6  }
0xf: {  	s6 =	sadd.s32 $0x1022C00, s31;
	s7 =	sadd.s32 $0x2DE200, s8;
	s8 =	sshrl.u32 @!p0 s1, $0x3  }
.LBB2_1:
0x10: {  	s15 =	simm.s32 @!p0 $0x1C01  }
0x11: {  	[spmem:s8], [sflag:s15] =	dma.local @!p0 [hbm:s3], $0x28000  }
0x12: {  	s15 =	simm.s32 @!p0 $0x1  }
0x13: {  	_ =	swait.ge @!p0 [sflag:s15], $0x28000  }
0x14: {  	[sflag:s15] =	ssyncset.done @!p0 $0x0  }
0x15: {  	[sflag:s15] =	ssyncadd.s32 @!p0 $0xFFFD8000  }
0x16: {  	s31 =	sadd.s32 $0x0, s7;
	[bflag:$0x0] =	sbarrier.arrive $0xFFFF  }
0x17: {  	[tilespmem:s2], [sflag:$0x1] =	stream.linear.gather [hbm4b:s31+s2], $0x78, $0x38;
	[tilespmem:$0x17C80] =	vst v63  }
0x18: {  	_ =	swait.ge [sflag:s9], $0x78  }
0x19: {  	[sflag:s9] =	ssyncset.done $0x0  }
0x1a: {  	[sflag:s9] =	ssyncadd.s32 $0xFFFFFF88  }
0x1b: {  	[tilespmem:s10], [sflag:$0x1] =	stream.linear.gather [hbm4b:s6+s2], $0x3C00, $0x38;
	[tilespmem:$0x17C80] =	vst v63  }
0x1c: {  	_ =	swait.ge [sflag:s9], $0x3C00  }
0x1d: {  	[sflag:s9] =	ssyncset.done $0x0  }
0x1e: {  	[sflag:s9] =	ssyncadd.s32 $0xFFFFC400  }
0x1f: {  	[spmem:s1] =	stream.indirect.scatter.add.f32 [tilespmem:s10], [sflag:$0x1], $0x80, s2, s11, $0xb8;
	[tilespmem:$0x17C80] =	vst v63  }
0x20: {  	s16 =	simm.s32 $0xF;
	_ =	swait.ge [sflag:s9], $0x3C00  }
0x21: {  	s17 =	simm.s32 $0x1E;
	s15 =	sadd.s32 $0x780, s6;
	[sflag:s9] =	ssyncset.done $0x0  }
.LBB2_2:
0x22: {  	s18 =	sadd.s32 s16, s7  }
0x23: {  	[sflag:s9] =	ssyncadd.s32 $0xFFFFC400;
	s16 =	smov.u32 s17;
	s19 =	sadd.s32 $0xF, s17  }
0x24: {  	[tilespmem:s2], [sflag:$0x1] =	stream.linear.gather [hbm4b:s18+s2], $0x78, $0x38;
	[tilespmem:$0x17C80] =	vst v63  }
0x25: {  	p1 =	sne.s32 s17, $0x285;
	_ =	swait.ge [sflag:s9], $0x78  }
0x26: {  	[sflag:s9] =	ssyncset.done $0x0  }
0x27: {  	[sflag:s9] =	ssyncadd.s32 $0xFFFFFF88  }
0x28: {  	[tilespmem:s10], [sflag:$0x1] =	stream.linear.gather [hbm4b:s15+s2], $0x3C00, $0x38;
	[tilespmem:$0x17C80] =	vst v63  }
0x29: {  	_ =	swait.ge [sflag:s9], $0x3C00  }
.Ltmp0:
0x2a: {  	[sflag:s9] =	ssyncset.done $0x0;
	(pc) =	sbr.rel @p1 .LBB2_2-.Ltmp0, $4  }
0x2b: {  	[sflag:s9] =	ssyncadd.s32 $0xFFFFC400  }
0x2c: {  	[spmem:s1] =	stream.indirect.scatter.add.f32 [tilespmem:s10], [sflag:$0x1], $0x80, s2, s11, $0xb8;
	[tilespmem:$0x17C80] =	vst v63  }
0x2d: {  	_ =	swait.ge [sflag:s9], $0x3C00  }
0x2e: {  	s17 =	smov.u32 s19;
	s15 =	sadd.s32 $0x780, s15;
	[sflag:s9] =	ssyncset.done $0x0  }
0x2f: {  	s16 =	sadd.s32 s16, s7;
	[sflag:s9] =	ssyncadd.s32 $0xFFFFC400  }
0x30: {  	[tilespmem:s2], [sflag:$0x1] =	stream.linear.gather [hbm4b:s16+s2], $0x78, $0x38;
	[tilespmem:$0x17C80] =	vst v63  }
0x31: {  	_ =	swait.ge [sflag:s9], $0x78  }
0x32: {  	[sflag:s9] =	ssyncset.done $0x0  }
0x33: {  	[sflag:s9] =	ssyncadd.s32 $0xFFFFFF88  }
0x34: {  	[tilespmem:s10], [sflag:$0x1] =	stream.linear.gather [hbm4b:s15+s2], $0x3C00, $0x38;
	[tilespmem:$0x17C80] =	vst v63  }
0x35: {  	_ =	swait.ge [sflag:s9], $0x3C00  }
0x36: {  	[sflag:s9] =	ssyncset.done $0x0  }
0x37: {  	[sflag:s9] =	ssyncadd.s32 $0xFFFFC400  }
0x38: {  	[spmem:s1] =	stream.indirect.scatter.add.f32 [tilespmem:s10], [sflag:$0x1], $0x80, s2, s11, $0xb8;
	[tilespmem:$0x17C80] =	vst v63  }
0x39: {  	_ =	swait.ge [sflag:s9], $0x3C00  }
0x3a: {  	s14 =	sadd.s32 $0x1, s14;
	[sflag:s9] =	ssyncset.done $0x0  }
0x3b: {  	p1 =	sne.s32 s14, s5;
	[sflag:s9] =	ssyncadd.s32 $0xFFFFC400  }
.Ltmp1:
0x3c: {  	[bflag:$0x0] =	sbarrier.arrive $0xFFFF;
	(pc) =	sbr.rel @p1 .LBB2_1-.Ltmp1, $4  }
0x3d: {  	[hbm:s4], [sflag:s12] =	dma.local [spmem:s13], $0x2800  }
0x3e: {  	_ =	swait.ge [sflag:s9], $0x2800  }
0x3f: {  	[sflag:s9] =	ssyncset.done $0x0  }
0x40: {  	[sflag:s9] =	ssyncadd.s32 $0xFFFFD800  }
0x41: {  	_ =	sfence.sel $0x180000  }
0x42: {  	[bflag:$0x0] =	sbarrier.arrive $0xFFFF  }
0x43: {  	_ =	strace $0x9000005F  }
0x44: {  	s0 =	sadd.s32 @!p0 $0x100000, s0;
	[bflag:$0x2] =	sbarrier.arrive $0xFFFF  }
0x45: {  	[sflag:s0] =	ssyncadd.tile.s32 @!p0 $0x1;
	_ =	shalt  }
.Lfunc_end2:
_tile_overlayer_lowered:
.L_overlay_start_2:
0x46: {  	(tag) =	ssettag $0x2  }
0x47: {  	s0 =	rddreg [dreg:$0x0];
	s2 =	stileid.u32  }
0x48: {  	s1 =	rddreg [dreg:$0x1];
	p0 =	sne.s32 s2, $0x0  }
0x49: {  	s3 =	rddreg [dreg:$0x2];
	[bflag:$0x3] =	sbarrier.arrive $0xFFFF;
	s2 =	simm.s32 @!p0 $0x1C01  }
0x4a: {  	[timem:s3], [sflag:s2] =	dma.local @!p0 [hbm:s0], s1  }
0x4b: {  	s0 =	simm.s32 @!p0 $0x1  }
0x4c: {  	_ =	swait.ge @!p0 [sflag:s0], s1  }
0x4d: {  	s1 =	ssub.s32 @!p0 $0x0, s1;
	[sflag:s0] =	ssyncset.done @!p0 $0x0  }
0x4e: {  	[sflag:s0] =	ssyncadd.s32 @!p0 s1  }
0x4f: {  	[bflag:$0x3] =	sbarrier.arrive $0xFFFF  }
0x50: {  	_ =	shalt  }

// kernel: kernel.29.cloned.1.call-start
scs
__scs_entry_jumppad:
0x0: {  	(pc) =	sbr.rel $0x88, $3  }
0x1: {  	(tag) =	ssettag $0x0;
	lr =	simm.s32 $0x1  }
0x2: {  	[smem:$0x3F8D] =	sst lr;
	_ =	strace $0xD0000000  }
0x3: {  	_ = 	snop  }
0x4: {  	_ = 	snop  }
0x5: {  	_ = 	snop  }
0x6: {  	_ = 	snop  }
0x7: {  	_ = 	snop  }
__scs_overlays_trampoline_lowered:
0x8: {  	[smem:$0x3F9C] =	sst s0  }
0x9: {  	[smem:$0x3F9D] =	sst s1  }
0xa: {  	[smem:$0x3F9E] =	sst s2  }
0xb: {  	[smem:$0x3F9F] =	sst s3  }
0xc: {  	[smem:$0x3FA0] =	sst s4  }
0xd: {  	[smem:$0x3FA1] =	sst s5  }
0xe: {  	[smem:$0x3FA2] =	sst s6  }
0xf: {  	[smem:$0x3FA3] =	sst s7  }
0x10: {  	[smem:$0x3FA4] =	sst s8  }
0x11: {  	[smem:$0x3FA5] =	sst s9;
	s0 =	simm.s32 @!p0 $0x0  }
0x12: {  	s1 =	sld [smem:$0x3F8B];
	s0 =	simm.s32 @p0 $0x1  }
0x13: {  	[smem:$0x3FA6] =	sst s0;
	s0 =	simm.s32 @!p1 $0x0  }
0x14: {  	s2 =	sld [smem:$0x3F8A];
	s0 =	simm.s32 @p1 $0x1  }
0x15: {  	[smem:$0x3FA7] =	sst s0;
	s0 =	simm.s32 @!p2 $0x0  }
0x16: {  	s3 =	sld [smem:$0x3FDB];
	s0 =	simm.s32 @p2 $0x1  }
0x17: {  	s4 =	simm.s32 $0x1BF5;
	[smem:$0x3FA9] =	sst s0  }
0x18: {  	s0 =	sld [smem:$0x3F8C];
	_ =	swait.ge [sflag:s4], $0x0  }
0x19: {  	s7 =	sld [smem:$0x3F8D]  }
0x1a: {  	s8 =	sadd.s32 $0xFFFFE003, lr  }
0x1b: {  	s9 =	sadd.s32 $0xFFFFFEF7, lr;
	s5 =	simm.s32 $0xFFFFFFFF;
	p2 =	slt.u32 s8, $0xFFFFF086  }
0x1c: {  	p1 =	slt.u32 s9, $0xF7A;
	s5 =	simm.s32 @!p2 $0x0  }
0x1d: {  	s5 =	simm.s32 @p1 $0x1;
	p0 =	seq.s32 s7, s2  }
0x1e: {  	s7 =	smul.u32 @!p0 $0xF7A, s2;
	p2 =	seq.s32 @!p0 s5, $0x0  }
0x1f: {  	s9 =	smul.u32 $0xF7A, s1;
	s8 =	simm.s32 @!p0 $0x1BF5;
	p2 =	por !p2, p0  }
0x20: {  	[sflag:s8] =	ssyncset.s32 @!p0 $0xFFFFF086;
	s6 =	sadd.s32 @!p0 s3, s7;
	s7 =	simm.s32 @!p0 $0x108  }
0x21: {  	s3 =	sadd.s32 s3, s9;
	s6 =	sadd.s32 @!p0 $0x88, s6;
	s7 =	simm.s32 @p2 $0x1082  }
0x22: {  	[simem:s7], [sflag:s8] =	dma.local @!p0 [hbm:s6], $0xF7A  }
0x23: {  	s9 =	sor.u32 $0xD0000000, s2;
	s6 =	simm.s32 $0x108;
	_ =	swait.ge @!p0 [sflag:s8], $0x0  }
0x24: {  	s3 =	sadd.s32 $0x88, s3;
	s6 =	simm.s32 @!p1 $0x1082;
	[sflag:s4] =	ssyncset.s32 $0xFFFFF086  }
0x25: {  	[simem:s6], [sflag:s4] =	dma.local [hbm:s3], $0xF7A  }
0x26: {  	[smem:$0x3F8D] =	sst s1;
	(tag) =	ssettag s2;
	_ =	strace s9  }
0x27: {  	s1 =	sld [smem:$0x3F9D]  }
0x28: {  	s2 =	sld [smem:$0x3F9E]  }
0x29: {  	s4 =	sld [smem:$0x3FA0]  }
0x2a: {  	p0 =	seq.s32 s5, $0x0;
	s5 =	sld [smem:$0x3FA1]  }
0x2b: {  	s6 =	sld [smem:$0x3FA2]  }
0x2c: {  	s7 =	sld [smem:$0x3FA3]  }
0x2d: {  	s3 =	simm.s32 $0x108;
	s8 =	sld [smem:$0x3FA4]  }
0x2e: {  	s3 =	simm.s32 @!p0 $0x1082;
	s9 =	sld [smem:$0x3FA5]  }
0x2f: {  	lr =	sadd.s32 s0, s3;
	s0 =	sld [smem:$0x3F9C]  }
0x30: {  	s3 =	sld [smem:$0x3F9F]  }
0x31: {  	[smem:$0x3FA8] =	sst s10  }
0x32: {  	s10 =	sld [smem:$0x3FA6];
	_ =	sdelay $0x3  }
0x33: {  	p0 =	seq.s32 s10, $0x1;
	s10 =	sld [smem:$0x3FA8];
	_ =	sdelay $0x3  }
0x34: {  	[smem:$0x3FA8] =	sst s10  }
0x35: {  	s10 =	sld [smem:$0x3FA7];
	_ =	sdelay $0x3  }
0x36: {  	p1 =	seq.s32 s10, $0x1;
	s10 =	sld [smem:$0x3FA8];
	_ =	sdelay $0x3  }
0x37: {  	[smem:$0x3FA8] =	sst s10  }
0x38: {  	s10 =	sld [smem:$0x3FA9]  }
0x39: {  	_ = 	snop;
	(pc) =	sbr.ind lr, $3  }
0x3a: {  	_ = 	snop  }
0x3b: {  	_ = 	snop  }
0x3c: {  	p2 =	seq.s32 s10, $0x1;
	s10 =	sld [smem:$0x3FA8]  }
0x3d: {  	_ =	shalt  }
0x3e: {  	_ =	shalt  }
0x3f: {  	_ =	shalt  }
0x40: {  	_ =	shalt  }
0x41: {  	_ =	shalt  }
0x42: {  	_ =	shalt  }
0x43: {  	_ =	shalt  }
0x44: {  	_ =	shalt  }
0x45: {  	_ =	shalt  }
0x46: {  	_ =	shalt  }
0x47: {  	_ =	shalt  }
0x48: {  	_ =	shalt  }
0x49: {  	_ =	shalt  }
0x4a: {  	_ =	shalt  }
0x4b: {  	_ =	shalt  }
0x4c: {  	_ =	shalt  }
0x4d: {  	_ =	shalt  }
0x4e: {  	_ =	shalt  }
0x4f: {  	_ =	shalt  }
0x50: {  	_ =	shalt  }
0x51: {  	_ =	shalt  }
0x52: {  	_ =	shalt  }
0x53: {  	_ =	shalt  }
0x54: {  	_ =	shalt  }
0x55: {  	_ =	shalt  }
0x56: {  	_ =	shalt  }
0x57: {  	_ =	shalt  }
0x58: {  	_ =	shalt  }
0x59: {  	_ =	shalt  }
0x5a: {  	_ =	shalt  }
0x5b: {  	_ =	shalt  }
0x5c: {  	_ =	shalt  }
0x5d: {  	_ =	shalt  }
0x5e: {  	_ =	shalt  }
0x5f: {  	_ =	shalt  }
0x60: {  	_ =	shalt  }
0x61: {  	_ =	shalt  }
0x62: {  	_ =	shalt  }
0x63: {  	_ =	shalt  }
0x64: {  	_ =	shalt  }
0x65: {  	_ =	shalt  }
0x66: {  	_ =	shalt  }
0x67: {  	_ =	shalt  }
0x68: {  	_ =	shalt  }
0x69: {  	_ =	shalt  }
0x6a: {  	_ =	shalt  }
0x6b: {  	_ =	shalt  }
0x6c: {  	_ =	shalt  }
0x6d: {  	_ =	shalt  }
0x6e: {  	_ =	shalt  }
0x6f: {  	_ =	shalt  }
0x70: {  	_ =	shalt  }
0x71: {  	_ =	shalt  }
0x72: {  	_ =	shalt  }
0x73: {  	_ =	shalt  }
0x74: {  	_ =	shalt  }
0x75: {  	_ =	shalt  }
0x76: {  	_ =	shalt  }
0x77: {  	_ =	shalt  }
0x78: {  	_ =	shalt  }
0x79: {  	_ =	shalt  }
0x7a: {  	_ =	shalt  }
0x7b: {  	_ =	shalt  }
0x7c: {  	_ =	shalt  }
0x7d: {  	_ =	shalt  }
0x7e: {  	_ =	shalt  }
0x7f: {  	_ =	shalt  }
0x80: {  	_ =	shalt  }
0x81: {  	_ =	shalt  }
0x82: {  	_ =	shalt  }
0x83: {  	_ =	shalt  }
0x84: {  	_ =	shalt  }
0x85: {  	_ =	shalt  }
0x86: {  	_ =	shalt  }
0x87: {  	_ =	shalt  }
.Lfunc_end0:
.L_simem_size_0:
called_computation.9_lowered:
.L_overlay_start_0:
0x88: {  	s2 =	sld [smem:$0x3FD9]  }
0x89: {  	s3 =	sld [smem:$0x3FFE];
	_ =	sdelay $0x1  }
0x8a: {  	s1 =	srdreg.scid  }
0x8b: {  	s0 =	sand.u32 $0x1, s1  }
0x8c: {  	s16 =	sshll.u32 s0, $0xA;
	s2 =	sadd.s32 s3, s2  }
0x8d: {  	s2 =	sadd.s32 s2, s16  }
0x8e: {  	[smem:$0x3FB4] =	sst s2  }
0x8f: {  	_ = 	snop  }
0x90: {  	(tm) =	ssettm $0x1  }
0x91: {  	s17 =	sld [smem:$0x3FFB];
	_ =	sdelay $0x3  }
0x92: {  	_ =	strace s17  }
0x93: {  	s2 =	sld [smem:$0x3FFC];
	_ =	sdelay $0x3  }
0x94: {  	_ =	strace s2  }
0x95: {  	s2 =	sld [smem:$0x3FFD];
	_ =	sdelay $0x3  }
0x96: {  	_ =	strace s2  }
0x97: {  	_ =	strace $0x8FFFFFFF  }
0x98: {  	s18 =	sld [smem:$0x3FDB];
	_ =	sdelay $0x1  }
0x99: {  	s19 =	simm.s32 $_scs_section_size  }
0x9a: {  	s4 =	simm.s32 $_size__tile_overlayer_lowered;
	s5 =	simm.s32 $_tile_overlayer_lowered  }
0x9b: {  	s22 =	simm.s32 $0x1BFF;
	s21 =	sshll.u32 s5, $0x1;
	s2 =	sadd.s32 s19, s18  }
0x9c: {  	s6 =	simm.s32 $0x0;
	s20 =	sshll.u32 s4, $0x1;
	s4 =	sadd.s32 s21, s2  }
0x9d: {  	[timem:s6], [sflag:s22] =	dma.local [hbm:s4], s20  }
0x9e: {  	_ =	swait.ge [sflag:s22], s20  }
0x9f: {  	s3 =	ssub.s32 $0x0, s20;
	[sflag:s22] =	ssyncset.done $0x0  }
0xa0: {  	[sflag:s22] =	ssyncadd.s32 s3;
	_ =	sdelay $0x1  }
0xa1: {  	s23 =	simm.s32 $0x1B8B  }
0xa2: {  	_ =	swait.ge [sflag:s23], $0x1  }
0xa3: {  	[sflag:s23] =	ssyncset.done $0x0  }
0xa4: {  	s25 =	simm.s32 $0x1B8E;
	s24 =	sld [smem:$0x3FFE];
	[sflag:s23] =	ssyncadd.s32 $0xFFFFFFFF  }
0xa5: {  	s26 =	simm.s32 $execute0_lowered;
	[smem:$0x3FD2] =	sst s25  }
0xa6: {  	s4 =	sshll.u32 s26, $0x1;
	_ =	strace $0x80000061;
	[dreg:$0x1] =	wrdreg $0xFFFFFFFF  }
0xa7: {  	s28 =	simm.s32 $_size_execute0_lowered;
	s2 =	sadd.s32 s2, s4;
	[dreg:$0x0] =	wrdreg $0x0  }
0xa8: {  	s4 =	sshll.u32 s28, $0x1;
	[dreg:$0x2] =	wrdreg s2  }
0xa9: {  	[dreg:$0x3] =	wrdreg s4  }
0xaa: {  	[dreg:$0x4] =	wrdreg $0xC0  }
0xab: {  	_ =	task [dreg:s6], $0x5FFFF  }
0xac: {  	[dreg:$0x1] =	wrdreg $0xFFFFFFFF  }
0xad: {  	[dreg:$0x0] =	wrdreg $0x60  }
0xae: {  	[dreg:$0x2] =	wrdreg s24  }
0xaf: {  	[dreg:$0x3] =	wrdreg $0x9  }
0xb0: {  	_ =	task.clear_ibuf [dreg:s6], $0x4FFFF;
	_ =	strace $0x90000061  }
0xb1: {  	s29 =	simm.s32 $0x9;
	_ =	strace $0x80000063  }
0xb2: {  	_ =	swait.ge [sflag:s29], $0x1  }
0xb3: {  	[sflag:s29] =	ssyncadd.s32 $0xFFFFFFFF  }
0xb4: {  	_ =	strace $0x90000063  }
0xb5: {  	_ =	sfence  }
0xb6: {  	s30 =	sld [smem:$0x0];
	_ =	sdelay $0x2  }
0xb7: {  	s31 =	sshll.u32 s1, $0xD;
	s1 =	sshrl.u32 s1, $0x2  }
0xb8: {  	s3 =	sand.u32 $0x4000, s31;
	s1 =	sadd.s32 s1, s30  }
0xb9: {  	s0 =	sor.u32 s3, s0;
	s1 =	sshll.u32 s1, $0x11  }
0xba: {  	s0 =	sor.u32 s1, s0  }
0xbb: {  	s0 =	sadd.s32 $0x8F2B, s0  }
0xbc: {  	[sflag:s0] =	ssyncadd.remote.s32 $0x1  }
0xbd: {  	_ =	sfence.sel $0xFFFF  }
0xbe: {  	[dreg:$0x0] =	wrdreg $0xFFFFFFFF;
	(pc) =	sbr.abs _section_cstart, $3  }
0xbf: {  	[dreg:$0x1] =	wrdreg $0xFFFFFFFF  }
0xc0: {  	_ =	task.clear_ibuf [dreg:s6], $0x2FFFF;
	_ =	strace $0x9FFFFFFF  }
0xc1: {  	(tm) =	ssettm $0x7FFFFFFF  }
tec
execute0_lowered:
.L_overlay_start_1:
0x0: {  	(tag) =	ssettag $0x1  }
0x1: {  	s4 =	rddreg [dreg:$0x0]  }
0x2: {  	s0 =	rddreg [dreg:$0x1]  }
0x3: {  	s3 =	srdreg.scid;
	s1 =	stileid.u32;
	s2 =	simm.s32 $0x0  }
0x4: {  	s10 =	simm.s32 $0x1;
	s11 =	simm.s32 $0x0;
	s6 =	smul.u32 $0x2940, s1  }
0x5: {  	s5 =	sand.u32 $0x1, s3;
	[smem:$0x7FF] =	sst s2;
	s8 =	smul.u32 $0x29400, s1  }
0x6: {  	s3 =	sadd.s32 $0x276800, s4;
	s7 =	smul.u32 $0x14A0, s5;
	s9 =	ssub.s32 $0x2, s5  }
0x7: {  	_ =	strace $0x80000062;
	s5 =	smul.u32 $0x14A00, s5;
	s31 =	sshrl.u32 s9, $0x1  }
0x8: {  	s30 =	sadd.s32 s8, s4;
	s6 =	sadd.s32 s7, s6;
	s8 =	ssub.s32 s9, s31  }
0x9: {  	s5 =	sadd.s32 s5, s30;
	s7 =	simm.s32 $0x2;
	s6 =	sshrl.u32 s6, $0x3  }
0xa: {  	s9 =	simm.s32 $0x80;
	s5 =	sadd.s32 $0x30B600, s5;
	s6 =	sadd.s32 s6, s4  }
0xb: {  	s4 =	smax.u32 s8, $0x1;
	s8 =	simm.s32 $0x78;
	s6 =	sadd.s32 $0x271000, s6  }
.LBB2_1:
0xc: {  	s12 =	sadd.s32 $0x0, s6  }
0xd: {  	[tilespmem:s2], [sflag:$0x2] =	stream.linear.gather [hbm4b:s12+s2], $0x78, $0x38;
	[tilespmem:$0x3C80] =	vst v63  }
0xe: {  	_ =	swait.ge [sflag:s7], $0x78  }
0xf: {  	[sflag:s7] =	ssyncset.done $0x0  }
0x10: {  	[sflag:s7] =	ssyncadd.s32 $0xFFFFFF88  }
0x11: {  	[tilespmem:s9], [sflag:$0x1] =	stream.indirect.gather [hbm4b:s3+s8], $0x80, s2, s8, $0xb8;
	[tilespmem:$0x3C80] =	vst v63  }
0x12: {  	_ =	swait.ge [sflag:s10], $0x3C00  }
0x13: {  	[sflag:s10] =	ssyncset.done $0x0  }
0x14: {  	[sflag:s10] =	ssyncadd.s32 $0xFFFFC400  }
0x15: {  	[hbm4b:s5+s2] =	stream.linear.scatter [tilespmem:s9], [sflag:$0x2], $0x3C00, $0x38;
	[tilespmem:$0x3C80] =	vst v63  }
0x16: {  	s13 =	simm.s32 $0xF;
	_ =	swait.ge [sflag:s7], $0x3C00  }
0x17: {  	s14 =	simm.s32 $0x1E;
	s12 =	sadd.s32 $0x780, s5;
	[sflag:s7] =	ssyncset.done $0x0  }
.LBB2_2:
0x18: {  	s15 =	sadd.s32 s13, s6  }
0x19: {  	[sflag:s7] =	ssyncadd.s32 $0xFFFFC400;
	s13 =	smov.u32 s14;
	s16 =	sadd.s32 $0xF, s14  }
0x1a: {  	[tilespmem:s2], [sflag:$0x2] =	stream.linear.gather [hbm4b:s15+s2], $0x78, $0x38;
	[tilespmem:$0x3C80] =	vst v63  }
0x1b: {  	p0 =	sne.s32 s14, $0x285;
	_ =	swait.ge [sflag:s7], $0x78  }
0x1c: {  	[sflag:s7] =	ssyncset.done $0x0  }
0x1d: {  	[sflag:s7] =	ssyncadd.s32 $0xFFFFFF88  }
0x1e: {  	[tilespmem:s9], [sflag:$0x1] =	stream.indirect.gather [hbm4b:s3+s8], $0x80, s2, s8, $0xb8;
	[tilespmem:$0x3C80] =	vst v63  }
0x1f: {  	_ =	swait.ge [sflag:s10], $0x3C00  }
.Ltmp0:
0x20: {  	[sflag:s10] =	ssyncset.done $0x0;
	(pc) =	sbr.rel @p0 .LBB2_2-.Ltmp0, $4  }
0x21: {  	[sflag:s10] =	ssyncadd.s32 $0xFFFFC400  }
0x22: {  	[hbm4b:s12+s2] =	stream.linear.scatter [tilespmem:s9], [sflag:$0x2], $0x3C00, $0x38;
	[tilespmem:$0x3C80] =	vst v63  }
0x23: {  	_ =	swait.ge [sflag:s7], $0x3C00  }
0x24: {  	s14 =	smov.u32 s16;
	s12 =	sadd.s32 $0x780, s12;
	[sflag:s7] =	ssyncset.done $0x0  }
0x25: {  	s13 =	sadd.s32 s13, s6;
	[sflag:s7] =	ssyncadd.s32 $0xFFFFC400  }
0x26: {  	[tilespmem:s2], [sflag:$0x2] =	stream.linear.gather [hbm4b:s13+s2], $0x78, $0x38;
	[tilespmem:$0x3C80] =	vst v63  }
0x27: {  	_ =	swait.ge [sflag:s7], $0x78  }
0x28: {  	[sflag:s7] =	ssyncset.done $0x0  }
0x29: {  	[sflag:s7] =	ssyncadd.s32 $0xFFFFFF88  }
0x2a: {  	[tilespmem:s9], [sflag:$0x1] =	stream.indirect.gather [hbm4b:s3+s8], $0x80, s2, s8, $0xb8;
	[tilespmem:$0x3C80] =	vst v63  }
0x2b: {  	s11 =	sadd.s32 $0x1, s11;
	_ =	swait.ge [sflag:s10], $0x3C00  }
0x2c: {  	p0 =	sne.s32 s11, s4;
	[sflag:s10] =	ssyncset.done $0x0  }
.Ltmp1:
0x2d: {  	[sflag:s10] =	ssyncadd.s32 $0xFFFFC400;
	(pc) =	sbr.rel @p0 .LBB2_1-.Ltmp1, $4  }
0x2e: {  	[hbm4b:s12+s2] =	stream.linear.scatter [tilespmem:s9], [sflag:$0x2], $0x3C00, $0x38;
	[tilespmem:$0x3C80] =	vst v63  }
0x2f: {  	_ =	swait.ge [sflag:s7], $0x3C00  }
0x30: {  	[sflag:s7] =	ssyncset.done $0x0  }
0x31: {  	[sflag:s7] =	ssyncadd.s32 $0xFFFFC400  }
0x32: {  	_ =	sfence.sel $0x180000  }
0x33: {  	[bflag:$0x0] =	sbarrier.arrive $0xFFFF  }
0x34: {  	p0 =	sne.s32 s1, $0x0;
	_ =	strace $0x90000062  }
0x35: {  	s0 =	sadd.s32 @!p0 $0x100000, s0;
	[bflag:$0x2] =	sbarrier.arrive $0xFFFF  }
0x36: {  	[sflag:s0] =	ssyncadd.tile.s32 @!p0 $0x1;
	_ =	shalt  }
.Lfunc_end2:
_tile_overlayer_lowered:
.L_overlay_start_2:
0x37: {  	(tag) =	ssettag $0x2  }
0x38: {  	s0 =	rddreg [dreg:$0x0];
	s2 =	stileid.u32  }
0x39: {  	s1 =	rddreg [dreg:$0x1];
	p0 =	sne.s32 s2, $0x0  }
0x3a: {  	s3 =	rddreg [dreg:$0x2];
	[bflag:$0x3] =	sbarrier.arrive $0xFFFF;
	s2 =	simm.s32 @!p0 $0x1C02  }
0x3b: {  	[timem:s3], [sflag:s2] =	dma.local @!p0 [hbm:s0], s1  }
0x3c: {  	s0 =	simm.s32 @!p0 $0x2  }
0x3d: {  	_ =	swait.ge @!p0 [sflag:s0], s1  }
0x3e: {  	s1 =	ssub.s32 @!p0 $0x0, s1;
	[sflag:s0] =	ssyncset.done @!p0 $0x0  }
0x3f: {  	[sflag:s0] =	ssyncadd.s32 @!p0 s1  }
0x40: {  	[bflag:$0x3] =	sbarrier.arrive $0xFFFF  }
0x41: {  	_ =	shalt  }

// kernel: kernel.32.cloned.1.call-start
scs
__scs_entry_jumppad:
0x0: {  	(pc) =	sbr.rel $0x88, $3  }
0x1: {  	(tag) =	ssettag $0x0;
	lr =	simm.s32 $0x1  }
0x2: {  	[smem:$0x3F8D] =	sst lr;
	_ =	strace $0xD0000000  }
0x3: {  	_ = 	snop  }
0x4: {  	_ = 	snop  }
0x5: {  	_ = 	snop  }
0x6: {  	_ = 	snop  }
0x7: {  	_ = 	snop  }
__scs_overlays_trampoline_lowered:
0x8: {  	[smem:$0x3F9C] =	sst s0  }
0x9: {  	[smem:$0x3F9D] =	sst s1  }
0xa: {  	[smem:$0x3F9E] =	sst s2  }
0xb: {  	[smem:$0x3F9F] =	sst s3  }
0xc: {  	[smem:$0x3FA0] =	sst s4  }
0xd: {  	[smem:$0x3FA1] =	sst s5  }
0xe: {  	[smem:$0x3FA2] =	sst s6  }
0xf: {  	[smem:$0x3FA3] =	sst s7  }
0x10: {  	[smem:$0x3FA4] =	sst s8  }
0x11: {  	[smem:$0x3FA5] =	sst s9;
	s0 =	simm.s32 @!p0 $0x0  }
0x12: {  	s1 =	sld [smem:$0x3F8B];
	s0 =	simm.s32 @p0 $0x1  }
0x13: {  	[smem:$0x3FA6] =	sst s0;
	s0 =	simm.s32 @!p1 $0x0  }
0x14: {  	s2 =	sld [smem:$0x3F8A];
	s0 =	simm.s32 @p1 $0x1  }
0x15: {  	[smem:$0x3FA7] =	sst s0;
	s0 =	simm.s32 @!p2 $0x0  }
0x16: {  	s3 =	sld [smem:$0x3FDB];
	s0 =	simm.s32 @p2 $0x1  }
0x17: {  	s4 =	simm.s32 $0x1BF5;
	[smem:$0x3FA9] =	sst s0  }
0x18: {  	s0 =	sld [smem:$0x3F8C];
	_ =	swait.ge [sflag:s4], $0x0  }
0x19: {  	s7 =	sld [smem:$0x3F8D]  }
0x1a: {  	s8 =	sadd.s32 $0xFFFFE003, lr  }
0x1b: {  	s9 =	sadd.s32 $0xFFFFFEF7, lr;
	s5 =	simm.s32 $0xFFFFFFFF;
	p2 =	slt.u32 s8, $0xFFFFF086  }
0x1c: {  	p1 =	slt.u32 s9, $0xF7A;
	s5 =	simm.s32 @!p2 $0x0  }
0x1d: {  	s5 =	simm.s32 @p1 $0x1;
	p0 =	seq.s32 s7, s2  }
0x1e: {  	s7 =	smul.u32 @!p0 $0xF7A, s2;
	p2 =	seq.s32 @!p0 s5, $0x0  }
0x1f: {  	s9 =	smul.u32 $0xF7A, s1;
	s8 =	simm.s32 @!p0 $0x1BF5;
	p2 =	por !p2, p0  }
0x20: {  	[sflag:s8] =	ssyncset.s32 @!p0 $0xFFFFF086;
	s6 =	sadd.s32 @!p0 s3, s7;
	s7 =	simm.s32 @!p0 $0x108  }
0x21: {  	s3 =	sadd.s32 s3, s9;
	s6 =	sadd.s32 @!p0 $0x88, s6;
	s7 =	simm.s32 @p2 $0x1082  }
0x22: {  	[simem:s7], [sflag:s8] =	dma.local @!p0 [hbm:s6], $0xF7A  }
0x23: {  	s9 =	sor.u32 $0xD0000000, s2;
	s6 =	simm.s32 $0x108;
	_ =	swait.ge @!p0 [sflag:s8], $0x0  }
0x24: {  	s3 =	sadd.s32 $0x88, s3;
	s6 =	simm.s32 @!p1 $0x1082;
	[sflag:s4] =	ssyncset.s32 $0xFFFFF086  }
0x25: {  	[simem:s6], [sflag:s4] =	dma.local [hbm:s3], $0xF7A  }
0x26: {  	[smem:$0x3F8D] =	sst s1;
	(tag) =	ssettag s2;
	_ =	strace s9  }
0x27: {  	s1 =	sld [smem:$0x3F9D]  }
0x28: {  	s2 =	sld [smem:$0x3F9E]  }
0x29: {  	s4 =	sld [smem:$0x3FA0]  }
0x2a: {  	p0 =	seq.s32 s5, $0x0;
	s5 =	sld [smem:$0x3FA1]  }
0x2b: {  	s6 =	sld [smem:$0x3FA2]  }
0x2c: {  	s7 =	sld [smem:$0x3FA3]  }
0x2d: {  	s3 =	simm.s32 $0x108;
	s8 =	sld [smem:$0x3FA4]  }
0x2e: {  	s3 =	simm.s32 @!p0 $0x1082;
	s9 =	sld [smem:$0x3FA5]  }
0x2f: {  	lr =	sadd.s32 s0, s3;
	s0 =	sld [smem:$0x3F9C]  }
0x30: {  	s3 =	sld [smem:$0x3F9F]  }
0x31: {  	[smem:$0x3FA8] =	sst s10  }
0x32: {  	s10 =	sld [smem:$0x3FA6];
	_ =	sdelay $0x3  }
0x33: {  	p0 =	seq.s32 s10, $0x1;
	s10 =	sld [smem:$0x3FA8];
	_ =	sdelay $0x3  }
0x34: {  	[smem:$0x3FA8] =	sst s10  }
0x35: {  	s10 =	sld [smem:$0x3FA7];
	_ =	sdelay $0x3  }
0x36: {  	p1 =	seq.s32 s10, $0x1;
	s10 =	sld [smem:$0x3FA8];
	_ =	sdelay $0x3  }
0x37: {  	[smem:$0x3FA8] =	sst s10  }
0x38: {  	s10 =	sld [smem:$0x3FA9]  }
0x39: {  	_ = 	snop;
	(pc) =	sbr.ind lr, $3  }
0x3a: {  	_ = 	snop  }
0x3b: {  	_ = 	snop  }
0x3c: {  	p2 =	seq.s32 s10, $0x1;
	s10 =	sld [smem:$0x3FA8]  }
0x3d: {  	_ =	shalt  }
0x3e: {  	_ =	shalt  }
0x3f: {  	_ =	shalt  }
0x40: {  	_ =	shalt  }
0x41: {  	_ =	shalt  }
0x42: {  	_ =	shalt  }
0x43: {  	_ =	shalt  }
0x44: {  	_ =	shalt  }
0x45: {  	_ =	shalt  }
0x46: {  	_ =	shalt  }
0x47: {  	_ =	shalt  }
0x48: {  	_ =	shalt  }
0x49: {  	_ =	shalt  }
0x4a: {  	_ =	shalt  }
0x4b: {  	_ =	shalt  }
0x4c: {  	_ =	shalt  }
0x4d: {  	_ =	shalt  }
0x4e: {  	_ =	shalt  }
0x4f: {  	_ =	shalt  }
0x50: {  	_ =	shalt  }
0x51: {  	_ =	shalt  }
0x52: {  	_ =	shalt  }
0x53: {  	_ =	shalt  }
0x54: {  	_ =	shalt  }
0x55: {  	_ =	shalt  }
0x56: {  	_ =	shalt  }
0x57: {  	_ =	shalt  }
0x58: {  	_ =	shalt  }
0x59: {  	_ =	shalt  }
0x5a: {  	_ =	shalt  }
0x5b: {  	_ =	shalt  }
0x5c: {  	_ =	shalt  }
0x5d: {  	_ =	shalt  }
0x5e: {  	_ =	shalt  }
0x5f: {  	_ =	shalt  }
0x60: {  	_ =	shalt  }
0x61: {  	_ =	shalt  }
0x62: {  	_ =	shalt  }
0x63: {  	_ =	shalt  }
0x64: {  	_ =	shalt  }
0x65: {  	_ =	shalt  }
0x66: {  	_ =	shalt  }
0x67: {  	_ =	shalt  }
0x68: {  	_ =	shalt  }
0x69: {  	_ =	shalt  }
0x6a: {  	_ =	shalt  }
0x6b: {  	_ =	shalt  }
0x6c: {  	_ =	shalt  }
0x6d: {  	_ =	shalt  }
0x6e: {  	_ =	shalt  }
0x6f: {  	_ =	shalt  }
0x70: {  	_ =	shalt  }
0x71: {  	_ =	shalt  }
0x72: {  	_ =	shalt  }
0x73: {  	_ =	shalt  }
0x74: {  	_ =	shalt  }
0x75: {  	_ =	shalt  }
0x76: {  	_ =	shalt  }
0x77: {  	_ =	shalt  }
0x78: {  	_ =	shalt  }
0x79: {  	_ =	shalt  }
0x7a: {  	_ =	shalt  }
0x7b: {  	_ =	shalt  }
0x7c: {  	_ =	shalt  }
0x7d: {  	_ =	shalt  }
0x7e: {  	_ =	shalt  }
0x7f: {  	_ =	shalt  }
0x80: {  	_ =	shalt  }
0x81: {  	_ =	shalt  }
0x82: {  	_ =	shalt  }
0x83: {  	_ =	shalt  }
0x84: {  	_ =	shalt  }
0x85: {  	_ =	shalt  }
0x86: {  	_ =	shalt  }
0x87: {  	_ =	shalt  }
.Lfunc_end0:
.L_simem_size_0:
called_computation.10_lowered:
.L_overlay_start_0:
0x88: {  	s2 =	sld [smem:$0x3FD9]  }
0x89: {  	s3 =	sld [smem:$0x3FFE];
	_ =	sdelay $0x1  }
0x8a: {  	s1 =	srdreg.scid  }
0x8b: {  	s0 =	sand.u32 $0x1, s1  }
0x8c: {  	s16 =	sshll.u32 s0, $0xA;
	s2 =	sadd.s32 s3, s2  }
0x8d: {  	s2 =	sadd.s32 s2, s16  }
0x8e: {  	[smem:$0x3FB4] =	sst s2  }
0x8f: {  	_ = 	snop  }
0x90: {  	(tm) =	ssettm $0x1  }
0x91: {  	s17 =	sld [smem:$0x3FFB];
	_ =	sdelay $0x3  }
0x92: {  	_ =	strace s17  }
0x93: {  	s2 =	sld [smem:$0x3FFC];
	_ =	sdelay $0x3  }
0x94: {  	_ =	strace s2  }
0x95: {  	s2 =	sld [smem:$0x3FFD];
	_ =	sdelay $0x3  }
0x96: {  	_ =	strace s2  }
0x97: {  	_ =	strace $0x8FFFFFFF  }
0x98: {  	s18 =	sld [smem:$0x3FDB];
	_ =	sdelay $0x1  }
0x99: {  	s19 =	simm.s32 $_scs_section_size  }
0x9a: {  	s4 =	simm.s32 $_size__tile_overlayer_lowered;
	s5 =	simm.s32 $_tile_overlayer_lowered  }
0x9b: {  	s22 =	simm.s32 $0x1BFF;
	s21 =	sshll.u32 s5, $0x1;
	s2 =	sadd.s32 s19, s18  }
0x9c: {  	s6 =	simm.s32 $0x0;
	s20 =	sshll.u32 s4, $0x1;
	s4 =	sadd.s32 s21, s2  }
0x9d: {  	[timem:s6], [sflag:s22] =	dma.local [hbm:s4], s20  }
0x9e: {  	_ =	swait.ge [sflag:s22], s20  }
0x9f: {  	s3 =	ssub.s32 $0x0, s20;
	[sflag:s22] =	ssyncset.done $0x0  }
0xa0: {  	[sflag:s22] =	ssyncadd.s32 s3;
	_ =	sdelay $0x1  }
0xa1: {  	s23 =	simm.s32 $0x1B8B  }
0xa2: {  	_ =	swait.ge [sflag:s23], $0x1  }
0xa3: {  	[sflag:s23] =	ssyncset.done $0x0  }
0xa4: {  	s25 =	simm.s32 $0x1B8E;
	s24 =	sld [smem:$0x3FFE];
	[sflag:s23] =	ssyncadd.s32 $0xFFFFFFFF  }
0xa5: {  	s26 =	simm.s32 $execute0_lowered;
	[smem:$0x3FD2] =	sst s25  }
0xa6: {  	s4 =	sshll.u32 s26, $0x1;
	_ =	strace $0x80000064;
	[dreg:$0x1] =	wrdreg $0xFFFFFFFF  }
0xa7: {  	s28 =	simm.s32 $_size_execute0_lowered;
	s2 =	sadd.s32 s2, s4;
	[dreg:$0x0] =	wrdreg $0x0  }
0xa8: {  	s4 =	sshll.u32 s28, $0x1;
	[dreg:$0x2] =	wrdreg s2  }
0xa9: {  	[dreg:$0x3] =	wrdreg s4  }
0xaa: {  	[dreg:$0x4] =	wrdreg $0xC0  }
0xab: {  	_ =	task [dreg:s6], $0x5FFFF  }
0xac: {  	[dreg:$0x1] =	wrdreg $0xFFFFFFFF  }
0xad: {  	[dreg:$0x0] =	wrdreg $0x60  }
0xae: {  	[dreg:$0x2] =	wrdreg s24  }
0xaf: {  	[dreg:$0x3] =	wrdreg $0x3C800  }
0xb0: {  	[dreg:$0x4] =	wrdreg $0x9  }
0xb1: {  	_ =	task.clear_ibuf [dreg:s6], $0x5FFFF;
	_ =	strace $0x90000064  }
0xb2: {  	s29 =	simm.s32 $0x9;
	_ =	strace $0x80000066  }
0xb3: {  	_ =	swait.ge [sflag:s29], $0x1  }
0xb4: {  	[sflag:s29] =	ssyncadd.s32 $0xFFFFFFFF  }
0xb5: {  	_ =	strace $0x90000066  }
0xb6: {  	_ =	sfence  }
0xb7: {  	s30 =	sld [smem:$0x0];
	_ =	sdelay $0x2  }
0xb8: {  	s31 =	sshll.u32 s1, $0xD;
	s1 =	sshrl.u32 s1, $0x2  }
0xb9: {  	s3 =	sand.u32 $0x4000, s31;
	s1 =	sadd.s32 s1, s30  }
0xba: {  	s0 =	sor.u32 s3, s0;
	s1 =	sshll.u32 s1, $0x11  }
0xbb: {  	s0 =	sor.u32 s1, s0  }
0xbc: {  	s0 =	sadd.s32 $0x8F2B, s0  }
0xbd: {  	[sflag:s0] =	ssyncadd.remote.s32 $0x1  }
0xbe: {  	_ =	sfence.sel $0xFFFF  }
0xbf: {  	[dreg:$0x0] =	wrdreg $0xFFFFFFFF;
	(pc) =	sbr.abs _section_cstart, $3  }
0xc0: {  	[dreg:$0x1] =	wrdreg $0xFFFFFFFF  }
0xc1: {  	_ =	task.clear_ibuf [dreg:s6], $0x2FFFF;
	_ =	strace $0x9FFFFFFF  }
0xc2: {  	(tm) =	ssettm $0x7FFFFFFF  }
0xc3: {  	_ =	shalt  }
tec
execute0_lowered:
.L_overlay_start_1:
0x0: {  	(tag) =	ssettag $0x1  }
0x1: {  	s12 =	stileid.u32;
	s0 =	srdreg.scid  }
0x2: {  	s4 =	rddreg [dreg:$0x0];
	s3 =	smul.u32 $0x2940, s12  }
0x3: {  	s1 =	rddreg [dreg:$0x1];
	s7 =	smul.u32 $0x29400, s12  }
0x4: {  	s2 =	simm.s32 $0x0;
	s14 =	simm.s32 $0x0;
	s9 =	smul.u32 $0x14000, s12  }
0x5: {  	s5 =	sand.u32 $0x1, s0;
	s0 =	rddreg [dreg:$0x2];
	s11 =	smul.u32 $0x50000, s12  }
0x6: {  	[smem:$0x7FF] =	sst s2;
	p0 =	sne.s32 s12, $0x0;
	s6 =	smul.u32 $0x14A0, s5  }
0x7: {  	s12 =	sshll.u32 s12, $0x6;
	_ =	strace $0x80000065;
	s26 =	smul.u32 $0x140000, s5  }
0x8: {  	s10 =	ssub.s32 $0x2, s5;
	s5 =	smul.u32 $0x14A00, s5;
	s12 =	sor.u32 $0x1C01, s12  }
0x9: {  	s7 =	sadd.s32 s7, s4;
	s13 =	sshrl.u32 s10, $0x1;
	s29 =	sshrl.u32 s11, $0x2  }
0xa: {  	s11 =	simm.s32 $0x78;
	s3 =	sadd.s32 s6, s3;
	s6 =	sadd.s32 s9, s26  }
0xb: {  	s28 =	ssub.s32 s10, s13;
	s30 =	sadd.s32 s29, s1;
	s31 =	sadd.s32 s5, s7  }
0xc: {  	s9 =	simm.s32 $0x1;
	s10 =	simm.s32 $0x80;
	s3 =	sshrl.u32 s3, $0x3  }
0xd: {  	s6 =	sshrl.u32 s6, $0x3;
	s5 =	smax.u32 s28, $0x1;
	s13 =	sshrl.u32 s30, $0x3  }
0xe: {  	s8 =	sadd.s32 s3, s4;
	s3 =	sadd.s32 $0x2E3600, s4;
	s4 =	sadd.s32 s4, s6  }
0xf: {  	s6 =	sadd.s32 $0x59F600, s31;
	s7 =	sadd.s32 $0x2DE200, s8;
	s8 =	sshrl.u32 @!p0 s1, $0x3  }
.LBB2_1:
0x10: {  	s15 =	simm.s32 @!p0 $0x1C01  }
0x11: {  	[spmem:s8], [sflag:s15] =	dma.local @!p0 [hbm:s3], $0x28000  }
0x12: {  	s15 =	simm.s32 @!p0 $0x1  }
0x13: {  	_ =	swait.ge @!p0 [sflag:s15], $0x28000  }
0x14: {  	[sflag:s15] =	ssyncset.done @!p0 $0x0  }
0x15: {  	[sflag:s15] =	ssyncadd.s32 @!p0 $0xFFFD8000  }
0x16: {  	s31 =	sadd.s32 $0x0, s7;
	[bflag:$0x0] =	sbarrier.arrive $0xFFFF  }
0x17: {  	[tilespmem:s2], [sflag:$0x1] =	stream.linear.gather [hbm4b:s31+s2], $0x78, $0x38;
	[tilespmem:$0x17C80] =	vst v63  }
0x18: {  	_ =	swait.ge [sflag:s9], $0x78  }
0x19: {  	[sflag:s9] =	ssyncset.done $0x0  }
0x1a: {  	[sflag:s9] =	ssyncadd.s32 $0xFFFFFF88  }
0x1b: {  	[tilespmem:s10], [sflag:$0x1] =	stream.linear.gather [hbm4b:s6+s2], $0x3C00, $0x38;
	[tilespmem:$0x17C80] =	vst v63  }
0x1c: {  	_ =	swait.ge [sflag:s9], $0x3C00  }
0x1d: {  	[sflag:s9] =	ssyncset.done $0x0  }
0x1e: {  	[sflag:s9] =	ssyncadd.s32 $0xFFFFC400  }
0x1f: {  	[spmem:s1] =	stream.indirect.scatter.add.f32 [tilespmem:s10], [sflag:$0x1], $0x80, s2, s11, $0xb8;
	[tilespmem:$0x17C80] =	vst v63  }
0x20: {  	s16 =	simm.s32 $0xF;
	_ =	swait.ge [sflag:s9], $0x3C00  }
0x21: {  	s17 =	simm.s32 $0x1E;
	s15 =	sadd.s32 $0x780, s6;
	[sflag:s9] =	ssyncset.done $0x0  }
.LBB2_2:
0x22: {  	s18 =	sadd.s32 s16, s7  }
0x23: {  	[sflag:s9] =	ssyncadd.s32 $0xFFFFC400;
	s16 =	smov.u32 s17;
	s19 =	sadd.s32 $0xF, s17  }
0x24: {  	[tilespmem:s2], [sflag:$0x1] =	stream.linear.gather [hbm4b:s18+s2], $0x78, $0x38;
	[tilespmem:$0x17C80] =	vst v63  }
0x25: {  	p1 =	sne.s32 s17, $0x285;
	_ =	swait.ge [sflag:s9], $0x78  }
0x26: {  	[sflag:s9] =	ssyncset.done $0x0  }
0x27: {  	[sflag:s9] =	ssyncadd.s32 $0xFFFFFF88  }
0x28: {  	[tilespmem:s10], [sflag:$0x1] =	stream.linear.gather [hbm4b:s15+s2], $0x3C00, $0x38;
	[tilespmem:$0x17C80] =	vst v63  }
0x29: {  	_ =	swait.ge [sflag:s9], $0x3C00  }
.Ltmp0:
0x2a: {  	[sflag:s9] =	ssyncset.done $0x0;
	(pc) =	sbr.rel @p1 .LBB2_2-.Ltmp0, $4  }
0x2b: {  	[sflag:s9] =	ssyncadd.s32 $0xFFFFC400  }
0x2c: {  	[spmem:s1] =	stream.indirect.scatter.add.f32 [tilespmem:s10], [sflag:$0x1], $0x80, s2, s11, $0xb8;
	[tilespmem:$0x17C80] =	vst v63  }
0x2d: {  	_ =	swait.ge [sflag:s9], $0x3C00  }
0x2e: {  	s17 =	smov.u32 s19;
	s15 =	sadd.s32 $0x780, s15;
	[sflag:s9] =	ssyncset.done $0x0  }
0x2f: {  	s16 =	sadd.s32 s16, s7;
	[sflag:s9] =	ssyncadd.s32 $0xFFFFC400  }
0x30: {  	[tilespmem:s2], [sflag:$0x1] =	stream.linear.gather [hbm4b:s16+s2], $0x78, $0x38;
	[tilespmem:$0x17C80] =	vst v63  }
0x31: {  	_ =	swait.ge [sflag:s9], $0x78  }
0x32: {  	[sflag:s9] =	ssyncset.done $0x0  }
0x33: {  	[sflag:s9] =	ssyncadd.s32 $0xFFFFFF88  }
0x34: {  	[tilespmem:s10], [sflag:$0x1] =	stream.linear.gather [hbm4b:s15+s2], $0x3C00, $0x38;
	[tilespmem:$0x17C80] =	vst v63  }
0x35: {  	_ =	swait.ge [sflag:s9], $0x3C00  }
0x36: {  	[sflag:s9] =	ssyncset.done $0x0  }
0x37: {  	[sflag:s9] =	ssyncadd.s32 $0xFFFFC400  }
0x38: {  	[spmem:s1] =	stream.indirect.scatter.add.f32 [tilespmem:s10], [sflag:$0x1], $0x80, s2, s11, $0xb8;
	[tilespmem:$0x17C80] =	vst v63  }
0x39: {  	_ =	swait.ge [sflag:s9], $0x3C00  }
0x3a: {  	s14 =	sadd.s32 $0x1, s14;
	[sflag:s9] =	ssyncset.done $0x0  }
0x3b: {  	p1 =	sne.s32 s14, s5;
	[sflag:s9] =	ssyncadd.s32 $0xFFFFC400  }
.Ltmp1:
0x3c: {  	[bflag:$0x0] =	sbarrier.arrive $0xFFFF;
	(pc) =	sbr.rel @p1 .LBB2_1-.Ltmp1, $4  }
0x3d: {  	[hbm:s4], [sflag:s12] =	dma.local [spmem:s13], $0x2800  }
0x3e: {  	_ =	swait.ge [sflag:s9], $0x2800  }
0x3f: {  	[sflag:s9] =	ssyncset.done $0x0  }
0x40: {  	[sflag:s9] =	ssyncadd.s32 $0xFFFFD800  }
0x41: {  	_ =	sfence.sel $0x180000  }
0x42: {  	[bflag:$0x0] =	sbarrier.arrive $0xFFFF  }
0x43: {  	_ =	strace $0x90000065  }
0x44: {  	s0 =	sadd.s32 @!p0 $0x100000, s0;
	[bflag:$0x2] =	sbarrier.arrive $0xFFFF  }
0x45: {  	[sflag:s0] =	ssyncadd.tile.s32 @!p0 $0x1;
	_ =	shalt  }
.Lfunc_end2:
_tile_overlayer_lowered:
.L_overlay_start_2:
0x46: {  	(tag) =	ssettag $0x2  }
0x47: {  	s0 =	rddreg [dreg:$0x0];
	s2 =	stileid.u32  }
0x48: {  	s1 =	rddreg [dreg:$0x1];
	p0 =	sne.s32 s2, $0x0  }
0x49: {  	s3 =	rddreg [dreg:$0x2];
	[bflag:$0x3] =	sbarrier.arrive $0xFFFF;
	s2 =	simm.s32 @!p0 $0x1C01  }
0x4a: {  	[timem:s3], [sflag:s2] =	dma.local @!p0 [hbm:s0], s1  }
0x4b: {  	s0 =	simm.s32 @!p0 $0x1  }
0x4c: {  	_ =	swait.ge @!p0 [sflag:s0], s1  }
0x4d: {  	s1 =	ssub.s32 @!p0 $0x0, s1;
	[sflag:s0] =	ssyncset.done @!p0 $0x0  }
0x4e: {  	[sflag:s0] =	ssyncadd.s32 @!p0 s1  }
0x4f: {  	[bflag:$0x3] =	sbarrier.arrive $0xFFFF  }
0x50: {  	_ =	shalt  }

// kernel: kernel.35.cloned.1.call-start
scs
__scs_entry_jumppad:
0x0: {  	(pc) =	sbr.rel $0x88, $3  }
0x1: {  	(tag) =	ssettag $0x0;
	lr =	simm.s32 $0x1  }
0x2: {  	[smem:$0x3F8D] =	sst lr;
	_ =	strace $0xD0000000  }
0x3: {  	_ = 	snop  }
0x4: {  	_ = 	snop  }
0x5: {  	_ = 	snop  }
0x6: {  	_ = 	snop  }
0x7: {  	_ = 	snop  }
__scs_overlays_trampoline_lowered:
0x8: {  	[smem:$0x3F9C] =	sst s0  }
0x9: {  	[smem:$0x3F9D] =	sst s1  }
0xa: {  	[smem:$0x3F9E] =	sst s2  }
0xb: {  	[smem:$0x3F9F] =	sst s3  }
0xc: {  	[smem:$0x3FA0] =	sst s4  }
0xd: {  	[smem:$0x3FA1] =	sst s5  }
0xe: {  	[smem:$0x3FA2] =	sst s6  }
0xf: {  	[smem:$0x3FA3] =	sst s7  }
0x10: {  	[smem:$0x3FA4] =	sst s8  }
0x11: {  	[smem:$0x3FA5] =	sst s9;
	s0 =	simm.s32 @!p0 $0x0  }
0x12: {  	s1 =	sld [smem:$0x3F8B];
	s0 =	simm.s32 @p0 $0x1  }
0x13: {  	[smem:$0x3FA6] =	sst s0;
	s0 =	simm.s32 @!p1 $0x0  }
0x14: {  	s2 =	sld [smem:$0x3F8A];
	s0 =	simm.s32 @p1 $0x1  }
0x15: {  	[smem:$0x3FA7] =	sst s0;
	s0 =	simm.s32 @!p2 $0x0  }
0x16: {  	s3 =	sld [smem:$0x3FDB];
	s0 =	simm.s32 @p2 $0x1  }
0x17: {  	s4 =	simm.s32 $0x1BF5;
	[smem:$0x3FA9] =	sst s0  }
0x18: {  	s0 =	sld [smem:$0x3F8C];
	_ =	swait.ge [sflag:s4], $0x0  }
0x19: {  	s7 =	sld [smem:$0x3F8D]  }
0x1a: {  	s8 =	sadd.s32 $0xFFFFE003, lr  }
0x1b: {  	s9 =	sadd.s32 $0xFFFFFEF7, lr;
	s5 =	simm.s32 $0xFFFFFFFF;
	p2 =	slt.u32 s8, $0xFFFFF086  }
0x1c: {  	p1 =	slt.u32 s9, $0xF7A;
	s5 =	simm.s32 @!p2 $0x0  }
0x1d: {  	s5 =	simm.s32 @p1 $0x1;
	p0 =	seq.s32 s7, s2  }
0x1e: {  	s7 =	smul.u32 @!p0 $0xF7A, s2;
	p2 =	seq.s32 @!p0 s5, $0x0  }
0x1f: {  	s9 =	smul.u32 $0xF7A, s1;
	s8 =	simm.s32 @!p0 $0x1BF5;
	p2 =	por !p2, p0  }
0x20: {  	[sflag:s8] =	ssyncset.s32 @!p0 $0xFFFFF086;
	s6 =	sadd.s32 @!p0 s3, s7;
	s7 =	simm.s32 @!p0 $0x108  }
0x21: {  	s3 =	sadd.s32 s3, s9;
	s6 =	sadd.s32 @!p0 $0x88, s6;
	s7 =	simm.s32 @p2 $0x1082  }
0x22: {  	[simem:s7], [sflag:s8] =	dma.local @!p0 [hbm:s6], $0xF7A  }
0x23: {  	s9 =	sor.u32 $0xD0000000, s2;
	s6 =	simm.s32 $0x108;
	_ =	swait.ge @!p0 [sflag:s8], $0x0  }
0x24: {  	s3 =	sadd.s32 $0x88, s3;
	s6 =	simm.s32 @!p1 $0x1082;
	[sflag:s4] =	ssyncset.s32 $0xFFFFF086  }
0x25: {  	[simem:s6], [sflag:s4] =	dma.local [hbm:s3], $0xF7A  }
0x26: {  	[smem:$0x3F8D] =	sst s1;
	(tag) =	ssettag s2;
	_ =	strace s9  }
0x27: {  	s1 =	sld [smem:$0x3F9D]  }
0x28: {  	s2 =	sld [smem:$0x3F9E]  }
0x29: {  	s4 =	sld [smem:$0x3FA0]  }
0x2a: {  	p0 =	seq.s32 s5, $0x0;
	s5 =	sld [smem:$0x3FA1]  }
0x2b: {  	s6 =	sld [smem:$0x3FA2]  }
0x2c: {  	s7 =	sld [smem:$0x3FA3]  }
0x2d: {  	s3 =	simm.s32 $0x108;
	s8 =	sld [smem:$0x3FA4]  }
0x2e: {  	s3 =	simm.s32 @!p0 $0x1082;
	s9 =	sld [smem:$0x3FA5]  }
0x2f: {  	lr =	sadd.s32 s0, s3;
	s0 =	sld [smem:$0x3F9C]  }
0x30: {  	s3 =	sld [smem:$0x3F9F]  }
0x31: {  	[smem:$0x3FA8] =	sst s10  }
0x32: {  	s10 =	sld [smem:$0x3FA6];
	_ =	sdelay $0x3  }
0x33: {  	p0 =	seq.s32 s10, $0x1;
	s10 =	sld [smem:$0x3FA8];
	_ =	sdelay $0x3  }
0x34: {  	[smem:$0x3FA8] =	sst s10  }
0x35: {  	s10 =	sld [smem:$0x3FA7];
	_ =	sdelay $0x3  }
0x36: {  	p1 =	seq.s32 s10, $0x1;
	s10 =	sld [smem:$0x3FA8];
	_ =	sdelay $0x3  }
0x37: {  	[smem:$0x3FA8] =	sst s10  }
0x38: {  	s10 =	sld [smem:$0x3FA9]  }
0x39: {  	_ = 	snop;
	(pc) =	sbr.ind lr, $3  }
0x3a: {  	_ = 	snop  }
0x3b: {  	_ = 	snop  }
0x3c: {  	p2 =	seq.s32 s10, $0x1;
	s10 =	sld [smem:$0x3FA8]  }
0x3d: {  	_ =	shalt  }
0x3e: {  	_ =	shalt  }
0x3f: {  	_ =	shalt  }
0x40: {  	_ =	shalt  }
0x41: {  	_ =	shalt  }
0x42: {  	_ =	shalt  }
0x43: {  	_ =	shalt  }
0x44: {  	_ =	shalt  }
0x45: {  	_ =	shalt  }
0x46: {  	_ =	shalt  }
0x47: {  	_ =	shalt  }
0x48: {  	_ =	shalt  }
0x49: {  	_ =	shalt  }
0x4a: {  	_ =	shalt  }
0x4b: {  	_ =	shalt  }
0x4c: {  	_ =	shalt  }
0x4d: {  	_ =	shalt  }
0x4e: {  	_ =	shalt  }
0x4f: {  	_ =	shalt  }
0x50: {  	_ =	shalt  }
0x51: {  	_ =	shalt  }
0x52: {  	_ =	shalt  }
0x53: {  	_ =	shalt  }
0x54: {  	_ =	shalt  }
0x55: {  	_ =	shalt  }
0x56: {  	_ =	shalt  }
0x57: {  	_ =	shalt  }
0x58: {  	_ =	shalt  }
0x59: {  	_ =	shalt  }
0x5a: {  	_ =	shalt  }
0x5b: {  	_ =	shalt  }
0x5c: {  	_ =	shalt  }
0x5d: {  	_ =	shalt  }
0x5e: {  	_ =	shalt  }
0x5f: {  	_ =	shalt  }
0x60: {  	_ =	shalt  }
0x61: {  	_ =	shalt  }
0x62: {  	_ =	shalt  }
0x63: {  	_ =	shalt  }
0x64: {  	_ =	shalt  }
0x65: {  	_ =	shalt  }
0x66: {  	_ =	shalt  }
0x67: {  	_ =	shalt  }
0x68: {  	_ =	shalt  }
0x69: {  	_ =	shalt  }
0x6a: {  	_ =	shalt  }
0x6b: {  	_ =	shalt  }
0x6c: {  	_ =	shalt  }
0x6d: {  	_ =	shalt  }
0x6e: {  	_ =	shalt  }
0x6f: {  	_ =	shalt  }
0x70: {  	_ =	shalt  }
0x71: {  	_ =	shalt  }
0x72: {  	_ =	shalt  }
0x73: {  	_ =	shalt  }
0x74: {  	_ =	shalt  }
0x75: {  	_ =	shalt  }
0x76: {  	_ =	shalt  }
0x77: {  	_ =	shalt  }
0x78: {  	_ =	shalt  }
0x79: {  	_ =	shalt  }
0x7a: {  	_ =	shalt  }
0x7b: {  	_ =	shalt  }
0x7c: {  	_ =	shalt  }
0x7d: {  	_ =	shalt  }
0x7e: {  	_ =	shalt  }
0x7f: {  	_ =	shalt  }
0x80: {  	_ =	shalt  }
0x81: {  	_ =	shalt  }
0x82: {  	_ =	shalt  }
0x83: {  	_ =	shalt  }
0x84: {  	_ =	shalt  }
0x85: {  	_ =	shalt  }
0x86: {  	_ =	shalt  }
0x87: {  	_ =	shalt  }
.Lfunc_end0:
.L_simem_size_0:
called_computation.11_lowered:
.L_overlay_start_0:
0x88: {  	s2 =	sld [smem:$0x3FD9]  }
0x89: {  	s3 =	sld [smem:$0x3FFE];
	_ =	sdelay $0x1  }
0x8a: {  	s1 =	srdreg.scid  }
0x8b: {  	s0 =	sand.u32 $0x1, s1  }
0x8c: {  	s16 =	sshll.u32 s0, $0xA;
	s2 =	sadd.s32 s3, s2  }
0x8d: {  	s2 =	sadd.s32 s2, s16  }
0x8e: {  	[smem:$0x3FB4] =	sst s2  }
0x8f: {  	_ = 	snop  }
0x90: {  	(tm) =	ssettm $0x1  }
0x91: {  	s17 =	sld [smem:$0x3FFB];
	_ =	sdelay $0x3  }
0x92: {  	_ =	strace s17  }
0x93: {  	s2 =	sld [smem:$0x3FFC];
	_ =	sdelay $0x3  }
0x94: {  	_ =	strace s2  }
0x95: {  	s2 =	sld [smem:$0x3FFD];
	_ =	sdelay $0x3  }
0x96: {  	_ =	strace s2  }
0x97: {  	_ =	strace $0x8FFFFFFF  }
0x98: {  	s18 =	sld [smem:$0x3FDB];
	_ =	sdelay $0x1  }
0x99: {  	s19 =	simm.s32 $_scs_section_size  }
0x9a: {  	s4 =	simm.s32 $_size__tile_overlayer_lowered;
	s5 =	simm.s32 $_tile_overlayer_lowered  }
0x9b: {  	s22 =	simm.s32 $0x1BFF;
	s21 =	sshll.u32 s5, $0x1;
	s2 =	sadd.s32 s19, s18  }
0x9c: {  	s6 =	simm.s32 $0x0;
	s20 =	sshll.u32 s4, $0x1;
	s4 =	sadd.s32 s21, s2  }
0x9d: {  	[timem:s6], [sflag:s22] =	dma.local [hbm:s4], s20  }
0x9e: {  	_ =	swait.ge [sflag:s22], s20  }
0x9f: {  	s3 =	ssub.s32 $0x0, s20;
	[sflag:s22] =	ssyncset.done $0x0  }
0xa0: {  	[sflag:s22] =	ssyncadd.s32 s3;
	_ =	sdelay $0x1  }
0xa1: {  	s23 =	simm.s32 $0x1B8B  }
0xa2: {  	_ =	swait.ge [sflag:s23], $0x1  }
0xa3: {  	[sflag:s23] =	ssyncset.done $0x0  }
0xa4: {  	s25 =	simm.s32 $0x1B8E;
	s24 =	sld [smem:$0x3FFE];
	[sflag:s23] =	ssyncadd.s32 $0xFFFFFFFF  }
0xa5: {  	s26 =	simm.s32 $execute0_lowered;
	[smem:$0x3FD2] =	sst s25  }
0xa6: {  	s4 =	sshll.u32 s26, $0x1;
	_ =	strace $0x80000067;
	[dreg:$0x1] =	wrdreg $0xFFFFFFFF  }
0xa7: {  	s28 =	simm.s32 $_size_execute0_lowered;
	s2 =	sadd.s32 s2, s4;
	[dreg:$0x0] =	wrdreg $0x0  }
0xa8: {  	s4 =	sshll.u32 s28, $0x1;
	[dreg:$0x2] =	wrdreg s2  }
0xa9: {  	[dreg:$0x3] =	wrdreg s4  }
0xaa: {  	[dreg:$0x4] =	wrdreg $0xC0  }
0xab: {  	_ =	task [dreg:s6], $0x5FFFF  }
0xac: {  	[dreg:$0x1] =	wrdreg $0xFFFFFFFF  }
0xad: {  	[dreg:$0x0] =	wrdreg $0x60  }
0xae: {  	[dreg:$0x2] =	wrdreg s24  }
0xaf: {  	[dreg:$0x3] =	wrdreg $0x9  }
0xb0: {  	_ =	task.clear_ibuf [dreg:s6], $0x4FFFF;
	_ =	strace $0x90000067  }
0xb1: {  	s29 =	simm.s32 $0x9;
	_ =	strace $0x80000069  }
0xb2: {  	_ =	swait.ge [sflag:s29], $0x1  }
0xb3: {  	[sflag:s29] =	ssyncadd.s32 $0xFFFFFFFF  }
0xb4: {  	_ =	strace $0x90000069  }
0xb5: {  	_ =	sfence  }
0xb6: {  	s30 =	sld [smem:$0x0];
	_ =	sdelay $0x2  }
0xb7: {  	s31 =	sshll.u32 s1, $0xD;
	s1 =	sshrl.u32 s1, $0x2  }
0xb8: {  	s3 =	sand.u32 $0x4000, s31;
	s1 =	sadd.s32 s1, s30  }
0xb9: {  	s0 =	sor.u32 s3, s0;
	s1 =	sshll.u32 s1, $0x11  }
0xba: {  	s0 =	sor.u32 s1, s0  }
0xbb: {  	s0 =	sadd.s32 $0x8F2B, s0  }
0xbc: {  	[sflag:s0] =	ssyncadd.remote.s32 $0x1  }
0xbd: {  	_ =	sfence.sel $0xFFFF  }
0xbe: {  	[dreg:$0x0] =	wrdreg $0xFFFFFFFF;
	(pc) =	sbr.abs _section_cstart, $3  }
0xbf: {  	[dreg:$0x1] =	wrdreg $0xFFFFFFFF  }
0xc0: {  	_ =	task.clear_ibuf [dreg:s6], $0x2FFFF;
	_ =	strace $0x9FFFFFFF  }
0xc1: {  	(tm) =	ssettm $0x7FFFFFFF  }
tec
execute0_lowered:
.L_overlay_start_1:
0x0: {  	(tag) =	ssettag $0x1  }
0x1: {  	s4 =	rddreg [dreg:$0x0]  }
0x2: {  	s0 =	rddreg [dreg:$0x1]  }
0x3: {  	s3 =	srdreg.scid;
	s1 =	stileid.u32;
	s2 =	simm.s32 $0x0  }
0x4: {  	s10 =	simm.s32 $0x1;
	s11 =	simm.s32 $0x0;
	s6 =	smul.u32 $0x2940, s1  }
0x5: {  	s5 =	sand.u32 $0x1, s3;
	[smem:$0x7FF] =	sst s2;
	s8 =	smul.u32 $0x29400, s1  }
0x6: {  	s3 =	sadd.s32 $0x276800, s4;
	s7 =	smul.u32 $0x14A0, s5;
	s9 =	ssub.s32 $0x2, s5  }
0x7: {  	_ =	strace $0x80000068;
	s5 =	smul.u32 $0x14A00, s5;
	s31 =	sshrl.u32 s9, $0x1  }
0x8: {  	s30 =	sadd.s32 s8, s4;
	s6 =	sadd.s32 s7, s6;
	s8 =	ssub.s32 s9, s31  }
0x9: {  	s5 =	sadd.s32 s5, s30;
	s7 =	simm.s32 $0x2;
	s6 =	sshrl.u32 s6, $0x3  }
0xa: {  	s9 =	simm.s32 $0x80;
	s5 =	sadd.s32 $0x30B600, s5;
	s6 =	sadd.s32 s6, s4  }
0xb: {  	s4 =	smax.u32 s8, $0x1;
	s8 =	simm.s32 $0x78;
	s6 =	sadd.s32 $0x271000, s6  }
.LBB2_1:
0xc: {  	s12 =	sadd.s32 $0x0, s6  }
0xd: {  	[tilespmem:s2], [sflag:$0x2] =	stream.linear.gather [hbm4b:s12+s2], $0x78, $0x38;
	[tilespmem:$0x3C80] =	vst v63  }
0xe: {  	_ =	swait.ge [sflag:s7], $0x78  }
0xf: {  	[sflag:s7] =	ssyncset.done $0x0  }
0x10: {  	[sflag:s7] =	ssyncadd.s32 $0xFFFFFF88  }
0x11: {  	[tilespmem:s9], [sflag:$0x1] =	stream.indirect.gather [hbm4b:s3+s8], $0x80, s2, s8, $0xb8;
	[tilespmem:$0x3C80] =	vst v63  }
0x12: {  	_ =	swait.ge [sflag:s10], $0x3C00  }
0x13: {  	[sflag:s10] =	ssyncset.done $0x0  }
0x14: {  	[sflag:s10] =	ssyncadd.s32 $0xFFFFC400  }
0x15: {  	[hbm4b:s5+s2] =	stream.linear.scatter [tilespmem:s9], [sflag:$0x2], $0x3C00, $0x38;
	[tilespmem:$0x3C80] =	vst v63  }
0x16: {  	s13 =	simm.s32 $0xF;
	_ =	swait.ge [sflag:s7], $0x3C00  }
0x17: {  	s14 =	simm.s32 $0x1E;
	s12 =	sadd.s32 $0x780, s5;
	[sflag:s7] =	ssyncset.done $0x0  }
.LBB2_2:
0x18: {  	s15 =	sadd.s32 s13, s6  }
0x19: {  	[sflag:s7] =	ssyncadd.s32 $0xFFFFC400;
	s13 =	smov.u32 s14;
	s16 =	sadd.s32 $0xF, s14  }
0x1a: {  	[tilespmem:s2], [sflag:$0x2] =	stream.linear.gather [hbm4b:s15+s2], $0x78, $0x38;
	[tilespmem:$0x3C80] =	vst v63  }
0x1b: {  	p0 =	sne.s32 s14, $0x285;
	_ =	swait.ge [sflag:s7], $0x78  }
0x1c: {  	[sflag:s7] =	ssyncset.done $0x0  }
0x1d: {  	[sflag:s7] =	ssyncadd.s32 $0xFFFFFF88  }
0x1e: {  	[tilespmem:s9], [sflag:$0x1] =	stream.indirect.gather [hbm4b:s3+s8], $0x80, s2, s8, $0xb8;
	[tilespmem:$0x3C80] =	vst v63  }
0x1f: {  	_ =	swait.ge [sflag:s10], $0x3C00  }
.Ltmp0:
0x20: {  	[sflag:s10] =	ssyncset.done $0x0;
	(pc) =	sbr.rel @p0 .LBB2_2-.Ltmp0, $4  }
0x21: {  	[sflag:s10] =	ssyncadd.s32 $0xFFFFC400  }
0x22: {  	[hbm4b:s12+s2] =	stream.linear.scatter [tilespmem:s9], [sflag:$0x2], $0x3C00, $0x38;
	[tilespmem:$0x3C80] =	vst v63  }
0x23: {  	_ =	swait.ge [sflag:s7], $0x3C00  }
0x24: {  	s14 =	smov.u32 s16;
	s12 =	sadd.s32 $0x780, s12;
	[sflag:s7] =	ssyncset.done $0x0  }
0x25: {  	s13 =	sadd.s32 s13, s6;
	[sflag:s7] =	ssyncadd.s32 $0xFFFFC400  }
0x26: {  	[tilespmem:s2], [sflag:$0x2] =	stream.linear.gather [hbm4b:s13+s2], $0x78, $0x38;
	[tilespmem:$0x3C80] =	vst v63  }
0x27: {  	_ =	swait.ge [sflag:s7], $0x78  }
0x28: {  	[sflag:s7] =	ssyncset.done $0x0  }
0x29: {  	[sflag:s7] =	ssyncadd.s32 $0xFFFFFF88  }
0x2a: {  	[tilespmem:s9], [sflag:$0x1] =	stream.indirect.gather [hbm4b:s3+s8], $0x80, s2, s8, $0xb8;
	[tilespmem:$0x3C80] =	vst v63  }
0x2b: {  	s11 =	sadd.s32 $0x1, s11;
	_ =	swait.ge [sflag:s10], $0x3C00  }
0x2c: {  	p0 =	sne.s32 s11, s4;
	[sflag:s10] =	ssyncset.done $0x0  }
.Ltmp1:
0x2d: {  	[sflag:s10] =	ssyncadd.s32 $0xFFFFC400;
	(pc) =	sbr.rel @p0 .LBB2_1-.Ltmp1, $4  }
0x2e: {  	[hbm4b:s12+s2] =	stream.linear.scatter [tilespmem:s9], [sflag:$0x2], $0x3C00, $0x38;
	[tilespmem:$0x3C80] =	vst v63  }
0x2f: {  	_ =	swait.ge [sflag:s7], $0x3C00  }
0x30: {  	[sflag:s7] =	ssyncset.done $0x0  }
0x31: {  	[sflag:s7] =	ssyncadd.s32 $0xFFFFC400  }
0x32: {  	_ =	sfence.sel $0x180000  }
0x33: {  	[bflag:$0x0] =	sbarrier.arrive $0xFFFF  }
0x34: {  	p0 =	sne.s32 s1, $0x0;
	_ =	strace $0x90000068  }
0x35: {  	s0 =	sadd.s32 @!p0 $0x100000, s0;
	[bflag:$0x2] =	sbarrier.arrive $0xFFFF  }
0x36: {  	[sflag:s0] =	ssyncadd.tile.s32 @!p0 $0x1;
	_ =	shalt  }
.Lfunc_end2:
_tile_overlayer_lowered:
.L_overlay_start_2:
0x37: {  	(tag) =	ssettag $0x2  }
0x38: {  	s0 =	rddreg [dreg:$0x0];
	s2 =	stileid.u32  }
0x39: {  	s1 =	rddreg [dreg:$0x1];
	p0 =	sne.s32 s2, $0x0  }
0x3a: {  	s3 =	rddreg [dreg:$0x2];
	[bflag:$0x3] =	sbarrier.arrive $0xFFFF;
	s2 =	simm.s32 @!p0 $0x1C02  }
0x3b: {  	[timem:s3], [sflag:s2] =	dma.local @!p0 [hbm:s0], s1  }
0x3c: {  	s0 =	simm.s32 @!p0 $0x2  }
0x3d: {  	_ =	swait.ge @!p0 [sflag:s0], s1  }
0x3e: {  	s1 =	ssub.s32 @!p0 $0x0, s1;
	[sflag:s0] =	ssyncset.done @!p0 $0x0  }
0x3f: {  	[sflag:s0] =	ssyncadd.s32 @!p0 s1  }
0x40: {  	[bflag:$0x3] =	sbarrier.arrive $0xFFFF  }
0x41: {  	_ =	shalt  }

// kernel: kernel.38.cloned.1.call-start
scs
__scs_entry_jumppad:
0x0: {  	(pc) =	sbr.rel $0x88, $3  }
0x1: {  	(tag) =	ssettag $0x0;
	lr =	simm.s32 $0x1  }
0x2: {  	[smem:$0x3F8D] =	sst lr;
	_ =	strace $0xD0000000  }
0x3: {  	_ = 	snop  }
0x4: {  	_ = 	snop  }
0x5: {  	_ = 	snop  }
0x6: {  	_ = 	snop  }
0x7: {  	_ = 	snop  }
__scs_overlays_trampoline_lowered:
0x8: {  	[smem:$0x3F9C] =	sst s0  }
0x9: {  	[smem:$0x3F9D] =	sst s1  }
0xa: {  	[smem:$0x3F9E] =	sst s2  }
0xb: {  	[smem:$0x3F9F] =	sst s3  }
0xc: {  	[smem:$0x3FA0] =	sst s4  }
0xd: {  	[smem:$0x3FA1] =	sst s5  }
0xe: {  	[smem:$0x3FA2] =	sst s6  }
0xf: {  	[smem:$0x3FA3] =	sst s7  }
0x10: {  	[smem:$0x3FA4] =	sst s8  }
0x11: {  	[smem:$0x3FA5] =	sst s9;
	s0 =	simm.s32 @!p0 $0x0  }
0x12: {  	s1 =	sld [smem:$0x3F8B];
	s0 =	simm.s32 @p0 $0x1  }
0x13: {  	[smem:$0x3FA6] =	sst s0;
	s0 =	simm.s32 @!p1 $0x0  }
0x14: {  	s2 =	sld [smem:$0x3F8A];
	s0 =	simm.s32 @p1 $0x1  }
0x15: {  	[smem:$0x3FA7] =	sst s0;
	s0 =	simm.s32 @!p2 $0x0  }
0x16: {  	s3 =	sld [smem:$0x3FDB];
	s0 =	simm.s32 @p2 $0x1  }
0x17: {  	s4 =	simm.s32 $0x1BF5;
	[smem:$0x3FA9] =	sst s0  }
0x18: {  	s0 =	sld [smem:$0x3F8C];
	_ =	swait.ge [sflag:s4], $0x0  }
0x19: {  	s7 =	sld [smem:$0x3F8D]  }
0x1a: {  	s8 =	sadd.s32 $0xFFFFE003, lr  }
0x1b: {  	s9 =	sadd.s32 $0xFFFFFEF7, lr;
	s5 =	simm.s32 $0xFFFFFFFF;
	p2 =	slt.u32 s8, $0xFFFFF086  }
0x1c: {  	p1 =	slt.u32 s9, $0xF7A;
	s5 =	simm.s32 @!p2 $0x0  }
0x1d: {  	s5 =	simm.s32 @p1 $0x1;
	p0 =	seq.s32 s7, s2  }
0x1e: {  	s7 =	smul.u32 @!p0 $0xF7A, s2;
	p2 =	seq.s32 @!p0 s5, $0x0  }
0x1f: {  	s9 =	smul.u32 $0xF7A, s1;
	s8 =	simm.s32 @!p0 $0x1BF5;
	p2 =	por !p2, p0  }
0x20: {  	[sflag:s8] =	ssyncset.s32 @!p0 $0xFFFFF086;
	s6 =	sadd.s32 @!p0 s3, s7;
	s7 =	simm.s32 @!p0 $0x108  }
0x21: {  	s3 =	sadd.s32 s3, s9;
	s6 =	sadd.s32 @!p0 $0x88, s6;
	s7 =	simm.s32 @p2 $0x1082  }
0x22: {  	[simem:s7], [sflag:s8] =	dma.local @!p0 [hbm:s6], $0xF7A  }
0x23: {  	s9 =	sor.u32 $0xD0000000, s2;
	s6 =	simm.s32 $0x108;
	_ =	swait.ge @!p0 [sflag:s8], $0x0  }
0x24: {  	s3 =	sadd.s32 $0x88, s3;
	s6 =	simm.s32 @!p1 $0x1082;
	[sflag:s4] =	ssyncset.s32 $0xFFFFF086  }
0x25: {  	[simem:s6], [sflag:s4] =	dma.local [hbm:s3], $0xF7A  }
0x26: {  	[smem:$0x3F8D] =	sst s1;
	(tag) =	ssettag s2;
	_ =	strace s9  }
0x27: {  	s1 =	sld [smem:$0x3F9D]  }
0x28: {  	s2 =	sld [smem:$0x3F9E]  }
0x29: {  	s4 =	sld [smem:$0x3FA0]  }
0x2a: {  	p0 =	seq.s32 s5, $0x0;
	s5 =	sld [smem:$0x3FA1]  }
0x2b: {  	s6 =	sld [smem:$0x3FA2]  }
0x2c: {  	s7 =	sld [smem:$0x3FA3]  }
0x2d: {  	s3 =	simm.s32 $0x108;
	s8 =	sld [smem:$0x3FA4]  }
0x2e: {  	s3 =	simm.s32 @!p0 $0x1082;
	s9 =	sld [smem:$0x3FA5]  }
0x2f: {  	lr =	sadd.s32 s0, s3;
	s0 =	sld [smem:$0x3F9C]  }
0x30: {  	s3 =	sld [smem:$0x3F9F]  }
0x31: {  	[smem:$0x3FA8] =	sst s10  }
0x32: {  	s10 =	sld [smem:$0x3FA6];
	_ =	sdelay $0x3  }
0x33: {  	p0 =	seq.s32 s10, $0x1;
	s10 =	sld [smem:$0x3FA8];
	_ =	sdelay $0x3  }
0x34: {  	[smem:$0x3FA8] =	sst s10  }
0x35: {  	s10 =	sld [smem:$0x3FA7];
	_ =	sdelay $0x3  }
0x36: {  	p1 =	seq.s32 s10, $0x1;
	s10 =	sld [smem:$0x3FA8];
	_ =	sdelay $0x3  }
0x37: {  	[smem:$0x3FA8] =	sst s10  }
0x38: {  	s10 =	sld [smem:$0x3FA9]  }
0x39: {  	_ = 	snop;
	(pc) =	sbr.ind lr, $3  }
0x3a: {  	_ = 	snop  }
0x3b: {  	_ = 	snop  }
0x3c: {  	p2 =	seq.s32 s10, $0x1;
	s10 =	sld [smem:$0x3FA8]  }
0x3d: {  	_ =	shalt  }
0x3e: {  	_ =	shalt  }
0x3f: {  	_ =	shalt  }
0x40: {  	_ =	shalt  }
0x41: {  	_ =	shalt  }
0x42: {  	_ =	shalt  }
0x43: {  	_ =	shalt  }
0x44: {  	_ =	shalt  }
0x45: {  	_ =	shalt  }
0x46: {  	_ =	shalt  }
0x47: {  	_ =	shalt  }
0x48: {  	_ =	shalt  }
0x49: {  	_ =	shalt  }
0x4a: {  	_ =	shalt  }
0x4b: {  	_ =	shalt  }
0x4c: {  	_ =	shalt  }
0x4d: {  	_ =	shalt  }
0x4e: {  	_ =	shalt  }
0x4f: {  	_ =	shalt  }
0x50: {  	_ =	shalt  }
0x51: {  	_ =	shalt  }
0x52: {  	_ =	shalt  }
0x53: {  	_ =	shalt  }
0x54: {  	_ =	shalt  }
0x55: {  	_ =	shalt  }
0x56: {  	_ =	shalt  }
0x57: {  	_ =	shalt  }
0x58: {  	_ =	shalt  }
0x59: {  	_ =	shalt  }
0x5a: {  	_ =	shalt  }
0x5b: {  	_ =	shalt  }
0x5c: {  	_ =	shalt  }
0x5d: {  	_ =	shalt  }
0x5e: {  	_ =	shalt  }
0x5f: {  	_ =	shalt  }
0x60: {  	_ =	shalt  }
0x61: {  	_ =	shalt  }
0x62: {  	_ =	shalt  }
0x63: {  	_ =	shalt  }
0x64: {  	_ =	shalt  }
0x65: {  	_ =	shalt  }
0x66: {  	_ =	shalt  }
0x67: {  	_ =	shalt  }
0x68: {  	_ =	shalt  }
0x69: {  	_ =	shalt  }
0x6a: {  	_ =	shalt  }
0x6b: {  	_ =	shalt  }
0x6c: {  	_ =	shalt  }
0x6d: {  	_ =	shalt  }
0x6e: {  	_ =	shalt  }
0x6f: {  	_ =	shalt  }
0x70: {  	_ =	shalt  }
0x71: {  	_ =	shalt  }
0x72: {  	_ =	shalt  }
0x73: {  	_ =	shalt  }
0x74: {  	_ =	shalt  }
0x75: {  	_ =	shalt  }
0x76: {  	_ =	shalt  }
0x77: {  	_ =	shalt  }
0x78: {  	_ =	shalt  }
0x79: {  	_ =	shalt  }
0x7a: {  	_ =	shalt  }
0x7b: {  	_ =	shalt  }
0x7c: {  	_ =	shalt  }
0x7d: {  	_ =	shalt  }
0x7e: {  	_ =	shalt  }
0x7f: {  	_ =	shalt  }
0x80: {  	_ =	shalt  }
0x81: {  	_ =	shalt  }
0x82: {  	_ =	shalt  }
0x83: {  	_ =	shalt  }
0x84: {  	_ =	shalt  }
0x85: {  	_ =	shalt  }
0x86: {  	_ =	shalt  }
0x87: {  	_ =	shalt  }
.Lfunc_end0:
.L_simem_size_0:
called_computation.12_lowered:
.L_overlay_start_0:
0x88: {  	s2 =	sld [smem:$0x3FD9]  }
0x89: {  	s3 =	sld [smem:$0x3FFE];
	_ =	sdelay $0x1  }
0x8a: {  	s1 =	srdreg.scid  }
0x8b: {  	s0 =	sand.u32 $0x1, s1  }
0x8c: {  	s16 =	sshll.u32 s0, $0xA;
	s2 =	sadd.s32 s3, s2  }
0x8d: {  	s2 =	sadd.s32 s2, s16  }
0x8e: {  	[smem:$0x3FB4] =	sst s2  }
0x8f: {  	_ = 	snop  }
0x90: {  	(tm) =	ssettm $0x1  }
0x91: {  	s17 =	sld [smem:$0x3FFB];
	_ =	sdelay $0x3  }
0x92: {  	_ =	strace s17  }
0x93: {  	s2 =	sld [smem:$0x3FFC];
	_ =	sdelay $0x3  }
0x94: {  	_ =	strace s2  }
0x95: {  	s2 =	sld [smem:$0x3FFD];
	_ =	sdelay $0x3  }
0x96: {  	_ =	strace s2  }
0x97: {  	_ =	strace $0x8FFFFFFF  }
0x98: {  	s18 =	sld [smem:$0x3FDB];
	_ =	sdelay $0x1  }
0x99: {  	s19 =	simm.s32 $_scs_section_size  }
0x9a: {  	s4 =	simm.s32 $_size__tile_overlayer_lowered;
	s5 =	simm.s32 $_tile_overlayer_lowered  }
0x9b: {  	s22 =	simm.s32 $0x1BFF;
	s21 =	sshll.u32 s5, $0x1;
	s2 =	sadd.s32 s19, s18  }
0x9c: {  	s6 =	simm.s32 $0x0;
	s20 =	sshll.u32 s4, $0x1;
	s4 =	sadd.s32 s21, s2  }
0x9d: {  	[timem:s6], [sflag:s22] =	dma.local [hbm:s4], s20  }
0x9e: {  	_ =	swait.ge [sflag:s22], s20  }
0x9f: {  	s3 =	ssub.s32 $0x0, s20;
	[sflag:s22] =	ssyncset.done $0x0  }
0xa0: {  	[sflag:s22] =	ssyncadd.s32 s3;
	_ =	sdelay $0x1  }
0xa1: {  	s23 =	simm.s32 $0x1B8B  }
0xa2: {  	_ =	swait.ge [sflag:s23], $0x1  }
0xa3: {  	[sflag:s23] =	ssyncset.done $0x0  }
0xa4: {  	s25 =	simm.s32 $0x1B8E;
	s24 =	sld [smem:$0x3FFE];
	[sflag:s23] =	ssyncadd.s32 $0xFFFFFFFF  }
0xa5: {  	s26 =	simm.s32 $execute0_lowered;
	[smem:$0x3FD2] =	sst s25  }
0xa6: {  	s4 =	sshll.u32 s26, $0x1;
	_ =	strace $0x8000006A;
	[dreg:$0x1] =	wrdreg $0xFFFFFFFF  }
0xa7: {  	s28 =	simm.s32 $_size_execute0_lowered;
	s2 =	sadd.s32 s2, s4;
	[dreg:$0x0] =	wrdreg $0x0  }
0xa8: {  	s4 =	sshll.u32 s28, $0x1;
	[dreg:$0x2] =	wrdreg s2  }
0xa9: {  	[dreg:$0x3] =	wrdreg s4  }
0xaa: {  	[dreg:$0x4] =	wrdreg $0xC0  }
0xab: {  	_ =	task [dreg:s6], $0x5FFFF  }
0xac: {  	[dreg:$0x1] =	wrdreg $0xFFFFFFFF  }
0xad: {  	[dreg:$0x0] =	wrdreg $0x60  }
0xae: {  	[dreg:$0x2] =	wrdreg s24  }
0xaf: {  	[dreg:$0x3] =	wrdreg $0x3C800  }
0xb0: {  	[dreg:$0x4] =	wrdreg $0x9  }
0xb1: {  	_ =	task.clear_ibuf [dreg:s6], $0x5FFFF;
	_ =	strace $0x9000006A  }
0xb2: {  	s29 =	simm.s32 $0x9;
	_ =	strace $0x8000006C  }
0xb3: {  	_ =	swait.ge [sflag:s29], $0x1  }
0xb4: {  	[sflag:s29] =	ssyncadd.s32 $0xFFFFFFFF  }
0xb5: {  	_ =	strace $0x9000006C  }
0xb6: {  	_ =	sfence  }
0xb7: {  	s30 =	sld [smem:$0x0];
	_ =	sdelay $0x2  }
0xb8: {  	s31 =	sshll.u32 s1, $0xD;
	s1 =	sshrl.u32 s1, $0x2  }
0xb9: {  	s3 =	sand.u32 $0x4000, s31;
	s1 =	sadd.s32 s1, s30  }
0xba: {  	s0 =	sor.u32 s3, s0;
	s1 =	sshll.u32 s1, $0x11  }
0xbb: {  	s0 =	sor.u32 s1, s0  }
0xbc: {  	s0 =	sadd.s32 $0x8F2B, s0  }
0xbd: {  	[sflag:s0] =	ssyncadd.remote.s32 $0x1  }
0xbe: {  	_ =	sfence.sel $0xFFFF  }
0xbf: {  	[dreg:$0x0] =	wrdreg $0xFFFFFFFF;
	(pc) =	sbr.abs _section_cstart, $3  }
0xc0: {  	[dreg:$0x1] =	wrdreg $0xFFFFFFFF  }
0xc1: {  	_ =	task.clear_ibuf [dreg:s6], $0x2FFFF;
	_ =	strace $0x9FFFFFFF  }
0xc2: {  	(tm) =	ssettm $0x7FFFFFFF  }
0xc3: {  	_ =	shalt  }
tec
execute0_lowered:
.L_overlay_start_1:
0x0: {  	(tag) =	ssettag $0x1  }
0x1: {  	s12 =	stileid.u32;
	s0 =	srdreg.scid  }
0x2: {  	s4 =	rddreg [dreg:$0x0];
	s3 =	smul.u32 $0x2940, s12  }
0x3: {  	s1 =	rddreg [dreg:$0x1];
	s7 =	smul.u32 $0x29400, s12  }
0x4: {  	s2 =	simm.s32 $0x0;
	s14 =	simm.s32 $0x0;
	s9 =	smul.u32 $0x14000, s12  }
0x5: {  	s5 =	sand.u32 $0x1, s0;
	s0 =	rddreg [dreg:$0x2];
	s11 =	smul.u32 $0x50000, s12  }
0x6: {  	[smem:$0x7FF] =	sst s2;
	p0 =	sne.s32 s12, $0x0;
	s6 =	smul.u32 $0x14A0, s5  }
0x7: {  	s12 =	sshll.u32 s12, $0x6;
	_ =	strace $0x8000006B;
	s26 =	smul.u32 $0x140000, s5  }
0x8: {  	s10 =	ssub.s32 $0x2, s5;
	s5 =	smul.u32 $0x14A00, s5;
	s12 =	sor.u32 $0x1C01, s12  }
0x9: {  	s7 =	sadd.s32 s7, s4;
	s13 =	sshrl.u32 s10, $0x1;
	s29 =	sshrl.u32 s11, $0x2  }
0xa: {  	s11 =	simm.s32 $0x78;
	s3 =	sadd.s32 s6, s3;
	s6 =	sadd.s32 s9, s26  }
0xb: {  	s28 =	ssub.s32 s10, s13;
	s30 =	sadd.s32 s29, s1;
	s31 =	sadd.s32 s5, s7  }
0xc: {  	s9 =	simm.s32 $0x1;
	s10 =	simm.s32 $0x80;
	s3 =	sshrl.u32 s3, $0x3  }
0xd: {  	s6 =	sshrl.u32 s6, $0x3;
	s5 =	smax.u32 s28, $0x1;
	s13 =	sshrl.u32 s30, $0x3  }
0xe: {  	s8 =	sadd.s32 s3, s4;
	s3 =	sadd.s32 $0x2E3600, s4;
	s4 =	sadd.s32 s4, s6  }
0xf: {  	s6 =	sadd.s32 $0x59F600, s31;
	s7 =	sadd.s32 $0x2DE200, s8;
	s8 =	sshrl.u32 @!p0 s1, $0x3  }
.LBB2_1:
0x10: {  	s15 =	simm.s32 @!p0 $0x1C01  }
0x11: {  	[spmem:s8], [sflag:s15] =	dma.local @!p0 [hbm:s3], $0x28000  }
0x12: {  	s15 =	simm.s32 @!p0 $0x1  }
0x13: {  	_ =	swait.ge @!p0 [sflag:s15], $0x28000  }
0x14: {  	[sflag:s15] =	ssyncset.done @!p0 $0x0  }
0x15: {  	[sflag:s15] =	ssyncadd.s32 @!p0 $0xFFFD8000  }
0x16: {  	s31 =	sadd.s32 $0x0, s7;
	[bflag:$0x0] =	sbarrier.arrive $0xFFFF  }
0x17: {  	[tilespmem:s2], [sflag:$0x1] =	stream.linear.gather [hbm4b:s31+s2], $0x78, $0x38;
	[tilespmem:$0x17C80] =	vst v63  }
0x18: {  	_ =	swait.ge [sflag:s9], $0x78  }
0x19: {  	[sflag:s9] =	ssyncset.done $0x0  }
0x1a: {  	[sflag:s9] =	ssyncadd.s32 $0xFFFFFF88  }
0x1b: {  	[tilespmem:s10], [sflag:$0x1] =	stream.linear.gather [hbm4b:s6+s2], $0x3C00, $0x38;
	[tilespmem:$0x17C80] =	vst v63  }
0x1c: {  	_ =	swait.ge [sflag:s9], $0x3C00  }
0x1d: {  	[sflag:s9] =	ssyncset.done $0x0  }
0x1e: {  	[sflag:s9] =	ssyncadd.s32 $0xFFFFC400  }
0x1f: {  	[spmem:s1] =	stream.indirect.scatter.add.f32 [tilespmem:s10], [sflag:$0x1], $0x80, s2, s11, $0xb8;
	[tilespmem:$0x17C80] =	vst v63  }
0x20: {  	s16 =	simm.s32 $0xF;
	_ =	swait.ge [sflag:s9], $0x3C00  }
0x21: {  	s17 =	simm.s32 $0x1E;
	s15 =	sadd.s32 $0x780, s6;
	[sflag:s9] =	ssyncset.done $0x0  }
.LBB2_2:
0x22: {  	s18 =	sadd.s32 s16, s7  }
0x23: {  	[sflag:s9] =	ssyncadd.s32 $0xFFFFC400;
	s16 =	smov.u32 s17;
	s19 =	sadd.s32 $0xF, s17  }
0x24: {  	[tilespmem:s2], [sflag:$0x1] =	stream.linear.gather [hbm4b:s18+s2], $0x78, $0x38;
	[tilespmem:$0x17C80] =	vst v63  }
0x25: {  	p1 =	sne.s32 s17, $0x285;
	_ =	swait.ge [sflag:s9], $0x78  }
0x26: {  	[sflag:s9] =	ssyncset.done $0x0  }
0x27: {  	[sflag:s9] =	ssyncadd.s32 $0xFFFFFF88  }
0x28: {  	[tilespmem:s10], [sflag:$0x1] =	stream.linear.gather [hbm4b:s15+s2], $0x3C00, $0x38;
	[tilespmem:$0x17C80] =	vst v63  }
0x29: {  	_ =	swait.ge [sflag:s9], $0x3C00  }
.Ltmp0:
0x2a: {  	[sflag:s9] =	ssyncset.done $0x0;
	(pc) =	sbr.rel @p1 .LBB2_2-.Ltmp0, $4  }
0x2b: {  	[sflag:s9] =	ssyncadd.s32 $0xFFFFC400  }
0x2c: {  	[spmem:s1] =	stream.indirect.scatter.add.f32 [tilespmem:s10], [sflag:$0x1], $0x80, s2, s11, $0xb8;
	[tilespmem:$0x17C80] =	vst v63  }
0x2d: {  	_ =	swait.ge [sflag:s9], $0x3C00  }
0x2e: {  	s17 =	smov.u32 s19;
	s15 =	sadd.s32 $0x780, s15;
	[sflag:s9] =	ssyncset.done $0x0  }
0x2f: {  	s16 =	sadd.s32 s16, s7;
	[sflag:s9] =	ssyncadd.s32 $0xFFFFC400  }
0x30: {  	[tilespmem:s2], [sflag:$0x1] =	stream.linear.gather [hbm4b:s16+s2], $0x78, $0x38;
	[tilespmem:$0x17C80] =	vst v63  }
0x31: {  	_ =	swait.ge [sflag:s9], $0x78  }
0x32: {  	[sflag:s9] =	ssyncset.done $0x0  }
0x33: {  	[sflag:s9] =	ssyncadd.s32 $0xFFFFFF88  }
0x34: {  	[tilespmem:s10], [sflag:$0x1] =	stream.linear.gather [hbm4b:s15+s2], $0x3C00, $0x38;
	[tilespmem:$0x17C80] =	vst v63  }
0x35: {  	_ =	swait.ge [sflag:s9], $0x3C00  }
0x36: {  	[sflag:s9] =	ssyncset.done $0x0  }
0x37: {  	[sflag:s9] =	ssyncadd.s32 $0xFFFFC400  }
0x38: {  	[spmem:s1] =	stream.indirect.scatter.add.f32 [tilespmem:s10], [sflag:$0x1], $0x80, s2, s11, $0xb8;
	[tilespmem:$0x17C80] =	vst v63  }
0x39: {  	_ =	swait.ge [sflag:s9], $0x3C00  }
0x3a: {  	s14 =	sadd.s32 $0x1, s14;
	[sflag:s9] =	ssyncset.done $0x0  }
0x3b: {  	p1 =	sne.s32 s14, s5;
	[sflag:s9] =	ssyncadd.s32 $0xFFFFC400  }
.Ltmp1:
0x3c: {  	[bflag:$0x0] =	sbarrier.arrive $0xFFFF;
	(pc) =	sbr.rel @p1 .LBB2_1-.Ltmp1, $4  }
0x3d: {  	[hbm:s4], [sflag:s12] =	dma.local [spmem:s13], $0x2800  }
0x3e: {  	_ =	swait.ge [sflag:s9], $0x2800  }
0x3f: {  	[sflag:s9] =	ssyncset.done $0x0  }
0x40: {  	[sflag:s9] =	ssyncadd.s32 $0xFFFFD800  }
0x41: {  	_ =	sfence.sel $0x180000  }
0x42: {  	[bflag:$0x0] =	sbarrier.arrive $0xFFFF  }
0x43: {  	_ =	strace $0x9000006B  }
0x44: {  	s0 =	sadd.s32 @!p0 $0x100000, s0;
	[bflag:$0x2] =	sbarrier.arrive $0xFFFF  }
0x45: {  	[sflag:s0] =	ssyncadd.tile.s32 @!p0 $0x1;
	_ =	shalt  }
.Lfunc_end2:
_tile_overlayer_lowered:
.L_overlay_start_2:
0x46: {  	(tag) =	ssettag $0x2  }
0x47: {  	s0 =	rddreg [dreg:$0x0];
	s2 =	stileid.u32  }
0x48: {  	s1 =	rddreg [dreg:$0x1];
	p0 =	sne.s32 s2, $0x0  }
0x49: {  	s3 =	rddreg [dreg:$0x2];
	[bflag:$0x3] =	sbarrier.arrive $0xFFFF;
	s2 =	simm.s32 @!p0 $0x1C01  }
0x4a: {  	[timem:s3], [sflag:s2] =	dma.local @!p0 [hbm:s0], s1  }
0x4b: {  	s0 =	simm.s32 @!p0 $0x1  }
0x4c: {  	_ =	swait.ge @!p0 [sflag:s0], s1  }
0x4d: {  	s1 =	ssub.s32 @!p0 $0x0, s1;
	[sflag:s0] =	ssyncset.done @!p0 $0x0  }
0x4e: {  	[sflag:s0] =	ssyncadd.s32 @!p0 s1  }
0x4f: {  	[bflag:$0x3] =	sbarrier.arrive $0xFFFF  }
0x50: {  	_ =	shalt  }

// kernel: kernel.41.cloned.1.call-start
scs
__scs_entry_jumppad:
0x0: {  	(pc) =	sbr.rel $0x88, $3  }
0x1: {  	(tag) =	ssettag $0x0;
	lr =	simm.s32 $0x1  }
0x2: {  	[smem:$0x3F8D] =	sst lr;
	_ =	strace $0xD0000000  }
0x3: {  	_ = 	snop  }
0x4: {  	_ = 	snop  }
0x5: {  	_ = 	snop  }
0x6: {  	_ = 	snop  }
0x7: {  	_ = 	snop  }
__scs_overlays_trampoline_lowered:
0x8: {  	[smem:$0x3F9C] =	sst s0  }
0x9: {  	[smem:$0x3F9D] =	sst s1  }
0xa: {  	[smem:$0x3F9E] =	sst s2  }
0xb: {  	[smem:$0x3F9F] =	sst s3  }
0xc: {  	[smem:$0x3FA0] =	sst s4  }
0xd: {  	[smem:$0x3FA1] =	sst s5  }
0xe: {  	[smem:$0x3FA2] =	sst s6  }
0xf: {  	[smem:$0x3FA3] =	sst s7  }
0x10: {  	[smem:$0x3FA4] =	sst s8  }
0x11: {  	[smem:$0x3FA5] =	sst s9;
	s0 =	simm.s32 @!p0 $0x0  }
0x12: {  	s1 =	sld [smem:$0x3F8B];
	s0 =	simm.s32 @p0 $0x1  }
0x13: {  	[smem:$0x3FA6] =	sst s0;
	s0 =	simm.s32 @!p1 $0x0  }
0x14: {  	s2 =	sld [smem:$0x3F8A];
	s0 =	simm.s32 @p1 $0x1  }
0x15: {  	[smem:$0x3FA7] =	sst s0;
	s0 =	simm.s32 @!p2 $0x0  }
0x16: {  	s3 =	sld [smem:$0x3FDB];
	s0 =	simm.s32 @p2 $0x1  }
0x17: {  	s4 =	simm.s32 $0x1BF5;
	[smem:$0x3FA9] =	sst s0  }
0x18: {  	s0 =	sld [smem:$0x3F8C];
	_ =	swait.ge [sflag:s4], $0x0  }
0x19: {  	s7 =	sld [smem:$0x3F8D]  }
0x1a: {  	s8 =	sadd.s32 $0xFFFFE003, lr  }
0x1b: {  	s9 =	sadd.s32 $0xFFFFFEF7, lr;
	s5 =	simm.s32 $0xFFFFFFFF;
	p2 =	slt.u32 s8, $0xFFFFF086  }
0x1c: {  	p1 =	slt.u32 s9, $0xF7A;
	s5 =	simm.s32 @!p2 $0x0  }
0x1d: {  	s5 =	simm.s32 @p1 $0x1;
	p0 =	seq.s32 s7, s2  }
0x1e: {  	s7 =	smul.u32 @!p0 $0xF7A, s2;
	p2 =	seq.s32 @!p0 s5, $0x0  }
0x1f: {  	s9 =	smul.u32 $0xF7A, s1;
	s8 =	simm.s32 @!p0 $0x1BF5;
	p2 =	por !p2, p0  }
0x20: {  	[sflag:s8] =	ssyncset.s32 @!p0 $0xFFFFF086;
	s6 =	sadd.s32 @!p0 s3, s7;
	s7 =	simm.s32 @!p0 $0x108  }
0x21: {  	s3 =	sadd.s32 s3, s9;
	s6 =	sadd.s32 @!p0 $0x88, s6;
	s7 =	simm.s32 @p2 $0x1082  }
0x22: {  	[simem:s7], [sflag:s8] =	dma.local @!p0 [hbm:s6], $0xF7A  }
0x23: {  	s9 =	sor.u32 $0xD0000000, s2;
	s6 =	simm.s32 $0x108;
	_ =	swait.ge @!p0 [sflag:s8], $0x0  }
0x24: {  	s3 =	sadd.s32 $0x88, s3;
	s6 =	simm.s32 @!p1 $0x1082;
	[sflag:s4] =	ssyncset.s32 $0xFFFFF086  }
0x25: {  	[simem:s6], [sflag:s4] =	dma.local [hbm:s3], $0xF7A  }
0x26: {  	[smem:$0x3F8D] =	sst s1;
	(tag) =	ssettag s2;
	_ =	strace s9  }
0x27: {  	s1 =	sld [smem:$0x3F9D]  }
0x28: {  	s2 =	sld [smem:$0x3F9E]  }
0x29: {  	s4 =	sld [smem:$0x3FA0]  }
0x2a: {  	p0 =	seq.s32 s5, $0x0;
	s5 =	sld [smem:$0x3FA1]  }
0x2b: {  	s6 =	sld [smem:$0x3FA2]  }
0x2c: {  	s7 =	sld [smem:$0x3FA3]  }
0x2d: {  	s3 =	simm.s32 $0x108;
	s8 =	sld [smem:$0x3FA4]  }
0x2e: {  	s3 =	simm.s32 @!p0 $0x1082;
	s9 =	sld [smem:$0x3FA5]  }
0x2f: {  	lr =	sadd.s32 s0, s3;
	s0 =	sld [smem:$0x3F9C]  }
0x30: {  	s3 =	sld [smem:$0x3F9F]  }
0x31: {  	[smem:$0x3FA8] =	sst s10  }
0x32: {  	s10 =	sld [smem:$0x3FA6];
	_ =	sdelay $0x3  }
0x33: {  	p0 =	seq.s32 s10, $0x1;
	s10 =	sld [smem:$0x3FA8];
	_ =	sdelay $0x3  }
0x34: {  	[smem:$0x3FA8] =	sst s10  }
0x35: {  	s10 =	sld [smem:$0x3FA7];
	_ =	sdelay $0x3  }
0x36: {  	p1 =	seq.s32 s10, $0x1;
	s10 =	sld [smem:$0x3FA8];
	_ =	sdelay $0x3  }
0x37: {  	[smem:$0x3FA8] =	sst s10  }
0x38: {  	s10 =	sld [smem:$0x3FA9]  }
0x39: {  	_ = 	snop;
	(pc) =	sbr.ind lr, $3  }
0x3a: {  	_ = 	snop  }
0x3b: {  	_ = 	snop  }
0x3c: {  	p2 =	seq.s32 s10, $0x1;
	s10 =	sld [smem:$0x3FA8]  }
0x3d: {  	_ =	shalt  }
0x3e: {  	_ =	shalt  }
0x3f: {  	_ =	shalt  }
0x40: {  	_ =	shalt  }
0x41: {  	_ =	shalt  }
0x42: {  	_ =	shalt  }
0x43: {  	_ =	shalt  }
0x44: {  	_ =	shalt  }
0x45: {  	_ =	shalt  }
0x46: {  	_ =	shalt  }
0x47: {  	_ =	shalt  }
0x48: {  	_ =	shalt  }
0x49: {  	_ =	shalt  }
0x4a: {  	_ =	shalt  }
0x4b: {  	_ =	shalt  }
0x4c: {  	_ =	shalt  }
0x4d: {  	_ =	shalt  }
0x4e: {  	_ =	shalt  }
0x4f: {  	_ =	shalt  }
0x50: {  	_ =	shalt  }
0x51: {  	_ =	shalt  }
0x52: {  	_ =	shalt  }
0x53: {  	_ =	shalt  }
0x54: {  	_ =	shalt  }
0x55: {  	_ =	shalt  }
0x56: {  	_ =	shalt  }
0x57: {  	_ =	shalt  }
0x58: {  	_ =	shalt  }
0x59: {  	_ =	shalt  }
0x5a: {  	_ =	shalt  }
0x5b: {  	_ =	shalt  }
0x5c: {  	_ =	shalt  }
0x5d: {  	_ =	shalt  }
0x5e: {  	_ =	shalt  }
0x5f: {  	_ =	shalt  }
0x60: {  	_ =	shalt  }
0x61: {  	_ =	shalt  }
0x62: {  	_ =	shalt  }
0x63: {  	_ =	shalt  }
0x64: {  	_ =	shalt  }
0x65: {  	_ =	shalt  }
0x66: {  	_ =	shalt  }
0x67: {  	_ =	shalt  }
0x68: {  	_ =	shalt  }
0x69: {  	_ =	shalt  }
0x6a: {  	_ =	shalt  }
0x6b: {  	_ =	shalt  }
0x6c: {  	_ =	shalt  }
0x6d: {  	_ =	shalt  }
0x6e: {  	_ =	shalt  }
0x6f: {  	_ =	shalt  }
0x70: {  	_ =	shalt  }
0x71: {  	_ =	shalt  }
0x72: {  	_ =	shalt  }
0x73: {  	_ =	shalt  }
0x74: {  	_ =	shalt  }
0x75: {  	_ =	shalt  }
0x76: {  	_ =	shalt  }
0x77: {  	_ =	shalt  }
0x78: {  	_ =	shalt  }
0x79: {  	_ =	shalt  }
0x7a: {  	_ =	shalt  }
0x7b: {  	_ =	shalt  }
0x7c: {  	_ =	shalt  }
0x7d: {  	_ =	shalt  }
0x7e: {  	_ =	shalt  }
0x7f: {  	_ =	shalt  }
0x80: {  	_ =	shalt  }
0x81: {  	_ =	shalt  }
0x82: {  	_ =	shalt  }
0x83: {  	_ =	shalt  }
0x84: {  	_ =	shalt  }
0x85: {  	_ =	shalt  }
0x86: {  	_ =	shalt  }
0x87: {  	_ =	shalt  }
.Lfunc_end0:
.L_simem_size_0:
called_computation.13_lowered:
.L_overlay_start_0:
0x88: {  	s2 =	sld [smem:$0x3FD9]  }
0x89: {  	s3 =	sld [smem:$0x3FFE];
	_ =	sdelay $0x1  }
0x8a: {  	s1 =	srdreg.scid  }
0x8b: {  	s0 =	sand.u32 $0x1, s1  }
0x8c: {  	s16 =	sshll.u32 s0, $0xA;
	s2 =	sadd.s32 s3, s2  }
0x8d: {  	s2 =	sadd.s32 s2, s16  }
0x8e: {  	[smem:$0x3FB4] =	sst s2  }
0x8f: {  	_ = 	snop  }
0x90: {  	(tm) =	ssettm $0x1  }
0x91: {  	s17 =	sld [smem:$0x3FFB];
	_ =	sdelay $0x3  }
0x92: {  	_ =	strace s17  }
0x93: {  	s2 =	sld [smem:$0x3FFC];
	_ =	sdelay $0x3  }
0x94: {  	_ =	strace s2  }
0x95: {  	s2 =	sld [smem:$0x3FFD];
	_ =	sdelay $0x3  }
0x96: {  	_ =	strace s2  }
0x97: {  	_ =	strace $0x8FFFFFFF  }
0x98: {  	s18 =	sld [smem:$0x3FDB];
	_ =	sdelay $0x1  }
0x99: {  	s19 =	simm.s32 $_scs_section_size  }
0x9a: {  	s4 =	simm.s32 $_size__tile_overlayer_lowered;
	s5 =	simm.s32 $_tile_overlayer_lowered  }
0x9b: {  	s22 =	simm.s32 $0x1BFF;
	s21 =	sshll.u32 s5, $0x1;
	s2 =	sadd.s32 s19, s18  }
0x9c: {  	s6 =	simm.s32 $0x0;
	s20 =	sshll.u32 s4, $0x1;
	s4 =	sadd.s32 s21, s2  }
0x9d: {  	[timem:s6], [sflag:s22] =	dma.local [hbm:s4], s20  }
0x9e: {  	_ =	swait.ge [sflag:s22], s20  }
0x9f: {  	s3 =	ssub.s32 $0x0, s20;
	[sflag:s22] =	ssyncset.done $0x0  }
0xa0: {  	[sflag:s22] =	ssyncadd.s32 s3;
	_ =	sdelay $0x1  }
0xa1: {  	s23 =	simm.s32 $0x1B8B  }
0xa2: {  	_ =	swait.ge [sflag:s23], $0x1  }
0xa3: {  	[sflag:s23] =	ssyncset.done $0x0  }
0xa4: {  	s25 =	simm.s32 $0x1B8E;
	s24 =	sld [smem:$0x3FFE];
	[sflag:s23] =	ssyncadd.s32 $0xFFFFFFFF  }
0xa5: {  	s26 =	simm.s32 $execute0_lowered;
	[smem:$0x3FD2] =	sst s25  }
0xa6: {  	s4 =	sshll.u32 s26, $0x1;
	_ =	strace $0x8000006D;
	[dreg:$0x1] =	wrdreg $0xFFFFFFFF  }
0xa7: {  	s28 =	simm.s32 $_size_execute0_lowered;
	s2 =	sadd.s32 s2, s4;
	[dreg:$0x0] =	wrdreg $0x0  }
0xa8: {  	s4 =	sshll.u32 s28, $0x1;
	[dreg:$0x2] =	wrdreg s2  }
0xa9: {  	[dreg:$0x3] =	wrdreg s4  }
0xaa: {  	[dreg:$0x4] =	wrdreg $0xC0  }
0xab: {  	_ =	task [dreg:s6], $0x5FFFF  }
0xac: {  	[dreg:$0x1] =	wrdreg $0xFFFFFFFF  }
0xad: {  	[dreg:$0x0] =	wrdreg $0x60  }
0xae: {  	[dreg:$0x2] =	wrdreg s24  }
0xaf: {  	[dreg:$0x3] =	wrdreg $0x9  }
0xb0: {  	_ =	task.clear_ibuf [dreg:s6], $0x4FFFF;
	_ =	strace $0x9000006D  }
0xb1: {  	s29 =	simm.s32 $0x9;
	_ =	strace $0x8000006F  }
0xb2: {  	_ =	swait.ge [sflag:s29], $0x1  }
0xb3: {  	[sflag:s29] =	ssyncadd.s32 $0xFFFFFFFF  }
0xb4: {  	_ =	strace $0x9000006F  }
0xb5: {  	_ =	sfence  }
0xb6: {  	s30 =	sld [smem:$0x0];
	_ =	sdelay $0x2  }
0xb7: {  	s31 =	sshll.u32 s1, $0xD;
	s1 =	sshrl.u32 s1, $0x2  }
0xb8: {  	s3 =	sand.u32 $0x4000, s31;
	s1 =	sadd.s32 s1, s30  }
0xb9: {  	s0 =	sor.u32 s3, s0;
	s1 =	sshll.u32 s1, $0x11  }
0xba: {  	s0 =	sor.u32 s1, s0  }
0xbb: {  	s0 =	sadd.s32 $0x8F2B, s0  }
0xbc: {  	[sflag:s0] =	ssyncadd.remote.s32 $0x1  }
0xbd: {  	_ =	sfence.sel $0xFFFF  }
0xbe: {  	[dreg:$0x0] =	wrdreg $0xFFFFFFFF;
	(pc) =	sbr.abs _section_cstart, $3  }
0xbf: {  	[dreg:$0x1] =	wrdreg $0xFFFFFFFF  }
0xc0: {  	_ =	task.clear_ibuf [dreg:s6], $0x2FFFF;
	_ =	strace $0x9FFFFFFF  }
0xc1: {  	(tm) =	ssettm $0x7FFFFFFF  }
tec
execute0_lowered:
.L_overlay_start_1:
0x0: {  	(tag) =	ssettag $0x1  }
0x1: {  	s4 =	rddreg [dreg:$0x0]  }
0x2: {  	s0 =	rddreg [dreg:$0x1]  }
0x3: {  	s3 =	srdreg.scid;
	s1 =	stileid.u32;
	s2 =	simm.s32 $0x0  }
0x4: {  	s10 =	simm.s32 $0x1;
	s11 =	simm.s32 $0x0;
	s6 =	smul.u32 $0x2940, s1  }
0x5: {  	s5 =	sand.u32 $0x1, s3;
	[smem:$0x7FF] =	sst s2;
	s8 =	smul.u32 $0x29400, s1  }
0x6: {  	s3 =	sadd.s32 $0x276800, s4;
	s7 =	smul.u32 $0x14A0, s5;
	s9 =	ssub.s32 $0x2, s5  }
0x7: {  	_ =	strace $0x8000006E;
	s5 =	smul.u32 $0x14A00, s5;
	s31 =	sshrl.u32 s9, $0x1  }
0x8: {  	s30 =	sadd.s32 s8, s4;
	s6 =	sadd.s32 s7, s6;
	s8 =	ssub.s32 s9, s31  }
0x9: {  	s5 =	sadd.s32 s5, s30;
	s7 =	simm.s32 $0x2;
	s6 =	sshrl.u32 s6, $0x3  }
0xa: {  	s9 =	simm.s32 $0x80;
	s5 =	sadd.s32 $0x30B600, s5;
	s6 =	sadd.s32 s6, s4  }
0xb: {  	s4 =	smax.u32 s8, $0x1;
	s8 =	simm.s32 $0x78;
	s6 =	sadd.s32 $0x271000, s6  }
.LBB2_1:
0xc: {  	s12 =	sadd.s32 $0x0, s6  }
0xd: {  	[tilespmem:s2], [sflag:$0x2] =	stream.linear.gather [hbm4b:s12+s2], $0x78, $0x38;
	[tilespmem:$0x3C80] =	vst v63  }
0xe: {  	_ =	swait.ge [sflag:s7], $0x78  }
0xf: {  	[sflag:s7] =	ssyncset.done $0x0  }
0x10: {  	[sflag:s7] =	ssyncadd.s32 $0xFFFFFF88  }
0x11: {  	[tilespmem:s9], [sflag:$0x1] =	stream.indirect.gather [hbm4b:s3+s8], $0x80, s2, s8, $0xb8;
	[tilespmem:$0x3C80] =	vst v63  }
0x12: {  	_ =	swait.ge [sflag:s10], $0x3C00  }
0x13: {  	[sflag:s10] =	ssyncset.done $0x0  }
0x14: {  	[sflag:s10] =	ssyncadd.s32 $0xFFFFC400  }
0x15: {  	[hbm4b:s5+s2] =	stream.linear.scatter [tilespmem:s9], [sflag:$0x2], $0x3C00, $0x38;
	[tilespmem:$0x3C80] =	vst v63  }
0x16: {  	s13 =	simm.s32 $0xF;
	_ =	swait.ge [sflag:s7], $0x3C00  }
0x17: {  	s14 =	simm.s32 $0x1E;
	s12 =	sadd.s32 $0x780, s5;
	[sflag:s7] =	ssyncset.done $0x0  }
.LBB2_2:
0x18: {  	s15 =	sadd.s32 s13, s6  }
0x19: {  	[sflag:s7] =	ssyncadd.s32 $0xFFFFC400;
	s13 =	smov.u32 s14;
	s16 =	sadd.s32 $0xF, s14  }
0x1a: {  	[tilespmem:s2], [sflag:$0x2] =	stream.linear.gather [hbm4b:s15+s2], $0x78, $0x38;
	[tilespmem:$0x3C80] =	vst v63  }
0x1b: {  	p0 =	sne.s32 s14, $0x285;
	_ =	swait.ge [sflag:s7], $0x78  }
0x1c: {  	[sflag:s7] =	ssyncset.done $0x0  }
0x1d: {  	[sflag:s7] =	ssyncadd.s32 $0xFFFFFF88  }
0x1e: {  	[tilespmem:s9], [sflag:$0x1] =	stream.indirect.gather [hbm4b:s3+s8], $0x80, s2, s8, $0xb8;
	[tilespmem:$0x3C80] =	vst v63  }
0x1f: {  	_ =	swait.ge [sflag:s10], $0x3C00  }
.Ltmp0:
0x20: {  	[sflag:s10] =	ssyncset.done $0x0;
	(pc) =	sbr.rel @p0 .LBB2_2-.Ltmp0, $4  }
0x21: {  	[sflag:s10] =	ssyncadd.s32 $0xFFFFC400  }
0x22: {  	[hbm4b:s12+s2] =	stream.linear.scatter [tilespmem:s9], [sflag:$0x2], $0x3C00, $0x38;
	[tilespmem:$0x3C80] =	vst v63  }
0x23: {  	_ =	swait.ge [sflag:s7], $0x3C00  }
0x24: {  	s14 =	smov.u32 s16;
	s12 =	sadd.s32 $0x780, s12;
	[sflag:s7] =	ssyncset.done $0x0  }
0x25: {  	s13 =	sadd.s32 s13, s6;
	[sflag:s7] =	ssyncadd.s32 $0xFFFFC400  }
0x26: {  	[tilespmem:s2], [sflag:$0x2] =	stream.linear.gather [hbm4b:s13+s2], $0x78, $0x38;
	[tilespmem:$0x3C80] =	vst v63  }
0x27: {  	_ =	swait.ge [sflag:s7], $0x78  }
0x28: {  	[sflag:s7] =	ssyncset.done $0x0  }
0x29: {  	[sflag:s7] =	ssyncadd.s32 $0xFFFFFF88  }
0x2a: {  	[tilespmem:s9], [sflag:$0x1] =	stream.indirect.gather [hbm4b:s3+s8], $0x80, s2, s8, $0xb8;
	[tilespmem:$0x3C80] =	vst v63  }
0x2b: {  	s11 =	sadd.s32 $0x1, s11;
	_ =	swait.ge [sflag:s10], $0x3C00  }
0x2c: {  	p0 =	sne.s32 s11, s4;
	[sflag:s10] =	ssyncset.done $0x0  }
.Ltmp1:
0x2d: {  	[sflag:s10] =	ssyncadd.s32 $0xFFFFC400;
	(pc) =	sbr.rel @p0 .LBB2_1-.Ltmp1, $4  }
0x2e: {  	[hbm4b:s12+s2] =	stream.linear.scatter [tilespmem:s9], [sflag:$0x2], $0x3C00, $0x38;
	[tilespmem:$0x3C80] =	vst v63  }
0x2f: {  	_ =	swait.ge [sflag:s7], $0x3C00  }
0x30: {  	[sflag:s7] =	ssyncset.done $0x0  }
0x31: {  	[sflag:s7] =	ssyncadd.s32 $0xFFFFC400  }
0x32: {  	_ =	sfence.sel $0x180000  }
0x33: {  	[bflag:$0x0] =	sbarrier.arrive $0xFFFF  }
0x34: {  	p0 =	sne.s32 s1, $0x0;
	_ =	strace $0x9000006E  }
0x35: {  	s0 =	sadd.s32 @!p0 $0x100000, s0;
	[bflag:$0x2] =	sbarrier.arrive $0xFFFF  }
0x36: {  	[sflag:s0] =	ssyncadd.tile.s32 @!p0 $0x1;
	_ =	shalt  }
.Lfunc_end2:
_tile_overlayer_lowered:
.L_overlay_start_2:
0x37: {  	(tag) =	ssettag $0x2  }
0x38: {  	s0 =	rddreg [dreg:$0x0];
	s2 =	stileid.u32  }
0x39: {  	s1 =	rddreg [dreg:$0x1];
	p0 =	sne.s32 s2, $0x0  }
0x3a: {  	s3 =	rddreg [dreg:$0x2];
	[bflag:$0x3] =	sbarrier.arrive $0xFFFF;
	s2 =	simm.s32 @!p0 $0x1C02  }
0x3b: {  	[timem:s3], [sflag:s2] =	dma.local @!p0 [hbm:s0], s1  }
0x3c: {  	s0 =	simm.s32 @!p0 $0x2  }
0x3d: {  	_ =	swait.ge @!p0 [sflag:s0], s1  }
0x3e: {  	s1 =	ssub.s32 @!p0 $0x0, s1;
	[sflag:s0] =	ssyncset.done @!p0 $0x0  }
0x3f: {  	[sflag:s0] =	ssyncadd.s32 @!p0 s1  }
0x40: {  	[bflag:$0x3] =	sbarrier.arrive $0xFFFF  }
0x41: {  	_ =	shalt  }

// kernel: kernel.44.cloned.1.call-start
scs
__scs_entry_jumppad:
0x0: {  	(pc) =	sbr.rel $0x88, $3  }
0x1: {  	(tag) =	ssettag $0x0;
	lr =	simm.s32 $0x1  }
0x2: {  	[smem:$0x3F8D] =	sst lr;
	_ =	strace $0xD0000000  }
0x3: {  	_ = 	snop  }
0x4: {  	_ = 	snop  }
0x5: {  	_ = 	snop  }
0x6: {  	_ = 	snop  }
0x7: {  	_ = 	snop  }
__scs_overlays_trampoline_lowered:
0x8: {  	[smem:$0x3F9C] =	sst s0  }
0x9: {  	[smem:$0x3F9D] =	sst s1  }
0xa: {  	[smem:$0x3F9E] =	sst s2  }
0xb: {  	[smem:$0x3F9F] =	sst s3  }
0xc: {  	[smem:$0x3FA0] =	sst s4  }
0xd: {  	[smem:$0x3FA1] =	sst s5  }
0xe: {  	[smem:$0x3FA2] =	sst s6  }
0xf: {  	[smem:$0x3FA3] =	sst s7  }
0x10: {  	[smem:$0x3FA4] =	sst s8  }
0x11: {  	[smem:$0x3FA5] =	sst s9;
	s0 =	simm.s32 @!p0 $0x0  }
0x12: {  	s1 =	sld [smem:$0x3F8B];
	s0 =	simm.s32 @p0 $0x1  }
0x13: {  	[smem:$0x3FA6] =	sst s0;
	s0 =	simm.s32 @!p1 $0x0  }
0x14: {  	s2 =	sld [smem:$0x3F8A];
	s0 =	simm.s32 @p1 $0x1  }
0x15: {  	[smem:$0x3FA7] =	sst s0;
	s0 =	simm.s32 @!p2 $0x0  }
0x16: {  	s3 =	sld [smem:$0x3FDB];
	s0 =	simm.s32 @p2 $0x1  }
0x17: {  	s4 =	simm.s32 $0x1BF5;
	[smem:$0x3FA9] =	sst s0  }
0x18: {  	s0 =	sld [smem:$0x3F8C];
	_ =	swait.ge [sflag:s4], $0x0  }
0x19: {  	s7 =	sld [smem:$0x3F8D]  }
0x1a: {  	s8 =	sadd.s32 $0xFFFFE003, lr  }
0x1b: {  	s9 =	sadd.s32 $0xFFFFFEF7, lr;
	s5 =	simm.s32 $0xFFFFFFFF;
	p2 =	slt.u32 s8, $0xFFFFF086  }
0x1c: {  	p1 =	slt.u32 s9, $0xF7A;
	s5 =	simm.s32 @!p2 $0x0  }
0x1d: {  	s5 =	simm.s32 @p1 $0x1;
	p0 =	seq.s32 s7, s2  }
0x1e: {  	s7 =	smul.u32 @!p0 $0xF7A, s2;
	p2 =	seq.s32 @!p0 s5, $0x0  }
0x1f: {  	s9 =	smul.u32 $0xF7A, s1;
	s8 =	simm.s32 @!p0 $0x1BF5;
	p2 =	por !p2, p0  }
0x20: {  	[sflag:s8] =	ssyncset.s32 @!p0 $0xFFFFF086;
	s6 =	sadd.s32 @!p0 s3, s7;
	s7 =	simm.s32 @!p0 $0x108  }
0x21: {  	s3 =	sadd.s32 s3, s9;
	s6 =	sadd.s32 @!p0 $0x88, s6;
	s7 =	simm.s32 @p2 $0x1082  }
0x22: {  	[simem:s7], [sflag:s8] =	dma.local @!p0 [hbm:s6], $0xF7A  }
0x23: {  	s9 =	sor.u32 $0xD0000000, s2;
	s6 =	simm.s32 $0x108;
	_ =	swait.ge @!p0 [sflag:s8], $0x0  }
0x24: {  	s3 =	sadd.s32 $0x88, s3;
	s6 =	simm.s32 @!p1 $0x1082;
	[sflag:s4] =	ssyncset.s32 $0xFFFFF086  }
0x25: {  	[simem:s6], [sflag:s4] =	dma.local [hbm:s3], $0xF7A  }
0x26: {  	[smem:$0x3F8D] =	sst s1;
	(tag) =	ssettag s2;
	_ =	strace s9  }
0x27: {  	s1 =	sld [smem:$0x3F9D]  }
0x28: {  	s2 =	sld [smem:$0x3F9E]  }
0x29: {  	s4 =	sld [smem:$0x3FA0]  }
0x2a: {  	p0 =	seq.s32 s5, $0x0;
	s5 =	sld [smem:$0x3FA1]  }
0x2b: {  	s6 =	sld [smem:$0x3FA2]  }
0x2c: {  	s7 =	sld [smem:$0x3FA3]  }
0x2d: {  	s3 =	simm.s32 $0x108;
	s8 =	sld [smem:$0x3FA4]  }
0x2e: {  	s3 =	simm.s32 @!p0 $0x1082;
	s9 =	sld [smem:$0x3FA5]  }
0x2f: {  	lr =	sadd.s32 s0, s3;
	s0 =	sld [smem:$0x3F9C]  }
0x30: {  	s3 =	sld [smem:$0x3F9F]  }
0x31: {  	[smem:$0x3FA8] =	sst s10  }
0x32: {  	s10 =	sld [smem:$0x3FA6];
	_ =	sdelay $0x3  }
0x33: {  	p0 =	seq.s32 s10, $0x1;
	s10 =	sld [smem:$0x3FA8];
	_ =	sdelay $0x3  }
0x34: {  	[smem:$0x3FA8] =	sst s10  }
0x35: {  	s10 =	sld [smem:$0x3FA7];
	_ =	sdelay $0x3  }
0x36: {  	p1 =	seq.s32 s10, $0x1;
	s10 =	sld [smem:$0x3FA8];
	_ =	sdelay $0x3  }
0x37: {  	[smem:$0x3FA8] =	sst s10  }
0x38: {  	s10 =	sld [smem:$0x3FA9]  }
0x39: {  	_ = 	snop;
	(pc) =	sbr.ind lr, $3  }
0x3a: {  	_ = 	snop  }
0x3b: {  	_ = 	snop  }
0x3c: {  	p2 =	seq.s32 s10, $0x1;
	s10 =	sld [smem:$0x3FA8]  }
0x3d: {  	_ =	shalt  }
0x3e: {  	_ =	shalt  }
0x3f: {  	_ =	shalt  }
0x40: {  	_ =	shalt  }
0x41: {  	_ =	shalt  }
0x42: {  	_ =	shalt  }
0x43: {  	_ =	shalt  }
0x44: {  	_ =	shalt  }
0x45: {  	_ =	shalt  }
0x46: {  	_ =	shalt  }
0x47: {  	_ =	shalt  }
0x48: {  	_ =	shalt  }
0x49: {  	_ =	shalt  }
0x4a: {  	_ =	shalt  }
0x4b: {  	_ =	shalt  }
0x4c: {  	_ =	shalt  }
0x4d: {  	_ =	shalt  }
0x4e: {  	_ =	shalt  }
0x4f: {  	_ =	shalt  }
0x50: {  	_ =	shalt  }
0x51: {  	_ =	shalt  }
0x52: {  	_ =	shalt  }
0x53: {  	_ =	shalt  }
0x54: {  	_ =	shalt  }
0x55: {  	_ =	shalt  }
0x56: {  	_ =	shalt  }
0x57: {  	_ =	shalt  }
0x58: {  	_ =	shalt  }
0x59: {  	_ =	shalt  }
0x5a: {  	_ =	shalt  }
0x5b: {  	_ =	shalt  }
0x5c: {  	_ =	shalt  }
0x5d: {  	_ =	shalt  }
0x5e: {  	_ =	shalt  }
0x5f: {  	_ =	shalt  }
0x60: {  	_ =	shalt  }
0x61: {  	_ =	shalt  }
0x62: {  	_ =	shalt  }
0x63: {  	_ =	shalt  }
0x64: {  	_ =	shalt  }
0x65: {  	_ =	shalt  }
0x66: {  	_ =	shalt  }
0x67: {  	_ =	shalt  }
0x68: {  	_ =	shalt  }
0x69: {  	_ =	shalt  }
0x6a: {  	_ =	shalt  }
0x6b: {  	_ =	shalt  }
0x6c: {  	_ =	shalt  }
0x6d: {  	_ =	shalt  }
0x6e: {  	_ =	shalt  }
0x6f: {  	_ =	shalt  }
0x70: {  	_ =	shalt  }
0x71: {  	_ =	shalt  }
0x72: {  	_ =	shalt  }
0x73: {  	_ =	shalt  }
0x74: {  	_ =	shalt  }
0x75: {  	_ =	shalt  }
0x76: {  	_ =	shalt  }
0x77: {  	_ =	shalt  }
0x78: {  	_ =	shalt  }
0x79: {  	_ =	shalt  }
0x7a: {  	_ =	shalt  }
0x7b: {  	_ =	shalt  }
0x7c: {  	_ =	shalt  }
0x7d: {  	_ =	shalt  }
0x7e: {  	_ =	shalt  }
0x7f: {  	_ =	shalt  }
0x80: {  	_ =	shalt  }
0x81: {  	_ =	shalt  }
0x82: {  	_ =	shalt  }
0x83: {  	_ =	shalt  }
0x84: {  	_ =	shalt  }
0x85: {  	_ =	shalt  }
0x86: {  	_ =	shalt  }
0x87: {  	_ =	shalt  }
.Lfunc_end0:
.L_simem_size_0:
called_computation.14_lowered:
.L_overlay_start_0:
0x88: {  	s2 =	sld [smem:$0x3FD9]  }
0x89: {  	s3 =	sld [smem:$0x3FFE];
	_ =	sdelay $0x1  }
0x8a: {  	s1 =	srdreg.scid  }
0x8b: {  	s0 =	sand.u32 $0x1, s1  }
0x8c: {  	s16 =	sshll.u32 s0, $0xA;
	s2 =	sadd.s32 s3, s2  }
0x8d: {  	s2 =	sadd.s32 s2, s16  }
0x8e: {  	[smem:$0x3FB4] =	sst s2  }
0x8f: {  	_ = 	snop  }
0x90: {  	(tm) =	ssettm $0x1  }
0x91: {  	s17 =	sld [smem:$0x3FFB];
	_ =	sdelay $0x3  }
0x92: {  	_ =	strace s17  }
0x93: {  	s2 =	sld [smem:$0x3FFC];
	_ =	sdelay $0x3  }
0x94: {  	_ =	strace s2  }
0x95: {  	s2 =	sld [smem:$0x3FFD];
	_ =	sdelay $0x3  }
0x96: {  	_ =	strace s2  }
0x97: {  	_ =	strace $0x8FFFFFFF  }
0x98: {  	s18 =	sld [smem:$0x3FDB];
	_ =	sdelay $0x1  }
0x99: {  	s19 =	simm.s32 $_scs_section_size  }
0x9a: {  	s4 =	simm.s32 $_size__tile_overlayer_lowered;
	s5 =	simm.s32 $_tile_overlayer_lowered  }
0x9b: {  	s22 =	simm.s32 $0x1BFF;
	s21 =	sshll.u32 s5, $0x1;
	s2 =	sadd.s32 s19, s18  }
0x9c: {  	s6 =	simm.s32 $0x0;
	s20 =	sshll.u32 s4, $0x1;
	s4 =	sadd.s32 s21, s2  }
0x9d: {  	[timem:s6], [sflag:s22] =	dma.local [hbm:s4], s20  }
0x9e: {  	_ =	swait.ge [sflag:s22], s20  }
0x9f: {  	s3 =	ssub.s32 $0x0, s20;
	[sflag:s22] =	ssyncset.done $0x0  }
0xa0: {  	[sflag:s22] =	ssyncadd.s32 s3;
	_ =	sdelay $0x1  }
0xa1: {  	s23 =	simm.s32 $0x1B8B  }
0xa2: {  	_ =	swait.ge [sflag:s23], $0x1  }
0xa3: {  	[sflag:s23] =	ssyncset.done $0x0  }
0xa4: {  	s25 =	simm.s32 $0x1B8E;
	s24 =	sld [smem:$0x3FFE];
	[sflag:s23] =	ssyncadd.s32 $0xFFFFFFFF  }
0xa5: {  	s26 =	simm.s32 $execute0_lowered;
	[smem:$0x3FD2] =	sst s25  }
0xa6: {  	s4 =	sshll.u32 s26, $0x1;
	_ =	strace $0x80000070;
	[dreg:$0x1] =	wrdreg $0xFFFFFFFF  }
0xa7: {  	s28 =	simm.s32 $_size_execute0_lowered;
	s2 =	sadd.s32 s2, s4;
	[dreg:$0x0] =	wrdreg $0x0  }
0xa8: {  	s4 =	sshll.u32 s28, $0x1;
	[dreg:$0x2] =	wrdreg s2  }
0xa9: {  	[dreg:$0x3] =	wrdreg s4  }
0xaa: {  	[dreg:$0x4] =	wrdreg $0xC0  }
0xab: {  	_ =	task [dreg:s6], $0x5FFFF  }
0xac: {  	[dreg:$0x1] =	wrdreg $0xFFFFFFFF  }
0xad: {  	[dreg:$0x0] =	wrdreg $0x60  }
0xae: {  	[dreg:$0x2] =	wrdreg s24  }
0xaf: {  	[dreg:$0x3] =	wrdreg $0x3C800  }
0xb0: {  	[dreg:$0x4] =	wrdreg $0x9  }
0xb1: {  	_ =	task.clear_ibuf [dreg:s6], $0x5FFFF;
	_ =	strace $0x90000070  }
0xb2: {  	s29 =	simm.s32 $0x9;
	_ =	strace $0x80000072  }
0xb3: {  	_ =	swait.ge [sflag:s29], $0x1  }
0xb4: {  	[sflag:s29] =	ssyncadd.s32 $0xFFFFFFFF  }
0xb5: {  	_ =	strace $0x90000072  }
0xb6: {  	_ =	sfence  }
0xb7: {  	s30 =	sld [smem:$0x0];
	_ =	sdelay $0x2  }
0xb8: {  	s31 =	sshll.u32 s1, $0xD;
	s1 =	sshrl.u32 s1, $0x2  }
0xb9: {  	s3 =	sand.u32 $0x4000, s31;
	s1 =	sadd.s32 s1, s30  }
0xba: {  	s0 =	sor.u32 s3, s0;
	s1 =	sshll.u32 s1, $0x11  }
0xbb: {  	s0 =	sor.u32 s1, s0  }
0xbc: {  	s0 =	sadd.s32 $0x8F2B, s0  }
0xbd: {  	[sflag:s0] =	ssyncadd.remote.s32 $0x1  }
0xbe: {  	_ =	sfence.sel $0xFFFF  }
0xbf: {  	[dreg:$0x0] =	wrdreg $0xFFFFFFFF;
	(pc) =	sbr.abs _section_cstart, $3  }
0xc0: {  	[dreg:$0x1] =	wrdreg $0xFFFFFFFF  }
0xc1: {  	_ =	task.clear_ibuf [dreg:s6], $0x2FFFF;
	_ =	strace $0x9FFFFFFF  }
0xc2: {  	(tm) =	ssettm $0x7FFFFFFF  }
0xc3: {  	_ =	shalt  }
tec
execute0_lowered:
.L_overlay_start_1:
0x0: {  	(tag) =	ssettag $0x1  }
0x1: {  	s12 =	stileid.u32;
	s0 =	srdreg.scid  }
0x2: {  	s4 =	rddreg [dreg:$0x0];
	s3 =	smul.u32 $0x2940, s12  }
0x3: {  	s1 =	rddreg [dreg:$0x1];
	s7 =	smul.u32 $0x29400, s12  }
0x4: {  	s2 =	simm.s32 $0x0;
	s14 =	simm.s32 $0x0;
	s9 =	smul.u32 $0x14000, s12  }
0x5: {  	s5 =	sand.u32 $0x1, s0;
	s0 =	rddreg [dreg:$0x2];
	s11 =	smul.u32 $0x50000, s12  }
0x6: {  	[smem:$0x7FF] =	sst s2;
	p0 =	sne.s32 s12, $0x0;
	s6 =	smul.u32 $0x14A0, s5  }
0x7: {  	s12 =	sshll.u32 s12, $0x6;
	_ =	strace $0x80000071;
	s26 =	smul.u32 $0x140000, s5  }
0x8: {  	s10 =	ssub.s32 $0x2, s5;
	s5 =	smul.u32 $0x14A00, s5;
	s12 =	sor.u32 $0x1C01, s12  }
0x9: {  	s7 =	sadd.s32 s7, s4;
	s13 =	sshrl.u32 s10, $0x1;
	s29 =	sshrl.u32 s11, $0x2  }
0xa: {  	s11 =	simm.s32 $0x78;
	s3 =	sadd.s32 s6, s3;
	s6 =	sadd.s32 s9, s26  }
0xb: {  	s28 =	ssub.s32 s10, s13;
	s30 =	sadd.s32 s29, s1;
	s31 =	sadd.s32 s5, s7  }
0xc: {  	s9 =	simm.s32 $0x1;
	s10 =	simm.s32 $0x80;
	s3 =	sshrl.u32 s3, $0x3  }
0xd: {  	s6 =	sshrl.u32 s6, $0x3;
	s5 =	smax.u32 s28, $0x1;
	s13 =	sshrl.u32 s30, $0x3  }
0xe: {  	s8 =	sadd.s32 s3, s4;
	s3 =	sadd.s32 $0x2E3600, s4;
	s4 =	sadd.s32 s4, s6  }
0xf: {  	s6 =	sadd.s32 $0x59F600, s31;
	s7 =	sadd.s32 $0x2DE200, s8;
	s8 =	sshrl.u32 @!p0 s1, $0x3  }
.LBB2_1:
0x10: {  	s15 =	simm.s32 @!p0 $0x1C01  }
0x11: {  	[spmem:s8], [sflag:s15] =	dma.local @!p0 [hbm:s3], $0x28000  }
0x12: {  	s15 =	simm.s32 @!p0 $0x1  }
0x13: {  	_ =	swait.ge @!p0 [sflag:s15], $0x28000  }
0x14: {  	[sflag:s15] =	ssyncset.done @!p0 $0x0  }
0x15: {  	[sflag:s15] =	ssyncadd.s32 @!p0 $0xFFFD8000  }
0x16: {  	s31 =	sadd.s32 $0x0, s7;
	[bflag:$0x0] =	sbarrier.arrive $0xFFFF  }
0x17: {  	[tilespmem:s2], [sflag:$0x1] =	stream.linear.gather [hbm4b:s31+s2], $0x78, $0x38;
	[tilespmem:$0x17C80] =	vst v63  }
0x18: {  	_ =	swait.ge [sflag:s9], $0x78  }
0x19: {  	[sflag:s9] =	ssyncset.done $0x0  }
0x1a: {  	[sflag:s9] =	ssyncadd.s32 $0xFFFFFF88  }
0x1b: {  	[tilespmem:s10], [sflag:$0x1] =	stream.linear.gather [hbm4b:s6+s2], $0x3C00, $0x38;
	[tilespmem:$0x17C80] =	vst v63  }
0x1c: {  	_ =	swait.ge [sflag:s9], $0x3C00  }
0x1d: {  	[sflag:s9] =	ssyncset.done $0x0  }
0x1e: {  	[sflag:s9] =	ssyncadd.s32 $0xFFFFC400  }
0x1f: {  	[spmem:s1] =	stream.indirect.scatter.add.f32 [tilespmem:s10], [sflag:$0x1], $0x80, s2, s11, $0xb8;
	[tilespmem:$0x17C80] =	vst v63  }
0x20: {  	s16 =	simm.s32 $0xF;
	_ =	swait.ge [sflag:s9], $0x3C00  }
0x21: {  	s17 =	simm.s32 $0x1E;
	s15 =	sadd.s32 $0x780, s6;
	[sflag:s9] =	ssyncset.done $0x0  }
.LBB2_2:
0x22: {  	s18 =	sadd.s32 s16, s7  }
0x23: {  	[sflag:s9] =	ssyncadd.s32 $0xFFFFC400;
	s16 =	smov.u32 s17;
	s19 =	sadd.s32 $0xF, s17  }
0x24: {  	[tilespmem:s2], [sflag:$0x1] =	stream.linear.gather [hbm4b:s18+s2], $0x78, $0x38;
	[tilespmem:$0x17C80] =	vst v63  }
0x25: {  	p1 =	sne.s32 s17, $0x285;
	_ =	swait.ge [sflag:s9], $0x78  }
0x26: {  	[sflag:s9] =	ssyncset.done $0x0  }
0x27: {  	[sflag:s9] =	ssyncadd.s32 $0xFFFFFF88  }
0x28: {  	[tilespmem:s10], [sflag:$0x1] =	stream.linear.gather [hbm4b:s15+s2], $0x3C00, $0x38;
	[tilespmem:$0x17C80] =	vst v63  }
0x29: {  	_ =	swait.ge [sflag:s9], $0x3C00  }
.Ltmp0:
0x2a: {  	[sflag:s9] =	ssyncset.done $0x0;
	(pc) =	sbr.rel @p1 .LBB2_2-.Ltmp0, $4  }
0x2b: {  	[sflag:s9] =	ssyncadd.s32 $0xFFFFC400  }
0x2c: {  	[spmem:s1] =	stream.indirect.scatter.add.f32 [tilespmem:s10], [sflag:$0x1], $0x80, s2, s11, $0xb8;
	[tilespmem:$0x17C80] =	vst v63  }
0x2d: {  	_ =	swait.ge [sflag:s9], $0x3C00  }
0x2e: {  	s17 =	smov.u32 s19;
	s15 =	sadd.s32 $0x780, s15;
	[sflag:s9] =	ssyncset.done $0x0  }
0x2f: {  	s16 =	sadd.s32 s16, s7;
	[sflag:s9] =	ssyncadd.s32 $0xFFFFC400  }
0x30: {  	[tilespmem:s2], [sflag:$0x1] =	stream.linear.gather [hbm4b:s16+s2], $0x78, $0x38;
	[tilespmem:$0x17C80] =	vst v63  }
0x31: {  	_ =	swait.ge [sflag:s9], $0x78  }
0x32: {  	[sflag:s9] =	ssyncset.done $0x0  }
0x33: {  	[sflag:s9] =	ssyncadd.s32 $0xFFFFFF88  }
0x34: {  	[tilespmem:s10], [sflag:$0x1] =	stream.linear.gather [hbm4b:s15+s2], $0x3C00, $0x38;
	[tilespmem:$0x17C80] =	vst v63  }
0x35: {  	_ =	swait.ge [sflag:s9], $0x3C00  }
0x36: {  	[sflag:s9] =	ssyncset.done $0x0  }
0x37: {  	[sflag:s9] =	ssyncadd.s32 $0xFFFFC400  }
0x38: {  	[spmem:s1] =	stream.indirect.scatter.add.f32 [tilespmem:s10], [sflag:$0x1], $0x80, s2, s11, $0xb8;
	[tilespmem:$0x17C80] =	vst v63  }
0x39: {  	_ =	swait.ge [sflag:s9], $0x3C00  }
0x3a: {  	s14 =	sadd.s32 $0x1, s14;
	[sflag:s9] =	ssyncset.done $0x0  }
0x3b: {  	p1 =	sne.s32 s14, s5;
	[sflag:s9] =	ssyncadd.s32 $0xFFFFC400  }
.Ltmp1:
0x3c: {  	[bflag:$0x0] =	sbarrier.arrive $0xFFFF;
	(pc) =	sbr.rel @p1 .LBB2_1-.Ltmp1, $4  }
0x3d: {  	[hbm:s4], [sflag:s12] =	dma.local [spmem:s13], $0x2800  }
0x3e: {  	_ =	swait.ge [sflag:s9], $0x2800  }
0x3f: {  	[sflag:s9] =	ssyncset.done $0x0  }
0x40: {  	[sflag:s9] =	ssyncadd.s32 $0xFFFFD800  }
0x41: {  	_ =	sfence.sel $0x180000  }
0x42: {  	[bflag:$0x0] =	sbarrier.arrive $0xFFFF  }
0x43: {  	_ =	strace $0x90000071  }
0x44: {  	s0 =	sadd.s32 @!p0 $0x100000, s0;
	[bflag:$0x2] =	sbarrier.arrive $0xFFFF  }
0x45: {  	[sflag:s0] =	ssyncadd.tile.s32 @!p0 $0x1;
	_ =	shalt  }
.Lfunc_end2:
_tile_overlayer_lowered:
.L_overlay_start_2:
0x46: {  	(tag) =	ssettag $0x2  }
0x47: {  	s0 =	rddreg [dreg:$0x0];
	s2 =	stileid.u32  }
0x48: {  	s1 =	rddreg [dreg:$0x1];
	p0 =	sne.s32 s2, $0x0  }
0x49: {  	s3 =	rddreg [dreg:$0x2];
	[bflag:$0x3] =	sbarrier.arrive $0xFFFF;
	s2 =	simm.s32 @!p0 $0x1C01  }
0x4a: {  	[timem:s3], [sflag:s2] =	dma.local @!p0 [hbm:s0], s1  }
0x4b: {  	s0 =	simm.s32 @!p0 $0x1  }
0x4c: {  	_ =	swait.ge @!p0 [sflag:s0], s1  }
0x4d: {  	s1 =	ssub.s32 @!p0 $0x0, s1;
	[sflag:s0] =	ssyncset.done @!p0 $0x0  }
0x4e: {  	[sflag:s0] =	ssyncadd.s32 @!p0 s1  }
0x4f: {  	[bflag:$0x3] =	sbarrier.arrive $0xFFFF  }
0x50: {  	_ =	shalt  }

// kernel: scatter_offload_async_start.1
scs
__scs_entry_jumppad:
0x0: {  	(pc) =	sbr.rel $0x88, $3  }
0x1: {  	(tag) =	ssettag $0x0;
	lr =	simm.s32 $0x1  }
0x2: {  	[smem:$0x3F8D] =	sst lr;
	_ =	strace $0xD0000000  }
0x3: {  	_ = 	snop  }
0x4: {  	_ = 	snop  }
0x5: {  	_ = 	snop  }
0x6: {  	_ = 	snop  }
0x7: {  	_ = 	snop  }
__scs_overlays_trampoline_lowered:
0x8: {  	[smem:$0x3F9C] =	sst s0  }
0x9: {  	[smem:$0x3F9D] =	sst s1  }
0xa: {  	[smem:$0x3F9E] =	sst s2  }
0xb: {  	[smem:$0x3F9F] =	sst s3  }
0xc: {  	[smem:$0x3FA0] =	sst s4  }
0xd: {  	[smem:$0x3FA1] =	sst s5  }
0xe: {  	[smem:$0x3FA2] =	sst s6  }
0xf: {  	[smem:$0x3FA3] =	sst s7  }
0x10: {  	[smem:$0x3FA4] =	sst s8  }
0x11: {  	[smem:$0x3FA5] =	sst s9;
	s0 =	simm.s32 @!p0 $0x0  }
0x12: {  	s1 =	sld [smem:$0x3F8B];
	s0 =	simm.s32 @p0 $0x1  }
0x13: {  	[smem:$0x3FA6] =	sst s0;
	s0 =	simm.s32 @!p1 $0x0  }
0x14: {  	s2 =	sld [smem:$0x3F8A];
	s0 =	simm.s32 @p1 $0x1  }
0x15: {  	[smem:$0x3FA7] =	sst s0;
	s0 =	simm.s32 @!p2 $0x0  }
0x16: {  	s3 =	sld [smem:$0x3FDB];
	s0 =	simm.s32 @p2 $0x1  }
0x17: {  	s4 =	simm.s32 $0x1BF5;
	[smem:$0x3FA9] =	sst s0  }
0x18: {  	s0 =	sld [smem:$0x3F8C];
	_ =	swait.ge [sflag:s4], $0x0  }
0x19: {  	s7 =	sld [smem:$0x3F8D]  }
0x1a: {  	s8 =	sadd.s32 $0xFFFFE003, lr  }
0x1b: {  	s9 =	sadd.s32 $0xFFFFFEF7, lr;
	s5 =	simm.s32 $0xFFFFFFFF;
	p2 =	slt.u32 s8, $0xFFFFF086  }
0x1c: {  	p1 =	slt.u32 s9, $0xF7A;
	s5 =	simm.s32 @!p2 $0x0  }
0x1d: {  	s5 =	simm.s32 @p1 $0x1;
	p0 =	seq.s32 s7, s2  }
0x1e: {  	s7 =	smul.u32 @!p0 $0xF7A, s2;
	p2 =	seq.s32 @!p0 s5, $0x0  }
0x1f: {  	s9 =	smul.u32 $0xF7A, s1;
	s8 =	simm.s32 @!p0 $0x1BF5;
	p2 =	por !p2, p0  }
0x20: {  	[sflag:s8] =	ssyncset.s32 @!p0 $0xFFFFF086;
	s6 =	sadd.s32 @!p0 s3, s7;
	s7 =	simm.s32 @!p0 $0x108  }
0x21: {  	s3 =	sadd.s32 s3, s9;
	s6 =	sadd.s32 @!p0 $0x88, s6;
	s7 =	simm.s32 @p2 $0x1082  }
0x22: {  	[simem:s7], [sflag:s8] =	dma.local @!p0 [hbm:s6], $0xF7A  }
0x23: {  	s9 =	sor.u32 $0xD0000000, s2;
	s6 =	simm.s32 $0x108;
	_ =	swait.ge @!p0 [sflag:s8], $0x0  }
0x24: {  	s3 =	sadd.s32 $0x88, s3;
	s6 =	simm.s32 @!p1 $0x1082;
	[sflag:s4] =	ssyncset.s32 $0xFFFFF086  }
0x25: {  	[simem:s6], [sflag:s4] =	dma.local [hbm:s3], $0xF7A  }
0x26: {  	[smem:$0x3F8D] =	sst s1;
	(tag) =	ssettag s2;
	_ =	strace s9  }
0x27: {  	s1 =	sld [smem:$0x3F9D]  }
0x28: {  	s2 =	sld [smem:$0x3F9E]  }
0x29: {  	s4 =	sld [smem:$0x3FA0]  }
0x2a: {  	p0 =	seq.s32 s5, $0x0;
	s5 =	sld [smem:$0x3FA1]  }
0x2b: {  	s6 =	sld [smem:$0x3FA2]  }
0x2c: {  	s7 =	sld [smem:$0x3FA3]  }
0x2d: {  	s3 =	simm.s32 $0x108;
	s8 =	sld [smem:$0x3FA4]  }
0x2e: {  	s3 =	simm.s32 @!p0 $0x1082;
	s9 =	sld [smem:$0x3FA5]  }
0x2f: {  	lr =	sadd.s32 s0, s3;
	s0 =	sld [smem:$0x3F9C]  }
0x30: {  	s3 =	sld [smem:$0x3F9F]  }
0x31: {  	[smem:$0x3FA8] =	sst s10  }
0x32: {  	s10 =	sld [smem:$0x3FA6];
	_ =	sdelay $0x3  }
0x33: {  	p0 =	seq.s32 s10, $0x1;
	s10 =	sld [smem:$0x3FA8];
	_ =	sdelay $0x3  }
0x34: {  	[smem:$0x3FA8] =	sst s10  }
0x35: {  	s10 =	sld [smem:$0x3FA7];
	_ =	sdelay $0x3  }
0x36: {  	p1 =	seq.s32 s10, $0x1;
	s10 =	sld [smem:$0x3FA8];
	_ =	sdelay $0x3  }
0x37: {  	[smem:$0x3FA8] =	sst s10  }
0x38: {  	s10 =	sld [smem:$0x3FA9]  }
0x39: {  	_ = 	snop;
	(pc) =	sbr.ind lr, $3  }
0x3a: {  	_ = 	snop  }
0x3b: {  	_ = 	snop  }
0x3c: {  	p2 =	seq.s32 s10, $0x1;
	s10 =	sld [smem:$0x3FA8]  }
0x3d: {  	_ =	shalt  }
0x3e: {  	_ =	shalt  }
0x3f: {  	_ =	shalt  }
0x40: {  	_ =	shalt  }
0x41: {  	_ =	shalt  }
0x42: {  	_ =	shalt  }
0x43: {  	_ =	shalt  }
0x44: {  	_ =	shalt  }
0x45: {  	_ =	shalt  }
0x46: {  	_ =	shalt  }
0x47: {  	_ =	shalt  }
0x48: {  	_ =	shalt  }
0x49: {  	_ =	shalt  }
0x4a: {  	_ =	shalt  }
0x4b: {  	_ =	shalt  }
0x4c: {  	_ =	shalt  }
0x4d: {  	_ =	shalt  }
0x4e: {  	_ =	shalt  }
0x4f: {  	_ =	shalt  }
0x50: {  	_ =	shalt  }
0x51: {  	_ =	shalt  }
0x52: {  	_ =	shalt  }
0x53: {  	_ =	shalt  }
0x54: {  	_ =	shalt  }
0x55: {  	_ =	shalt  }
0x56: {  	_ =	shalt  }
0x57: {  	_ =	shalt  }
0x58: {  	_ =	shalt  }
0x59: {  	_ =	shalt  }
0x5a: {  	_ =	shalt  }
0x5b: {  	_ =	shalt  }
0x5c: {  	_ =	shalt  }
0x5d: {  	_ =	shalt  }
0x5e: {  	_ =	shalt  }
0x5f: {  	_ =	shalt  }
0x60: {  	_ =	shalt  }
0x61: {  	_ =	shalt  }
0x62: {  	_ =	shalt  }
0x63: {  	_ =	shalt  }
0x64: {  	_ =	shalt  }
0x65: {  	_ =	shalt  }
0x66: {  	_ =	shalt  }
0x67: {  	_ =	shalt  }
0x68: {  	_ =	shalt  }
0x69: {  	_ =	shalt  }
0x6a: {  	_ =	shalt  }
0x6b: {  	_ =	shalt  }
0x6c: {  	_ =	shalt  }
0x6d: {  	_ =	shalt  }
0x6e: {  	_ =	shalt  }
0x6f: {  	_ =	shalt  }
0x70: {  	_ =	shalt  }
0x71: {  	_ =	shalt  }
0x72: {  	_ =	shalt  }
0x73: {  	_ =	shalt  }
0x74: {  	_ =	shalt  }
0x75: {  	_ =	shalt  }
0x76: {  	_ =	shalt  }
0x77: {  	_ =	shalt  }
0x78: {  	_ =	shalt  }
0x79: {  	_ =	shalt  }
0x7a: {  	_ =	shalt  }
0x7b: {  	_ =	shalt  }
0x7c: {  	_ =	shalt  }
0x7d: {  	_ =	shalt  }
0x7e: {  	_ =	shalt  }
0x7f: {  	_ =	shalt  }
0x80: {  	_ =	shalt  }
0x81: {  	_ =	shalt  }
0x82: {  	_ =	shalt  }
0x83: {  	_ =	shalt  }
0x84: {  	_ =	shalt  }
0x85: {  	_ =	shalt  }
0x86: {  	_ =	shalt  }
0x87: {  	_ =	shalt  }
.Lfunc_end0:
.L_simem_size_0:
called_computation.1_lowered:
.L_overlay_start_0:
0x88: {  	s0 =	sld [smem:$0x3FD9]  }
0x89: {  	s1 =	sld [smem:$0x3FFE];
	_ =	sdelay $0x3  }
0x8a: {  	s0 =	sadd.s32 s1, s0  }
0x8b: {  	[smem:$0x3FB4] =	sst s0  }
0x8c: {  	_ = 	snop  }
0x8d: {  	s0 =	sld [smem:$0x3FD0];
	(tm) =	ssettm $0x1  }
0x8e: {  	s16 =	sld [smem:$0x3FFB];
	_ =	sdelay $0x3  }
0x8f: {  	_ =	strace s16  }
0x90: {  	s1 =	sld [smem:$0x3FFC];
	_ =	sdelay $0x3  }
0x91: {  	_ =	strace s1  }
0x92: {  	s1 =	sld [smem:$0x3FFD];
	_ =	sdelay $0x3  }
0x93: {  	_ =	strace s1  }
0x94: {  	_ =	strace $0x8FFFFFFF  }
0x95: {  	s17 =	sld [smem:$0x3FDB];
	_ =	sdelay $0x1  }
0x96: {  	s2 =	simm.s32 $_scs_section_size  }
0x97: {  	s3 =	simm.s32 $_size__tile_overlayer_lowered;
	s4 =	simm.s32 $_tile_overlayer_lowered  }
0x98: {  	s20 =	simm.s32 $0x1BFF;
	s19 =	sshll.u32 s4, $0x1;
	s1 =	sadd.s32 s2, s17  }
0x99: {  	s5 =	simm.s32 $0x0;
	s18 =	sshll.u32 s3, $0x1;
	s3 =	sadd.s32 s19, s1  }
0x9a: {  	[timem:s5], [sflag:s20] =	dma.local [hbm:s3], s18  }
0x9b: {  	_ =	swait.ge [sflag:s20], s18  }
0x9c: {  	s2 =	ssub.s32 $0x0, s18;
	[sflag:s20] =	ssyncset.done $0x0  }
0x9d: {  	[sflag:s20] =	ssyncadd.s32 s2;
	_ =	sdelay $0x1  }
0x9e: {  	s21 =	simm.s32 $0x1B8B  }
0x9f: {  	_ =	swait.ge [sflag:s21], $0x1  }
0xa0: {  	[sflag:s21] =	ssyncset.done $0x0  }
0xa1: {  	s23 =	simm.s32 $0x1B8E;
	s22 =	sld [smem:$0x3FFE];
	[sflag:s21] =	ssyncadd.s32 $0xFFFFFFFF  }
0xa2: {  	s24 =	simm.s32 $execute0_lowered;
	[smem:$0x3FD2] =	sst s23  }
0xa3: {  	s3 =	sshll.u32 s24, $0x1;
	_ =	strace $0x80000052;
	[dreg:$0x1] =	wrdreg $0xFFFFFFFF  }
0xa4: {  	s25 =	simm.s32 $_size_execute0_lowered;
	s1 =	sadd.s32 s1, s3;
	[dreg:$0x0] =	wrdreg $0x0  }
0xa5: {  	s3 =	sshll.u32 s25, $0x1;
	[dreg:$0x2] =	wrdreg s1  }
0xa6: {  	[dreg:$0x3] =	wrdreg s3  }
0xa7: {  	[dreg:$0x4] =	wrdreg $0xC0  }
0xa8: {  	_ =	task [dreg:s5], $0x5FFFF  }
0xa9: {  	[dreg:$0x1] =	wrdreg $0xFFFFFFFF  }
0xaa: {  	[dreg:$0x0] =	wrdreg $0x60  }
0xab: {  	[dreg:$0x2] =	wrdreg s22  }
0xac: {  	[dreg:$0x3] =	wrdreg s0  }
0xad: {  	[dreg:$0x4] =	wrdreg $0x9  }
0xae: {  	_ =	task.clear_ibuf [dreg:s5], $0x5FFFF;
	_ =	strace $0x90000052  }
0xaf: {  	s26 =	simm.s32 $0x9;
	_ =	strace $0x80000054  }
0xb0: {  	_ =	swait.ge [sflag:s26], $0x1  }
0xb1: {  	[sflag:s26] =	ssyncadd.s32 $0xFFFFFFFF  }
0xb2: {  	_ =	strace $0x90000054  }
0xb3: {  	_ =	sfence  }
0xb4: {  	s28 =	sld [smem:$0x0];
	_ =	sdelay $0x1  }
0xb5: {  	s29 =	srdreg.scid  }
0xb6: {  	s30 =	sshll.u32 s29, $0xD;
	s31 =	sshrl.u32 s29, $0x2  }
0xb7: {  	s2 =	sand.u32 $0x4000, s30;
	s1 =	sand.u32 $0x1, s29;
	s0 =	sadd.s32 s31, s28  }
0xb8: {  	s1 =	sor.u32 s2, s1;
	s0 =	sshll.u32 s0, $0x11  }
0xb9: {  	s0 =	sor.u32 s0, s1  }
0xba: {  	s0 =	sadd.s32 $0x8F2B, s0  }
0xbb: {  	[sflag:s0] =	ssyncadd.remote.s32 $0x1  }
0xbc: {  	_ =	sfence.sel $0xFFFF  }
0xbd: {  	[dreg:$0x0] =	wrdreg $0xFFFFFFFF;
	(pc) =	sbr.abs _section_cstart, $3  }
0xbe: {  	[dreg:$0x1] =	wrdreg $0xFFFFFFFF  }
0xbf: {  	_ =	task.clear_ibuf [dreg:s5], $0x2FFFF;
	_ =	strace $0x9FFFFFFF  }
0xc0: {  	(tm) =	ssettm $0x7FFFFFFF  }
0xc1: {  	_ =	shalt  }
tec
execute0_lowered:
.L_overlay_start_1:
0x0: {  	(tag) =	ssettag $0x1  }
0x1: {  	s5 =	rddreg [dreg:$0x0]  }
0x2: {  	s4 =	rddreg [dreg:$0x1]  }
0x3: {  	s0 =	rddreg [dreg:$0x2];
	_ =	strace $0x80000053;
	s3 =	stileid.u32  }
0x4: {  	s7 =	simm.s32 $0x3E;
	s1 =	sadd.s32 $0x311800, s5;
	p0 =	sne.s32 s3, $0x0  }
0x5: {  	[sflag:s7] =	ssyncpa.u1 $0x0;
	s31 =	smin.u32 s3, $0x4;
	p1 =	slt.u32 s3, $0x4  }
0x6: {  	s3 =	simm.s32 $0x10;
	s6 =	simm.s32 @!p0 $0x1C3E;
	s2 =	simm.s32 @!p0 $0x0  }
0x7: {  	[spmem:s2], [sflag:s6] =	dma.local @!p0 [hbm:s1], $0x100  }
0x8: {  	s8 =	simm.s32 @!p0 $0x3E;
	s3 =	simm.s32 @!p1 $0x0;
	s6 =	sshll.u32 s31, $0x4  }
0x9: {  	_ =	swait.ge @!p0 [sflag:s8], $0x100;
	s3 =	sadd.s32 s3, s6  }
0xa: {  	[sflag:s8] =	ssyncset.done @!p0 $0x0;
	s9 =	smin.u32 s3, $0x40  }
0xb: {  	[sflag:s8] =	ssyncadd.s32 @!p0 $0xFFFFFF00;
	s8 =	ssub.s32 s9, s6  }
0xc: {  	p1 =	sgt.s32 s8, $0x0  }
0xd: {  	s8 =	simm.s32 @!p1 $0x0  }
0xe: {  	s10 =	sshrl.u32 s8, $0x4  }
0xf: {  	s11 =	sadd.s32 $0x1, s10  }
0x10: {  	p1 =	sne.s32 s11, $0x1  }
.Ltmp0:
0x11: {  	p3 =	por $0x0, $0x0;
	[bflag:$0x0] =	sbarrier.arrive $0xFFFF;
	(pc) =	sbr.rel @!p1 .LBB2_1-.Ltmp0, $4  }
0x12: {  	s3 =	simm.s32 $0x1;
	[sflag:s7] =	ssyncpa.u1 $0x1;
	s7 =	sadd.s32 $0x311A00, s5  }
0x13: {  	s5 =	simm.s32 $0x2;
	s8 =	simm.s32 $0x0;
	p2 =	sle.u32 s10, $0x0  }
0x14: {  	[sflag:s3] =	ssyncpa.u1 $0x0;
	(ifvalue) =	ssetifvalue $0x800;
	s12 =	sxor.u32 @!p2 $0xFFFFFFFF, s8  }
0x15: {  	[sflag:s5] =	ssyncpa.u1 $0x0;
	s15 =	sshrl.u32 @!p2 s6, $0x3;
	s16 =	sand.u32 @!p2 $0x10, s12  }
0x16: {  	s12 =	sadd.s32 @!p2 s4, s15  }
0x17: {  	s13 =	sor.u32 @!p2 $0x80, s16;
	s14 =	sand.u32 @!p2 $0x7, s6;
	p1 =	por $0x1, $0x1  }
0x18: {  	[tilespmem:s13], [sflag:$0x2] =	stream.linear.gather @!p2 [hbm4b:s12+s14], $0x10, $0x38;
	[tilespmem:$0xC0] =	vst v63  }
0x19: {  	s15 =	sadd.s32 @!p2 s7, s15;
	s12 =	sor.u32 @!p2 $0xA0, s16;
	s13 =	simm.s32 @!p1 $0x2  }
0x1a: {  	[tilespmem:s12], [sflag:$0x2] =	stream.linear.gather @!p2 [hbm4b:s15+s14], $0x10, $0x38;
	[tilespmem:$0xC0] =	vst v63  }
0x1b: {  	_ =	swait.ge @!p1 [sflag:s13], $0x20  }
0x1c: {  	s8 =	sand.u32 @!p1 $0x10, s8;
	[sflag:s13] =	ssyncset.done @!p1 $0x0  }
0x1d: {  	s12 =	sor.u32 @!p1 $0x80, s8;
	[sflag:s13] =	ssyncadd.s32 @!p1 $0xFFFFFFE0  }
0x1e: {  	v0 =	vld.msk @!p1 [tilespmem:s12+$0x0 ss:$0x1], $0xffff;
	_ =	sdelay $0x3  }
0x1f: {  	p4 =	sne.s32 s11, $0x2  }
.Ltmp1:
0x20: {  	s18 =	simm.s32 @!p1 $0x0;
	s17 =	simm.s32 @!p1 $0x1;
	v0 =	vmin.u32 @!p1 v0, $0x800;
	(pc) =	sbr.rel @!p4 .LBB2_3-.Ltmp1, $4  }
0x21: {  	s15 =	sadd.s32 $0x10, s6;
	p2 =	sle.u32 s10, $0x1;
	s14 =	smov.u32 s6  }
0x22: {  	p3 =	slt.s32 s15, s9;
	s13 =	sor.u32 @!p1 $0xA0, s8;
	s8 =	simm.s32 $0x10  }
0x23: {  	s14 =	smov.u32 @p3 s15;
	p3 =	por $0x1, $0x1;
	s16 =	sxor.u32 @!p2 $0xFFFFFFFF, s8  }
0x24: {  	vm0 =	vmmov @!p1 $0xffff;
	s15 =	sshrl.u32 @!p2 s14, $0x3;
	s12 =	simm.s32 $0x2;
	s16 =	sand.u32 @!p2 $0x10, s16  }
.LBB2_4:
0x25: {  	[spmem:s18] =	stream.indirect_vreg.scatter.add.s32 @!p1 [tilespmem:s13], [sflag:$0x1], $0x1, v0, vm0, $0x4038;
	[tilespmem:$0xC0] =	vst v63  }
0x26: {  	s13 =	sadd.s32 @!p2 s4, s15;
	s18 =	sor.u32 @!p2 $0x80, s16;
	_ =	swait.ge @!p1 [sflag:s17], $0x10  }
0x27: {  	s19 =	smov.u32 s12;
	s12 =	sadd.s32 $0x1, s12;
	[sflag:s17] =	ssyncset.done @!p1 $0x0  }
0x28: {  	s20 =	sand.u32 @!p2 $0x7, s14;
	[sflag:s17] =	ssyncadd.s32 @!p1 $0xFFFFFFF0;
	p1 =	seq.s32 s8, $0x0  }
0x29: {  	[tilespmem:s18], [sflag:$0x2] =	stream.linear.gather @!p2 [hbm4b:s13+s20], $0x10, $0x38;
	[tilespmem:$0xC0] =	vst v63  }
0x2a: {  	s16 =	sor.u32 @!p2 $0xA0, s16;
	s17 =	simm.s32 @!p1 $0x2;
	s13 =	sand.u32 @!p1 $0x10, s8  }
0x2b: {  	s15 =	sadd.s32 @!p2 s7, s15;
	s18 =	sor.u32 @!p1 $0x80, s13;
	s13 =	sor.u32 @!p1 $0xA0, s13  }
0x2c: {  	[tilespmem:s16], [sflag:$0x2] =	stream.linear.gather @!p2 [hbm4b:s15+s20], $0x10, $0x38;
	[tilespmem:$0xC0] =	vst v63  }
0x2d: {  	p4 =	sne.s32 s11, s12;
	_ =	swait.ge @!p1 [sflag:s17], $0x20  }
0x2e: {  	[sflag:s17] =	ssyncset.done @!p1 $0x0  }
0x2f: {  	[sflag:s17] =	ssyncadd.s32 @!p1 $0xFFFFFFE0  }
0x30: {  	v0 =	vld.msk @!p1 [tilespmem:s18+$0x0 ss:$0x1], $0xffff;
	_ =	sdelay $0x5  }
.Ltmp2:
0x31: {  	s8 =	sadd.s32 $0x10, s8;
	v0 =	vmin.u32 @!p1 v0, $0x800;
	(pc) =	sbr.rel @p4 .LBB2_4-.Ltmp2, $4  }
0x32: {  	vm0 =	vmmov @!p1 $0xffff;
	s15 =	sadd.s32 $0x10, s14;
	p2 =	sge.u32 s19, s10;
	s18 =	simm.s32 @!p1 $0x0  }
0x33: {  	s14 =	smov.u32 s6;
	p5 =	slt.s32 s15, s9;
	s17 =	simm.s32 @!p1 $0x1  }
0x34: {  	s16 =	sxor.u32 @!p2 $0xFFFFFFFF, s8;
	s14 =	smov.u32 @p5 s15  }
0x35: {  	s16 =	sand.u32 @!p2 $0x10, s16;
	s15 =	sshrl.u32 @!p2 s14, $0x3  }
0x36: {  	s6 =	smov.u32 s14  }
.LBB2_6:
0x37: {  	_ =	sdelay $0x2  }
0x38: {  	p3 =	por p1, !p3  }
0x39: {  	[spmem:s18] =	stream.indirect_vreg.scatter.add.s32 @!p3 [tilespmem:s13], [sflag:$0x1], $0x1, v0, vm0, $0x4038;
	[tilespmem:$0xC0] =	vst v63  }
0x3a: {  	_ =	swait.ge @!p3 [sflag:s17], $0x10  }
0x3b: {  	s4 =	sadd.s32 @!p2 s4, s15;
	s9 =	sor.u32 @!p2 $0x80, s16;
	[sflag:s17] =	ssyncset.done @!p3 $0x0  }
0x3c: {  	s6 =	sand.u32 @!p2 $0x7, s6;
	p1 =	seq.s32 s8, $0x0;
	[sflag:s17] =	ssyncadd.s32 @!p3 $0xFFFFFFF0  }
0x3d: {  	[tilespmem:s9], [sflag:$0x2] =	stream.linear.gather @!p2 [hbm4b:s4+s6], $0x10, $0x38;
	[tilespmem:$0xC0] =	vst v63  }
0x3e: {  	s7 =	sadd.s32 @!p2 s7, s15;
	s4 =	sor.u32 @!p2 $0xA0, s16;
	s9 =	simm.s32 @!p1 $0x2  }
0x3f: {  	[tilespmem:s4], [sflag:$0x2] =	stream.linear.gather @!p2 [hbm4b:s7+s6], $0x10, $0x38;
	[tilespmem:$0xC0] =	vst v63  }
0x40: {  	_ =	swait.ge @!p1 [sflag:s9], $0x20  }
0x41: {  	s4 =	sand.u32 @!p1 $0x10, s8;
	[sflag:s9] =	ssyncset.done @!p1 $0x0  }
0x42: {  	s6 =	sor.u32 @!p1 $0x80, s4;
	[sflag:s9] =	ssyncadd.s32 @!p1 $0xFFFFFFE0  }
0x43: {  	v0 =	vld.msk @!p1 [tilespmem:s6+$0x0 ss:$0x1], $0xffff;
	_ =	sdelay $0x4  }
0x44: {  	v0 =	vmin.u32 @!p1 v0, $0x800;
	_ =	sdelay $0x3  }
0x45: {  	vm0 =	vmmov @!p1 $0xffff;
	s7 =	simm.s32 @!p1 $0x1;
	s4 =	sor.u32 @!p1 $0xA0, s4;
	s6 =	simm.s32 @!p1 $0x0  }
0x46: {  	[spmem:s6] =	stream.indirect_vreg.scatter.add.s32 @!p1 [tilespmem:s4], [sflag:$0x1], $0x1, v0, vm0, $0x4038;
	[tilespmem:$0xC0] =	vst v63  }
0x47: {  	_ =	swait.ge @!p1 [sflag:s7], $0x10  }
0x48: {  	[sflag:s7] =	ssyncset.done @!p1 $0x0  }
0x49: {  	[sflag:s7] =	ssyncadd.s32 @!p1 $0xFFFFFFF0  }
0x4a: {  	_ =	sfence.sel $0x180000  }
0x4b: {  	[bflag:$0x0] =	sbarrier.arrive $0xFFFF  }
0x4c: {  	[sflag:s5] =	ssyncpa.u1 $0x1  }
0x4d: {  	[sflag:s3] =	ssyncpa.u1 $0x1  }
0x4e: {  	_ =	sfence.stream.spmem  }
0x4f: {  	s31 =	simm.s32 $0x3D;
	[bflag:$0x0] =	sbarrier.arrive $0xFFFF  }
0x50: {  	s3 =	simm.s32 @p0 $0x3D;
	[sflag:s31] =	ssyncpa.u1 $0x0  }
0x51: {  	[sflag:s3] =	ssyncpa.u1 @p0 $0x1  }
0x52: {  	[bflag:$0x0] =	sbarrier.arrive @p0 $0xFFFF  }
0x53: {  	_ =	strace @p0 $0x90000053  }
0x54: {  	s3 =	simm.s32 @!p0 $0x1C3D;
	[bflag:$0x2] =	sbarrier.arrive @p0 $0xFFFF  }
0x55: {  	[hbm:s1], [sflag:s3] =	dma.local @!p0 [spmem:s2], $0x100  }
0x56: {  	s1 =	simm.s32 @!p0 $0x3D  }
0x57: {  	_ =	swait.ge @!p0 [sflag:s1], $0x100  }
0x58: {  	[sflag:s1] =	ssyncset.done @!p0 $0x0  }
0x59: {  	[sflag:s1] =	ssyncadd.s32 @!p0 $0xFFFFFF00  }
0x5a: {  	[sflag:s1] =	ssyncpa.u1 @!p0 $0x1  }
0x5b: {  	[bflag:$0x0] =	sbarrier.arrive @!p0 $0xFFFF  }
0x5c: {  	_ =	strace @!p0 $0x90000053  }
0x5d: {  	s0 =	sadd.s32 @!p0 $0x100000, s0;
	[bflag:$0x2] =	sbarrier.arrive @!p0 $0xFFFF  }
0x5e: {  	[sflag:s0] =	ssyncadd.tile.s32 @!p0 $0x1;
	_ =	shalt  }
.LBB2_1:
.Ltmp3:
0x5f: {  	(pc) =	sbr.rel .LBB2_6-.Ltmp3, $2  }
0x60: {  	_ =	sdelay $0x2  }
0x61: {  	_ = 	snop  }
.LBB2_3:
.Ltmp4:
0x62: {  	(pc) =	sbr.rel .LBB2_6-.Ltmp4, $2  }
0x63: {  	_ =	sdelay $0x2  }
0x64: {  	s6 =	smov.u32 s14  }
.Lfunc_end2:
_tile_overlayer_lowered:
.L_overlay_start_2:
0x65: {  	(tag) =	ssettag $0x2  }
0x66: {  	s0 =	rddreg [dreg:$0x0];
	s2 =	stileid.u32  }
0x67: {  	s1 =	rddreg [dreg:$0x1];
	p0 =	sne.s32 s2, $0x0  }
0x68: {  	s3 =	rddreg [dreg:$0x2];
	[bflag:$0x3] =	sbarrier.arrive $0xFFFF;
	s2 =	simm.s32 @!p0 $0x1C01  }
0x69: {  	[timem:s3], [sflag:s2] =	dma.local @!p0 [hbm:s0], s1  }
0x6a: {  	s0 =	simm.s32 @!p0 $0x1  }
0x6b: {  	_ =	swait.ge @!p0 [sflag:s0], s1  }
0x6c: {  	s1 =	ssub.s32 @!p0 $0x0, s1;
	[sflag:s0] =	ssyncset.done @!p0 $0x0  }
0x6d: {  	[sflag:s0] =	ssyncadd.s32 @!p0 s1  }
0x6e: {  	[bflag:$0x3] =	sbarrier.arrive $0xFFFF  }
0x6f: {  	_ =	shalt  }

// kernel: scatter_offload_async_start
scs
__scs_entry_jumppad:
0x0: {  	(pc) =	sbr.rel $0x88, $3  }
0x1: {  	(tag) =	ssettag $0x0;
	lr =	simm.s32 $0x1  }
0x2: {  	[smem:$0x3F8D] =	sst lr;
	_ =	strace $0xD0000000  }
0x3: {  	_ = 	snop  }
0x4: {  	_ = 	snop  }
0x5: {  	_ = 	snop  }
0x6: {  	_ = 	snop  }
0x7: {  	_ = 	snop  }
__scs_overlays_trampoline_lowered:
0x8: {  	[smem:$0x3F9C] =	sst s0  }
0x9: {  	[smem:$0x3F9D] =	sst s1  }
0xa: {  	[smem:$0x3F9E] =	sst s2  }
0xb: {  	[smem:$0x3F9F] =	sst s3  }
0xc: {  	[smem:$0x3FA0] =	sst s4  }
0xd: {  	[smem:$0x3FA1] =	sst s5  }
0xe: {  	[smem:$0x3FA2] =	sst s6  }
0xf: {  	[smem:$0x3FA3] =	sst s7  }
0x10: {  	[smem:$0x3FA4] =	sst s8  }
0x11: {  	[smem:$0x3FA5] =	sst s9;
	s0 =	simm.s32 @!p0 $0x0  }
0x12: {  	s1 =	sld [smem:$0x3F8B];
	s0 =	simm.s32 @p0 $0x1  }
0x13: {  	[smem:$0x3FA6] =	sst s0;
	s0 =	simm.s32 @!p1 $0x0  }
0x14: {  	s2 =	sld [smem:$0x3F8A];
	s0 =	simm.s32 @p1 $0x1  }
0x15: {  	[smem:$0x3FA7] =	sst s0;
	s0 =	simm.s32 @!p2 $0x0  }
0x16: {  	s3 =	sld [smem:$0x3FDB];
	s0 =	simm.s32 @p2 $0x1  }
0x17: {  	s4 =	simm.s32 $0x1BF5;
	[smem:$0x3FA9] =	sst s0  }
0x18: {  	s0 =	sld [smem:$0x3F8C];
	_ =	swait.ge [sflag:s4], $0x0  }
0x19: {  	s7 =	sld [smem:$0x3F8D]  }
0x1a: {  	s8 =	sadd.s32 $0xFFFFE003, lr  }
0x1b: {  	s9 =	sadd.s32 $0xFFFFFEF7, lr;
	s5 =	simm.s32 $0xFFFFFFFF;
	p2 =	slt.u32 s8, $0xFFFFF086  }
0x1c: {  	p1 =	slt.u32 s9, $0xF7A;
	s5 =	simm.s32 @!p2 $0x0  }
0x1d: {  	s5 =	simm.s32 @p1 $0x1;
	p0 =	seq.s32 s7, s2  }
0x1e: {  	s7 =	smul.u32 @!p0 $0xF7A, s2;
	p2 =	seq.s32 @!p0 s5, $0x0  }
0x1f: {  	s9 =	smul.u32 $0xF7A, s1;
	s8 =	simm.s32 @!p0 $0x1BF5;
	p2 =	por !p2, p0  }
0x20: {  	[sflag:s8] =	ssyncset.s32 @!p0 $0xFFFFF086;
	s6 =	sadd.s32 @!p0 s3, s7;
	s7 =	simm.s32 @!p0 $0x108  }
0x21: {  	s3 =	sadd.s32 s3, s9;
	s6 =	sadd.s32 @!p0 $0x88, s6;
	s7 =	simm.s32 @p2 $0x1082  }
0x22: {  	[simem:s7], [sflag:s8] =	dma.local @!p0 [hbm:s6], $0xF7A  }
0x23: {  	s9 =	sor.u32 $0xD0000000, s2;
	s6 =	simm.s32 $0x108;
	_ =	swait.ge @!p0 [sflag:s8], $0x0  }
0x24: {  	s3 =	sadd.s32 $0x88, s3;
	s6 =	simm.s32 @!p1 $0x1082;
	[sflag:s4] =	ssyncset.s32 $0xFFFFF086  }
0x25: {  	[simem:s6], [sflag:s4] =	dma.local [hbm:s3], $0xF7A  }
0x26: {  	[smem:$0x3F8D] =	sst s1;
	(tag) =	ssettag s2;
	_ =	strace s9  }
0x27: {  	s1 =	sld [smem:$0x3F9D]  }
0x28: {  	s2 =	sld [smem:$0x3F9E]  }
0x29: {  	s4 =	sld [smem:$0x3FA0]  }
0x2a: {  	p0 =	seq.s32 s5, $0x0;
	s5 =	sld [smem:$0x3FA1]  }
0x2b: {  	s6 =	sld [smem:$0x3FA2]  }
0x2c: {  	s7 =	sld [smem:$0x3FA3]  }
0x2d: {  	s3 =	simm.s32 $0x108;
	s8 =	sld [smem:$0x3FA4]  }
0x2e: {  	s3 =	simm.s32 @!p0 $0x1082;
	s9 =	sld [smem:$0x3FA5]  }
0x2f: {  	lr =	sadd.s32 s0, s3;
	s0 =	sld [smem:$0x3F9C]  }
0x30: {  	s3 =	sld [smem:$0x3F9F]  }
0x31: {  	[smem:$0x3FA8] =	sst s10  }
0x32: {  	s10 =	sld [smem:$0x3FA6];
	_ =	sdelay $0x3  }
0x33: {  	p0 =	seq.s32 s10, $0x1;
	s10 =	sld [smem:$0x3FA8];
	_ =	sdelay $0x3  }
0x34: {  	[smem:$0x3FA8] =	sst s10  }
0x35: {  	s10 =	sld [smem:$0x3FA7];
	_ =	sdelay $0x3  }
0x36: {  	p1 =	seq.s32 s10, $0x1;
	s10 =	sld [smem:$0x3FA8];
	_ =	sdelay $0x3  }
0x37: {  	[smem:$0x3FA8] =	sst s10  }
0x38: {  	s10 =	sld [smem:$0x3FA9]  }
0x39: {  	_ = 	snop;
	(pc) =	sbr.ind lr, $3  }
0x3a: {  	_ = 	snop  }
0x3b: {  	_ = 	snop  }
0x3c: {  	p2 =	seq.s32 s10, $0x1;
	s10 =	sld [smem:$0x3FA8]  }
0x3d: {  	_ =	shalt  }
0x3e: {  	_ =	shalt  }
0x3f: {  	_ =	shalt  }
0x40: {  	_ =	shalt  }
0x41: {  	_ =	shalt  }
0x42: {  	_ =	shalt  }
0x43: {  	_ =	shalt  }
0x44: {  	_ =	shalt  }
0x45: {  	_ =	shalt  }
0x46: {  	_ =	shalt  }
0x47: {  	_ =	shalt  }
0x48: {  	_ =	shalt  }
0x49: {  	_ =	shalt  }
0x4a: {  	_ =	shalt  }
0x4b: {  	_ =	shalt  }
0x4c: {  	_ =	shalt  }
0x4d: {  	_ =	shalt  }
0x4e: {  	_ =	shalt  }
0x4f: {  	_ =	shalt  }
0x50: {  	_ =	shalt  }
0x51: {  	_ =	shalt  }
0x52: {  	_ =	shalt  }
0x53: {  	_ =	shalt  }
0x54: {  	_ =	shalt  }
0x55: {  	_ =	shalt  }
0x56: {  	_ =	shalt  }
0x57: {  	_ =	shalt  }
0x58: {  	_ =	shalt  }
0x59: {  	_ =	shalt  }
0x5a: {  	_ =	shalt  }
0x5b: {  	_ =	shalt  }
0x5c: {  	_ =	shalt  }
0x5d: {  	_ =	shalt  }
0x5e: {  	_ =	shalt  }
0x5f: {  	_ =	shalt  }
0x60: {  	_ =	shalt  }
0x61: {  	_ =	shalt  }
0x62: {  	_ =	shalt  }
0x63: {  	_ =	shalt  }
0x64: {  	_ =	shalt  }
0x65: {  	_ =	shalt  }
0x66: {  	_ =	shalt  }
0x67: {  	_ =	shalt  }
0x68: {  	_ =	shalt  }
0x69: {  	_ =	shalt  }
0x6a: {  	_ =	shalt  }
0x6b: {  	_ =	shalt  }
0x6c: {  	_ =	shalt  }
0x6d: {  	_ =	shalt  }
0x6e: {  	_ =	shalt  }
0x6f: {  	_ =	shalt  }
0x70: {  	_ =	shalt  }
0x71: {  	_ =	shalt  }
0x72: {  	_ =	shalt  }
0x73: {  	_ =	shalt  }
0x74: {  	_ =	shalt  }
0x75: {  	_ =	shalt  }
0x76: {  	_ =	shalt  }
0x77: {  	_ =	shalt  }
0x78: {  	_ =	shalt  }
0x79: {  	_ =	shalt  }
0x7a: {  	_ =	shalt  }
0x7b: {  	_ =	shalt  }
0x7c: {  	_ =	shalt  }
0x7d: {  	_ =	shalt  }
0x7e: {  	_ =	shalt  }
0x7f: {  	_ =	shalt  }
0x80: {  	_ =	shalt  }
0x81: {  	_ =	shalt  }
0x82: {  	_ =	shalt  }
0x83: {  	_ =	shalt  }
0x84: {  	_ =	shalt  }
0x85: {  	_ =	shalt  }
0x86: {  	_ =	shalt  }
0x87: {  	_ =	shalt  }
.Lfunc_end0:
.L_simem_size_0:
called_computation_lowered:
.L_overlay_start_0:
0x88: {  	s0 =	sld [smem:$0x3FD9]  }
0x89: {  	s1 =	sld [smem:$0x3FFE];
	_ =	sdelay $0x3  }
0x8a: {  	s0 =	sadd.s32 s1, s0  }
0x8b: {  	[smem:$0x3FB4] =	sst s0  }
0x8c: {  	_ = 	snop  }
0x8d: {  	s0 =	sld [smem:$0x3FD0];
	(tm) =	ssettm $0x1  }
0x8e: {  	s16 =	sld [smem:$0x3FFB];
	_ =	sdelay $0x3  }
0x8f: {  	_ =	strace s16  }
0x90: {  	s1 =	sld [smem:$0x3FFC];
	_ =	sdelay $0x3  }
0x91: {  	_ =	strace s1  }
0x92: {  	s1 =	sld [smem:$0x3FFD];
	_ =	sdelay $0x3  }
0x93: {  	_ =	strace s1  }
0x94: {  	_ =	strace $0x8FFFFFFF  }
0x95: {  	s17 =	sld [smem:$0x3FDB];
	_ =	sdelay $0x1  }
0x96: {  	s2 =	simm.s32 $_scs_section_size  }
0x97: {  	s3 =	simm.s32 $_size__tile_overlayer_lowered;
	s4 =	simm.s32 $_tile_overlayer_lowered  }
0x98: {  	s20 =	simm.s32 $0x1BFF;
	s19 =	sshll.u32 s4, $0x1;
	s1 =	sadd.s32 s2, s17  }
0x99: {  	s5 =	simm.s32 $0x0;
	s18 =	sshll.u32 s3, $0x1;
	s3 =	sadd.s32 s19, s1  }
0x9a: {  	[timem:s5], [sflag:s20] =	dma.local [hbm:s3], s18  }
0x9b: {  	_ =	swait.ge [sflag:s20], s18  }
0x9c: {  	s2 =	ssub.s32 $0x0, s18;
	[sflag:s20] =	ssyncset.done $0x0  }
0x9d: {  	[sflag:s20] =	ssyncadd.s32 s2;
	_ =	sdelay $0x1  }
0x9e: {  	s21 =	simm.s32 $0x1B8B  }
0x9f: {  	_ =	swait.ge [sflag:s21], $0x1  }
0xa0: {  	[sflag:s21] =	ssyncset.done $0x0  }
0xa1: {  	s23 =	simm.s32 $0x1B8E;
	s22 =	sld [smem:$0x3FFE];
	[sflag:s21] =	ssyncadd.s32 $0xFFFFFFFF  }
0xa2: {  	s24 =	simm.s32 $execute0_lowered;
	[smem:$0x3FD2] =	sst s23  }
0xa3: {  	s3 =	sshll.u32 s24, $0x1;
	_ =	strace $0x80000046;
	[dreg:$0x1] =	wrdreg $0xFFFFFFFF  }
0xa4: {  	s25 =	simm.s32 $_size_execute0_lowered;
	s1 =	sadd.s32 s1, s3;
	[dreg:$0x0] =	wrdreg $0x0  }
0xa5: {  	s3 =	sshll.u32 s25, $0x1;
	[dreg:$0x2] =	wrdreg s1  }
0xa6: {  	[dreg:$0x3] =	wrdreg s3  }
0xa7: {  	[dreg:$0x4] =	wrdreg $0xC0  }
0xa8: {  	_ =	task [dreg:s5], $0x5FFFF  }
0xa9: {  	[dreg:$0x1] =	wrdreg $0xFFFFFFFF  }
0xaa: {  	[dreg:$0x0] =	wrdreg $0x60  }
0xab: {  	[dreg:$0x2] =	wrdreg s0  }
0xac: {  	[dreg:$0x3] =	wrdreg s22  }
0xad: {  	[dreg:$0x4] =	wrdreg $0x9  }
0xae: {  	_ =	task.clear_ibuf [dreg:s5], $0x5FFFF;
	_ =	strace $0x90000046  }
0xaf: {  	s26 =	simm.s32 $0x9;
	_ =	strace $0x80000048  }
0xb0: {  	_ =	swait.ge [sflag:s26], $0x1  }
0xb1: {  	[sflag:s26] =	ssyncadd.s32 $0xFFFFFFFF  }
0xb2: {  	_ =	strace $0x90000048  }
0xb3: {  	_ =	sfence  }
0xb4: {  	s28 =	sld [smem:$0x0];
	_ =	sdelay $0x1  }
0xb5: {  	s29 =	srdreg.scid  }
0xb6: {  	s30 =	sshll.u32 s29, $0xD;
	s31 =	sshrl.u32 s29, $0x2  }
0xb7: {  	s2 =	sand.u32 $0x4000, s30;
	s1 =	sand.u32 $0x1, s29;
	s0 =	sadd.s32 s31, s28  }
0xb8: {  	s1 =	sor.u32 s2, s1;
	s0 =	sshll.u32 s0, $0x11  }
0xb9: {  	s0 =	sor.u32 s0, s1  }
0xba: {  	s0 =	sadd.s32 $0x8F2B, s0  }
0xbb: {  	[sflag:s0] =	ssyncadd.remote.s32 $0x1  }
0xbc: {  	_ =	sfence.sel $0xFFFF  }
0xbd: {  	[dreg:$0x0] =	wrdreg $0xFFFFFFFF;
	(pc) =	sbr.abs _section_cstart, $3  }
0xbe: {  	[dreg:$0x1] =	wrdreg $0xFFFFFFFF  }
0xbf: {  	_ =	task.clear_ibuf [dreg:s5], $0x2FFFF;
	_ =	strace $0x9FFFFFFF  }
0xc0: {  	(tm) =	ssettm $0x7FFFFFFF  }
0xc1: {  	_ =	shalt  }
tec
execute0_lowered:
.L_overlay_start_1:
0x0: {  	(tag) =	ssettag $0x1  }
0x1: {  	s1 =	rddreg [dreg:$0x0]  }
0x2: {  	s7 =	rddreg [dreg:$0x1]  }
0x3: {  	s0 =	rddreg [dreg:$0x2]  }
0x4: {  	s3 =	stileid.u32;
	_ =	strace $0x80000047;
	s4 =	simm.s32 $0x3E  }
0x5: {  	p0 =	sne.s32 s3, $0x0;
	[sflag:s4] =	ssyncpa.u1 $0x0  }
0x6: {  	s30 =	smin.u32 s3, $0x4;
	s2 =	simm.s32 @!p0 $0x1C3E;
	s5 =	simm.s32 @!p0 $0x0  }
0x7: {  	[spmem:s5], [sflag:s2] =	dma.local @!p0 [hbm:s1], $0x10  }
0x8: {  	s2 =	sadd.s32 s3, s30  }
0x9: {  	p1 =	slt.u32 s3, $0x4;
	s3 =	simm.s32 $0x3E80;
	s2 =	smul.u32 $0x1F40, s2  }
0xa: {  	s3 =	simm.s32 @!p1 $0x1F40  }
0xb: {  	s3 =	sadd.s32 s3, s2  }
0xc: {  	s3 =	smin.u32 s3, $0x27100  }
0xd: {  	s8 =	ssub.s32 s3, s2  }
0xe: {  	p1 =	sgt.s32 s8, $0x0  }
0xf: {  	s8 =	simm.s32 @!p1 $0x0  }
0x10: {  	s5 =	simm.s32 @!p0 $0x3E;
	s31 =	smulhi.u32 $0x10624DD3, s8  }
0x11: {  	_ =	swait.ge @!p0 [sflag:s5], $0x10  }
0x12: {  	s6 =	simm.s32 $0x2;
	[sflag:s5] =	ssyncset.done @!p0 $0x0;
	s9 =	sshrl.u32 s31, $0x9  }
0x13: {  	s11 =	simm.s32 $0x0;
	[sflag:s5] =	ssyncadd.s32 @!p0 $0xFFFFFFF0;
	s10 =	smul.u32 $0x1F40, s9  }
.Ltmp0:
0x14: {  	s5 =	sadd.s32 $0x271000, s7;
	[bflag:$0x0] =	sbarrier.arrive $0xFFFF;
	(pc) =	sbr.rel .LBB2_1-.Ltmp0, $4  }
0x15: {  	s7 =	sadd.s32 $0x2B1200, s7;
	[sflag:s4] =	ssyncpa.u1 $0x1;
	s4 =	simm.s32 $0x1  }
0x16: {  	[sflag:s4] =	ssyncpa.u1 $0x0;
	p1 =	sne.s32 s8, s10;
	s8 =	simm.s32 $0x1  }
0x17: {  	(ifvalue) =	ssetifvalue $0x80;
	[sflag:s6] =	ssyncpa.u1 $0x0;
	s8 =	simm.s32 @!p1 $0x0  }
0x18: {  	vm0 =	vmmov $0xffff;
	s10 =	smov.u32 s2;
	s8 =	sadd.s32 s8, s9;
	s9 =	simm.s32 $0x0  }
.LBB2_5:
0x19: {  	p2 =	sne.s32 s11, s8  }
.Ltmp1:
0x1a: {  	_ = 	snop;
	(pc) =	sbr.rel @!p2 .LBB2_6-.Ltmp1, $4  }
0x1b: {  	_ = 	snop  }
0x1c: {  	s12 =	sadd.s32 $0x1F40, s10  }
0x1d: {  	s10 =	smov.u32 s2;
	s13 =	sadd.s32 $0x1, s11;
	p1 =	slt.s32 s12, s3  }
0x1e: {  	s11 =	smov.u32 s13;
	s10 =	smov.u32 @p1 s12  }
.LBB2_1:
0x1f: {  	p1 =	sge.u32 s11, s8  }
0x20: {  	s12 =	sxor.u32 @!p1 $0xFFFFFFFF, s11  }
0x21: {  	s12 =	sand.u32 @!p1 $0x1, s12  }
0x22: {  	s12 =	smul.u32 @!p1 $0x1F40, s12  }
0x23: {  	s13 =	sshrl.u32 @!p1 s10, $0x3  }
0x24: {  	s16 =	sand.u32 @!p1 $0x7, s10;
	s14 =	sadd.s32 @!p1 s5, s13;
	s15 =	sor.u32 @!p1 $0x8, s12  }
0x25: {  	[tilespmem:s15], [sflag:$0x2] =	stream.linear.gather @!p1 [hbm4b:s14+s16], $0x1F40, $0x38;
	[tilespmem:$0x7D08] =	vst v63  }
0x26: {  	s13 =	sadd.s32 @!p1 s7, s13;
	s12 =	sadd.s32 @!p1 $0x3E88, s12  }
0x27: {  	[tilespmem:s12], [sflag:$0x2] =	stream.linear.gather @!p1 [hbm4b:s13+s16], $0x1F40, $0x38;
	[tilespmem:$0x7D08] =	vst v63  }
0x28: {  	p1 =	seq.s32 s11, $0x0  }
.Ltmp2:
0x29: {  	_ = 	snop;
	(pc) =	sbr.rel @p1 .LBB2_5-.Ltmp2, $1  }
0x2a: {  	_ =	sdelay $0x3  }
0x2b: {  	s12 =	sand.u32 $0x1, s11  }
0x2c: {  	_ =	swait.ge [sflag:s6], $0x3E80;
	p1 =	seq.s32 s12, $0x1;
	s12 =	simm.s32 $0x1F40  }
0x2d: {  	[sflag:s6] =	ssyncset.done $0x0;
	s12 =	simm.s32 @!p1 $0x0  }
0x2e: {  	[sflag:s6] =	ssyncadd.s32 $0xFFFFC180;
	s14 =	sor.u32 $0x8, s12  }
0x2f: {  	v0 =	vld.msk [tilespmem:s14+$0x0 ss:$0x1], $0xffff;
	_ =	sdelay $0x4  }
0x30: {  	v0 =	vmin.u32 v0, $0x80;
	_ =	sdelay $0x3  }
0x31: {  	s13 =	simm.s32 $0x0;
	s12 =	sadd.s32 $0x3E88, s12;
	s14 =	sadd.s32 $0x10, s14  }
0x32: {  	[spmem:s9] =	stream.indirect_vreg.scatter.add.s32 [tilespmem:s12], [sflag:$0x1], $0x1, v0, vm0, $0x4038;
	[tilespmem:$0x7D08] =	vst v63  }
.LBB2_3:
0x33: {  	v0 =	vld.msk [tilespmem:s14+$0x0 ss:$0x1], $0xffff;
	s13 =	sadd.s32 $0x10, s13  }
0x34: {  	p1 =	slt.u32 s13, $0x1F30;
	_ =	sdelay $0x4  }
0x35: {  	v0 =	vmin.u32 v0, $0x80  }
.Ltmp3:
0x36: {  	(pc) =	sbr.rel @p1 .LBB2_3-.Ltmp3, $3  }
0x37: {  	_ =	sdelay $0x1  }
0x38: {  	s14 =	sadd.s32 $0x10, s14;
	s12 =	sadd.s32 $0x10, s12  }
0x39: {  	[spmem:s9] =	stream.indirect_vreg.scatter.add.s32 [tilespmem:s12], [sflag:$0x1], $0x1, v0, vm0, $0x4038;
	[tilespmem:$0x7D08] =	vst v63  }
.Ltmp4:
0x3a: {  	(pc) =	sbr.rel .LBB2_5-.Ltmp4, $4  }
0x3b: {  	_ = 	snop  }
0x3c: {  	_ =	swait.ge [sflag:s4], $0x1F40  }
0x3d: {  	[sflag:s4] =	ssyncset.done $0x0  }
0x3e: {  	[sflag:s4] =	ssyncadd.s32 $0xFFFFE0C0  }
.LBB2_6:
0x3f: {  	_ =	sfence.sel $0x180000  }
0x40: {  	s2 =	simm.s32 $0x2;
	[bflag:$0x0] =	sbarrier.arrive $0xFFFF  }
0x41: {  	s30 =	simm.s32 $0x1;
	[sflag:s2] =	ssyncpa.u1 $0x1  }
0x42: {  	[sflag:s30] =	ssyncpa.u1 $0x1  }
0x43: {  	_ =	sfence.stream.spmem  }
0x44: {  	s31 =	simm.s32 $0x3D;
	[bflag:$0x0] =	sbarrier.arrive $0xFFFF  }
0x45: {  	s2 =	simm.s32 @p0 $0x3D;
	[sflag:s31] =	ssyncpa.u1 $0x0  }
0x46: {  	[sflag:s2] =	ssyncpa.u1 @p0 $0x1  }
0x47: {  	[bflag:$0x0] =	sbarrier.arrive @p0 $0xFFFF  }
0x48: {  	_ =	strace @p0 $0x90000047  }
0x49: {  	s3 =	simm.s32 @!p0 $0x1C3D;
	s2 =	simm.s32 @!p0 $0x0;
	[bflag:$0x2] =	sbarrier.arrive @p0 $0xFFFF  }
0x4a: {  	[hbm:s1], [sflag:s3] =	dma.local @!p0 [spmem:s2], $0x10  }
0x4b: {  	s1 =	simm.s32 @!p0 $0x3D  }
0x4c: {  	_ =	swait.ge @!p0 [sflag:s1], $0x10  }
0x4d: {  	[sflag:s1] =	ssyncset.done @!p0 $0x0  }
0x4e: {  	[sflag:s1] =	ssyncadd.s32 @!p0 $0xFFFFFFF0  }
0x4f: {  	[sflag:s1] =	ssyncpa.u1 @!p0 $0x1  }
0x50: {  	[bflag:$0x0] =	sbarrier.arrive @!p0 $0xFFFF  }
0x51: {  	_ =	strace @!p0 $0x90000047  }
0x52: {  	s0 =	sadd.s32 @!p0 $0x100000, s0;
	[bflag:$0x2] =	sbarrier.arrive @!p0 $0xFFFF  }
0x53: {  	[sflag:s0] =	ssyncadd.tile.s32 @!p0 $0x1;
	_ =	shalt  }
.Lfunc_end2:
_tile_overlayer_lowered:
.L_overlay_start_2:
0x54: {  	(tag) =	ssettag $0x2  }
0x55: {  	s0 =	rddreg [dreg:$0x0];
	s2 =	stileid.u32  }
0x56: {  	s1 =	rddreg [dreg:$0x1];
	p0 =	sne.s32 s2, $0x0  }
0x57: {  	s3 =	rddreg [dreg:$0x2];
	[bflag:$0x3] =	sbarrier.arrive $0xFFFF;
	s2 =	simm.s32 @!p0 $0x1C01  }
0x58: {  	[timem:s3], [sflag:s2] =	dma.local @!p0 [hbm:s0], s1  }
0x59: {  	s0 =	simm.s32 @!p0 $0x1  }
0x5a: {  	_ =	swait.ge @!p0 [sflag:s0], s1  }
0x5b: {  	s1 =	ssub.s32 @!p0 $0x0, s1;
	[sflag:s0] =	ssyncset.done @!p0 $0x0  }
0x5c: {  	[sflag:s0] =	ssyncadd.s32 @!p0 s1  }
0x5d: {  	[bflag:$0x3] =	sbarrier.arrive $0xFFFF  }
0x5e: {  	_ =	shalt  }

</sc_bundles>
